<compile_context>
chip_gen: v7x
topology: tpu7x:2x2x1
jax: 0.10.2.dev20260603
libtpu: 0.0.44.dev20260713+nightly
codegen_flags: <defaults>
</compile_context>

<pallas_src>
import jax
import jax.numpy as jnp
from jax import lax
from jax.experimental import pallas as pl
from jax.experimental.pallas import tpu as pltpu
from jax.experimental.pallas import tpu_sc as plsc

NC = 2
NS = 16
NW = NC * NS
LANES = 16

B = 16384
L = 50
E = 64
BW = B // NW
CB = 256
NCHUNK = (BW // CB) * L
NBLK = CB // LANES
SUB = 128
LN_EPS = 1e-5


def _rsqrt(x):
    i = plsc.bitcast(x, jnp.int32)
    y = plsc.bitcast(jnp.int32(0x5F3759DF) - (i >> 1), jnp.float32)
    for _ in range(3):
        y = y * (1.5 - 0.5 * x * y * y)
    return y


def _body(idx_hbm, info_hbm, table_hbm, gamma_hbm, beta_hbm, out_hbm,
          idx_all, info_all, idx0, idx1, rows0, rows1, a_v, b_v, gb_v, gbb_v,
          stg0, stg1, sem0, sem1, semo0, semo1):
    wid = lax.axis_index("s") * NC + lax.axis_index("c")
    nw_base = pl.multiple_of(wid * (BW * L), BW * L)

    pltpu.sync_copy(idx_hbm.at[pl.ds(nw_base, BW * L)], idx_all)
    pltpu.sync_copy(info_hbm.at[pl.ds(nw_base, BW * L)], info_all)
    pltpu.sync_copy(gamma_hbm, gb_v.at[0])
    pltpu.sync_copy(beta_hbm, gb_v.at[1])

    iota16 = lax.iota(jnp.int32, LANES)
    iota_l = iota16 * L

    def bcast_body(e, carry):
        ebc = jnp.full((LANES,), e, jnp.int32)
        gbb_v[e, pl.ds(0, LANES)] = plsc.load_gather(
            gb_v, [jnp.zeros((LANES,), jnp.int32), ebc])
        gbb_v[E + e, pl.ds(0, LANES)] = plsc.load_gather(
            gb_v, [jnp.ones((LANES,), jnp.int32), ebc])
        return carry

    lax.fori_loop(0, E, bcast_body, 0)

    def cbase_of(c):
        return (c % 2) * (CB * L) + c // 2

    def build_idx(c, idx_ref):
        cbase = cbase_of(c)

        def idxb_body(k, carry2):
            pvec = iota_l + (cbase + k * (LANES * L))
            idx_ref[pl.ds(k * LANES, LANES)] = plsc.load_gather(idx_all, [pvec])
            return carry2

        lax.fori_loop(0, NBLK, idxb_body, 0)

    def fire(idx_ref, rows_ref, sem):
        for k in range(CB // SUB):
            pltpu.async_copy(table_hbm.at[idx_ref.at[pl.ds(k * SUB, SUB)]],
                             rows_ref.at[pl.ds(k * SUB, SUB)], sem)

    def drain(idx_ref, rows_ref, sem):
        for k in range(CB // SUB):
            pltpu.make_async_copy(
                table_hbm.at[idx_ref.at[pl.ds(k * SUB, SUB)]],
                rows_ref.at[pl.ds(k * SUB, SUB)], sem).wait()

    def process(c, rows_ref, stg_v, semo, first):
        l = c // 2
        sb = c % 2
        cbase = cbase_of(c)
        btile0 = wid * (BW // 128) + sb * (CB // 128)
        out_dst = out_hbm.at[l, :, pl.ds(btile0, CB // 128)]

        def stats_body(k, carry2):
            row0 = k * LANES
            rows16 = row0 + iota16
            ss = [jnp.zeros((LANES,), jnp.float32) for _ in range(4)]
            qq = [jnp.zeros((LANES,), jnp.float32) for _ in range(4)]
            for j in range(E):
                colj = jnp.full((LANES,), j, jnp.int32)
                v = plsc.load_gather(rows_ref, [rows16, colj])
                ss[j % 4] = ss[j % 4] + v
                qq[j % 4] = qq[j % 4] + v * v
            s = (ss[0] + ss[1]) + (ss[2] + ss[3])
            s2 = (qq[0] + qq[1]) + (qq[2] + qq[3])
            mean = s * (1.0 / E)
            var_t = s2 * (1.0 / E) - mean * mean
            pvec = iota_l + (cbase + k * (LANES * L))
            infov = plsc.load_gather(info_all, [pvec])
            vy = jnp.maximum(infov * infov * var_t + LN_EPS, 1e-30)
            a = infov * _rsqrt(vy)
            a_v[pl.ds(row0, LANES)] = a
            b_v[pl.ds(row0, LANES)] = -mean * a
            return carry2

        lax.fori_loop(0, NBLK, stats_body, 0)

        @pl.when(jnp.logical_not(first))
        def _():
            pltpu.make_async_copy(stg_v, out_dst, semo).wait()

        def apply_body(k, carry2):
            row0 = k * LANES
            rows16 = row0 + iota16
            av = a_v[pl.ds(row0, LANES)]
            bv = b_v[pl.ds(row0, LANES)]
            tc = k // 8
            boff = (k % 8) * LANES
            for e0 in range(0, E, 8):
                es = list(range(e0, e0 + 8))
                xs = [plsc.load_gather(
                          rows_ref,
                          [rows16, jnp.full((LANES,), e, jnp.int32)])
                      for e in es]
                zs = [x * av + bv for x in xs]
                for e, z in zip(es, zs):
                    stg_v[e // 8, tc, e % 8, pl.ds(boff, LANES)] = z
            return carry2

        lax.fori_loop(0, NBLK, apply_body, 0)

        def gb_body(g, carry2):
            tr = g // 8
            e8 = g % 8
            ge = gbb_v[g, pl.ds(0, LANES)]
            be = gbb_v[E + g, pl.ds(0, LANES)]
            for tc2 in range(CB // 128):
                zs = [stg_v[tr, tc2, e8, pl.ds(s * LANES, LANES)]
                      for s in range(8)]
                ys = [z * ge + be for z in zs]
                for s, y in enumerate(ys):
                    stg_v[tr, tc2, e8, pl.ds(s * LANES, LANES)] = y
            return carry2

        lax.fori_loop(0, E, gb_body, 0)

        pltpu.async_copy(stg_v, out_dst, semo)

    build_idx(0, idx0)
    fire(idx0, rows0, sem0)

    def pair_body(t, carry):
        c0 = 2 * t
        c1 = 2 * t + 1
        first = t == 0
        build_idx(c1, idx1)
        fire(idx1, rows1, sem1)
        drain(idx0, rows0, sem0)
        process(c0, rows0, stg0, semo0, first)
        c2 = jnp.minimum(c0 + 2, NCHUNK - 1)
        build_idx(c2, idx0)
        fire(idx0, rows0, sem0)
        drain(idx1, rows1, sem1)
        process(c1, rows1, stg1, semo1, first)
        return carry

    lax.fori_loop(0, NCHUNK // 2, pair_body, 0)
    drain(idx0, rows0, sem0)
    pltpu.make_async_copy(stg0, out_hbm.at[0, :, pl.ds(0, CB // 128)], semo0).wait()
    pltpu.make_async_copy(stg1, out_hbm.at[0, :, pl.ds(0, CB // 128)], semo1).wait()


def kernel(holder, info, table, ln_gamma, ln_beta):
    b, l = holder.shape
    v, e = table.shape
    n = b * l
    assert (b, l, e) == (B, L, E)
    idx = holder.reshape(n).astype(jnp.int32)
    infof = info.reshape(n)

    mesh = plsc.VectorSubcoreMesh(core_axis_name="c", subcore_axis_name="s",
                                  num_cores=NC, num_subcores=NS)
    run = pl.kernel(
        _body,
        out_type=jax.ShapeDtypeStruct((L, E // 8, B // 128, 8, 128),
                                      jnp.float32),
        mesh=mesh,
        scratch_types=[
            pltpu.VMEM((BW * L,), jnp.int32),
            pltpu.VMEM((BW * L,), jnp.float32),
            pltpu.VMEM((CB,), jnp.int32),
            pltpu.VMEM((CB,), jnp.int32),
            pltpu.VMEM((CB, E), jnp.float32),
            pltpu.VMEM((CB, E), jnp.float32),
            pltpu.VMEM((CB,), jnp.float32),
            pltpu.VMEM((CB,), jnp.float32),
            pltpu.VMEM((2, E), jnp.float32),
            pltpu.VMEM((2 * E, LANES), jnp.float32),
            pltpu.VMEM((E // 8, CB // 128, 8, 128), jnp.float32),
            pltpu.VMEM((E // 8, CB // 128, 8, 128), jnp.float32),
            pltpu.SemaphoreType.DMA,
            pltpu.SemaphoreType.DMA,
            pltpu.SemaphoreType.DMA,
            pltpu.SemaphoreType.DMA,
        ],
        compiler_params=pltpu.CompilerParams(needs_layout_passes=False,
                                             use_tc_tiling_on_sc=False),
    )
    out5 = run(idx, infof, table, ln_gamma, ln_beta)
    return out5.transpose(2, 4, 0, 1, 3).reshape(B, L, E)

# --- scband reference (transcript-rebuilt; emitter-appended) ---
"""Pipeline reference for scband-expander-layer-39668317946503 (READ-ONLY COPY).

The authoritative reference and input builder live on the scoring server;
editing this copy changes nothing except your own understanding.
"""

import jax, jax.numpy as jnp
import numpy as np

VOCAB = 1000000
EMBED = 64
BATCH = 16384
HIST = 50
LN_EPS = 1e-5

def setup_inputs(seed: int = 0) -> dict:
    key = jax.random.key(seed)
    k1, k2, k3 = jax.random.split(key, 3)
    holder = jax.random.randint(k1, (BATCH, HIST), 0, VOCAB).astype(jnp.int64) if jax.config.jax_enable_x64 else jax.random.randint(k1, (BATCH, HIST), 0, VOCAB)
    info = jax.random.uniform(k2, (BATCH, HIST), dtype=jnp.float32)
    table = jax.random.normal(k3, (VOCAB, EMBED), dtype=jnp.float32) * 0.02
    ln_gamma = jnp.ones((EMBED,), dtype=jnp.float32)
    ln_beta = jnp.zeros((EMBED,), dtype=jnp.float32)
    return {"holder": holder, "info": info, "table": table, "ln_gamma": ln_gamma, "ln_beta": ln_beta}

def reference(holder, info, table, ln_gamma, ln_beta):
    # Embedding lookup (EmbeddingLayer equivalent)
    embed = jnp.take(table, holder, axis=0)              # [B, L, E]
    # Weight multiply: embed = embed * info.unsqueeze(-1)
    embed = embed * info[..., None]
    # postprocess: dropout (eval mode -> identity), then LayerNorm over embed_size
    mean = jnp.mean(embed, axis=-1, keepdims=True)
    var = jnp.mean(jnp.square(embed - mean), axis=-1, keepdims=True)
    embed = (embed - mean) / jnp.sqrt(var + LN_EPS) * ln_gamma + ln_beta
    return embed

if __name__ == "__main__":
    import jax
    _d = setup_inputs()
    print(jax.jit(kernel)(*tuple(_d.values())))

</pallas_src>

<mosaic_0001>
#map = affine_map<(d0, d1) -> (0)>
#map1 = affine_map<(d0, d1) -> (0, 0)>
#map2 = affine_map<(d0, d1) -> (0, 0, 0, 0, 0)>
module attributes {stable_mosaic.version = 14 : i64} {
  func.func @_body(%arg0: i32, %arg1: i32, %arg2: memref<819200xi32, #tpu.memory_space<hbm>>, %arg3: memref<819200xf32, #tpu.memory_space<hbm>>, %arg4: memref<1000000x64xf32, #tpu.memory_space<hbm>>, %arg5: memref<64xf32, #tpu.memory_space<hbm>>, %arg6: memref<64xf32, #tpu.memory_space<hbm>>, %arg7: memref<50x8x128x8x128xf32, #tpu.memory_space<hbm>>, %arg8: memref<25600xi32, #tpu.memory_space<vmem>>, %arg9: memref<25600xf32, #tpu.memory_space<vmem>>, %arg10: memref<256xi32, #tpu.memory_space<vmem>>, %arg11: memref<256xi32, #tpu.memory_space<vmem>>, %arg12: memref<256x64xf32, #tpu.memory_space<vmem>>, %arg13: memref<256x64xf32, #tpu.memory_space<vmem>>, %arg14: memref<256xf32, #tpu.memory_space<vmem>>, %arg15: memref<256xf32, #tpu.memory_space<vmem>>, %arg16: memref<2x64xf32, #tpu.memory_space<vmem>>, %arg17: memref<128x16xf32, #tpu.memory_space<vmem>>, %arg18: memref<8x2x8x128xf32, #tpu.memory_space<vmem>>, %arg19: memref<8x2x8x128xf32, #tpu.memory_space<vmem>>, %arg20: memref<!tpu.dma_semaphore, #tpu.memory_space<semaphore_mem>>, %arg21: memref<!tpu.dma_semaphore, #tpu.memory_space<semaphore_mem>>, %arg22: memref<!tpu.dma_semaphore, #tpu.memory_space<semaphore_mem>>, %arg23: memref<!tpu.dma_semaphore, #tpu.memory_space<semaphore_mem>>) attributes {dimension_semantics = [#tpu.dimension_semantics<core_parallel>, #tpu.dimension_semantics<subcore_parallel>], iteration_bounds = array<i64: 2, 16>, scalar_prefetch = 0 : i64, scratch_operands = 16 : i64, tpu.core_type = #tpu.core_type<sc_vector_subcore>, window_params = [{transform_indices = #map}, {transform_indices = #map}, {transform_indices = #map1}, {transform_indices = #map}, {transform_indices = #map}, {transform_indices = #map2}]} {
    %mul3A = arith.constant 2 : i32
    %mul3A_0 = arith.muli %arg1, %mul3A : i32
    %add3A = arith.addi %mul3A_0, %arg0 : i32
    %mul3A_1 = arith.constant 25600 : i32
    %mul3A_2 = arith.muli %add3A, %mul3A_1 : i32
    %multiple_of3A = tpu.assume_multiple %mul3A_2, 25600 : i32
    "tpu.region"() ({
      %run_scoped3A_80 = tpu.sem_alloc : memref<!tpu.dma_semaphore, #tpu.memory_space<semaphore_mem>>
      %dma_start3A_81 = tpu.memref_slice %arg2[%multiple_of3A] : memref<819200xi32, #tpu.memory_space<hbm>> -> memref<25600xi32, #tpu.memory_space<hbm>>
      %dma_start3A_82 = tpu.memref_slice %arg2[%multiple_of3A] : memref<819200xi32, #tpu.memory_space<hbm>> -> memref<25600xi32, #tpu.memory_space<hbm>>
      tpu.enqueue_dma source(%dma_start3A_82 : memref<25600xi32, #tpu.memory_space<hbm>>) target(%arg8 : memref<25600xi32, #tpu.memory_space<vmem>>) target_semaphore(%run_scoped3A_80 : memref<!tpu.dma_semaphore, #tpu.memory_space<semaphore_mem>>)
      %dma_wait3A_83 = tpu.memref_slice %arg2[%multiple_of3A] : memref<819200xi32, #tpu.memory_space<hbm>> -> memref<25600xi32, #tpu.memory_space<hbm>>
      %dma_wait3A_84 = tpu.memref_slice %arg2[%multiple_of3A] : memref<819200xi32, #tpu.memory_space<hbm>> -> memref<25600xi32, #tpu.memory_space<hbm>>
      tpu.wait_dma2 semaphore(%run_scoped3A_80 : memref<!tpu.dma_semaphore, #tpu.memory_space<semaphore_mem>>) src(%dma_wait3A_84 : memref<25600xi32, #tpu.memory_space<hbm>>) dst(%arg8 : memref<25600xi32, #tpu.memory_space<vmem>>)
      tpu.yield
    }) : () -> ()
    "tpu.region"() ({
      %run_scoped3A_80 = tpu.sem_alloc : memref<!tpu.dma_semaphore, #tpu.memory_space<semaphore_mem>>
      %dma_start3A_81 = tpu.memref_slice %arg3[%multiple_of3A] : memref<819200xf32, #tpu.memory_space<hbm>> -> memref<25600xf32, #tpu.memory_space<hbm>>
      %dma_start3A_82 = tpu.memref_slice %arg3[%multiple_of3A] : memref<819200xf32, #tpu.memory_space<hbm>> -> memref<25600xf32, #tpu.memory_space<hbm>>
      tpu.enqueue_dma source(%dma_start3A_82 : memref<25600xf32, #tpu.memory_space<hbm>>) target(%arg9 : memref<25600xf32, #tpu.memory_space<vmem>>) target_semaphore(%run_scoped3A_80 : memref<!tpu.dma_semaphore, #tpu.memory_space<semaphore_mem>>)
      %dma_wait3A_83 = tpu.memref_slice %arg3[%multiple_of3A] : memref<819200xf32, #tpu.memory_space<hbm>> -> memref<25600xf32, #tpu.memory_space<hbm>>
      %dma_wait3A_84 = tpu.memref_slice %arg3[%multiple_of3A] : memref<819200xf32, #tpu.memory_space<hbm>> -> memref<25600xf32, #tpu.memory_space<hbm>>
      tpu.wait_dma2 semaphore(%run_scoped3A_80 : memref<!tpu.dma_semaphore, #tpu.memory_space<semaphore_mem>>) src(%dma_wait3A_84 : memref<25600xf32, #tpu.memory_space<hbm>>) dst(%arg9 : memref<25600xf32, #tpu.memory_space<vmem>>)
      tpu.yield
    }) : () -> ()
    %run_scoped3A = arith.constant 0 : i32
    "tpu.region"() ({
      %run_scoped3A_80 = tpu.sem_alloc : memref<!tpu.dma_semaphore, #tpu.memory_space<semaphore_mem>>
      %dma_start3A_81 = arith.constant 0 : i32
      %dma_start3A_82 = tpu.memref_slice %arg16[%run_scoped3A, %dma_start3A_81] : memref<2x64xf32, #tpu.memory_space<vmem>> -> memref<1x64xf32, #tpu.memory_space<vmem>>
      %dma_start3A_83 = tpu.memref_squeeze %dma_start3A_82 : memref<1x64xf32, #tpu.memory_space<vmem>> -> memref<64xf32, #tpu.memory_space<vmem>>
      %dma_start3A_84 = arith.constant 0 : i32
      %dma_start3A_85 = tpu.memref_slice %arg16[%run_scoped3A, %dma_start3A_84] : memref<2x64xf32, #tpu.memory_space<vmem>> -> memref<1x64xf32, #tpu.memory_space<vmem>>
      %dma_start3A_86 = tpu.memref_squeeze %dma_start3A_85 : memref<1x64xf32, #tpu.memory_space<vmem>> -> memref<64xf32, #tpu.memory_space<vmem>>
      tpu.enqueue_dma source(%arg5 : memref<64xf32, #tpu.memory_space<hbm>>) target(%dma_start3A_86 : memref<64xf32, #tpu.memory_space<vmem>>) target_semaphore(%run_scoped3A_80 : memref<!tpu.dma_semaphore, #tpu.memory_space<semaphore_mem>>)
      %dma_wait3A_87 = arith.constant 0 : i32
      %dma_wait3A_88 = tpu.memref_slice %arg16[%run_scoped3A, %dma_wait3A_87] : memref<2x64xf32, #tpu.memory_space<vmem>> -> memref<1x64xf32, #tpu.memory_space<vmem>>
      %dma_wait3A_89 = tpu.memref_squeeze %dma_wait3A_88 : memref<1x64xf32, #tpu.memory_space<vmem>> -> memref<64xf32, #tpu.memory_space<vmem>>
      %dma_wait3A_90 = arith.constant 0 : i32
      %dma_wait3A_91 = tpu.memref_slice %arg16[%run_scoped3A, %dma_wait3A_90] : memref<2x64xf32, #tpu.memory_space<vmem>> -> memref<1x64xf32, #tpu.memory_space<vmem>>
      %dma_wait3A_92 = tpu.memref_squeeze %dma_wait3A_91 : memref<1x64xf32, #tpu.memory_space<vmem>> -> memref<64xf32, #tpu.memory_space<vmem>>
      tpu.wait_dma2 semaphore(%run_scoped3A_80 : memref<!tpu.dma_semaphore, #tpu.memory_space<semaphore_mem>>) src(%arg5 : memref<64xf32, #tpu.memory_space<hbm>>) dst(%dma_wait3A_92 : memref<64xf32, #tpu.memory_space<vmem>>)
      tpu.yield
    }) : () -> ()
    %run_scoped3A_3 = arith.constant 1 : i32
    "tpu.region"() ({
      %run_scoped3A_80 = tpu.sem_alloc : memref<!tpu.dma_semaphore, #tpu.memory_space<semaphore_mem>>
      %dma_start3A_81 = arith.constant 0 : i32
      %dma_start3A_82 = tpu.memref_slice %arg16[%run_scoped3A_3, %dma_start3A_81] : memref<2x64xf32, #tpu.memory_space<vmem>> -> memref<1x64xf32, #tpu.memory_space<vmem>>
      %dma_start3A_83 = tpu.memref_squeeze %dma_start3A_82 : memref<1x64xf32, #tpu.memory_space<vmem>> -> memref<64xf32, #tpu.memory_space<vmem>>
      %dma_start3A_84 = arith.constant 0 : i32
      %dma_start3A_85 = tpu.memref_slice %arg16[%run_scoped3A_3, %dma_start3A_84] : memref<2x64xf32, #tpu.memory_space<vmem>> -> memref<1x64xf32, #tpu.memory_space<vmem>>
      %dma_start3A_86 = tpu.memref_squeeze %dma_start3A_85 : memref<1x64xf32, #tpu.memory_space<vmem>> -> memref<64xf32, #tpu.memory_space<vmem>>
      tpu.enqueue_dma source(%arg6 : memref<64xf32, #tpu.memory_space<hbm>>) target(%dma_start3A_86 : memref<64xf32, #tpu.memory_space<vmem>>) target_semaphore(%run_scoped3A_80 : memref<!tpu.dma_semaphore, #tpu.memory_space<semaphore_mem>>)
      %dma_wait3A_87 = arith.constant 0 : i32
      %dma_wait3A_88 = tpu.memref_slice %arg16[%run_scoped3A_3, %dma_wait3A_87] : memref<2x64xf32, #tpu.memory_space<vmem>> -> memref<1x64xf32, #tpu.memory_space<vmem>>
      %dma_wait3A_89 = tpu.memref_squeeze %dma_wait3A_88 : memref<1x64xf32, #tpu.memory_space<vmem>> -> memref<64xf32, #tpu.memory_space<vmem>>
      %dma_wait3A_90 = arith.constant 0 : i32
      %dma_wait3A_91 = tpu.memref_slice %arg16[%run_scoped3A_3, %dma_wait3A_90] : memref<2x64xf32, #tpu.memory_space<vmem>> -> memref<1x64xf32, #tpu.memory_space<vmem>>
      %dma_wait3A_92 = tpu.memref_squeeze %dma_wait3A_91 : memref<1x64xf32, #tpu.memory_space<vmem>> -> memref<64xf32, #tpu.memory_space<vmem>>
      tpu.wait_dma2 semaphore(%run_scoped3A_80 : memref<!tpu.dma_semaphore, #tpu.memory_space<semaphore_mem>>) src(%arg6 : memref<64xf32, #tpu.memory_space<hbm>>) dst(%dma_wait3A_92 : memref<64xf32, #tpu.memory_space<vmem>>)
      tpu.yield
    }) : () -> ()
    %iota3A = tpu.iota {dimensions = array<i32: 0>} : vector<16xi32>
    %mul3A_4 = arith.constant 50 : i32
    %mul3A_5 = vector.broadcast %mul3A_4 : i32 to vector<16xi32>
    %mul3A_6 = arith.muli %iota3A, %mul3A_5 : vector<16xi32>
    %scan3A = arith.constant 0 : i32
    %scan3A_7 = arith.constant 0 : i32
    %scan3A_8 = arith.constant 64 : i32
    %scan3A_9 = arith.addi %scan3A_7, %scan3A_8 : i32
    %scan3A_10 = arith.constant 1 : i32
    scf.for %scan3A_80 = %scan3A_7 to %scan3A_9 step %scan3A_10  : i32 {
      %broadcast_in_dim3A = vector.broadcast %scan3A_80 : i32 to vector<16xi32>
      %broadcast_in_dim3A_81 = arith.constant 0 : i32
      %broadcast_in_dim3A_82 = vector.broadcast %broadcast_in_dim3A_81 : i32 to vector<16xi32>
      %gather3A = tpu.vector_load_idx %arg16[%broadcast_in_dim3A_82, %broadcast_in_dim3A] : memref<2x64xf32, #tpu.memory_space<vmem>>[vector<16xi32>, vector<16xi32>], vector<16xf32>,
      %swap3A = arith.index_cast %scan3A_80 : i32 to index
      %swap3A_83 = arith.constant 0 : index
      %swap3A_84 = tpu.vector_load %arg17[%swap3A, %swap3A_83] {strides = array<i32>} : memref<128x16xf32, #tpu.memory_space<vmem>>, vector<16xf32>,
      tpu.vector_store %arg17[%swap3A, %swap3A_83], %gather3A {strides = array<i32>} : memref<128x16xf32, #tpu.memory_space<vmem>>, vector<16xf32>,
      %broadcast_in_dim3A_85 = arith.constant 1 : i32
      %broadcast_in_dim3A_86 = vector.broadcast %broadcast_in_dim3A_85 : i32 to vector<16xi32>
      %gather3A_87 = tpu.vector_load_idx %arg16[%broadcast_in_dim3A_86, %broadcast_in_dim3A] : memref<2x64xf32, #tpu.memory_space<vmem>>[vector<16xi32>, vector<16xi32>], vector<16xf32>,
      %add3A_88 = arith.constant 64 : i32
      %add3A_89 = arith.addi %add3A_88, %scan3A_80 : i32
      %swap3A_90 = arith.index_cast %add3A_89 : i32 to index
      %swap3A_91 = arith.constant 0 : index
      %swap3A_92 = tpu.vector_load %arg17[%swap3A_90, %swap3A_91] {strides = array<i32>} : memref<128x16xf32, #tpu.memory_space<vmem>>, vector<16xf32>,
      tpu.vector_store %arg17[%swap3A_90, %swap3A_91], %gather3A_87 {strides = array<i32>} : memref<128x16xf32, #tpu.memory_space<vmem>>, vector<16xf32>,
    }
    %scan3A_11 = arith.constant 64 : i32
    %scan3A_12 = arith.constant 0 : i32
    %scan3A_13 = arith.constant 0 : i32
    %scan3A_14 = arith.constant 16 : i32
    %scan3A_15 = arith.addi %scan3A_13, %scan3A_14 : i32
    %scan3A_16 = arith.constant 1 : i32
    scf.for %scan3A_80 = %scan3A_13 to %scan3A_15 step %scan3A_16  : i32 {
      %mul3A_81 = arith.constant 800 : i32
      %mul3A_82 = arith.muli %scan3A_80, %mul3A_81 : i32
      %add3A_83 = arith.constant 0 : i32
      %add3A_84 = arith.addi %add3A_83, %mul3A_82 : i32
      %add3A_85 = vector.broadcast %add3A_84 : i32 to vector<16xi32>
      %add3A_86 = arith.addi %mul3A_6, %add3A_85 : vector<16xi32>
      %gather3A = tpu.vector_load_idx %arg8[%add3A_86] : memref<25600xi32, #tpu.memory_space<vmem>>[vector<16xi32>], vector<16xi32>,
      %mul3A_87 = arith.constant 16 : i32
      %mul3A_88 = arith.muli %scan3A_80, %mul3A_87 : i32
      %swap3A = arith.index_cast %mul3A_88 : i32 to index
      %swap3A_89 = tpu.vector_load %arg10[%swap3A] {strides = array<i32>} : memref<256xi32, #tpu.memory_space<vmem>>, vector<16xi32>,
      tpu.vector_store %arg10[%swap3A], %gather3A {strides = array<i32>} : memref<256xi32, #tpu.memory_space<vmem>>, vector<16xi32>,
    }
    %scan3A_17 = arith.constant 16 : i32
    %dma_start3A = arith.constant 0 : i32
    %dma_start3A_18 = arith.constant 0 : i32
    %dma_start3A_19 = tpu.memref_slice %arg12[%dma_start3A, %dma_start3A_18] : memref<256x64xf32, #tpu.memory_space<vmem>> -> memref<128x64xf32, #tpu.memory_space<vmem>>
    %dma_start3A_20 = arith.constant 0 : i32
    %dma_start3A_21 = tpu.memref_slice %arg10[%dma_start3A_20] : memref<256xi32, #tpu.memory_space<vmem>> -> memref<128xi32, #tpu.memory_space<vmem>>
    %dma_start3A_22 = arith.constant 0 : i32
    %dma_start3A_23 = arith.constant 0 : i32
    %dma_start3A_24 = tpu.memref_slice %arg4[%dma_start3A_22, %dma_start3A_23] : memref<1000000x64xf32, #tpu.memory_space<hbm>> -> memref<1000000x64xf32, #tpu.memory_space<hbm>>
    tpu.enqueue_indirect_dma source(%dma_start3A_24 : memref<1000000x64xf32, #tpu.memory_space<hbm>>) target(%dma_start3A_19 : memref<128x64xf32, #tpu.memory_space<vmem>>) offsets(%dma_start3A_21 : memref<128xi32, #tpu.memory_space<vmem>>) semaphore(%arg20 : memref<!tpu.dma_semaphore, #tpu.memory_space<semaphore_mem>>)
    %dma_start3A_25 = arith.constant 128 : i32
    %dma_start3A_26 = arith.constant 0 : i32
    %dma_start3A_27 = tpu.memref_slice %arg12[%dma_start3A_25, %dma_start3A_26] : memref<256x64xf32, #tpu.memory_space<vmem>> -> memref<128x64xf32, #tpu.memory_space<vmem>>
    %dma_start3A_28 = arith.constant 128 : i32
    %dma_start3A_29 = tpu.memref_slice %arg10[%dma_start3A_28] : memref<256xi32, #tpu.memory_space<vmem>> -> memref<128xi32, #tpu.memory_space<vmem>>
    %dma_start3A_30 = arith.constant 0 : i32
    %dma_start3A_31 = arith.constant 0 : i32
    %dma_start3A_32 = tpu.memref_slice %arg4[%dma_start3A_30, %dma_start3A_31] : memref<1000000x64xf32, #tpu.memory_space<hbm>> -> memref<1000000x64xf32, #tpu.memory_space<hbm>>
    tpu.enqueue_indirect_dma source(%dma_start3A_32 : memref<1000000x64xf32, #tpu.memory_space<hbm>>) target(%dma_start3A_27 : memref<128x64xf32, #tpu.memory_space<vmem>>) offsets(%dma_start3A_29 : memref<128xi32, #tpu.memory_space<vmem>>) semaphore(%arg20 : memref<!tpu.dma_semaphore, #tpu.memory_space<semaphore_mem>>)
    %scan3A_33 = arith.constant 0 : i32
    %scan3A_34 = arith.constant 0 : i32
    %scan3A_35 = arith.constant 50 : i32
    %scan3A_36 = arith.addi %scan3A_34, %scan3A_35 : i32
    %scan3A_37 = arith.constant 1 : i32
    scf.for %scan3A_80 = %scan3A_34 to %scan3A_36 step %scan3A_37  : i32 {
      %mul3A_81 = arith.constant 2 : i32
      %mul3A_82 = arith.muli %mul3A_81, %scan3A_80 : i32
      %mul3A_83 = arith.constant 2 : i32
      %mul3A_84 = arith.muli %mul3A_83, %scan3A_80 : i32
      %add3A_85 = arith.constant 1 : i32
      %add3A_86 = arith.addi %mul3A_84, %add3A_85 : i32
      %eq3A = arith.constant 0 : i32
      %eq3A_87 = arith.cmpi eq, %scan3A_80, %eq3A : i32
      %jit3A = arith.constant 2 : i32
      %eq3A_88 = arith.constant 0 : i32
      %eq3A_89 = arith.cmpi eq, %jit3A, %eq3A_88 : i32
      %jit3A_90 = arith.constant 1 : i32
      %select_n3A = arith.select %eq3A_89, %jit3A_90, %jit3A : i32
      %rem3A = arith.remsi %add3A_86, %select_n3A : i32
      %ne3A = arith.constant 0 : i32
      %ne3A_91 = arith.cmpi ne, %rem3A, %ne3A : i32
      %lt3A = arith.constant 0 : i32
      %lt3A_92 = arith.cmpi slt, %rem3A, %lt3A : i32
      %lt3A_93 = arith.constant 0 : i32
      %lt3A_94 = arith.cmpi slt, %select_n3A, %lt3A_93 : i32
      %ne3A_95 = arith.xori %lt3A_92, %lt3A_94 : i1
      %and3A = arith.andi %ne3A_95, %ne3A_91 : i1
      %add3A_96 = arith.addi %rem3A, %select_n3A : i32
      %select_n3A_97 = arith.select %and3A, %add3A_96, %rem3A : i32
      %mul3A_98 = arith.constant 12800 : i32
      %mul3A_99 = arith.muli %select_n3A_97, %mul3A_98 : i32
      %jit3A_100 = arith.constant 2 : i32
      %div3A = arith.divsi %add3A_86, %jit3A_100 : i32
      %sign3A = arith.constant 0 : i32
      %sign3A_101 = arith.cmpi sgt, %add3A_86, %sign3A : i32
      %sign3A_102 = arith.extui %sign3A_101 : i1 to i32
      %sign3A_103 = arith.constant 0 : i32
      %sign3A_104 = arith.cmpi slt, %add3A_86, %sign3A_103 : i32
      %sign3A_105 = arith.extui %sign3A_104 : i1 to i32
      %sign3A_106 = arith.subi %sign3A_102, %sign3A_105 : i32
      %sign3A_107 = arith.constant 0 : i32
      %sign3A_108 = arith.cmpi sgt, %jit3A_100, %sign3A_107 : i32
      %sign3A_109 = arith.extui %sign3A_108 : i1 to i32
      %sign3A_110 = arith.constant 0 : i32
      %sign3A_111 = arith.cmpi slt, %jit3A_100, %sign3A_110 : i32
      %sign3A_112 = arith.extui %sign3A_111 : i1 to i32
      %sign3A_113 = arith.subi %sign3A_109, %sign3A_112 : i32
      %ne3A_114 = arith.cmpi ne, %sign3A_106, %sign3A_113 : i32
      %rem3A_115 = arith.remsi %add3A_86, %jit3A_100 : i32
      %ne3A_116 = arith.constant 0 : i32
      %ne3A_117 = arith.cmpi ne, %rem3A_115, %ne3A_116 : i32
      %and3A_118 = arith.andi %ne3A_114, %ne3A_117 : i1
      %sub3A = arith.constant 1 : i32
      %sub3A_119 = arith.subi %div3A, %sub3A : i32
      %select_n3A_120 = arith.select %and3A_118, %sub3A_119, %div3A : i32
      %add3A_121 = arith.addi %mul3A_99, %select_n3A_120 : i32
      %scan3A_122 = arith.constant 0 : i32
      %scan3A_123 = arith.constant 0 : i32
      %scan3A_124 = arith.constant 16 : i32
      %scan3A_125 = arith.addi %scan3A_123, %scan3A_124 : i32
      %scan3A_126 = arith.constant 1 : i32
      scf.for %scan3A_483 = %scan3A_123 to %scan3A_125 step %scan3A_126  : i32 {
        %mul3A_484 = arith.constant 800 : i32
        %mul3A_485 = arith.muli %scan3A_483, %mul3A_484 : i32
        %add3A_486 = arith.addi %add3A_121, %mul3A_485 : i32
        %add3A_487 = vector.broadcast %add3A_486 : i32 to vector<16xi32>
        %add3A_488 = arith.addi %mul3A_6, %add3A_487 : vector<16xi32>
        %gather3A = tpu.vector_load_idx %arg8[%add3A_488] : memref<25600xi32, #tpu.memory_space<vmem>>[vector<16xi32>], vector<16xi32>,
        %mul3A_489 = arith.constant 16 : i32
        %mul3A_490 = arith.muli %scan3A_483, %mul3A_489 : i32
        %swap3A = arith.index_cast %mul3A_490 : i32 to index
        %swap3A_491 = tpu.vector_load %arg11[%swap3A] {strides = array<i32>} : memref<256xi32, #tpu.memory_space<vmem>>, vector<16xi32>,
        tpu.vector_store %arg11[%swap3A], %gather3A {strides = array<i32>} : memref<256xi32, #tpu.memory_space<vmem>>, vector<16xi32>,
      }
      %scan3A_127 = arith.constant 16 : i32
      %dma_start3A_128 = arith.constant 0 : i32
      %dma_start3A_129 = arith.constant 0 : i32
      %dma_start3A_130 = tpu.memref_slice %arg13[%dma_start3A_128, %dma_start3A_129] : memref<256x64xf32, #tpu.memory_space<vmem>> -> memref<128x64xf32, #tpu.memory_space<vmem>>
      %dma_start3A_131 = arith.constant 0 : i32
      %dma_start3A_132 = tpu.memref_slice %arg11[%dma_start3A_131] : memref<256xi32, #tpu.memory_space<vmem>> -> memref<128xi32, #tpu.memory_space<vmem>>
      %dma_start3A_133 = arith.constant 0 : i32
      %dma_start3A_134 = arith.constant 0 : i32
      %dma_start3A_135 = tpu.memref_slice %arg4[%dma_start3A_133, %dma_start3A_134] : memref<1000000x64xf32, #tpu.memory_space<hbm>> -> memref<1000000x64xf32, #tpu.memory_space<hbm>>
      tpu.enqueue_indirect_dma source(%dma_start3A_135 : memref<1000000x64xf32, #tpu.memory_space<hbm>>) target(%dma_start3A_130 : memref<128x64xf32, #tpu.memory_space<vmem>>) offsets(%dma_start3A_132 : memref<128xi32, #tpu.memory_space<vmem>>) semaphore(%arg21 : memref<!tpu.dma_semaphore, #tpu.memory_space<semaphore_mem>>)
      %dma_start3A_136 = arith.constant 128 : i32
      %dma_start3A_137 = arith.constant 0 : i32
      %dma_start3A_138 = tpu.memref_slice %arg13[%dma_start3A_136, %dma_start3A_137] : memref<256x64xf32, #tpu.memory_space<vmem>> -> memref<128x64xf32, #tpu.memory_space<vmem>>
      %dma_start3A_139 = arith.constant 128 : i32
      %dma_start3A_140 = tpu.memref_slice %arg11[%dma_start3A_139] : memref<256xi32, #tpu.memory_space<vmem>> -> memref<128xi32, #tpu.memory_space<vmem>>
      %dma_start3A_141 = arith.constant 0 : i32
      %dma_start3A_142 = arith.constant 0 : i32
      %dma_start3A_143 = tpu.memref_slice %arg4[%dma_start3A_141, %dma_start3A_142] : memref<1000000x64xf32, #tpu.memory_space<hbm>> -> memref<1000000x64xf32, #tpu.memory_space<hbm>>
      tpu.enqueue_indirect_dma source(%dma_start3A_143 : memref<1000000x64xf32, #tpu.memory_space<hbm>>) target(%dma_start3A_138 : memref<128x64xf32, #tpu.memory_space<vmem>>) offsets(%dma_start3A_140 : memref<128xi32, #tpu.memory_space<vmem>>) semaphore(%arg21 : memref<!tpu.dma_semaphore, #tpu.memory_space<semaphore_mem>>)
      %dma_wait3A_144 = arith.constant 0 : i32
      %dma_wait3A_145 = arith.constant 0 : i32
      %dma_wait3A_146 = tpu.memref_slice %arg12[%dma_wait3A_144, %dma_wait3A_145] : memref<256x64xf32, #tpu.memory_space<vmem>> -> memref<128x64xf32, #tpu.memory_space<vmem>>
      %dma_wait3A_147 = arith.constant 0 : i32
      %dma_wait3A_148 = tpu.memref_slice %arg10[%dma_wait3A_147] : memref<256xi32, #tpu.memory_space<vmem>> -> memref<128xi32, #tpu.memory_space<vmem>>
      %dma_wait3A_149 = arith.constant 0 : i32
      %dma_wait3A_150 = arith.constant 0 : i32
      %dma_wait3A_151 = tpu.memref_slice %arg4[%dma_wait3A_149, %dma_wait3A_150] : memref<1000000x64xf32, #tpu.memory_space<hbm>> -> memref<1000000x64xf32, #tpu.memory_space<hbm>>
      tpu.wait_indirect_dma semaphore(%arg20 : memref<!tpu.dma_semaphore, #tpu.memory_space<semaphore_mem>>) src(%dma_wait3A_151 : memref<1000000x64xf32, #tpu.memory_space<hbm>>) dst(%dma_wait3A_146 : memref<128x64xf32, #tpu.memory_space<vmem>>)
      %dma_wait3A_152 = arith.constant 128 : i32
      %dma_wait3A_153 = arith.constant 0 : i32
      %dma_wait3A_154 = tpu.memref_slice %arg12[%dma_wait3A_152, %dma_wait3A_153] : memref<256x64xf32, #tpu.memory_space<vmem>> -> memref<128x64xf32, #tpu.memory_space<vmem>>
      %dma_wait3A_155 = arith.constant 128 : i32
      %dma_wait3A_156 = tpu.memref_slice %arg10[%dma_wait3A_155] : memref<256xi32, #tpu.memory_space<vmem>> -> memref<128xi32, #tpu.memory_space<vmem>>
      %dma_wait3A_157 = arith.constant 0 : i32
      %dma_wait3A_158 = arith.constant 0 : i32
      %dma_wait3A_159 = tpu.memref_slice %arg4[%dma_wait3A_157, %dma_wait3A_158] : memref<1000000x64xf32, #tpu.memory_space<hbm>> -> memref<1000000x64xf32, #tpu.memory_space<hbm>>
      tpu.wait_indirect_dma semaphore(%arg20 : memref<!tpu.dma_semaphore, #tpu.memory_space<semaphore_mem>>) src(%dma_wait3A_159 : memref<1000000x64xf32, #tpu.memory_space<hbm>>) dst(%dma_wait3A_154 : memref<128x64xf32, #tpu.memory_space<vmem>>)
      %jit3A_160 = arith.constant 2 : i32
      %div3A_161 = arith.divsi %mul3A_82, %jit3A_160 : i32
      %sign3A_162 = arith.constant 0 : i32
      %sign3A_163 = arith.cmpi sgt, %mul3A_82, %sign3A_162 : i32
      %sign3A_164 = arith.extui %sign3A_163 : i1 to i32
      %sign3A_165 = arith.constant 0 : i32
      %sign3A_166 = arith.cmpi slt, %mul3A_82, %sign3A_165 : i32
      %sign3A_167 = arith.extui %sign3A_166 : i1 to i32
      %sign3A_168 = arith.subi %sign3A_164, %sign3A_167 : i32
      %sign3A_169 = arith.constant 0 : i32
      %sign3A_170 = arith.cmpi sgt, %jit3A_160, %sign3A_169 : i32
      %sign3A_171 = arith.extui %sign3A_170 : i1 to i32
      %sign3A_172 = arith.constant 0 : i32
      %sign3A_173 = arith.cmpi slt, %jit3A_160, %sign3A_172 : i32
      %sign3A_174 = arith.extui %sign3A_173 : i1 to i32
      %sign3A_175 = arith.subi %sign3A_171, %sign3A_174 : i32
      %ne3A_176 = arith.cmpi ne, %sign3A_168, %sign3A_175 : i32
      %rem3A_177 = arith.remsi %mul3A_82, %jit3A_160 : i32
      %ne3A_178 = arith.constant 0 : i32
      %ne3A_179 = arith.cmpi ne, %rem3A_177, %ne3A_178 : i32
      %and3A_180 = arith.andi %ne3A_176, %ne3A_179 : i1
      %sub3A_181 = arith.constant 1 : i32
      %sub3A_182 = arith.subi %div3A_161, %sub3A_181 : i32
      %select_n3A_183 = arith.select %and3A_180, %sub3A_182, %div3A_161 : i32
      %jit3A_184 = arith.constant 2 : i32
      %eq3A_185 = arith.constant 0 : i32
      %eq3A_186 = arith.cmpi eq, %jit3A_184, %eq3A_185 : i32
      %jit3A_187 = arith.constant 1 : i32
      %select_n3A_188 = arith.select %eq3A_186, %jit3A_187, %jit3A_184 : i32
      %rem3A_189 = arith.remsi %mul3A_82, %select_n3A_188 : i32
      %ne3A_190 = arith.constant 0 : i32
      %ne3A_191 = arith.cmpi ne, %rem3A_189, %ne3A_190 : i32
      %lt3A_192 = arith.constant 0 : i32
      %lt3A_193 = arith.cmpi slt, %rem3A_189, %lt3A_192 : i32
      %lt3A_194 = arith.constant 0 : i32
      %lt3A_195 = arith.cmpi slt, %select_n3A_188, %lt3A_194 : i32
      %ne3A_196 = arith.xori %lt3A_193, %lt3A_195 : i1
      %and3A_197 = arith.andi %ne3A_196, %ne3A_191 : i1
      %add3A_198 = arith.addi %rem3A_189, %select_n3A_188 : i32
      %select_n3A_199 = arith.select %and3A_197, %add3A_198, %rem3A_189 : i32
      %jit3A_200 = arith.constant 2 : i32
      %eq3A_201 = arith.constant 0 : i32
      %eq3A_202 = arith.cmpi eq, %jit3A_200, %eq3A_201 : i32
      %jit3A_203 = arith.constant 1 : i32
      %select_n3A_204 = arith.select %eq3A_202, %jit3A_203, %jit3A_200 : i32
      %rem3A_205 = arith.remsi %mul3A_82, %select_n3A_204 : i32
      %ne3A_206 = arith.constant 0 : i32
      %ne3A_207 = arith.cmpi ne, %rem3A_205, %ne3A_206 : i32
      %lt3A_208 = arith.constant 0 : i32
      %lt3A_209 = arith.cmpi slt, %rem3A_205, %lt3A_208 : i32
      %lt3A_210 = arith.constant 0 : i32
      %lt3A_211 = arith.cmpi slt, %select_n3A_204, %lt3A_210 : i32
      %ne3A_212 = arith.xori %lt3A_209, %lt3A_211 : i1
      %and3A_213 = arith.andi %ne3A_212, %ne3A_207 : i1
      %add3A_214 = arith.addi %rem3A_205, %select_n3A_204 : i32
      %select_n3A_215 = arith.select %and3A_213, %add3A_214, %rem3A_205 : i32
      %mul3A_216 = arith.constant 12800 : i32
      %mul3A_217 = arith.muli %select_n3A_215, %mul3A_216 : i32
      %jit3A_218 = arith.constant 2 : i32
      %div3A_219 = arith.divsi %mul3A_82, %jit3A_218 : i32
      %sign3A_220 = arith.constant 0 : i32
      %sign3A_221 = arith.cmpi sgt, %mul3A_82, %sign3A_220 : i32
      %sign3A_222 = arith.extui %sign3A_221 : i1 to i32
      %sign3A_223 = arith.constant 0 : i32
      %sign3A_224 = arith.cmpi slt, %mul3A_82, %sign3A_223 : i32
      %sign3A_225 = arith.extui %sign3A_224 : i1 to i32
      %sign3A_226 = arith.subi %sign3A_222, %sign3A_225 : i32
      %sign3A_227 = arith.constant 0 : i32
      %sign3A_228 = arith.cmpi sgt, %jit3A_218, %sign3A_227 : i32
      %sign3A_229 = arith.extui %sign3A_228 : i1 to i32
      %sign3A_230 = arith.constant 0 : i32
      %sign3A_231 = arith.cmpi slt, %jit3A_218, %sign3A_230 : i32
      %sign3A_232 = arith.extui %sign3A_231 : i1 to i32
      %sign3A_233 = arith.subi %sign3A_229, %sign3A_232 : i32
      %ne3A_234 = arith.cmpi ne, %sign3A_226, %sign3A_233 : i32
      %rem3A_235 = arith.remsi %mul3A_82, %jit3A_218 : i32
      %ne3A_236 = arith.constant 0 : i32
      %ne3A_237 = arith.cmpi ne, %rem3A_235, %ne3A_236 : i32
      %and3A_238 = arith.andi %ne3A_234, %ne3A_237 : i1
      %sub3A_239 = arith.constant 1 : i32
      %sub3A_240 = arith.subi %div3A_219, %sub3A_239 : i32
      %select_n3A_241 = arith.select %and3A_238, %sub3A_240, %div3A_219 : i32
      %add3A_242 = arith.addi %mul3A_217, %select_n3A_241 : i32
      %mul3A_243 = arith.constant 4 : i32
      %mul3A_244 = arith.muli %add3A, %mul3A_243 : i32
      %mul3A_245 = arith.constant 2 : i32
      %mul3A_246 = arith.muli %select_n3A_199, %mul3A_245 : i32
      %add3A_247 = arith.addi %mul3A_244, %mul3A_246 : i32
      %scan3A_248 = arith.constant 0 : i32
      %scan3A_249 = arith.constant 0 : i32
      %scan3A_250 = arith.constant 16 : i32
      %scan3A_251 = arith.addi %scan3A_249, %scan3A_250 : i32
      %scan3A_252 = arith.constant 1 : i32
      scf.for %scan3A_483 = %scan3A_249 to %scan3A_251 step %scan3A_252  : i32 {
        %mul3A_484 = arith.constant 16 : i32
        %mul3A_485 = arith.muli %scan3A_483, %mul3A_484 : i32
        %add3A_486 = vector.broadcast %mul3A_485 : i32 to vector<16xi32>
        %add3A_487 = arith.addi %add3A_486, %iota3A : vector<16xi32>
        %broadcast_in_dim3A = arith.constant 0.000000e+00 : f32
        %broadcast_in_dim3A_488 = vector.broadcast %broadcast_in_dim3A : f32 to vector<16xf32>
        %broadcast_in_dim3A_489 = arith.constant 0.000000e+00 : f32
        %broadcast_in_dim3A_490 = vector.broadcast %broadcast_in_dim3A_489 : f32 to vector<16xf32>
        %broadcast_in_dim3A_491 = arith.constant 0.000000e+00 : f32
        %broadcast_in_dim3A_492 = vector.broadcast %broadcast_in_dim3A_491 : f32 to vector<16xf32>
        %broadcast_in_dim3A_493 = arith.constant 0.000000e+00 : f32
        %broadcast_in_dim3A_494 = vector.broadcast %broadcast_in_dim3A_493 : f32 to vector<16xf32>
        %broadcast_in_dim3A_495 = arith.constant 0.000000e+00 : f32
        %broadcast_in_dim3A_496 = vector.broadcast %broadcast_in_dim3A_495 : f32 to vector<16xf32>
        %broadcast_in_dim3A_497 = arith.constant 0.000000e+00 : f32
        %broadcast_in_dim3A_498 = vector.broadcast %broadcast_in_dim3A_497 : f32 to vector<16xf32>
        %broadcast_in_dim3A_499 = arith.constant 0.000000e+00 : f32
        %broadcast_in_dim3A_500 = vector.broadcast %broadcast_in_dim3A_499 : f32 to vector<16xf32>
        %broadcast_in_dim3A_501 = arith.constant 0.000000e+00 : f32
        %broadcast_in_dim3A_502 = vector.broadcast %broadcast_in_dim3A_501 : f32 to vector<16xf32>
        %broadcast_in_dim3A_503 = arith.constant 0 : i32
        %broadcast_in_dim3A_504 = vector.broadcast %broadcast_in_dim3A_503 : i32 to vector<16xi32>
        %gather3A = tpu.vector_load_idx %arg12[%add3A_487, %broadcast_in_dim3A_504] : memref<256x64xf32, #tpu.memory_space<vmem>>[vector<16xi32>, vector<16xi32>], vector<16xf32>,
        %add3A_505 = arith.addf %broadcast_in_dim3A_488, %gather3A : vector<16xf32>
        %mul3A_506 = arith.mulf %gather3A, %gather3A : vector<16xf32>
        %add3A_507 = arith.addf %broadcast_in_dim3A_496, %mul3A_506 : vector<16xf32>
        %broadcast_in_dim3A_508 = arith.constant 1 : i32
        %broadcast_in_dim3A_509 = vector.broadcast %broadcast_in_dim3A_508 : i32 to vector<16xi32>
        %gather3A_510 = tpu.vector_load_idx %arg12[%add3A_487, %broadcast_in_dim3A_509] : memref<256x64xf32, #tpu.memory_space<vmem>>[vector<16xi32>, vector<16xi32>], vector<16xf32>,
        %add3A_511 = arith.addf %broadcast_in_dim3A_490, %gather3A_510 : vector<16xf32>
        %mul3A_512 = arith.mulf %gather3A_510, %gather3A_510 : vector<16xf32>
        %add3A_513 = arith.addf %broadcast_in_dim3A_498, %mul3A_512 : vector<16xf32>
        %broadcast_in_dim3A_514 = arith.constant 2 : i32
        %broadcast_in_dim3A_515 = vector.broadcast %broadcast_in_dim3A_514 : i32 to vector<16xi32>
        %gather3A_516 = tpu.vector_load_idx %arg12[%add3A_487, %broadcast_in_dim3A_515] : memref<256x64xf32, #tpu.memory_space<vmem>>[vector<16xi32>, vector<16xi32>], vector<16xf32>,
        %add3A_517 = arith.addf %broadcast_in_dim3A_492, %gather3A_516 : vector<16xf32>
        %mul3A_518 = arith.mulf %gather3A_516, %gather3A_516 : vector<16xf32>
        %add3A_519 = arith.addf %broadcast_in_dim3A_500, %mul3A_518 : vector<16xf32>
        %broadcast_in_dim3A_520 = arith.constant 3 : i32
        %broadcast_in_dim3A_521 = vector.broadcast %broadcast_in_dim3A_520 : i32 to vector<16xi32>
        %gather3A_522 = tpu.vector_load_idx %arg12[%add3A_487, %broadcast_in_dim3A_521] : memref<256x64xf32, #tpu.memory_space<vmem>>[vector<16xi32>, vector<16xi32>], vector<16xf32>,
        %add3A_523 = arith.addf %broadcast_in_dim3A_494, %gather3A_522 : vector<16xf32>
        %mul3A_524 = arith.mulf %gather3A_522, %gather3A_522 : vector<16xf32>
        %add3A_525 = arith.addf %broadcast_in_dim3A_502, %mul3A_524 : vector<16xf32>
        %broadcast_in_dim3A_526 = arith.constant 4 : i32
        %broadcast_in_dim3A_527 = vector.broadcast %broadcast_in_dim3A_526 : i32 to vector<16xi32>
        %gather3A_528 = tpu.vector_load_idx %arg12[%add3A_487, %broadcast_in_dim3A_527] : memref<256x64xf32, #tpu.memory_space<vmem>>[vector<16xi32>, vector<16xi32>], vector<16xf32>,
        %add3A_529 = arith.addf %add3A_505, %gather3A_528 : vector<16xf32>
        %mul3A_530 = arith.mulf %gather3A_528, %gather3A_528 : vector<16xf32>
        %add3A_531 = arith.addf %add3A_507, %mul3A_530 : vector<16xf32>
        %broadcast_in_dim3A_532 = arith.constant 5 : i32
        %broadcast_in_dim3A_533 = vector.broadcast %broadcast_in_dim3A_532 : i32 to vector<16xi32>
        %gather3A_534 = tpu.vector_load_idx %arg12[%add3A_487, %broadcast_in_dim3A_533] : memref<256x64xf32, #tpu.memory_space<vmem>>[vector<16xi32>, vector<16xi32>], vector<16xf32>,
        %add3A_535 = arith.addf %add3A_511, %gather3A_534 : vector<16xf32>
        %mul3A_536 = arith.mulf %gather3A_534, %gather3A_534 : vector<16xf32>
        %add3A_537 = arith.addf %add3A_513, %mul3A_536 : vector<16xf32>
        %broadcast_in_dim3A_538 = arith.constant 6 : i32
        %broadcast_in_dim3A_539 = vector.broadcast %broadcast_in_dim3A_538 : i32 to vector<16xi32>
        %gather3A_540 = tpu.vector_load_idx %arg12[%add3A_487, %broadcast_in_dim3A_539] : memref<256x64xf32, #tpu.memory_space<vmem>>[vector<16xi32>, vector<16xi32>], vector<16xf32>,
        %add3A_541 = arith.addf %add3A_517, %gather3A_540 : vector<16xf32>
        %mul3A_542 = arith.mulf %gather3A_540, %gather3A_540 : vector<16xf32>
        %add3A_543 = arith.addf %add3A_519, %mul3A_542 : vector<16xf32>
        %broadcast_in_dim3A_544 = arith.constant 7 : i32
        %broadcast_in_dim3A_545 = vector.broadcast %broadcast_in_dim3A_544 : i32 to vector<16xi32>
        %gather3A_546 = tpu.vector_load_idx %arg12[%add3A_487, %broadcast_in_dim3A_545] : memref<256x64xf32, #tpu.memory_space<vmem>>[vector<16xi32>, vector<16xi32>], vector<16xf32>,
        %add3A_547 = arith.addf %add3A_523, %gather3A_546 : vector<16xf32>
        %mul3A_548 = arith.mulf %gather3A_546, %gather3A_546 : vector<16xf32>
        %add3A_549 = arith.addf %add3A_525, %mul3A_548 : vector<16xf32>
        %broadcast_in_dim3A_550 = arith.constant 8 : i32
        %broadcast_in_dim3A_551 = vector.broadcast %broadcast_in_dim3A_550 : i32 to vector<16xi32>
        %gather3A_552 = tpu.vector_load_idx %arg12[%add3A_487, %broadcast_in_dim3A_551] : memref<256x64xf32, #tpu.memory_space<vmem>>[vector<16xi32>, vector<16xi32>], vector<16xf32>,
        %add3A_553 = arith.addf %add3A_529, %gather3A_552 : vector<16xf32>
        %mul3A_554 = arith.mulf %gather3A_552, %gather3A_552 : vector<16xf32>
        %add3A_555 = arith.addf %add3A_531, %mul3A_554 : vector<16xf32>
        %broadcast_in_dim3A_556 = arith.constant 9 : i32
        %broadcast_in_dim3A_557 = vector.broadcast %broadcast_in_dim3A_556 : i32 to vector<16xi32>
        %gather3A_558 = tpu.vector_load_idx %arg12[%add3A_487, %broadcast_in_dim3A_557] : memref<256x64xf32, #tpu.memory_space<vmem>>[vector<16xi32>, vector<16xi32>], vector<16xf32>,
        %add3A_559 = arith.addf %add3A_535, %gather3A_558 : vector<16xf32>
        %mul3A_560 = arith.mulf %gather3A_558, %gather3A_558 : vector<16xf32>
        %add3A_561 = arith.addf %add3A_537, %mul3A_560 : vector<16xf32>
        %broadcast_in_dim3A_562 = arith.constant 10 : i32
        %broadcast_in_dim3A_563 = vector.broadcast %broadcast_in_dim3A_562 : i32 to vector<16xi32>
        %gather3A_564 = tpu.vector_load_idx %arg12[%add3A_487, %broadcast_in_dim3A_563] : memref<256x64xf32, #tpu.memory_space<vmem>>[vector<16xi32>, vector<16xi32>], vector<16xf32>,
        %add3A_565 = arith.addf %add3A_541, %gather3A_564 : vector<16xf32>
        %mul3A_566 = arith.mulf %gather3A_564, %gather3A_564 : vector<16xf32>
        %add3A_567 = arith.addf %add3A_543, %mul3A_566 : vector<16xf32>
        %broadcast_in_dim3A_568 = arith.constant 11 : i32
        %broadcast_in_dim3A_569 = vector.broadcast %broadcast_in_dim3A_568 : i32 to vector<16xi32>
        %gather3A_570 = tpu.vector_load_idx %arg12[%add3A_487, %broadcast_in_dim3A_569] : memref<256x64xf32, #tpu.memory_space<vmem>>[vector<16xi32>, vector<16xi32>], vector<16xf32>,
        %add3A_571 = arith.addf %add3A_547, %gather3A_570 : vector<16xf32>
        %mul3A_572 = arith.mulf %gather3A_570, %gather3A_570 : vector<16xf32>
        %add3A_573 = arith.addf %add3A_549, %mul3A_572 : vector<16xf32>
        %broadcast_in_dim3A_574 = arith.constant 12 : i32
        %broadcast_in_dim3A_575 = vector.broadcast %broadcast_in_dim3A_574 : i32 to vector<16xi32>
        %gather3A_576 = tpu.vector_load_idx %arg12[%add3A_487, %broadcast_in_dim3A_575] : memref<256x64xf32, #tpu.memory_space<vmem>>[vector<16xi32>, vector<16xi32>], vector<16xf32>,
        %add3A_577 = arith.addf %add3A_553, %gather3A_576 : vector<16xf32>
        %mul3A_578 = arith.mulf %gather3A_576, %gather3A_576 : vector<16xf32>
        %add3A_579 = arith.addf %add3A_555, %mul3A_578 : vector<16xf32>
        %broadcast_in_dim3A_580 = arith.constant 13 : i32
        %broadcast_in_dim3A_581 = vector.broadcast %broadcast_in_dim3A_580 : i32 to vector<16xi32>
        %gather3A_582 = tpu.vector_load_idx %arg12[%add3A_487, %broadcast_in_dim3A_581] : memref<256x64xf32, #tpu.memory_space<vmem>>[vector<16xi32>, vector<16xi32>], vector<16xf32>,
        %add3A_583 = arith.addf %add3A_559, %gather3A_582 : vector<16xf32>
        %mul3A_584 = arith.mulf %gather3A_582, %gather3A_582 : vector<16xf32>
        %add3A_585 = arith.addf %add3A_561, %mul3A_584 : vector<16xf32>
        %broadcast_in_dim3A_586 = arith.constant 14 : i32
        %broadcast_in_dim3A_587 = vector.broadcast %broadcast_in_dim3A_586 : i32 to vector<16xi32>
        %gather3A_588 = tpu.vector_load_idx %arg12[%add3A_487, %broadcast_in_dim3A_587] : memref<256x64xf32, #tpu.memory_space<vmem>>[vector<16xi32>, vector<16xi32>], vector<16xf32>,
        %add3A_589 = arith.addf %add3A_565, %gather3A_588 : vector<16xf32>
        %mul3A_590 = arith.mulf %gather3A_588, %gather3A_588 : vector<16xf32>
        %add3A_591 = arith.addf %add3A_567, %mul3A_590 : vector<16xf32>
        %broadcast_in_dim3A_592 = arith.constant 15 : i32
        %broadcast_in_dim3A_593 = vector.broadcast %broadcast_in_dim3A_592 : i32 to vector<16xi32>
        %gather3A_594 = tpu.vector_load_idx %arg12[%add3A_487, %broadcast_in_dim3A_593] : memref<256x64xf32, #tpu.memory_space<vmem>>[vector<16xi32>, vector<16xi32>], vector<16xf32>,
        %add3A_595 = arith.addf %add3A_571, %gather3A_594 : vector<16xf32>
        %mul3A_596 = arith.mulf %gather3A_594, %gather3A_594 : vector<16xf32>
        %add3A_597 = arith.addf %add3A_573, %mul3A_596 : vector<16xf32>
        %broadcast_in_dim3A_598 = arith.constant 16 : i32
        %broadcast_in_dim3A_599 = vector.broadcast %broadcast_in_dim3A_598 : i32 to vector<16xi32>
        %gather3A_600 = tpu.vector_load_idx %arg12[%add3A_487, %broadcast_in_dim3A_599] : memref<256x64xf32, #tpu.memory_space<vmem>>[vector<16xi32>, vector<16xi32>], vector<16xf32>,
        %add3A_601 = arith.addf %add3A_577, %gather3A_600 : vector<16xf32>
        %mul3A_602 = arith.mulf %gather3A_600, %gather3A_600 : vector<16xf32>
        %add3A_603 = arith.addf %add3A_579, %mul3A_602 : vector<16xf32>
        %broadcast_in_dim3A_604 = arith.constant 17 : i32
        %broadcast_in_dim3A_605 = vector.broadcast %broadcast_in_dim3A_604 : i32 to vector<16xi32>
        %gather3A_606 = tpu.vector_load_idx %arg12[%add3A_487, %broadcast_in_dim3A_605] : memref<256x64xf32, #tpu.memory_space<vmem>>[vector<16xi32>, vector<16xi32>], vector<16xf32>,
        %add3A_607 = arith.addf %add3A_583, %gather3A_606 : vector<16xf32>
        %mul3A_608 = arith.mulf %gather3A_606, %gather3A_606 : vector<16xf32>
        %add3A_609 = arith.addf %add3A_585, %mul3A_608 : vector<16xf32>
        %broadcast_in_dim3A_610 = arith.constant 18 : i32
        %broadcast_in_dim3A_611 = vector.broadcast %broadcast_in_dim3A_610 : i32 to vector<16xi32>
        %gather3A_612 = tpu.vector_load_idx %arg12[%add3A_487, %broadcast_in_dim3A_611] : memref<256x64xf32, #tpu.memory_space<vmem>>[vector<16xi32>, vector<16xi32>], vector<16xf32>,
        %add3A_613 = arith.addf %add3A_589, %gather3A_612 : vector<16xf32>
        %mul3A_614 = arith.mulf %gather3A_612, %gather3A_612 : vector<16xf32>
        %add3A_615 = arith.addf %add3A_591, %mul3A_614 : vector<16xf32>
        %broadcast_in_dim3A_616 = arith.constant 19 : i32
        %broadcast_in_dim3A_617 = vector.broadcast %broadcast_in_dim3A_616 : i32 to vector<16xi32>
        %gather3A_618 = tpu.vector_load_idx %arg12[%add3A_487, %broadcast_in_dim3A_617] : memref<256x64xf32, #tpu.memory_space<vmem>>[vector<16xi32>, vector<16xi32>], vector<16xf32>,
        %add3A_619 = arith.addf %add3A_595, %gather3A_618 : vector<16xf32>
        %mul3A_620 = arith.mulf %gather3A_618, %gather3A_618 : vector<16xf32>
        %add3A_621 = arith.addf %add3A_597, %mul3A_620 : vector<16xf32>
        %broadcast_in_dim3A_622 = arith.constant 20 : i32
        %broadcast_in_dim3A_623 = vector.broadcast %broadcast_in_dim3A_622 : i32 to vector<16xi32>
        %gather3A_624 = tpu.vector_load_idx %arg12[%add3A_487, %broadcast_in_dim3A_623] : memref<256x64xf32, #tpu.memory_space<vmem>>[vector<16xi32>, vector<16xi32>], vector<16xf32>,
        %add3A_625 = arith.addf %add3A_601, %gather3A_624 : vector<16xf32>
        %mul3A_626 = arith.mulf %gather3A_624, %gather3A_624 : vector<16xf32>
        %add3A_627 = arith.addf %add3A_603, %mul3A_626 : vector<16xf32>
        %broadcast_in_dim3A_628 = arith.constant 21 : i32
        %broadcast_in_dim3A_629 = vector.broadcast %broadcast_in_dim3A_628 : i32 to vector<16xi32>
        %gather3A_630 = tpu.vector_load_idx %arg12[%add3A_487, %broadcast_in_dim3A_629] : memref<256x64xf32, #tpu.memory_space<vmem>>[vector<16xi32>, vector<16xi32>], vector<16xf32>,
        %add3A_631 = arith.addf %add3A_607, %gather3A_630 : vector<16xf32>
        %mul3A_632 = arith.mulf %gather3A_630, %gather3A_630 : vector<16xf32>
        %add3A_633 = arith.addf %add3A_609, %mul3A_632 : vector<16xf32>
        %broadcast_in_dim3A_634 = arith.constant 22 : i32
        %broadcast_in_dim3A_635 = vector.broadcast %broadcast_in_dim3A_634 : i32 to vector<16xi32>
        %gather3A_636 = tpu.vector_load_idx %arg12[%add3A_487, %broadcast_in_dim3A_635] : memref<256x64xf32, #tpu.memory_space<vmem>>[vector<16xi32>, vector<16xi32>], vector<16xf32>,
        %add3A_637 = arith.addf %add3A_613, %gather3A_636 : vector<16xf32>
        %mul3A_638 = arith.mulf %gather3A_636, %gather3A_636 : vector<16xf32>
        %add3A_639 = arith.addf %add3A_615, %mul3A_638 : vector<16xf32>
        %broadcast_in_dim3A_640 = arith.constant 23 : i32
        %broadcast_in_dim3A_641 = vector.broadcast %broadcast_in_dim3A_640 : i32 to vector<16xi32>
        %gather3A_642 = tpu.vector_load_idx %arg12[%add3A_487, %broadcast_in_dim3A_641] : memref<256x64xf32, #tpu.memory_space<vmem>>[vector<16xi32>, vector<16xi32>], vector<16xf32>,
        %add3A_643 = arith.addf %add3A_619, %gather3A_642 : vector<16xf32>
        %mul3A_644 = arith.mulf %gather3A_642, %gather3A_642 : vector<16xf32>
        %add3A_645 = arith.addf %add3A_621, %mul3A_644 : vector<16xf32>
        %broadcast_in_dim3A_646 = arith.constant 24 : i32
        %broadcast_in_dim3A_647 = vector.broadcast %broadcast_in_dim3A_646 : i32 to vector<16xi32>
        %gather3A_648 = tpu.vector_load_idx %arg12[%add3A_487, %broadcast_in_dim3A_647] : memref<256x64xf32, #tpu.memory_space<vmem>>[vector<16xi32>, vector<16xi32>], vector<16xf32>,
        %add3A_649 = arith.addf %add3A_625, %gather3A_648 : vector<16xf32>
        %mul3A_650 = arith.mulf %gather3A_648, %gather3A_648 : vector<16xf32>
        %add3A_651 = arith.addf %add3A_627, %mul3A_650 : vector<16xf32>
        %broadcast_in_dim3A_652 = arith.constant 25 : i32
        %broadcast_in_dim3A_653 = vector.broadcast %broadcast_in_dim3A_652 : i32 to vector<16xi32>
        %gather3A_654 = tpu.vector_load_idx %arg12[%add3A_487, %broadcast_in_dim3A_653] : memref<256x64xf32, #tpu.memory_space<vmem>>[vector<16xi32>, vector<16xi32>], vector<16xf32>,
        %add3A_655 = arith.addf %add3A_631, %gather3A_654 : vector<16xf32>
        %mul3A_656 = arith.mulf %gather3A_654, %gather3A_654 : vector<16xf32>
        %add3A_657 = arith.addf %add3A_633, %mul3A_656 : vector<16xf32>
        %broadcast_in_dim3A_658 = arith.constant 26 : i32
        %broadcast_in_dim3A_659 = vector.broadcast %broadcast_in_dim3A_658 : i32 to vector<16xi32>
        %gather3A_660 = tpu.vector_load_idx %arg12[%add3A_487, %broadcast_in_dim3A_659] : memref<256x64xf32, #tpu.memory_space<vmem>>[vector<16xi32>, vector<16xi32>], vector<16xf32>,
        %add3A_661 = arith.addf %add3A_637, %gather3A_660 : vector<16xf32>
        %mul3A_662 = arith.mulf %gather3A_660, %gather3A_660 : vector<16xf32>
        %add3A_663 = arith.addf %add3A_639, %mul3A_662 : vector<16xf32>
        %broadcast_in_dim3A_664 = arith.constant 27 : i32
        %broadcast_in_dim3A_665 = vector.broadcast %broadcast_in_dim3A_664 : i32 to vector<16xi32>
        %gather3A_666 = tpu.vector_load_idx %arg12[%add3A_487, %broadcast_in_dim3A_665] : memref<256x64xf32, #tpu.memory_space<vmem>>[vector<16xi32>, vector<16xi32>], vector<16xf32>,
        %add3A_667 = arith.addf %add3A_643, %gather3A_666 : vector<16xf32>
        %mul3A_668 = arith.mulf %gather3A_666, %gather3A_666 : vector<16xf32>
        %add3A_669 = arith.addf %add3A_645, %mul3A_668 : vector<16xf32>
        %broadcast_in_dim3A_670 = arith.constant 28 : i32
        %broadcast_in_dim3A_671 = vector.broadcast %broadcast_in_dim3A_670 : i32 to vector<16xi32>
        %gather3A_672 = tpu.vector_load_idx %arg12[%add3A_487, %broadcast_in_dim3A_671] : memref<256x64xf32, #tpu.memory_space<vmem>>[vector<16xi32>, vector<16xi32>], vector<16xf32>,
        %add3A_673 = arith.addf %add3A_649, %gather3A_672 : vector<16xf32>
        %mul3A_674 = arith.mulf %gather3A_672, %gather3A_672 : vector<16xf32>
        %add3A_675 = arith.addf %add3A_651, %mul3A_674 : vector<16xf32>
        %broadcast_in_dim3A_676 = arith.constant 29 : i32
        %broadcast_in_dim3A_677 = vector.broadcast %broadcast_in_dim3A_676 : i32 to vector<16xi32>
        %gather3A_678 = tpu.vector_load_idx %arg12[%add3A_487, %broadcast_in_dim3A_677] : memref<256x64xf32, #tpu.memory_space<vmem>>[vector<16xi32>, vector<16xi32>], vector<16xf32>,
        %add3A_679 = arith.addf %add3A_655, %gather3A_678 : vector<16xf32>
        %mul3A_680 = arith.mulf %gather3A_678, %gather3A_678 : vector<16xf32>
        %add3A_681 = arith.addf %add3A_657, %mul3A_680 : vector<16xf32>
        %broadcast_in_dim3A_682 = arith.constant 30 : i32
        %broadcast_in_dim3A_683 = vector.broadcast %broadcast_in_dim3A_682 : i32 to vector<16xi32>
        %gather3A_684 = tpu.vector_load_idx %arg12[%add3A_487, %broadcast_in_dim3A_683] : memref<256x64xf32, #tpu.memory_space<vmem>>[vector<16xi32>, vector<16xi32>], vector<16xf32>,
        %add3A_685 = arith.addf %add3A_661, %gather3A_684 : vector<16xf32>
        %mul3A_686 = arith.mulf %gather3A_684, %gather3A_684 : vector<16xf32>
        %add3A_687 = arith.addf %add3A_663, %mul3A_686 : vector<16xf32>
        %broadcast_in_dim3A_688 = arith.constant 31 : i32
        %broadcast_in_dim3A_689 = vector.broadcast %broadcast_in_dim3A_688 : i32 to vector<16xi32>
        %gather3A_690 = tpu.vector_load_idx %arg12[%add3A_487, %broadcast_in_dim3A_689] : memref<256x64xf32, #tpu.memory_space<vmem>>[vector<16xi32>, vector<16xi32>], vector<16xf32>,
        %add3A_691 = arith.addf %add3A_667, %gather3A_690 : vector<16xf32>
        %mul3A_692 = arith.mulf %gather3A_690, %gather3A_690 : vector<16xf32>
        %add3A_693 = arith.addf %add3A_669, %mul3A_692 : vector<16xf32>
        %broadcast_in_dim3A_694 = arith.constant 32 : i32
        %broadcast_in_dim3A_695 = vector.broadcast %broadcast_in_dim3A_694 : i32 to vector<16xi32>
        %gather3A_696 = tpu.vector_load_idx %arg12[%add3A_487, %broadcast_in_dim3A_695] : memref<256x64xf32, #tpu.memory_space<vmem>>[vector<16xi32>, vector<16xi32>], vector<16xf32>,
        %add3A_697 = arith.addf %add3A_673, %gather3A_696 : vector<16xf32>
        %mul3A_698 = arith.mulf %gather3A_696, %gather3A_696 : vector<16xf32>
        %add3A_699 = arith.addf %add3A_675, %mul3A_698 : vector<16xf32>
        %broadcast_in_dim3A_700 = arith.constant 33 : i32
        %broadcast_in_dim3A_701 = vector.broadcast %broadcast_in_dim3A_700 : i32 to vector<16xi32>
        %gather3A_702 = tpu.vector_load_idx %arg12[%add3A_487, %broadcast_in_dim3A_701] : memref<256x64xf32, #tpu.memory_space<vmem>>[vector<16xi32>, vector<16xi32>], vector<16xf32>,
        %add3A_703 = arith.addf %add3A_679, %gather3A_702 : vector<16xf32>
        %mul3A_704 = arith.mulf %gather3A_702, %gather3A_702 : vector<16xf32>
        %add3A_705 = arith.addf %add3A_681, %mul3A_704 : vector<16xf32>
        %broadcast_in_dim3A_706 = arith.constant 34 : i32
        %broadcast_in_dim3A_707 = vector.broadcast %broadcast_in_dim3A_706 : i32 to vector<16xi32>
        %gather3A_708 = tpu.vector_load_idx %arg12[%add3A_487, %broadcast_in_dim3A_707] : memref<256x64xf32, #tpu.memory_space<vmem>>[vector<16xi32>, vector<16xi32>], vector<16xf32>,
        %add3A_709 = arith.addf %add3A_685, %gather3A_708 : vector<16xf32>
        %mul3A_710 = arith.mulf %gather3A_708, %gather3A_708 : vector<16xf32>
        %add3A_711 = arith.addf %add3A_687, %mul3A_710 : vector<16xf32>
        %broadcast_in_dim3A_712 = arith.constant 35 : i32
        %broadcast_in_dim3A_713 = vector.broadcast %broadcast_in_dim3A_712 : i32 to vector<16xi32>
        %gather3A_714 = tpu.vector_load_idx %arg12[%add3A_487, %broadcast_in_dim3A_713] : memref<256x64xf32, #tpu.memory_space<vmem>>[vector<16xi32>, vector<16xi32>], vector<16xf32>,
        %add3A_715 = arith.addf %add3A_691, %gather3A_714 : vector<16xf32>
        %mul3A_716 = arith.mulf %gather3A_714, %gather3A_714 : vector<16xf32>
        %add3A_717 = arith.addf %add3A_693, %mul3A_716 : vector<16xf32>
        %broadcast_in_dim3A_718 = arith.constant 36 : i32
        %broadcast_in_dim3A_719 = vector.broadcast %broadcast_in_dim3A_718 : i32 to vector<16xi32>
        %gather3A_720 = tpu.vector_load_idx %arg12[%add3A_487, %broadcast_in_dim3A_719] : memref<256x64xf32, #tpu.memory_space<vmem>>[vector<16xi32>, vector<16xi32>], vector<16xf32>,
        %add3A_721 = arith.addf %add3A_697, %gather3A_720 : vector<16xf32>
        %mul3A_722 = arith.mulf %gather3A_720, %gather3A_720 : vector<16xf32>
        %add3A_723 = arith.addf %add3A_699, %mul3A_722 : vector<16xf32>
        %broadcast_in_dim3A_724 = arith.constant 37 : i32
        %broadcast_in_dim3A_725 = vector.broadcast %broadcast_in_dim3A_724 : i32 to vector<16xi32>
        %gather3A_726 = tpu.vector_load_idx %arg12[%add3A_487, %broadcast_in_dim3A_725] : memref<256x64xf32, #tpu.memory_space<vmem>>[vector<16xi32>, vector<16xi32>], vector<16xf32>,
        %add3A_727 = arith.addf %add3A_703, %gather3A_726 : vector<16xf32>
        %mul3A_728 = arith.mulf %gather3A_726, %gather3A_726 : vector<16xf32>
        %add3A_729 = arith.addf %add3A_705, %mul3A_728 : vector<16xf32>
        %broadcast_in_dim3A_730 = arith.constant 38 : i32
        %broadcast_in_dim3A_731 = vector.broadcast %broadcast_in_dim3A_730 : i32 to vector<16xi32>
        %gather3A_732 = tpu.vector_load_idx %arg12[%add3A_487, %broadcast_in_dim3A_731] : memref<256x64xf32, #tpu.memory_space<vmem>>[vector<16xi32>, vector<16xi32>], vector<16xf32>,
        %add3A_733 = arith.addf %add3A_709, %gather3A_732 : vector<16xf32>
        %mul3A_734 = arith.mulf %gather3A_732, %gather3A_732 : vector<16xf32>
        %add3A_735 = arith.addf %add3A_711, %mul3A_734 : vector<16xf32>
        %broadcast_in_dim3A_736 = arith.constant 39 : i32
        %broadcast_in_dim3A_737 = vector.broadcast %broadcast_in_dim3A_736 : i32 to vector<16xi32>
        %gather3A_738 = tpu.vector_load_idx %arg12[%add3A_487, %broadcast_in_dim3A_737] : memref<256x64xf32, #tpu.memory_space<vmem>>[vector<16xi32>, vector<16xi32>], vector<16xf32>,
        %add3A_739 = arith.addf %add3A_715, %gather3A_738 : vector<16xf32>
        %mul3A_740 = arith.mulf %gather3A_738, %gather3A_738 : vector<16xf32>
        %add3A_741 = arith.addf %add3A_717, %mul3A_740 : vector<16xf32>
        %broadcast_in_dim3A_742 = arith.constant 40 : i32
        %broadcast_in_dim3A_743 = vector.broadcast %broadcast_in_dim3A_742 : i32 to vector<16xi32>
        %gather3A_744 = tpu.vector_load_idx %arg12[%add3A_487, %broadcast_in_dim3A_743] : memref<256x64xf32, #tpu.memory_space<vmem>>[vector<16xi32>, vector<16xi32>], vector<16xf32>,
        %add3A_745 = arith.addf %add3A_721, %gather3A_744 : vector<16xf32>
        %mul3A_746 = arith.mulf %gather3A_744, %gather3A_744 : vector<16xf32>
        %add3A_747 = arith.addf %add3A_723, %mul3A_746 : vector<16xf32>
        %broadcast_in_dim3A_748 = arith.constant 41 : i32
        %broadcast_in_dim3A_749 = vector.broadcast %broadcast_in_dim3A_748 : i32 to vector<16xi32>
        %gather3A_750 = tpu.vector_load_idx %arg12[%add3A_487, %broadcast_in_dim3A_749] : memref<256x64xf32, #tpu.memory_space<vmem>>[vector<16xi32>, vector<16xi32>], vector<16xf32>,
        %add3A_751 = arith.addf %add3A_727, %gather3A_750 : vector<16xf32>
        %mul3A_752 = arith.mulf %gather3A_750, %gather3A_750 : vector<16xf32>
        %add3A_753 = arith.addf %add3A_729, %mul3A_752 : vector<16xf32>
        %broadcast_in_dim3A_754 = arith.constant 42 : i32
        %broadcast_in_dim3A_755 = vector.broadcast %broadcast_in_dim3A_754 : i32 to vector<16xi32>
        %gather3A_756 = tpu.vector_load_idx %arg12[%add3A_487, %broadcast_in_dim3A_755] : memref<256x64xf32, #tpu.memory_space<vmem>>[vector<16xi32>, vector<16xi32>], vector<16xf32>,
        %add3A_757 = arith.addf %add3A_733, %gather3A_756 : vector<16xf32>
        %mul3A_758 = arith.mulf %gather3A_756, %gather3A_756 : vector<16xf32>
        %add3A_759 = arith.addf %add3A_735, %mul3A_758 : vector<16xf32>
        %broadcast_in_dim3A_760 = arith.constant 43 : i32
        %broadcast_in_dim3A_761 = vector.broadcast %broadcast_in_dim3A_760 : i32 to vector<16xi32>
        %gather3A_762 = tpu.vector_load_idx %arg12[%add3A_487, %broadcast_in_dim3A_761] : memref<256x64xf32, #tpu.memory_space<vmem>>[vector<16xi32>, vector<16xi32>], vector<16xf32>,
        %add3A_763 = arith.addf %add3A_739, %gather3A_762 : vector<16xf32>
        %mul3A_764 = arith.mulf %gather3A_762, %gather3A_762 : vector<16xf32>
        %add3A_765 = arith.addf %add3A_741, %mul3A_764 : vector<16xf32>
        %broadcast_in_dim3A_766 = arith.constant 44 : i32
        %broadcast_in_dim3A_767 = vector.broadcast %broadcast_in_dim3A_766 : i32 to vector<16xi32>
        %gather3A_768 = tpu.vector_load_idx %arg12[%add3A_487, %broadcast_in_dim3A_767] : memref<256x64xf32, #tpu.memory_space<vmem>>[vector<16xi32>, vector<16xi32>], vector<16xf32>,
        %add3A_769 = arith.addf %add3A_745, %gather3A_768 : vector<16xf32>
        %mul3A_770 = arith.mulf %gather3A_768, %gather3A_768 : vector<16xf32>
        %add3A_771 = arith.addf %add3A_747, %mul3A_770 : vector<16xf32>
        %broadcast_in_dim3A_772 = arith.constant 45 : i32
        %broadcast_in_dim3A_773 = vector.broadcast %broadcast_in_dim3A_772 : i32 to vector<16xi32>
        %gather3A_774 = tpu.vector_load_idx %arg12[%add3A_487, %broadcast_in_dim3A_773] : memref<256x64xf32, #tpu.memory_space<vmem>>[vector<16xi32>, vector<16xi32>], vector<16xf32>,
        %add3A_775 = arith.addf %add3A_751, %gather3A_774 : vector<16xf32>
        %mul3A_776 = arith.mulf %gather3A_774, %gather3A_774 : vector<16xf32>
        %add3A_777 = arith.addf %add3A_753, %mul3A_776 : vector<16xf32>
        %broadcast_in_dim3A_778 = arith.constant 46 : i32
        %broadcast_in_dim3A_779 = vector.broadcast %broadcast_in_dim3A_778 : i32 to vector<16xi32>
        %gather3A_780 = tpu.vector_load_idx %arg12[%add3A_487, %broadcast_in_dim3A_779] : memref<256x64xf32, #tpu.memory_space<vmem>>[vector<16xi32>, vector<16xi32>], vector<16xf32>,
        %add3A_781 = arith.addf %add3A_757, %gather3A_780 : vector<16xf32>
        %mul3A_782 = arith.mulf %gather3A_780, %gather3A_780 : vector<16xf32>
        %add3A_783 = arith.addf %add3A_759, %mul3A_782 : vector<16xf32>
        %broadcast_in_dim3A_784 = arith.constant 47 : i32
        %broadcast_in_dim3A_785 = vector.broadcast %broadcast_in_dim3A_784 : i32 to vector<16xi32>
        %gather3A_786 = tpu.vector_load_idx %arg12[%add3A_487, %broadcast_in_dim3A_785] : memref<256x64xf32, #tpu.memory_space<vmem>>[vector<16xi32>, vector<16xi32>], vector<16xf32>,
        %add3A_787 = arith.addf %add3A_763, %gather3A_786 : vector<16xf32>
        %mul3A_788 = arith.mulf %gather3A_786, %gather3A_786 : vector<16xf32>
        %add3A_789 = arith.addf %add3A_765, %mul3A_788 : vector<16xf32>
        %broadcast_in_dim3A_790 = arith.constant 48 : i32
        %broadcast_in_dim3A_791 = vector.broadcast %broadcast_in_dim3A_790 : i32 to vector<16xi32>
        %gather3A_792 = tpu.vector_load_idx %arg12[%add3A_487, %broadcast_in_dim3A_791] : memref<256x64xf32, #tpu.memory_space<vmem>>[vector<16xi32>, vector<16xi32>], vector<16xf32>,
        %add3A_793 = arith.addf %add3A_769, %gather3A_792 : vector<16xf32>
        %mul3A_794 = arith.mulf %gather3A_792, %gather3A_792 : vector<16xf32>
        %add3A_795 = arith.addf %add3A_771, %mul3A_794 : vector<16xf32>
        %broadcast_in_dim3A_796 = arith.constant 49 : i32
        %broadcast_in_dim3A_797 = vector.broadcast %broadcast_in_dim3A_796 : i32 to vector<16xi32>
        %gather3A_798 = tpu.vector_load_idx %arg12[%add3A_487, %broadcast_in_dim3A_797] : memref<256x64xf32, #tpu.memory_space<vmem>>[vector<16xi32>, vector<16xi32>], vector<16xf32>,
        %add3A_799 = arith.addf %add3A_775, %gather3A_798 : vector<16xf32>
        %mul3A_800 = arith.mulf %gather3A_798, %gather3A_798 : vector<16xf32>
        %add3A_801 = arith.addf %add3A_777, %mul3A_800 : vector<16xf32>
        %broadcast_in_dim3A_802 = arith.constant 50 : i32
        %broadcast_in_dim3A_803 = vector.broadcast %broadcast_in_dim3A_802 : i32 to vector<16xi32>
        %gather3A_804 = tpu.vector_load_idx %arg12[%add3A_487, %broadcast_in_dim3A_803] : memref<256x64xf32, #tpu.memory_space<vmem>>[vector<16xi32>, vector<16xi32>], vector<16xf32>,
        %add3A_805 = arith.addf %add3A_781, %gather3A_804 : vector<16xf32>
        %mul3A_806 = arith.mulf %gather3A_804, %gather3A_804 : vector<16xf32>
        %add3A_807 = arith.addf %add3A_783, %mul3A_806 : vector<16xf32>
        %broadcast_in_dim3A_808 = arith.constant 51 : i32
        %broadcast_in_dim3A_809 = vector.broadcast %broadcast_in_dim3A_808 : i32 to vector<16xi32>
        %gather3A_810 = tpu.vector_load_idx %arg12[%add3A_487, %broadcast_in_dim3A_809] : memref<256x64xf32, #tpu.memory_space<vmem>>[vector<16xi32>, vector<16xi32>], vector<16xf32>,
        %add3A_811 = arith.addf %add3A_787, %gather3A_810 : vector<16xf32>
        %mul3A_812 = arith.mulf %gather3A_810, %gather3A_810 : vector<16xf32>
        %add3A_813 = arith.addf %add3A_789, %mul3A_812 : vector<16xf32>
        %broadcast_in_dim3A_814 = arith.constant 52 : i32
        %broadcast_in_dim3A_815 = vector.broadcast %broadcast_in_dim3A_814 : i32 to vector<16xi32>
        %gather3A_816 = tpu.vector_load_idx %arg12[%add3A_487, %broadcast_in_dim3A_815] : memref<256x64xf32, #tpu.memory_space<vmem>>[vector<16xi32>, vector<16xi32>], vector<16xf32>,
        %add3A_817 = arith.addf %add3A_793, %gather3A_816 : vector<16xf32>
        %mul3A_818 = arith.mulf %gather3A_816, %gather3A_816 : vector<16xf32>
        %add3A_819 = arith.addf %add3A_795, %mul3A_818 : vector<16xf32>
        %broadcast_in_dim3A_820 = arith.constant 53 : i32
        %broadcast_in_dim3A_821 = vector.broadcast %broadcast_in_dim3A_820 : i32 to vector<16xi32>
        %gather3A_822 = tpu.vector_load_idx %arg12[%add3A_487, %broadcast_in_dim3A_821] : memref<256x64xf32, #tpu.memory_space<vmem>>[vector<16xi32>, vector<16xi32>], vector<16xf32>,
        %add3A_823 = arith.addf %add3A_799, %gather3A_822 : vector<16xf32>
        %mul3A_824 = arith.mulf %gather3A_822, %gather3A_822 : vector<16xf32>
        %add3A_825 = arith.addf %add3A_801, %mul3A_824 : vector<16xf32>
        %broadcast_in_dim3A_826 = arith.constant 54 : i32
        %broadcast_in_dim3A_827 = vector.broadcast %broadcast_in_dim3A_826 : i32 to vector<16xi32>
        %gather3A_828 = tpu.vector_load_idx %arg12[%add3A_487, %broadcast_in_dim3A_827] : memref<256x64xf32, #tpu.memory_space<vmem>>[vector<16xi32>, vector<16xi32>], vector<16xf32>,
        %add3A_829 = arith.addf %add3A_805, %gather3A_828 : vector<16xf32>
        %mul3A_830 = arith.mulf %gather3A_828, %gather3A_828 : vector<16xf32>
        %add3A_831 = arith.addf %add3A_807, %mul3A_830 : vector<16xf32>
        %broadcast_in_dim3A_832 = arith.constant 55 : i32
        %broadcast_in_dim3A_833 = vector.broadcast %broadcast_in_dim3A_832 : i32 to vector<16xi32>
        %gather3A_834 = tpu.vector_load_idx %arg12[%add3A_487, %broadcast_in_dim3A_833] : memref<256x64xf32, #tpu.memory_space<vmem>>[vector<16xi32>, vector<16xi32>], vector<16xf32>,
        %add3A_835 = arith.addf %add3A_811, %gather3A_834 : vector<16xf32>
        %mul3A_836 = arith.mulf %gather3A_834, %gather3A_834 : vector<16xf32>
        %add3A_837 = arith.addf %add3A_813, %mul3A_836 : vector<16xf32>
        %broadcast_in_dim3A_838 = arith.constant 56 : i32
        %broadcast_in_dim3A_839 = vector.broadcast %broadcast_in_dim3A_838 : i32 to vector<16xi32>
        %gather3A_840 = tpu.vector_load_idx %arg12[%add3A_487, %broadcast_in_dim3A_839] : memref<256x64xf32, #tpu.memory_space<vmem>>[vector<16xi32>, vector<16xi32>], vector<16xf32>,
        %add3A_841 = arith.addf %add3A_817, %gather3A_840 : vector<16xf32>
        %mul3A_842 = arith.mulf %gather3A_840, %gather3A_840 : vector<16xf32>
        %add3A_843 = arith.addf %add3A_819, %mul3A_842 : vector<16xf32>
        %broadcast_in_dim3A_844 = arith.constant 57 : i32
        %broadcast_in_dim3A_845 = vector.broadcast %broadcast_in_dim3A_844 : i32 to vector<16xi32>
        %gather3A_846 = tpu.vector_load_idx %arg12[%add3A_487, %broadcast_in_dim3A_845] : memref<256x64xf32, #tpu.memory_space<vmem>>[vector<16xi32>, vector<16xi32>], vector<16xf32>,
        %add3A_847 = arith.addf %add3A_823, %gather3A_846 : vector<16xf32>
        %mul3A_848 = arith.mulf %gather3A_846, %gather3A_846 : vector<16xf32>
        %add3A_849 = arith.addf %add3A_825, %mul3A_848 : vector<16xf32>
        %broadcast_in_dim3A_850 = arith.constant 58 : i32
        %broadcast_in_dim3A_851 = vector.broadcast %broadcast_in_dim3A_850 : i32 to vector<16xi32>
        %gather3A_852 = tpu.vector_load_idx %arg12[%add3A_487, %broadcast_in_dim3A_851] : memref<256x64xf32, #tpu.memory_space<vmem>>[vector<16xi32>, vector<16xi32>], vector<16xf32>,
        %add3A_853 = arith.addf %add3A_829, %gather3A_852 : vector<16xf32>
        %mul3A_854 = arith.mulf %gather3A_852, %gather3A_852 : vector<16xf32>
        %add3A_855 = arith.addf %add3A_831, %mul3A_854 : vector<16xf32>
        %broadcast_in_dim3A_856 = arith.constant 59 : i32
        %broadcast_in_dim3A_857 = vector.broadcast %broadcast_in_dim3A_856 : i32 to vector<16xi32>
        %gather3A_858 = tpu.vector_load_idx %arg12[%add3A_487, %broadcast_in_dim3A_857] : memref<256x64xf32, #tpu.memory_space<vmem>>[vector<16xi32>, vector<16xi32>], vector<16xf32>,
        %add3A_859 = arith.addf %add3A_835, %gather3A_858 : vector<16xf32>
        %mul3A_860 = arith.mulf %gather3A_858, %gather3A_858 : vector<16xf32>
        %add3A_861 = arith.addf %add3A_837, %mul3A_860 : vector<16xf32>
        %broadcast_in_dim3A_862 = arith.constant 60 : i32
        %broadcast_in_dim3A_863 = vector.broadcast %broadcast_in_dim3A_862 : i32 to vector<16xi32>
        %gather3A_864 = tpu.vector_load_idx %arg12[%add3A_487, %broadcast_in_dim3A_863] : memref<256x64xf32, #tpu.memory_space<vmem>>[vector<16xi32>, vector<16xi32>], vector<16xf32>,
        %add3A_865 = arith.addf %add3A_841, %gather3A_864 : vector<16xf32>
        %mul3A_866 = arith.mulf %gather3A_864, %gather3A_864 : vector<16xf32>
        %add3A_867 = arith.addf %add3A_843, %mul3A_866 : vector<16xf32>
        %broadcast_in_dim3A_868 = arith.constant 61 : i32
        %broadcast_in_dim3A_869 = vector.broadcast %broadcast_in_dim3A_868 : i32 to vector<16xi32>
        %gather3A_870 = tpu.vector_load_idx %arg12[%add3A_487, %broadcast_in_dim3A_869] : memref<256x64xf32, #tpu.memory_space<vmem>>[vector<16xi32>, vector<16xi32>], vector<16xf32>,
        %add3A_871 = arith.addf %add3A_847, %gather3A_870 : vector<16xf32>
        %mul3A_872 = arith.mulf %gather3A_870, %gather3A_870 : vector<16xf32>
        %add3A_873 = arith.addf %add3A_849, %mul3A_872 : vector<16xf32>
        %broadcast_in_dim3A_874 = arith.constant 62 : i32
        %broadcast_in_dim3A_875 = vector.broadcast %broadcast_in_dim3A_874 : i32 to vector<16xi32>
        %gather3A_876 = tpu.vector_load_idx %arg12[%add3A_487, %broadcast_in_dim3A_875] : memref<256x64xf32, #tpu.memory_space<vmem>>[vector<16xi32>, vector<16xi32>], vector<16xf32>,
        %add3A_877 = arith.addf %add3A_853, %gather3A_876 : vector<16xf32>
        %mul3A_878 = arith.mulf %gather3A_876, %gather3A_876 : vector<16xf32>
        %add3A_879 = arith.addf %add3A_855, %mul3A_878 : vector<16xf32>
        %broadcast_in_dim3A_880 = arith.constant 63 : i32
        %broadcast_in_dim3A_881 = vector.broadcast %broadcast_in_dim3A_880 : i32 to vector<16xi32>
        %gather3A_882 = tpu.vector_load_idx %arg12[%add3A_487, %broadcast_in_dim3A_881] : memref<256x64xf32, #tpu.memory_space<vmem>>[vector<16xi32>, vector<16xi32>], vector<16xf32>,
        %add3A_883 = arith.addf %add3A_859, %gather3A_882 : vector<16xf32>
        %mul3A_884 = arith.mulf %gather3A_882, %gather3A_882 : vector<16xf32>
        %add3A_885 = arith.addf %add3A_861, %mul3A_884 : vector<16xf32>
        %add3A_886 = arith.addf %add3A_865, %add3A_871 : vector<16xf32>
        %add3A_887 = arith.addf %add3A_877, %add3A_883 : vector<16xf32>
        %add3A_888 = arith.addf %add3A_886, %add3A_887 : vector<16xf32>
        %add3A_889 = arith.addf %add3A_867, %add3A_873 : vector<16xf32>
        %add3A_890 = arith.addf %add3A_879, %add3A_885 : vector<16xf32>
        %add3A_891 = arith.addf %add3A_889, %add3A_890 : vector<16xf32>
        %mul3A_892 = arith.constant 1.562500e-02 : f32
        %mul3A_893 = vector.broadcast %mul3A_892 : f32 to vector<16xf32>
        %mul3A_894 = arith.mulf %add3A_888, %mul3A_893 : vector<16xf32>
        %mul3A_895 = arith.constant 1.562500e-02 : f32
        %mul3A_896 = vector.broadcast %mul3A_895 : f32 to vector<16xf32>
        %mul3A_897 = arith.mulf %add3A_891, %mul3A_896 : vector<16xf32>
        %mul3A_898 = arith.mulf %mul3A_894, %mul3A_894 : vector<16xf32>
        %sub3A_899 = arith.subf %mul3A_897, %mul3A_898 : vector<16xf32>
        %mul3A_900 = arith.constant 800 : i32
        %mul3A_901 = arith.muli %scan3A_483, %mul3A_900 : i32
        %add3A_902 = arith.addi %add3A_242, %mul3A_901 : i32
        %add3A_903 = vector.broadcast %add3A_902 : i32 to vector<16xi32>
        %add3A_904 = arith.addi %mul3A_6, %add3A_903 : vector<16xi32>
        %gather3A_905 = tpu.vector_load_idx %arg9[%add3A_904] : memref<25600xf32, #tpu.memory_space<vmem>>[vector<16xi32>], vector<16xf32>,
        %mul3A_906 = arith.mulf %gather3A_905, %gather3A_905 : vector<16xf32>
        %mul3A_907 = arith.mulf %mul3A_906, %sub3A_899 : vector<16xf32>
        %add3A_908 = arith.constant 9.99999974E-6 : f32
        %add3A_909 = vector.broadcast %add3A_908 : f32 to vector<16xf32>
        %add3A_910 = arith.addf %mul3A_907, %add3A_909 : vector<16xf32>
        %max3A = arith.constant 1.000000e-30 : f32
        %max3A_911 = vector.broadcast %max3A : f32 to vector<16xf32>
        %max3A_912 = arith.maximumf %add3A_910, %max3A_911 : vector<16xf32>
        %bitcast3A = vector.bitcast %max3A_912 : vector<16xf32> to vector<16xi32>
        %shift_right_arithmetic3A = arith.constant 1 : i32
        %shift_right_arithmetic3A_913 = vector.broadcast %shift_right_arithmetic3A : i32 to vector<16xi32>
        %shift_right_arithmetic3A_914 = arith.shrsi %bitcast3A, %shift_right_arithmetic3A_913 : vector<16xi32>
        %sub3A_915 = arith.constant 1597463007 : i32
        %sub3A_916 = vector.broadcast %sub3A_915 : i32 to vector<16xi32>
        %sub3A_917 = arith.subi %sub3A_916, %shift_right_arithmetic3A_914 : vector<16xi32>
        %bitcast3A_918 = vector.bitcast %sub3A_917 : vector<16xi32> to vector<16xf32>
        %mul3A_919 = arith.constant 5.000000e-01 : f32
        %mul3A_920 = vector.broadcast %mul3A_919 : f32 to vector<16xf32>
        %mul3A_921 = arith.mulf %mul3A_920, %max3A_912 : vector<16xf32>
        %mul3A_922 = arith.mulf %mul3A_921, %bitcast3A_918 : vector<16xf32>
        %mul3A_923 = arith.mulf %mul3A_922, %bitcast3A_918 : vector<16xf32>
        %sub3A_924 = arith.constant 1.500000e+00 : f32
        %sub3A_925 = vector.broadcast %sub3A_924 : f32 to vector<16xf32>
        %sub3A_926 = arith.subf %sub3A_925, %mul3A_923 : vector<16xf32>
        %mul3A_927 = arith.mulf %bitcast3A_918, %sub3A_926 : vector<16xf32>
        %mul3A_928 = arith.constant 5.000000e-01 : f32
        %mul3A_929 = vector.broadcast %mul3A_928 : f32 to vector<16xf32>
        %mul3A_930 = arith.mulf %mul3A_929, %max3A_912 : vector<16xf32>
        %mul3A_931 = arith.mulf %mul3A_930, %mul3A_927 : vector<16xf32>
        %mul3A_932 = arith.mulf %mul3A_931, %mul3A_927 : vector<16xf32>
        %sub3A_933 = arith.constant 1.500000e+00 : f32
        %sub3A_934 = vector.broadcast %sub3A_933 : f32 to vector<16xf32>
        %sub3A_935 = arith.subf %sub3A_934, %mul3A_932 : vector<16xf32>
        %mul3A_936 = arith.mulf %mul3A_927, %sub3A_935 : vector<16xf32>
        %mul3A_937 = arith.constant 5.000000e-01 : f32
        %mul3A_938 = vector.broadcast %mul3A_937 : f32 to vector<16xf32>
        %mul3A_939 = arith.mulf %mul3A_938, %max3A_912 : vector<16xf32>
        %mul3A_940 = arith.mulf %mul3A_939, %mul3A_936 : vector<16xf32>
        %mul3A_941 = arith.mulf %mul3A_940, %mul3A_936 : vector<16xf32>
        %sub3A_942 = arith.constant 1.500000e+00 : f32
        %sub3A_943 = vector.broadcast %sub3A_942 : f32 to vector<16xf32>
        %sub3A_944 = arith.subf %sub3A_943, %mul3A_941 : vector<16xf32>
        %mul3A_945 = arith.mulf %mul3A_936, %sub3A_944 : vector<16xf32>
        %mul3A_946 = arith.mulf %gather3A_905, %mul3A_945 : vector<16xf32>
        %swap3A = arith.index_cast %mul3A_485 : i32 to index
        %swap3A_947 = tpu.vector_load %arg14[%swap3A] {strides = array<i32>} : memref<256xf32, #tpu.memory_space<vmem>>, vector<16xf32>,
        tpu.vector_store %arg14[%swap3A], %mul3A_946 {strides = array<i32>} : memref<256xf32, #tpu.memory_space<vmem>>, vector<16xf32>,
        %neg3A = arith.constant 0.000000e+00 : f32
        %neg3A_948 = vector.broadcast %neg3A : f32 to vector<16xf32>
        %neg3A_949 = arith.subf %neg3A_948, %mul3A_894 : vector<16xf32>
        %mul3A_950 = arith.mulf %neg3A_949, %mul3A_946 : vector<16xf32>
        %swap3A_951 = arith.index_cast %mul3A_485 : i32 to index
        %swap3A_952 = tpu.vector_load %arg15[%swap3A_951] {strides = array<i32>} : memref<256xf32, #tpu.memory_space<vmem>>, vector<16xf32>,
        tpu.vector_store %arg15[%swap3A_951], %mul3A_950 {strides = array<i32>} : memref<256xf32, #tpu.memory_space<vmem>>, vector<16xf32>,
      }
      %scan3A_253 = arith.constant 16 : i32
      %not3A = arith.constant true
      %not3A_254 = arith.xori %eq3A_87, %not3A : i1
      %convert_element_type3A = arith.extui %not3A_254 : i1 to i32
      %cond3A = arith.constant 0 : i32
      %cond3A_255 = arith.cmpi ne, %convert_element_type3A, %cond3A : i32
      scf.if %cond3A_255 {
        %dma_wait3A_483 = arith.constant 0 : i32
        %dma_wait3A_484 = arith.constant 0 : i32
        %dma_wait3A_485 = arith.constant 0 : i32
        %dma_wait3A_486 = tpu.memref_slice %arg7[%select_n3A_183, %dma_wait3A_483, %add3A_247, %dma_wait3A_484, %dma_wait3A_485] : memref<50x8x128x8x128xf32, #tpu.memory_space<hbm>> -> memref<1x8x2x8x128xf32, #tpu.memory_space<hbm>>
        %dma_wait3A_487 = tpu.memref_squeeze %dma_wait3A_486 : memref<1x8x2x8x128xf32, #tpu.memory_space<hbm>> -> memref<8x2x8x128xf32, #tpu.memory_space<hbm>>
        %dma_wait3A_488 = arith.constant 0 : i32
        %dma_wait3A_489 = arith.constant 0 : i32
        %dma_wait3A_490 = arith.constant 0 : i32
        %dma_wait3A_491 = tpu.memref_slice %arg7[%select_n3A_183, %dma_wait3A_488, %add3A_247, %dma_wait3A_489, %dma_wait3A_490] : memref<50x8x128x8x128xf32, #tpu.memory_space<hbm>> -> memref<1x8x2x8x128xf32, #tpu.memory_space<hbm>>
        %dma_wait3A_492 = tpu.memref_squeeze %dma_wait3A_491 : memref<1x8x2x8x128xf32, #tpu.memory_space<hbm>> -> memref<8x2x8x128xf32, #tpu.memory_space<hbm>>
        tpu.wait_dma2 semaphore(%arg22 : memref<!tpu.dma_semaphore, #tpu.memory_space<semaphore_mem>>) src(%arg18 : memref<8x2x8x128xf32, #tpu.memory_space<vmem>>) dst(%dma_wait3A_492 : memref<8x2x8x128xf32, #tpu.memory_space<hbm>>)
      } else {
      }
      %scan3A_256 = arith.constant 0 : i32
      %scan3A_257 = arith.constant 0 : i32
      %scan3A_258 = arith.constant 16 : i32
      %scan3A_259 = arith.addi %scan3A_257, %scan3A_258 : i32
      %scan3A_260 = arith.constant 1 : i32
      scf.for %scan3A_483 = %scan3A_257 to %scan3A_259 step %scan3A_260  : i32 {
        %mul3A_484 = arith.constant 16 : i32
        %mul3A_485 = arith.muli %scan3A_483, %mul3A_484 : i32
        %add3A_486 = vector.broadcast %mul3A_485 : i32 to vector<16xi32>
        %add3A_487 = arith.addi %add3A_486, %iota3A : vector<16xi32>
        %get3A = arith.index_cast %mul3A_485 : i32 to index
        %get3A_488 = tpu.vector_load %arg14[%get3A] {strides = array<i32>} : memref<256xf32, #tpu.memory_space<vmem>>, vector<16xf32>,
        %get3A_489 = arith.index_cast %mul3A_485 : i32 to index
        %get3A_490 = tpu.vector_load %arg15[%get3A_489] {strides = array<i32>} : memref<256xf32, #tpu.memory_space<vmem>>, vector<16xf32>,
        %jit3A_491 = arith.constant 8 : i32
        %div3A_492 = arith.divsi %scan3A_483, %jit3A_491 : i32
        %sign3A_493 = arith.constant 0 : i32
        %sign3A_494 = arith.cmpi sgt, %scan3A_483, %sign3A_493 : i32
        %sign3A_495 = arith.extui %sign3A_494 : i1 to i32
        %sign3A_496 = arith.constant 0 : i32
        %sign3A_497 = arith.cmpi slt, %scan3A_483, %sign3A_496 : i32
        %sign3A_498 = arith.extui %sign3A_497 : i1 to i32
        %sign3A_499 = arith.subi %sign3A_495, %sign3A_498 : i32
        %sign3A_500 = arith.constant 0 : i32
        %sign3A_501 = arith.cmpi sgt, %jit3A_491, %sign3A_500 : i32
        %sign3A_502 = arith.extui %sign3A_501 : i1 to i32
        %sign3A_503 = arith.constant 0 : i32
        %sign3A_504 = arith.cmpi slt, %jit3A_491, %sign3A_503 : i32
        %sign3A_505 = arith.extui %sign3A_504 : i1 to i32
        %sign3A_506 = arith.subi %sign3A_502, %sign3A_505 : i32
        %ne3A_507 = arith.cmpi ne, %sign3A_499, %sign3A_506 : i32
        %rem3A_508 = arith.remsi %scan3A_483, %jit3A_491 : i32
        %ne3A_509 = arith.constant 0 : i32
        %ne3A_510 = arith.cmpi ne, %rem3A_508, %ne3A_509 : i32
        %and3A_511 = arith.andi %ne3A_507, %ne3A_510 : i1
        %sub3A_512 = arith.constant 1 : i32
        %sub3A_513 = arith.subi %div3A_492, %sub3A_512 : i32
        %select_n3A_514 = arith.select %and3A_511, %sub3A_513, %div3A_492 : i32
        %jit3A_515 = arith.constant 8 : i32
        %eq3A_516 = arith.constant 0 : i32
        %eq3A_517 = arith.cmpi eq, %jit3A_515, %eq3A_516 : i32
        %jit3A_518 = arith.constant 1 : i32
        %select_n3A_519 = arith.select %eq3A_517, %jit3A_518, %jit3A_515 : i32
        %rem3A_520 = arith.remsi %scan3A_483, %select_n3A_519 : i32
        %ne3A_521 = arith.constant 0 : i32
        %ne3A_522 = arith.cmpi ne, %rem3A_520, %ne3A_521 : i32
        %lt3A_523 = arith.constant 0 : i32
        %lt3A_524 = arith.cmpi slt, %rem3A_520, %lt3A_523 : i32
        %lt3A_525 = arith.constant 0 : i32
        %lt3A_526 = arith.cmpi slt, %select_n3A_519, %lt3A_525 : i32
        %ne3A_527 = arith.xori %lt3A_524, %lt3A_526 : i1
        %and3A_528 = arith.andi %ne3A_527, %ne3A_522 : i1
        %add3A_529 = arith.addi %rem3A_520, %select_n3A_519 : i32
        %select_n3A_530 = arith.select %and3A_528, %add3A_529, %rem3A_520 : i32
        %mul3A_531 = arith.constant 16 : i32
        %mul3A_532 = arith.muli %select_n3A_530, %mul3A_531 : i32
        %broadcast_in_dim3A = arith.constant 0 : i32
        %broadcast_in_dim3A_533 = vector.broadcast %broadcast_in_dim3A : i32 to vector<16xi32>
        %gather3A = tpu.vector_load_idx %arg12[%add3A_487, %broadcast_in_dim3A_533] : memref<256x64xf32, #tpu.memory_space<vmem>>[vector<16xi32>, vector<16xi32>], vector<16xf32>,
        %broadcast_in_dim3A_534 = arith.constant 1 : i32
        %broadcast_in_dim3A_535 = vector.broadcast %broadcast_in_dim3A_534 : i32 to vector<16xi32>
        %gather3A_536 = tpu.vector_load_idx %arg12[%add3A_487, %broadcast_in_dim3A_535] : memref<256x64xf32, #tpu.memory_space<vmem>>[vector<16xi32>, vector<16xi32>], vector<16xf32>,
        %broadcast_in_dim3A_537 = arith.constant 2 : i32
        %broadcast_in_dim3A_538 = vector.broadcast %broadcast_in_dim3A_537 : i32 to vector<16xi32>
        %gather3A_539 = tpu.vector_load_idx %arg12[%add3A_487, %broadcast_in_dim3A_538] : memref<256x64xf32, #tpu.memory_space<vmem>>[vector<16xi32>, vector<16xi32>], vector<16xf32>,
        %broadcast_in_dim3A_540 = arith.constant 3 : i32
        %broadcast_in_dim3A_541 = vector.broadcast %broadcast_in_dim3A_540 : i32 to vector<16xi32>
        %gather3A_542 = tpu.vector_load_idx %arg12[%add3A_487, %broadcast_in_dim3A_541] : memref<256x64xf32, #tpu.memory_space<vmem>>[vector<16xi32>, vector<16xi32>], vector<16xf32>,
        %broadcast_in_dim3A_543 = arith.constant 4 : i32
        %broadcast_in_dim3A_544 = vector.broadcast %broadcast_in_dim3A_543 : i32 to vector<16xi32>
        %gather3A_545 = tpu.vector_load_idx %arg12[%add3A_487, %broadcast_in_dim3A_544] : memref<256x64xf32, #tpu.memory_space<vmem>>[vector<16xi32>, vector<16xi32>], vector<16xf32>,
        %broadcast_in_dim3A_546 = arith.constant 5 : i32
        %broadcast_in_dim3A_547 = vector.broadcast %broadcast_in_dim3A_546 : i32 to vector<16xi32>
        %gather3A_548 = tpu.vector_load_idx %arg12[%add3A_487, %broadcast_in_dim3A_547] : memref<256x64xf32, #tpu.memory_space<vmem>>[vector<16xi32>, vector<16xi32>], vector<16xf32>,
        %broadcast_in_dim3A_549 = arith.constant 6 : i32
        %broadcast_in_dim3A_550 = vector.broadcast %broadcast_in_dim3A_549 : i32 to vector<16xi32>
        %gather3A_551 = tpu.vector_load_idx %arg12[%add3A_487, %broadcast_in_dim3A_550] : memref<256x64xf32, #tpu.memory_space<vmem>>[vector<16xi32>, vector<16xi32>], vector<16xf32>,
        %broadcast_in_dim3A_552 = arith.constant 7 : i32
        %broadcast_in_dim3A_553 = vector.broadcast %broadcast_in_dim3A_552 : i32 to vector<16xi32>
        %gather3A_554 = tpu.vector_load_idx %arg12[%add3A_487, %broadcast_in_dim3A_553] : memref<256x64xf32, #tpu.memory_space<vmem>>[vector<16xi32>, vector<16xi32>], vector<16xf32>,
        %mul3A_555 = arith.mulf %gather3A, %get3A_488 : vector<16xf32>
        %add3A_556 = arith.addf %mul3A_555, %get3A_490 : vector<16xf32>
        %mul3A_557 = arith.mulf %gather3A_536, %get3A_488 : vector<16xf32>
        %add3A_558 = arith.addf %mul3A_557, %get3A_490 : vector<16xf32>
        %mul3A_559 = arith.mulf %gather3A_539, %get3A_488 : vector<16xf32>
        %add3A_560 = arith.addf %mul3A_559, %get3A_490 : vector<16xf32>
        %mul3A_561 = arith.mulf %gather3A_542, %get3A_488 : vector<16xf32>
        %add3A_562 = arith.addf %mul3A_561, %get3A_490 : vector<16xf32>
        %mul3A_563 = arith.mulf %gather3A_545, %get3A_488 : vector<16xf32>
        %add3A_564 = arith.addf %mul3A_563, %get3A_490 : vector<16xf32>
        %mul3A_565 = arith.mulf %gather3A_548, %get3A_488 : vector<16xf32>
        %add3A_566 = arith.addf %mul3A_565, %get3A_490 : vector<16xf32>
        %mul3A_567 = arith.mulf %gather3A_551, %get3A_488 : vector<16xf32>
        %add3A_568 = arith.addf %mul3A_567, %get3A_490 : vector<16xf32>
        %mul3A_569 = arith.mulf %gather3A_554, %get3A_488 : vector<16xf32>
        %add3A_570 = arith.addf %mul3A_569, %get3A_490 : vector<16xf32>
        %swap3A = arith.constant 0 : i32
        %swap3A_571 = arith.constant 0 : i32
        %swap3A_572 = arith.index_cast %swap3A : i32 to index
        %swap3A_573 = arith.index_cast %select_n3A_514 : i32 to index
        %swap3A_574 = arith.index_cast %swap3A_571 : i32 to index
        %swap3A_575 = arith.index_cast %mul3A_532 : i32 to index
        %swap3A_576 = tpu.vector_load %arg18[%swap3A_572, %swap3A_573, %swap3A_574, %swap3A_575] {strides = array<i32>} : memref<8x2x8x128xf32, #tpu.memory_space<vmem>>, vector<16xf32>,
        tpu.vector_store %arg18[%swap3A_572, %swap3A_573, %swap3A_574, %swap3A_575], %add3A_556 {strides = array<i32>} : memref<8x2x8x128xf32, #tpu.memory_space<vmem>>, vector<16xf32>,
        %swap3A_577 = arith.constant 0 : i32
        %swap3A_578 = arith.constant 1 : i32
        %swap3A_579 = arith.index_cast %swap3A_577 : i32 to index
        %swap3A_580 = arith.index_cast %select_n3A_514 : i32 to index
        %swap3A_581 = arith.index_cast %swap3A_578 : i32 to index
        %swap3A_582 = arith.index_cast %mul3A_532 : i32 to index
        %swap3A_583 = tpu.vector_load %arg18[%swap3A_579, %swap3A_580, %swap3A_581, %swap3A_582] {strides = array<i32>} : memref<8x2x8x128xf32, #tpu.memory_space<vmem>>, vector<16xf32>,
        tpu.vector_store %arg18[%swap3A_579, %swap3A_580, %swap3A_581, %swap3A_582], %add3A_558 {strides = array<i32>} : memref<8x2x8x128xf32, #tpu.memory_space<vmem>>, vector<16xf32>,
        %swap3A_584 = arith.constant 0 : i32
        %swap3A_585 = arith.constant 2 : i32
        %swap3A_586 = arith.index_cast %swap3A_584 : i32 to index
        %swap3A_587 = arith.index_cast %select_n3A_514 : i32 to index
        %swap3A_588 = arith.index_cast %swap3A_585 : i32 to index
        %swap3A_589 = arith.index_cast %mul3A_532 : i32 to index
        %swap3A_590 = tpu.vector_load %arg18[%swap3A_586, %swap3A_587, %swap3A_588, %swap3A_589] {strides = array<i32>} : memref<8x2x8x128xf32, #tpu.memory_space<vmem>>, vector<16xf32>,
        tpu.vector_store %arg18[%swap3A_586, %swap3A_587, %swap3A_588, %swap3A_589], %add3A_560 {strides = array<i32>} : memref<8x2x8x128xf32, #tpu.memory_space<vmem>>, vector<16xf32>,
        %swap3A_591 = arith.constant 0 : i32
        %swap3A_592 = arith.constant 3 : i32
        %swap3A_593 = arith.index_cast %swap3A_591 : i32 to index
        %swap3A_594 = arith.index_cast %select_n3A_514 : i32 to index
        %swap3A_595 = arith.index_cast %swap3A_592 : i32 to index
        %swap3A_596 = arith.index_cast %mul3A_532 : i32 to index
        %swap3A_597 = tpu.vector_load %arg18[%swap3A_593, %swap3A_594, %swap3A_595, %swap3A_596] {strides = array<i32>} : memref<8x2x8x128xf32, #tpu.memory_space<vmem>>, vector<16xf32>,
        tpu.vector_store %arg18[%swap3A_593, %swap3A_594, %swap3A_595, %swap3A_596], %add3A_562 {strides = array<i32>} : memref<8x2x8x128xf32, #tpu.memory_space<vmem>>, vector<16xf32>,
        %swap3A_598 = arith.constant 0 : i32
        %swap3A_599 = arith.constant 4 : i32
        %swap3A_600 = arith.index_cast %swap3A_598 : i32 to index
        %swap3A_601 = arith.index_cast %select_n3A_514 : i32 to index
        %swap3A_602 = arith.index_cast %swap3A_599 : i32 to index
        %swap3A_603 = arith.index_cast %mul3A_532 : i32 to index
        %swap3A_604 = tpu.vector_load %arg18[%swap3A_600, %swap3A_601, %swap3A_602, %swap3A_603] {strides = array<i32>} : memref<8x2x8x128xf32, #tpu.memory_space<vmem>>, vector<16xf32>,
        tpu.vector_store %arg18[%swap3A_600, %swap3A_601, %swap3A_602, %swap3A_603], %add3A_564 {strides = array<i32>} : memref<8x2x8x128xf32, #tpu.memory_space<vmem>>, vector<16xf32>,
        %swap3A_605 = arith.constant 0 : i32
        %swap3A_606 = arith.constant 5 : i32
        %swap3A_607 = arith.index_cast %swap3A_605 : i32 to index
        %swap3A_608 = arith.index_cast %select_n3A_514 : i32 to index
        %swap3A_609 = arith.index_cast %swap3A_606 : i32 to index
        %swap3A_610 = arith.index_cast %mul3A_532 : i32 to index
        %swap3A_611 = tpu.vector_load %arg18[%swap3A_607, %swap3A_608, %swap3A_609, %swap3A_610] {strides = array<i32>} : memref<8x2x8x128xf32, #tpu.memory_space<vmem>>, vector<16xf32>,
        tpu.vector_store %arg18[%swap3A_607, %swap3A_608, %swap3A_609, %swap3A_610], %add3A_566 {strides = array<i32>} : memref<8x2x8x128xf32, #tpu.memory_space<vmem>>, vector<16xf32>,
        %swap3A_612 = arith.constant 0 : i32
        %swap3A_613 = arith.constant 6 : i32
        %swap3A_614 = arith.index_cast %swap3A_612 : i32 to index
        %swap3A_615 = arith.index_cast %select_n3A_514 : i32 to index
        %swap3A_616 = arith.index_cast %swap3A_613 : i32 to index
        %swap3A_617 = arith.index_cast %mul3A_532 : i32 to index
        %swap3A_618 = tpu.vector_load %arg18[%swap3A_614, %swap3A_615, %swap3A_616, %swap3A_617] {strides = array<i32>} : memref<8x2x8x128xf32, #tpu.memory_space<vmem>>, vector<16xf32>,
        tpu.vector_store %arg18[%swap3A_614, %swap3A_615, %swap3A_616, %swap3A_617], %add3A_568 {strides = array<i32>} : memref<8x2x8x128xf32, #tpu.memory_space<vmem>>, vector<16xf32>,
        %swap3A_619 = arith.constant 0 : i32
        %swap3A_620 = arith.constant 7 : i32
        %swap3A_621 = arith.index_cast %swap3A_619 : i32 to index
        %swap3A_622 = arith.index_cast %select_n3A_514 : i32 to index
        %swap3A_623 = arith.index_cast %swap3A_620 : i32 to index
        %swap3A_624 = arith.index_cast %mul3A_532 : i32 to index
        %swap3A_625 = tpu.vector_load %arg18[%swap3A_621, %swap3A_622, %swap3A_623, %swap3A_624] {strides = array<i32>} : memref<8x2x8x128xf32, #tpu.memory_space<vmem>>, vector<16xf32>,
        tpu.vector_store %arg18[%swap3A_621, %swap3A_622, %swap3A_623, %swap3A_624], %add3A_570 {strides = array<i32>} : memref<8x2x8x128xf32, #tpu.memory_space<vmem>>, vector<16xf32>,
        %broadcast_in_dim3A_626 = arith.constant 8 : i32
        %broadcast_in_dim3A_627 = vector.broadcast %broadcast_in_dim3A_626 : i32 to vector<16xi32>
        %gather3A_628 = tpu.vector_load_idx %arg12[%add3A_487, %broadcast_in_dim3A_627] : memref<256x64xf32, #tpu.memory_space<vmem>>[vector<16xi32>, vector<16xi32>], vector<16xf32>,
        %broadcast_in_dim3A_629 = arith.constant 9 : i32
        %broadcast_in_dim3A_630 = vector.broadcast %broadcast_in_dim3A_629 : i32 to vector<16xi32>
        %gather3A_631 = tpu.vector_load_idx %arg12[%add3A_487, %broadcast_in_dim3A_630] : memref<256x64xf32, #tpu.memory_space<vmem>>[vector<16xi32>, vector<16xi32>], vector<16xf32>,
        %broadcast_in_dim3A_632 = arith.constant 10 : i32
        %broadcast_in_dim3A_633 = vector.broadcast %broadcast_in_dim3A_632 : i32 to vector<16xi32>
        %gather3A_634 = tpu.vector_load_idx %arg12[%add3A_487, %broadcast_in_dim3A_633] : memref<256x64xf32, #tpu.memory_space<vmem>>[vector<16xi32>, vector<16xi32>], vector<16xf32>,
        %broadcast_in_dim3A_635 = arith.constant 11 : i32
        %broadcast_in_dim3A_636 = vector.broadcast %broadcast_in_dim3A_635 : i32 to vector<16xi32>
        %gather3A_637 = tpu.vector_load_idx %arg12[%add3A_487, %broadcast_in_dim3A_636] : memref<256x64xf32, #tpu.memory_space<vmem>>[vector<16xi32>, vector<16xi32>], vector<16xf32>,
        %broadcast_in_dim3A_638 = arith.constant 12 : i32
        %broadcast_in_dim3A_639 = vector.broadcast %broadcast_in_dim3A_638 : i32 to vector<16xi32>
        %gather3A_640 = tpu.vector_load_idx %arg12[%add3A_487, %broadcast_in_dim3A_639] : memref<256x64xf32, #tpu.memory_space<vmem>>[vector<16xi32>, vector<16xi32>], vector<16xf32>,
        %broadcast_in_dim3A_641 = arith.constant 13 : i32
        %broadcast_in_dim3A_642 = vector.broadcast %broadcast_in_dim3A_641 : i32 to vector<16xi32>
        %gather3A_643 = tpu.vector_load_idx %arg12[%add3A_487, %broadcast_in_dim3A_642] : memref<256x64xf32, #tpu.memory_space<vmem>>[vector<16xi32>, vector<16xi32>], vector<16xf32>,
        %broadcast_in_dim3A_644 = arith.constant 14 : i32
        %broadcast_in_dim3A_645 = vector.broadcast %broadcast_in_dim3A_644 : i32 to vector<16xi32>
        %gather3A_646 = tpu.vector_load_idx %arg12[%add3A_487, %broadcast_in_dim3A_645] : memref<256x64xf32, #tpu.memory_space<vmem>>[vector<16xi32>, vector<16xi32>], vector<16xf32>,
        %broadcast_in_dim3A_647 = arith.constant 15 : i32
        %broadcast_in_dim3A_648 = vector.broadcast %broadcast_in_dim3A_647 : i32 to vector<16xi32>
        %gather3A_649 = tpu.vector_load_idx %arg12[%add3A_487, %broadcast_in_dim3A_648] : memref<256x64xf32, #tpu.memory_space<vmem>>[vector<16xi32>, vector<16xi32>], vector<16xf32>,
        %mul3A_650 = arith.mulf %gather3A_628, %get3A_488 : vector<16xf32>
        %add3A_651 = arith.addf %mul3A_650, %get3A_490 : vector<16xf32>
        %mul3A_652 = arith.mulf %gather3A_631, %get3A_488 : vector<16xf32>
        %add3A_653 = arith.addf %mul3A_652, %get3A_490 : vector<16xf32>
        %mul3A_654 = arith.mulf %gather3A_634, %get3A_488 : vector<16xf32>
        %add3A_655 = arith.addf %mul3A_654, %get3A_490 : vector<16xf32>
        %mul3A_656 = arith.mulf %gather3A_637, %get3A_488 : vector<16xf32>
        %add3A_657 = arith.addf %mul3A_656, %get3A_490 : vector<16xf32>
        %mul3A_658 = arith.mulf %gather3A_640, %get3A_488 : vector<16xf32>
        %add3A_659 = arith.addf %mul3A_658, %get3A_490 : vector<16xf32>
        %mul3A_660 = arith.mulf %gather3A_643, %get3A_488 : vector<16xf32>
        %add3A_661 = arith.addf %mul3A_660, %get3A_490 : vector<16xf32>
        %mul3A_662 = arith.mulf %gather3A_646, %get3A_488 : vector<16xf32>
        %add3A_663 = arith.addf %mul3A_662, %get3A_490 : vector<16xf32>
        %mul3A_664 = arith.mulf %gather3A_649, %get3A_488 : vector<16xf32>
        %add3A_665 = arith.addf %mul3A_664, %get3A_490 : vector<16xf32>
        %swap3A_666 = arith.constant 1 : i32
        %swap3A_667 = arith.constant 0 : i32
        %swap3A_668 = arith.index_cast %swap3A_666 : i32 to index
        %swap3A_669 = arith.index_cast %select_n3A_514 : i32 to index
        %swap3A_670 = arith.index_cast %swap3A_667 : i32 to index
        %swap3A_671 = arith.index_cast %mul3A_532 : i32 to index
        %swap3A_672 = tpu.vector_load %arg18[%swap3A_668, %swap3A_669, %swap3A_670, %swap3A_671] {strides = array<i32>} : memref<8x2x8x128xf32, #tpu.memory_space<vmem>>, vector<16xf32>,
        tpu.vector_store %arg18[%swap3A_668, %swap3A_669, %swap3A_670, %swap3A_671], %add3A_651 {strides = array<i32>} : memref<8x2x8x128xf32, #tpu.memory_space<vmem>>, vector<16xf32>,
        %swap3A_673 = arith.constant 1 : i32
        %swap3A_674 = arith.constant 1 : i32
        %swap3A_675 = arith.index_cast %swap3A_673 : i32 to index
        %swap3A_676 = arith.index_cast %select_n3A_514 : i32 to index
        %swap3A_677 = arith.index_cast %swap3A_674 : i32 to index
        %swap3A_678 = arith.index_cast %mul3A_532 : i32 to index
        %swap3A_679 = tpu.vector_load %arg18[%swap3A_675, %swap3A_676, %swap3A_677, %swap3A_678] {strides = array<i32>} : memref<8x2x8x128xf32, #tpu.memory_space<vmem>>, vector<16xf32>,
        tpu.vector_store %arg18[%swap3A_675, %swap3A_676, %swap3A_677, %swap3A_678], %add3A_653 {strides = array<i32>} : memref<8x2x8x128xf32, #tpu.memory_space<vmem>>, vector<16xf32>,
        %swap3A_680 = arith.constant 1 : i32
        %swap3A_681 = arith.constant 2 : i32
        %swap3A_682 = arith.index_cast %swap3A_680 : i32 to index
        %swap3A_683 = arith.index_cast %select_n3A_514 : i32 to index
        %swap3A_684 = arith.index_cast %swap3A_681 : i32 to index
        %swap3A_685 = arith.index_cast %mul3A_532 : i32 to index
        %swap3A_686 = tpu.vector_load %arg18[%swap3A_682, %swap3A_683, %swap3A_684, %swap3A_685] {strides = array<i32>} : memref<8x2x8x128xf32, #tpu.memory_space<vmem>>, vector<16xf32>,
        tpu.vector_store %arg18[%swap3A_682, %swap3A_683, %swap3A_684, %swap3A_685], %add3A_655 {strides = array<i32>} : memref<8x2x8x128xf32, #tpu.memory_space<vmem>>, vector<16xf32>,
        %swap3A_687 = arith.constant 1 : i32
        %swap3A_688 = arith.constant 3 : i32
        %swap3A_689 = arith.index_cast %swap3A_687 : i32 to index
        %swap3A_690 = arith.index_cast %select_n3A_514 : i32 to index
        %swap3A_691 = arith.index_cast %swap3A_688 : i32 to index
        %swap3A_692 = arith.index_cast %mul3A_532 : i32 to index
        %swap3A_693 = tpu.vector_load %arg18[%swap3A_689, %swap3A_690, %swap3A_691, %swap3A_692] {strides = array<i32>} : memref<8x2x8x128xf32, #tpu.memory_space<vmem>>, vector<16xf32>,
        tpu.vector_store %arg18[%swap3A_689, %swap3A_690, %swap3A_691, %swap3A_692], %add3A_657 {strides = array<i32>} : memref<8x2x8x128xf32, #tpu.memory_space<vmem>>, vector<16xf32>,
        %swap3A_694 = arith.constant 1 : i32
        %swap3A_695 = arith.constant 4 : i32
        %swap3A_696 = arith.index_cast %swap3A_694 : i32 to index
        %swap3A_697 = arith.index_cast %select_n3A_514 : i32 to index
        %swap3A_698 = arith.index_cast %swap3A_695 : i32 to index
        %swap3A_699 = arith.index_cast %mul3A_532 : i32 to index
        %swap3A_700 = tpu.vector_load %arg18[%swap3A_696, %swap3A_697, %swap3A_698, %swap3A_699] {strides = array<i32>} : memref<8x2x8x128xf32, #tpu.memory_space<vmem>>, vector<16xf32>,
        tpu.vector_store %arg18[%swap3A_696, %swap3A_697, %swap3A_698, %swap3A_699], %add3A_659 {strides = array<i32>} : memref<8x2x8x128xf32, #tpu.memory_space<vmem>>, vector<16xf32>,
        %swap3A_701 = arith.constant 1 : i32
        %swap3A_702 = arith.constant 5 : i32
        %swap3A_703 = arith.index_cast %swap3A_701 : i32 to index
        %swap3A_704 = arith.index_cast %select_n3A_514 : i32 to index
        %swap3A_705 = arith.index_cast %swap3A_702 : i32 to index
        %swap3A_706 = arith.index_cast %mul3A_532 : i32 to index
        %swap3A_707 = tpu.vector_load %arg18[%swap3A_703, %swap3A_704, %swap3A_705, %swap3A_706] {strides = array<i32>} : memref<8x2x8x128xf32, #tpu.memory_space<vmem>>, vector<16xf32>,
        tpu.vector_store %arg18[%swap3A_703, %swap3A_704, %swap3A_705, %swap3A_706], %add3A_661 {strides = array<i32>} : memref<8x2x8x128xf32, #tpu.memory_space<vmem>>, vector<16xf32>,
        %swap3A_708 = arith.constant 1 : i32
        %swap3A_709 = arith.constant 6 : i32
        %swap3A_710 = arith.index_cast %swap3A_708 : i32 to index
        %swap3A_711 = arith.index_cast %select_n3A_514 : i32 to index
        %swap3A_712 = arith.index_cast %swap3A_709 : i32 to index
        %swap3A_713 = arith.index_cast %mul3A_532 : i32 to index
        %swap3A_714 = tpu.vector_load %arg18[%swap3A_710, %swap3A_711, %swap3A_712, %swap3A_713] {strides = array<i32>} : memref<8x2x8x128xf32, #tpu.memory_space<vmem>>, vector<16xf32>,
        tpu.vector_store %arg18[%swap3A_710, %swap3A_711, %swap3A_712, %swap3A_713], %add3A_663 {strides = array<i32>} : memref<8x2x8x128xf32, #tpu.memory_space<vmem>>, vector<16xf32>,
        %swap3A_715 = arith.constant 1 : i32
        %swap3A_716 = arith.constant 7 : i32
        %swap3A_717 = arith.index_cast %swap3A_715 : i32 to index
        %swap3A_718 = arith.index_cast %select_n3A_514 : i32 to index
        %swap3A_719 = arith.index_cast %swap3A_716 : i32 to index
        %swap3A_720 = arith.index_cast %mul3A_532 : i32 to index
        %swap3A_721 = tpu.vector_load %arg18[%swap3A_717, %swap3A_718, %swap3A_719, %swap3A_720] {strides = array<i32>} : memref<8x2x8x128xf32, #tpu.memory_space<vmem>>, vector<16xf32>,
        tpu.vector_store %arg18[%swap3A_717, %swap3A_718, %swap3A_719, %swap3A_720], %add3A_665 {strides = array<i32>} : memref<8x2x8x128xf32, #tpu.memory_space<vmem>>, vector<16xf32>,
        %broadcast_in_dim3A_722 = arith.constant 16 : i32
        %broadcast_in_dim3A_723 = vector.broadcast %broadcast_in_dim3A_722 : i32 to vector<16xi32>
        %gather3A_724 = tpu.vector_load_idx %arg12[%add3A_487, %broadcast_in_dim3A_723] : memref<256x64xf32, #tpu.memory_space<vmem>>[vector<16xi32>, vector<16xi32>], vector<16xf32>,
        %broadcast_in_dim3A_725 = arith.constant 17 : i32
        %broadcast_in_dim3A_726 = vector.broadcast %broadcast_in_dim3A_725 : i32 to vector<16xi32>
        %gather3A_727 = tpu.vector_load_idx %arg12[%add3A_487, %broadcast_in_dim3A_726] : memref<256x64xf32, #tpu.memory_space<vmem>>[vector<16xi32>, vector<16xi32>], vector<16xf32>,
        %broadcast_in_dim3A_728 = arith.constant 18 : i32
        %broadcast_in_dim3A_729 = vector.broadcast %broadcast_in_dim3A_728 : i32 to vector<16xi32>
        %gather3A_730 = tpu.vector_load_idx %arg12[%add3A_487, %broadcast_in_dim3A_729] : memref<256x64xf32, #tpu.memory_space<vmem>>[vector<16xi32>, vector<16xi32>], vector<16xf32>,
        %broadcast_in_dim3A_731 = arith.constant 19 : i32
        %broadcast_in_dim3A_732 = vector.broadcast %broadcast_in_dim3A_731 : i32 to vector<16xi32>
        %gather3A_733 = tpu.vector_load_idx %arg12[%add3A_487, %broadcast_in_dim3A_732] : memref<256x64xf32, #tpu.memory_space<vmem>>[vector<16xi32>, vector<16xi32>], vector<16xf32>,
        %broadcast_in_dim3A_734 = arith.constant 20 : i32
        %broadcast_in_dim3A_735 = vector.broadcast %broadcast_in_dim3A_734 : i32 to vector<16xi32>
        %gather3A_736 = tpu.vector_load_idx %arg12[%add3A_487, %broadcast_in_dim3A_735] : memref<256x64xf32, #tpu.memory_space<vmem>>[vector<16xi32>, vector<16xi32>], vector<16xf32>,
        %broadcast_in_dim3A_737 = arith.constant 21 : i32
        %broadcast_in_dim3A_738 = vector.broadcast %broadcast_in_dim3A_737 : i32 to vector<16xi32>
        %gather3A_739 = tpu.vector_load_idx %arg12[%add3A_487, %broadcast_in_dim3A_738] : memref<256x64xf32, #tpu.memory_space<vmem>>[vector<16xi32>, vector<16xi32>], vector<16xf32>,
        %broadcast_in_dim3A_740 = arith.constant 22 : i32
        %broadcast_in_dim3A_741 = vector.broadcast %broadcast_in_dim3A_740 : i32 to vector<16xi32>
        %gather3A_742 = tpu.vector_load_idx %arg12[%add3A_487, %broadcast_in_dim3A_741] : memref<256x64xf32, #tpu.memory_space<vmem>>[vector<16xi32>, vector<16xi32>], vector<16xf32>,
        %broadcast_in_dim3A_743 = arith.constant 23 : i32
        %broadcast_in_dim3A_744 = vector.broadcast %broadcast_in_dim3A_743 : i32 to vector<16xi32>
        %gather3A_745 = tpu.vector_load_idx %arg12[%add3A_487, %broadcast_in_dim3A_744] : memref<256x64xf32, #tpu.memory_space<vmem>>[vector<16xi32>, vector<16xi32>], vector<16xf32>,
        %mul3A_746 = arith.mulf %gather3A_724, %get3A_488 : vector<16xf32>
        %add3A_747 = arith.addf %mul3A_746, %get3A_490 : vector<16xf32>
        %mul3A_748 = arith.mulf %gather3A_727, %get3A_488 : vector<16xf32>
        %add3A_749 = arith.addf %mul3A_748, %get3A_490 : vector<16xf32>
        %mul3A_750 = arith.mulf %gather3A_730, %get3A_488 : vector<16xf32>
        %add3A_751 = arith.addf %mul3A_750, %get3A_490 : vector<16xf32>
        %mul3A_752 = arith.mulf %gather3A_733, %get3A_488 : vector<16xf32>
        %add3A_753 = arith.addf %mul3A_752, %get3A_490 : vector<16xf32>
        %mul3A_754 = arith.mulf %gather3A_736, %get3A_488 : vector<16xf32>
        %add3A_755 = arith.addf %mul3A_754, %get3A_490 : vector<16xf32>
        %mul3A_756 = arith.mulf %gather3A_739, %get3A_488 : vector<16xf32>
        %add3A_757 = arith.addf %mul3A_756, %get3A_490 : vector<16xf32>
        %mul3A_758 = arith.mulf %gather3A_742, %get3A_488 : vector<16xf32>
        %add3A_759 = arith.addf %mul3A_758, %get3A_490 : vector<16xf32>
        %mul3A_760 = arith.mulf %gather3A_745, %get3A_488 : vector<16xf32>
        %add3A_761 = arith.addf %mul3A_760, %get3A_490 : vector<16xf32>
        %swap3A_762 = arith.constant 2 : i32
        %swap3A_763 = arith.constant 0 : i32
        %swap3A_764 = arith.index_cast %swap3A_762 : i32 to index
        %swap3A_765 = arith.index_cast %select_n3A_514 : i32 to index
        %swap3A_766 = arith.index_cast %swap3A_763 : i32 to index
        %swap3A_767 = arith.index_cast %mul3A_532 : i32 to index
        %swap3A_768 = tpu.vector_load %arg18[%swap3A_764, %swap3A_765, %swap3A_766, %swap3A_767] {strides = array<i32>} : memref<8x2x8x128xf32, #tpu.memory_space<vmem>>, vector<16xf32>,
        tpu.vector_store %arg18[%swap3A_764, %swap3A_765, %swap3A_766, %swap3A_767], %add3A_747 {strides = array<i32>} : memref<8x2x8x128xf32, #tpu.memory_space<vmem>>, vector<16xf32>,
        %swap3A_769 = arith.constant 2 : i32
        %swap3A_770 = arith.constant 1 : i32
        %swap3A_771 = arith.index_cast %swap3A_769 : i32 to index
        %swap3A_772 = arith.index_cast %select_n3A_514 : i32 to index
        %swap3A_773 = arith.index_cast %swap3A_770 : i32 to index
        %swap3A_774 = arith.index_cast %mul3A_532 : i32 to index
        %swap3A_775 = tpu.vector_load %arg18[%swap3A_771, %swap3A_772, %swap3A_773, %swap3A_774] {strides = array<i32>} : memref<8x2x8x128xf32, #tpu.memory_space<vmem>>, vector<16xf32>,
        tpu.vector_store %arg18[%swap3A_771, %swap3A_772, %swap3A_773, %swap3A_774], %add3A_749 {strides = array<i32>} : memref<8x2x8x128xf32, #tpu.memory_space<vmem>>, vector<16xf32>,
        %swap3A_776 = arith.constant 2 : i32
        %swap3A_777 = arith.constant 2 : i32
        %swap3A_778 = arith.index_cast %swap3A_776 : i32 to index
        %swap3A_779 = arith.index_cast %select_n3A_514 : i32 to index
        %swap3A_780 = arith.index_cast %swap3A_777 : i32 to index
        %swap3A_781 = arith.index_cast %mul3A_532 : i32 to index
        %swap3A_782 = tpu.vector_load %arg18[%swap3A_778, %swap3A_779, %swap3A_780, %swap3A_781] {strides = array<i32>} : memref<8x2x8x128xf32, #tpu.memory_space<vmem>>, vector<16xf32>,
        tpu.vector_store %arg18[%swap3A_778, %swap3A_779, %swap3A_780, %swap3A_781], %add3A_751 {strides = array<i32>} : memref<8x2x8x128xf32, #tpu.memory_space<vmem>>, vector<16xf32>,
        %swap3A_783 = arith.constant 2 : i32
        %swap3A_784 = arith.constant 3 : i32
        %swap3A_785 = arith.index_cast %swap3A_783 : i32 to index
        %swap3A_786 = arith.index_cast %select_n3A_514 : i32 to index
        %swap3A_787 = arith.index_cast %swap3A_784 : i32 to index
        %swap3A_788 = arith.index_cast %mul3A_532 : i32 to index
        %swap3A_789 = tpu.vector_load %arg18[%swap3A_785, %swap3A_786, %swap3A_787, %swap3A_788] {strides = array<i32>} : memref<8x2x8x128xf32, #tpu.memory_space<vmem>>, vector<16xf32>,
        tpu.vector_store %arg18[%swap3A_785, %swap3A_786, %swap3A_787, %swap3A_788], %add3A_753 {strides = array<i32>} : memref<8x2x8x128xf32, #tpu.memory_space<vmem>>, vector<16xf32>,
        %swap3A_790 = arith.constant 2 : i32
        %swap3A_791 = arith.constant 4 : i32
        %swap3A_792 = arith.index_cast %swap3A_790 : i32 to index
        %swap3A_793 = arith.index_cast %select_n3A_514 : i32 to index
        %swap3A_794 = arith.index_cast %swap3A_791 : i32 to index
        %swap3A_795 = arith.index_cast %mul3A_532 : i32 to index
        %swap3A_796 = tpu.vector_load %arg18[%swap3A_792, %swap3A_793, %swap3A_794, %swap3A_795] {strides = array<i32>} : memref<8x2x8x128xf32, #tpu.memory_space<vmem>>, vector<16xf32>,
        tpu.vector_store %arg18[%swap3A_792, %swap3A_793, %swap3A_794, %swap3A_795], %add3A_755 {strides = array<i32>} : memref<8x2x8x128xf32, #tpu.memory_space<vmem>>, vector<16xf32>,
        %swap3A_797 = arith.constant 2 : i32
        %swap3A_798 = arith.constant 5 : i32
        %swap3A_799 = arith.index_cast %swap3A_797 : i32 to index
        %swap3A_800 = arith.index_cast %select_n3A_514 : i32 to index
        %swap3A_801 = arith.index_cast %swap3A_798 : i32 to index
        %swap3A_802 = arith.index_cast %mul3A_532 : i32 to index
        %swap3A_803 = tpu.vector_load %arg18[%swap3A_799, %swap3A_800, %swap3A_801, %swap3A_802] {strides = array<i32>} : memref<8x2x8x128xf32, #tpu.memory_space<vmem>>, vector<16xf32>,
        tpu.vector_store %arg18[%swap3A_799, %swap3A_800, %swap3A_801, %swap3A_802], %add3A_757 {strides = array<i32>} : memref<8x2x8x128xf32, #tpu.memory_space<vmem>>, vector<16xf32>,
        %swap3A_804 = arith.constant 2 : i32
        %swap3A_805 = arith.constant 6 : i32
        %swap3A_806 = arith.index_cast %swap3A_804 : i32 to index
        %swap3A_807 = arith.index_cast %select_n3A_514 : i32 to index
        %swap3A_808 = arith.index_cast %swap3A_805 : i32 to index
        %swap3A_809 = arith.index_cast %mul3A_532 : i32 to index
        %swap3A_810 = tpu.vector_load %arg18[%swap3A_806, %swap3A_807, %swap3A_808, %swap3A_809] {strides = array<i32>} : memref<8x2x8x128xf32, #tpu.memory_space<vmem>>, vector<16xf32>,
        tpu.vector_store %arg18[%swap3A_806, %swap3A_807, %swap3A_808, %swap3A_809], %add3A_759 {strides = array<i32>} : memref<8x2x8x128xf32, #tpu.memory_space<vmem>>, vector<16xf32>,
        %swap3A_811 = arith.constant 2 : i32
        %swap3A_812 = arith.constant 7 : i32
        %swap3A_813 = arith.index_cast %swap3A_811 : i32 to index
        %swap3A_814 = arith.index_cast %select_n3A_514 : i32 to index
        %swap3A_815 = arith.index_cast %swap3A_812 : i32 to index
        %swap3A_816 = arith.index_cast %mul3A_532 : i32 to index
        %swap3A_817 = tpu.vector_load %arg18[%swap3A_813, %swap3A_814, %swap3A_815, %swap3A_816] {strides = array<i32>} : memref<8x2x8x128xf32, #tpu.memory_space<vmem>>, vector<16xf32>,
        tpu.vector_store %arg18[%swap3A_813, %swap3A_814, %swap3A_815, %swap3A_816], %add3A_761 {strides = array<i32>} : memref<8x2x8x128xf32, #tpu.memory_space<vmem>>, vector<16xf32>,
        %broadcast_in_dim3A_818 = arith.constant 24 : i32
        %broadcast_in_dim3A_819 = vector.broadcast %broadcast_in_dim3A_818 : i32 to vector<16xi32>
        %gather3A_820 = tpu.vector_load_idx %arg12[%add3A_487, %broadcast_in_dim3A_819] : memref<256x64xf32, #tpu.memory_space<vmem>>[vector<16xi32>, vector<16xi32>], vector<16xf32>,
        %broadcast_in_dim3A_821 = arith.constant 25 : i32
        %broadcast_in_dim3A_822 = vector.broadcast %broadcast_in_dim3A_821 : i32 to vector<16xi32>
        %gather3A_823 = tpu.vector_load_idx %arg12[%add3A_487, %broadcast_in_dim3A_822] : memref<256x64xf32, #tpu.memory_space<vmem>>[vector<16xi32>, vector<16xi32>], vector<16xf32>,
        %broadcast_in_dim3A_824 = arith.constant 26 : i32
        %broadcast_in_dim3A_825 = vector.broadcast %broadcast_in_dim3A_824 : i32 to vector<16xi32>
        %gather3A_826 = tpu.vector_load_idx %arg12[%add3A_487, %broadcast_in_dim3A_825] : memref<256x64xf32, #tpu.memory_space<vmem>>[vector<16xi32>, vector<16xi32>], vector<16xf32>,
        %broadcast_in_dim3A_827 = arith.constant 27 : i32
        %broadcast_in_dim3A_828 = vector.broadcast %broadcast_in_dim3A_827 : i32 to vector<16xi32>
        %gather3A_829 = tpu.vector_load_idx %arg12[%add3A_487, %broadcast_in_dim3A_828] : memref<256x64xf32, #tpu.memory_space<vmem>>[vector<16xi32>, vector<16xi32>], vector<16xf32>,
        %broadcast_in_dim3A_830 = arith.constant 28 : i32
        %broadcast_in_dim3A_831 = vector.broadcast %broadcast_in_dim3A_830 : i32 to vector<16xi32>
        %gather3A_832 = tpu.vector_load_idx %arg12[%add3A_487, %broadcast_in_dim3A_831] : memref<256x64xf32, #tpu.memory_space<vmem>>[vector<16xi32>, vector<16xi32>], vector<16xf32>,
        %broadcast_in_dim3A_833 = arith.constant 29 : i32
        %broadcast_in_dim3A_834 = vector.broadcast %broadcast_in_dim3A_833 : i32 to vector<16xi32>
        %gather3A_835 = tpu.vector_load_idx %arg12[%add3A_487, %broadcast_in_dim3A_834] : memref<256x64xf32, #tpu.memory_space<vmem>>[vector<16xi32>, vector<16xi32>], vector<16xf32>,
        %broadcast_in_dim3A_836 = arith.constant 30 : i32
        %broadcast_in_dim3A_837 = vector.broadcast %broadcast_in_dim3A_836 : i32 to vector<16xi32>
        %gather3A_838 = tpu.vector_load_idx %arg12[%add3A_487, %broadcast_in_dim3A_837] : memref<256x64xf32, #tpu.memory_space<vmem>>[vector<16xi32>, vector<16xi32>], vector<16xf32>,
        %broadcast_in_dim3A_839 = arith.constant 31 : i32
        %broadcast_in_dim3A_840 = vector.broadcast %broadcast_in_dim3A_839 : i32 to vector<16xi32>
        %gather3A_841 = tpu.vector_load_idx %arg12[%add3A_487, %broadcast_in_dim3A_840] : memref<256x64xf32, #tpu.memory_space<vmem>>[vector<16xi32>, vector<16xi32>], vector<16xf32>,
        %mul3A_842 = arith.mulf %gather3A_820, %get3A_488 : vector<16xf32>
        %add3A_843 = arith.addf %mul3A_842, %get3A_490 : vector<16xf32>
        %mul3A_844 = arith.mulf %gather3A_823, %get3A_488 : vector<16xf32>
        %add3A_845 = arith.addf %mul3A_844, %get3A_490 : vector<16xf32>
        %mul3A_846 = arith.mulf %gather3A_826, %get3A_488 : vector<16xf32>
        %add3A_847 = arith.addf %mul3A_846, %get3A_490 : vector<16xf32>
        %mul3A_848 = arith.mulf %gather3A_829, %get3A_488 : vector<16xf32>
        %add3A_849 = arith.addf %mul3A_848, %get3A_490 : vector<16xf32>
        %mul3A_850 = arith.mulf %gather3A_832, %get3A_488 : vector<16xf32>
        %add3A_851 = arith.addf %mul3A_850, %get3A_490 : vector<16xf32>
        %mul3A_852 = arith.mulf %gather3A_835, %get3A_488 : vector<16xf32>
        %add3A_853 = arith.addf %mul3A_852, %get3A_490 : vector<16xf32>
        %mul3A_854 = arith.mulf %gather3A_838, %get3A_488 : vector<16xf32>
        %add3A_855 = arith.addf %mul3A_854, %get3A_490 : vector<16xf32>
        %mul3A_856 = arith.mulf %gather3A_841, %get3A_488 : vector<16xf32>
        %add3A_857 = arith.addf %mul3A_856, %get3A_490 : vector<16xf32>
        %swap3A_858 = arith.constant 3 : i32
        %swap3A_859 = arith.constant 0 : i32
        %swap3A_860 = arith.index_cast %swap3A_858 : i32 to index
        %swap3A_861 = arith.index_cast %select_n3A_514 : i32 to index
        %swap3A_862 = arith.index_cast %swap3A_859 : i32 to index
        %swap3A_863 = arith.index_cast %mul3A_532 : i32 to index
        %swap3A_864 = tpu.vector_load %arg18[%swap3A_860, %swap3A_861, %swap3A_862, %swap3A_863] {strides = array<i32>} : memref<8x2x8x128xf32, #tpu.memory_space<vmem>>, vector<16xf32>,
        tpu.vector_store %arg18[%swap3A_860, %swap3A_861, %swap3A_862, %swap3A_863], %add3A_843 {strides = array<i32>} : memref<8x2x8x128xf32, #tpu.memory_space<vmem>>, vector<16xf32>,
        %swap3A_865 = arith.constant 3 : i32
        %swap3A_866 = arith.constant 1 : i32
        %swap3A_867 = arith.index_cast %swap3A_865 : i32 to index
        %swap3A_868 = arith.index_cast %select_n3A_514 : i32 to index
        %swap3A_869 = arith.index_cast %swap3A_866 : i32 to index
        %swap3A_870 = arith.index_cast %mul3A_532 : i32 to index
        %swap3A_871 = tpu.vector_load %arg18[%swap3A_867, %swap3A_868, %swap3A_869, %swap3A_870] {strides = array<i32>} : memref<8x2x8x128xf32, #tpu.memory_space<vmem>>, vector<16xf32>,
        tpu.vector_store %arg18[%swap3A_867, %swap3A_868, %swap3A_869, %swap3A_870], %add3A_845 {strides = array<i32>} : memref<8x2x8x128xf32, #tpu.memory_space<vmem>>, vector<16xf32>,
        %swap3A_872 = arith.constant 3 : i32
        %swap3A_873 = arith.constant 2 : i32
        %swap3A_874 = arith.index_cast %swap3A_872 : i32 to index
        %swap3A_875 = arith.index_cast %select_n3A_514 : i32 to index
        %swap3A_876 = arith.index_cast %swap3A_873 : i32 to index
        %swap3A_877 = arith.index_cast %mul3A_532 : i32 to index
        %swap3A_878 = tpu.vector_load %arg18[%swap3A_874, %swap3A_875, %swap3A_876, %swap3A_877] {strides = array<i32>} : memref<8x2x8x128xf32, #tpu.memory_space<vmem>>, vector<16xf32>,
        tpu.vector_store %arg18[%swap3A_874, %swap3A_875, %swap3A_876, %swap3A_877], %add3A_847 {strides = array<i32>} : memref<8x2x8x128xf32, #tpu.memory_space<vmem>>, vector<16xf32>,
        %swap3A_879 = arith.constant 3 : i32
        %swap3A_880 = arith.constant 3 : i32
        %swap3A_881 = arith.index_cast %swap3A_879 : i32 to index
        %swap3A_882 = arith.index_cast %select_n3A_514 : i32 to index
        %swap3A_883 = arith.index_cast %swap3A_880 : i32 to index
        %swap3A_884 = arith.index_cast %mul3A_532 : i32 to index
        %swap3A_885 = tpu.vector_load %arg18[%swap3A_881, %swap3A_882, %swap3A_883, %swap3A_884] {strides = array<i32>} : memref<8x2x8x128xf32, #tpu.memory_space<vmem>>, vector<16xf32>,
        tpu.vector_store %arg18[%swap3A_881, %swap3A_882, %swap3A_883, %swap3A_884], %add3A_849 {strides = array<i32>} : memref<8x2x8x128xf32, #tpu.memory_space<vmem>>, vector<16xf32>,
        %swap3A_886 = arith.constant 3 : i32
        %swap3A_887 = arith.constant 4 : i32
        %swap3A_888 = arith.index_cast %swap3A_886 : i32 to index
        %swap3A_889 = arith.index_cast %select_n3A_514 : i32 to index
        %swap3A_890 = arith.index_cast %swap3A_887 : i32 to index
        %swap3A_891 = arith.index_cast %mul3A_532 : i32 to index
        %swap3A_892 = tpu.vector_load %arg18[%swap3A_888, %swap3A_889, %swap3A_890, %swap3A_891] {strides = array<i32>} : memref<8x2x8x128xf32, #tpu.memory_space<vmem>>, vector<16xf32>,
        tpu.vector_store %arg18[%swap3A_888, %swap3A_889, %swap3A_890, %swap3A_891], %add3A_851 {strides = array<i32>} : memref<8x2x8x128xf32, #tpu.memory_space<vmem>>, vector<16xf32>,
        %swap3A_893 = arith.constant 3 : i32
        %swap3A_894 = arith.constant 5 : i32
        %swap3A_895 = arith.index_cast %swap3A_893 : i32 to index
        %swap3A_896 = arith.index_cast %select_n3A_514 : i32 to index
        %swap3A_897 = arith.index_cast %swap3A_894 : i32 to index
        %swap3A_898 = arith.index_cast %mul3A_532 : i32 to index
        %swap3A_899 = tpu.vector_load %arg18[%swap3A_895, %swap3A_896, %swap3A_897, %swap3A_898] {strides = array<i32>} : memref<8x2x8x128xf32, #tpu.memory_space<vmem>>, vector<16xf32>,
        tpu.vector_store %arg18[%swap3A_895, %swap3A_896, %swap3A_897, %swap3A_898], %add3A_853 {strides = array<i32>} : memref<8x2x8x128xf32, #tpu.memory_space<vmem>>, vector<16xf32>,
        %swap3A_900 = arith.constant 3 : i32
        %swap3A_901 = arith.constant 6 : i32
        %swap3A_902 = arith.index_cast %swap3A_900 : i32 to index
        %swap3A_903 = arith.index_cast %select_n3A_514 : i32 to index
        %swap3A_904 = arith.index_cast %swap3A_901 : i32 to index
        %swap3A_905 = arith.index_cast %mul3A_532 : i32 to index
        %swap3A_906 = tpu.vector_load %arg18[%swap3A_902, %swap3A_903, %swap3A_904, %swap3A_905] {strides = array<i32>} : memref<8x2x8x128xf32, #tpu.memory_space<vmem>>, vector<16xf32>,
        tpu.vector_store %arg18[%swap3A_902, %swap3A_903, %swap3A_904, %swap3A_905], %add3A_855 {strides = array<i32>} : memref<8x2x8x128xf32, #tpu.memory_space<vmem>>, vector<16xf32>,
        %swap3A_907 = arith.constant 3 : i32
        %swap3A_908 = arith.constant 7 : i32
        %swap3A_909 = arith.index_cast %swap3A_907 : i32 to index
        %swap3A_910 = arith.index_cast %select_n3A_514 : i32 to index
        %swap3A_911 = arith.index_cast %swap3A_908 : i32 to index
        %swap3A_912 = arith.index_cast %mul3A_532 : i32 to index
        %swap3A_913 = tpu.vector_load %arg18[%swap3A_909, %swap3A_910, %swap3A_911, %swap3A_912] {strides = array<i32>} : memref<8x2x8x128xf32, #tpu.memory_space<vmem>>, vector<16xf32>,
        tpu.vector_store %arg18[%swap3A_909, %swap3A_910, %swap3A_911, %swap3A_912], %add3A_857 {strides = array<i32>} : memref<8x2x8x128xf32, #tpu.memory_space<vmem>>, vector<16xf32>,
        %broadcast_in_dim3A_914 = arith.constant 32 : i32
        %broadcast_in_dim3A_915 = vector.broadcast %broadcast_in_dim3A_914 : i32 to vector<16xi32>
        %gather3A_916 = tpu.vector_load_idx %arg12[%add3A_487, %broadcast_in_dim3A_915] : memref<256x64xf32, #tpu.memory_space<vmem>>[vector<16xi32>, vector<16xi32>], vector<16xf32>,
        %broadcast_in_dim3A_917 = arith.constant 33 : i32
        %broadcast_in_dim3A_918 = vector.broadcast %broadcast_in_dim3A_917 : i32 to vector<16xi32>
        %gather3A_919 = tpu.vector_load_idx %arg12[%add3A_487, %broadcast_in_dim3A_918] : memref<256x64xf32, #tpu.memory_space<vmem>>[vector<16xi32>, vector<16xi32>], vector<16xf32>,
        %broadcast_in_dim3A_920 = arith.constant 34 : i32
        %broadcast_in_dim3A_921 = vector.broadcast %broadcast_in_dim3A_920 : i32 to vector<16xi32>
        %gather3A_922 = tpu.vector_load_idx %arg12[%add3A_487, %broadcast_in_dim3A_921] : memref<256x64xf32, #tpu.memory_space<vmem>>[vector<16xi32>, vector<16xi32>], vector<16xf32>,
        %broadcast_in_dim3A_923 = arith.constant 35 : i32
        %broadcast_in_dim3A_924 = vector.broadcast %broadcast_in_dim3A_923 : i32 to vector<16xi32>
        %gather3A_925 = tpu.vector_load_idx %arg12[%add3A_487, %broadcast_in_dim3A_924] : memref<256x64xf32, #tpu.memory_space<vmem>>[vector<16xi32>, vector<16xi32>], vector<16xf32>,
        %broadcast_in_dim3A_926 = arith.constant 36 : i32
        %broadcast_in_dim3A_927 = vector.broadcast %broadcast_in_dim3A_926 : i32 to vector<16xi32>
        %gather3A_928 = tpu.vector_load_idx %arg12[%add3A_487, %broadcast_in_dim3A_927] : memref<256x64xf32, #tpu.memory_space<vmem>>[vector<16xi32>, vector<16xi32>], vector<16xf32>,
        %broadcast_in_dim3A_929 = arith.constant 37 : i32
        %broadcast_in_dim3A_930 = vector.broadcast %broadcast_in_dim3A_929 : i32 to vector<16xi32>
        %gather3A_931 = tpu.vector_load_idx %arg12[%add3A_487, %broadcast_in_dim3A_930] : memref<256x64xf32, #tpu.memory_space<vmem>>[vector<16xi32>, vector<16xi32>], vector<16xf32>,
        %broadcast_in_dim3A_932 = arith.constant 38 : i32
        %broadcast_in_dim3A_933 = vector.broadcast %broadcast_in_dim3A_932 : i32 to vector<16xi32>
        %gather3A_934 = tpu.vector_load_idx %arg12[%add3A_487, %broadcast_in_dim3A_933] : memref<256x64xf32, #tpu.memory_space<vmem>>[vector<16xi32>, vector<16xi32>], vector<16xf32>,
        %broadcast_in_dim3A_935 = arith.constant 39 : i32
        %broadcast_in_dim3A_936 = vector.broadcast %broadcast_in_dim3A_935 : i32 to vector<16xi32>
        %gather3A_937 = tpu.vector_load_idx %arg12[%add3A_487, %broadcast_in_dim3A_936] : memref<256x64xf32, #tpu.memory_space<vmem>>[vector<16xi32>, vector<16xi32>], vector<16xf32>,
        %mul3A_938 = arith.mulf %gather3A_916, %get3A_488 : vector<16xf32>
        %add3A_939 = arith.addf %mul3A_938, %get3A_490 : vector<16xf32>
        %mul3A_940 = arith.mulf %gather3A_919, %get3A_488 : vector<16xf32>
        %add3A_941 = arith.addf %mul3A_940, %get3A_490 : vector<16xf32>
        %mul3A_942 = arith.mulf %gather3A_922, %get3A_488 : vector<16xf32>
        %add3A_943 = arith.addf %mul3A_942, %get3A_490 : vector<16xf32>
        %mul3A_944 = arith.mulf %gather3A_925, %get3A_488 : vector<16xf32>
        %add3A_945 = arith.addf %mul3A_944, %get3A_490 : vector<16xf32>
        %mul3A_946 = arith.mulf %gather3A_928, %get3A_488 : vector<16xf32>
        %add3A_947 = arith.addf %mul3A_946, %get3A_490 : vector<16xf32>
        %mul3A_948 = arith.mulf %gather3A_931, %get3A_488 : vector<16xf32>
        %add3A_949 = arith.addf %mul3A_948, %get3A_490 : vector<16xf32>
        %mul3A_950 = arith.mulf %gather3A_934, %get3A_488 : vector<16xf32>
        %add3A_951 = arith.addf %mul3A_950, %get3A_490 : vector<16xf32>
        %mul3A_952 = arith.mulf %gather3A_937, %get3A_488 : vector<16xf32>
        %add3A_953 = arith.addf %mul3A_952, %get3A_490 : vector<16xf32>
        %swap3A_954 = arith.constant 4 : i32
        %swap3A_955 = arith.constant 0 : i32
        %swap3A_956 = arith.index_cast %swap3A_954 : i32 to index
        %swap3A_957 = arith.index_cast %select_n3A_514 : i32 to index
        %swap3A_958 = arith.index_cast %swap3A_955 : i32 to index
        %swap3A_959 = arith.index_cast %mul3A_532 : i32 to index
        %swap3A_960 = tpu.vector_load %arg18[%swap3A_956, %swap3A_957, %swap3A_958, %swap3A_959] {strides = array<i32>} : memref<8x2x8x128xf32, #tpu.memory_space<vmem>>, vector<16xf32>,
        tpu.vector_store %arg18[%swap3A_956, %swap3A_957, %swap3A_958, %swap3A_959], %add3A_939 {strides = array<i32>} : memref<8x2x8x128xf32, #tpu.memory_space<vmem>>, vector<16xf32>,
        %swap3A_961 = arith.constant 4 : i32
        %swap3A_962 = arith.constant 1 : i32
        %swap3A_963 = arith.index_cast %swap3A_961 : i32 to index
        %swap3A_964 = arith.index_cast %select_n3A_514 : i32 to index
        %swap3A_965 = arith.index_cast %swap3A_962 : i32 to index
        %swap3A_966 = arith.index_cast %mul3A_532 : i32 to index
        %swap3A_967 = tpu.vector_load %arg18[%swap3A_963, %swap3A_964, %swap3A_965, %swap3A_966] {strides = array<i32>} : memref<8x2x8x128xf32, #tpu.memory_space<vmem>>, vector<16xf32>,
        tpu.vector_store %arg18[%swap3A_963, %swap3A_964, %swap3A_965, %swap3A_966], %add3A_941 {strides = array<i32>} : memref<8x2x8x128xf32, #tpu.memory_space<vmem>>, vector<16xf32>,
        %swap3A_968 = arith.constant 4 : i32
        %swap3A_969 = arith.constant 2 : i32
        %swap3A_970 = arith.index_cast %swap3A_968 : i32 to index
        %swap3A_971 = arith.index_cast %select_n3A_514 : i32 to index
        %swap3A_972 = arith.index_cast %swap3A_969 : i32 to index
        %swap3A_973 = arith.index_cast %mul3A_532 : i32 to index
        %swap3A_974 = tpu.vector_load %arg18[%swap3A_970, %swap3A_971, %swap3A_972, %swap3A_973] {strides = array<i32>} : memref<8x2x8x128xf32, #tpu.memory_space<vmem>>, vector<16xf32>,
        tpu.vector_store %arg18[%swap3A_970, %swap3A_971, %swap3A_972, %swap3A_973], %add3A_943 {strides = array<i32>} : memref<8x2x8x128xf32, #tpu.memory_space<vmem>>, vector<16xf32>,
        %swap3A_975 = arith.constant 4 : i32
        %swap3A_976 = arith.constant 3 : i32
        %swap3A_977 = arith.index_cast %swap3A_975 : i32 to index
        %swap3A_978 = arith.index_cast %select_n3A_514 : i32 to index
        %swap3A_979 = arith.index_cast %swap3A_976 : i32 to index
        %swap3A_980 = arith.index_cast %mul3A_532 : i32 to index
        %swap3A_981 = tpu.vector_load %arg18[%swap3A_977, %swap3A_978, %swap3A_979, %swap3A_980] {strides = array<i32>} : memref<8x2x8x128xf32, #tpu.memory_space<vmem>>, vector<16xf32>,
        tpu.vector_store %arg18[%swap3A_977, %swap3A_978, %swap3A_979, %swap3A_980], %add3A_945 {strides = array<i32>} : memref<8x2x8x128xf32, #tpu.memory_space<vmem>>, vector<16xf32>,
        %swap3A_982 = arith.constant 4 : i32
        %swap3A_983 = arith.constant 4 : i32
        %swap3A_984 = arith.index_cast %swap3A_982 : i32 to index
        %swap3A_985 = arith.index_cast %select_n3A_514 : i32 to index
        %swap3A_986 = arith.index_cast %swap3A_983 : i32 to index
        %swap3A_987 = arith.index_cast %mul3A_532 : i32 to index
        %swap3A_988 = tpu.vector_load %arg18[%swap3A_984, %swap3A_985, %swap3A_986, %swap3A_987] {strides = array<i32>} : memref<8x2x8x128xf32, #tpu.memory_space<vmem>>, vector<16xf32>,
        tpu.vector_store %arg18[%swap3A_984, %swap3A_985, %swap3A_986, %swap3A_987], %add3A_947 {strides = array<i32>} : memref<8x2x8x128xf32, #tpu.memory_space<vmem>>, vector<16xf32>,
        %swap3A_989 = arith.constant 4 : i32
        %swap3A_990 = arith.constant 5 : i32
        %swap3A_991 = arith.index_cast %swap3A_989 : i32 to index
        %swap3A_992 = arith.index_cast %select_n3A_514 : i32 to index
        %swap3A_993 = arith.index_cast %swap3A_990 : i32 to index
        %swap3A_994 = arith.index_cast %mul3A_532 : i32 to index
        %swap3A_995 = tpu.vector_load %arg18[%swap3A_991, %swap3A_992, %swap3A_993, %swap3A_994] {strides = array<i32>} : memref<8x2x8x128xf32, #tpu.memory_space<vmem>>, vector<16xf32>,
        tpu.vector_store %arg18[%swap3A_991, %swap3A_992, %swap3A_993, %swap3A_994], %add3A_949 {strides = array<i32>} : memref<8x2x8x128xf32, #tpu.memory_space<vmem>>, vector<16xf32>,
        %swap3A_996 = arith.constant 4 : i32
        %swap3A_997 = arith.constant 6 : i32
        %swap3A_998 = arith.index_cast %swap3A_996 : i32 to index
        %swap3A_999 = arith.index_cast %select_n3A_514 : i32 to index
        %swap3A_1000 = arith.index_cast %swap3A_997 : i32 to index
        %swap3A_1001 = arith.index_cast %mul3A_532 : i32 to index
        %swap3A_1002 = tpu.vector_load %arg18[%swap3A_998, %swap3A_999, %swap3A_1000, %swap3A_1001] {strides = array<i32>} : memref<8x2x8x128xf32, #tpu.memory_space<vmem>>, vector<16xf32>,
        tpu.vector_store %arg18[%swap3A_998, %swap3A_999, %swap3A_1000, %swap3A_1001], %add3A_951 {strides = array<i32>} : memref<8x2x8x128xf32, #tpu.memory_space<vmem>>, vector<16xf32>,
        %swap3A_1003 = arith.constant 4 : i32
        %swap3A_1004 = arith.constant 7 : i32
        %swap3A_1005 = arith.index_cast %swap3A_1003 : i32 to index
        %swap3A_1006 = arith.index_cast %select_n3A_514 : i32 to index
        %swap3A_1007 = arith.index_cast %swap3A_1004 : i32 to index
        %swap3A_1008 = arith.index_cast %mul3A_532 : i32 to index
        %swap3A_1009 = tpu.vector_load %arg18[%swap3A_1005, %swap3A_1006, %swap3A_1007, %swap3A_1008] {strides = array<i32>} : memref<8x2x8x128xf32, #tpu.memory_space<vmem>>, vector<16xf32>,
        tpu.vector_store %arg18[%swap3A_1005, %swap3A_1006, %swap3A_1007, %swap3A_1008], %add3A_953 {strides = array<i32>} : memref<8x2x8x128xf32, #tpu.memory_space<vmem>>, vector<16xf32>,
        %broadcast_in_dim3A_1010 = arith.constant 40 : i32
        %broadcast_in_dim3A_1011 = vector.broadcast %broadcast_in_dim3A_1010 : i32 to vector<16xi32>
        %gather3A_1012 = tpu.vector_load_idx %arg12[%add3A_487, %broadcast_in_dim3A_1011] : memref<256x64xf32, #tpu.memory_space<vmem>>[vector<16xi32>, vector<16xi32>], vector<16xf32>,
        %broadcast_in_dim3A_1013 = arith.constant 41 : i32
        %broadcast_in_dim3A_1014 = vector.broadcast %broadcast_in_dim3A_1013 : i32 to vector<16xi32>
        %gather3A_1015 = tpu.vector_load_idx %arg12[%add3A_487, %broadcast_in_dim3A_1014] : memref<256x64xf32, #tpu.memory_space<vmem>>[vector<16xi32>, vector<16xi32>], vector<16xf32>,
        %broadcast_in_dim3A_1016 = arith.constant 42 : i32
        %broadcast_in_dim3A_1017 = vector.broadcast %broadcast_in_dim3A_1016 : i32 to vector<16xi32>
        %gather3A_1018 = tpu.vector_load_idx %arg12[%add3A_487, %broadcast_in_dim3A_1017] : memref<256x64xf32, #tpu.memory_space<vmem>>[vector<16xi32>, vector<16xi32>], vector<16xf32>,
        %broadcast_in_dim3A_1019 = arith.constant 43 : i32
        %broadcast_in_dim3A_1020 = vector.broadcast %broadcast_in_dim3A_1019 : i32 to vector<16xi32>
        %gather3A_1021 = tpu.vector_load_idx %arg12[%add3A_487, %broadcast_in_dim3A_1020] : memref<256x64xf32, #tpu.memory_space<vmem>>[vector<16xi32>, vector<16xi32>], vector<16xf32>,
        %broadcast_in_dim3A_1022 = arith.constant 44 : i32
        %broadcast_in_dim3A_1023 = vector.broadcast %broadcast_in_dim3A_1022 : i32 to vector<16xi32>
        %gather3A_1024 = tpu.vector_load_idx %arg12[%add3A_487, %broadcast_in_dim3A_1023] : memref<256x64xf32, #tpu.memory_space<vmem>>[vector<16xi32>, vector<16xi32>], vector<16xf32>,
        %broadcast_in_dim3A_1025 = arith.constant 45 : i32
        %broadcast_in_dim3A_1026 = vector.broadcast %broadcast_in_dim3A_1025 : i32 to vector<16xi32>
        %gather3A_1027 = tpu.vector_load_idx %arg12[%add3A_487, %broadcast_in_dim3A_1026] : memref<256x64xf32, #tpu.memory_space<vmem>>[vector<16xi32>, vector<16xi32>], vector<16xf32>,
        %broadcast_in_dim3A_1028 = arith.constant 46 : i32
        %broadcast_in_dim3A_1029 = vector.broadcast %broadcast_in_dim3A_1028 : i32 to vector<16xi32>
        %gather3A_1030 = tpu.vector_load_idx %arg12[%add3A_487, %broadcast_in_dim3A_1029] : memref<256x64xf32, #tpu.memory_space<vmem>>[vector<16xi32>, vector<16xi32>], vector<16xf32>,
        %broadcast_in_dim3A_1031 = arith.constant 47 : i32
        %broadcast_in_dim3A_1032 = vector.broadcast %broadcast_in_dim3A_1031 : i32 to vector<16xi32>
        %gather3A_1033 = tpu.vector_load_idx %arg12[%add3A_487, %broadcast_in_dim3A_1032] : memref<256x64xf32, #tpu.memory_space<vmem>>[vector<16xi32>, vector<16xi32>], vector<16xf32>,
        %mul3A_1034 = arith.mulf %gather3A_1012, %get3A_488 : vector<16xf32>
        %add3A_1035 = arith.addf %mul3A_1034, %get3A_490 : vector<16xf32>
        %mul3A_1036 = arith.mulf %gather3A_1015, %get3A_488 : vector<16xf32>
        %add3A_1037 = arith.addf %mul3A_1036, %get3A_490 : vector<16xf32>
        %mul3A_1038 = arith.mulf %gather3A_1018, %get3A_488 : vector<16xf32>
        %add3A_1039 = arith.addf %mul3A_1038, %get3A_490 : vector<16xf32>
        %mul3A_1040 = arith.mulf %gather3A_1021, %get3A_488 : vector<16xf32>
        %add3A_1041 = arith.addf %mul3A_1040, %get3A_490 : vector<16xf32>
        %mul3A_1042 = arith.mulf %gather3A_1024, %get3A_488 : vector<16xf32>
        %add3A_1043 = arith.addf %mul3A_1042, %get3A_490 : vector<16xf32>
        %mul3A_1044 = arith.mulf %gather3A_1027, %get3A_488 : vector<16xf32>
        %add3A_1045 = arith.addf %mul3A_1044, %get3A_490 : vector<16xf32>
        %mul3A_1046 = arith.mulf %gather3A_1030, %get3A_488 : vector<16xf32>
        %add3A_1047 = arith.addf %mul3A_1046, %get3A_490 : vector<16xf32>
        %mul3A_1048 = arith.mulf %gather3A_1033, %get3A_488 : vector<16xf32>
        %add3A_1049 = arith.addf %mul3A_1048, %get3A_490 : vector<16xf32>
        %swap3A_1050 = arith.constant 5 : i32
        %swap3A_1051 = arith.constant 0 : i32
        %swap3A_1052 = arith.index_cast %swap3A_1050 : i32 to index
        %swap3A_1053 = arith.index_cast %select_n3A_514 : i32 to index
        %swap3A_1054 = arith.index_cast %swap3A_1051 : i32 to index
        %swap3A_1055 = arith.index_cast %mul3A_532 : i32 to index
        %swap3A_1056 = tpu.vector_load %arg18[%swap3A_1052, %swap3A_1053, %swap3A_1054, %swap3A_1055] {strides = array<i32>} : memref<8x2x8x128xf32, #tpu.memory_space<vmem>>, vector<16xf32>,
        tpu.vector_store %arg18[%swap3A_1052, %swap3A_1053, %swap3A_1054, %swap3A_1055], %add3A_1035 {strides = array<i32>} : memref<8x2x8x128xf32, #tpu.memory_space<vmem>>, vector<16xf32>,
        %swap3A_1057 = arith.constant 5 : i32
        %swap3A_1058 = arith.constant 1 : i32
        %swap3A_1059 = arith.index_cast %swap3A_1057 : i32 to index
        %swap3A_1060 = arith.index_cast %select_n3A_514 : i32 to index
        %swap3A_1061 = arith.index_cast %swap3A_1058 : i32 to index
        %swap3A_1062 = arith.index_cast %mul3A_532 : i32 to index
        %swap3A_1063 = tpu.vector_load %arg18[%swap3A_1059, %swap3A_1060, %swap3A_1061, %swap3A_1062] {strides = array<i32>} : memref<8x2x8x128xf32, #tpu.memory_space<vmem>>, vector<16xf32>,
        tpu.vector_store %arg18[%swap3A_1059, %swap3A_1060, %swap3A_1061, %swap3A_1062], %add3A_1037 {strides = array<i32>} : memref<8x2x8x128xf32, #tpu.memory_space<vmem>>, vector<16xf32>,
        %swap3A_1064 = arith.constant 5 : i32
        %swap3A_1065 = arith.constant 2 : i32
        %swap3A_1066 = arith.index_cast %swap3A_1064 : i32 to index
        %swap3A_1067 = arith.index_cast %select_n3A_514 : i32 to index
        %swap3A_1068 = arith.index_cast %swap3A_1065 : i32 to index
        %swap3A_1069 = arith.index_cast %mul3A_532 : i32 to index
        %swap3A_1070 = tpu.vector_load %arg18[%swap3A_1066, %swap3A_1067, %swap3A_1068, %swap3A_1069] {strides = array<i32>} : memref<8x2x8x128xf32, #tpu.memory_space<vmem>>, vector<16xf32>,
        tpu.vector_store %arg18[%swap3A_1066, %swap3A_1067, %swap3A_1068, %swap3A_1069], %add3A_1039 {strides = array<i32>} : memref<8x2x8x128xf32, #tpu.memory_space<vmem>>, vector<16xf32>,
        %swap3A_1071 = arith.constant 5 : i32
        %swap3A_1072 = arith.constant 3 : i32
        %swap3A_1073 = arith.index_cast %swap3A_1071 : i32 to index
        %swap3A_1074 = arith.index_cast %select_n3A_514 : i32 to index
        %swap3A_1075 = arith.index_cast %swap3A_1072 : i32 to index
        %swap3A_1076 = arith.index_cast %mul3A_532 : i32 to index
        %swap3A_1077 = tpu.vector_load %arg18[%swap3A_1073, %swap3A_1074, %swap3A_1075, %swap3A_1076] {strides = array<i32>} : memref<8x2x8x128xf32, #tpu.memory_space<vmem>>, vector<16xf32>,
        tpu.vector_store %arg18[%swap3A_1073, %swap3A_1074, %swap3A_1075, %swap3A_1076], %add3A_1041 {strides = array<i32>} : memref<8x2x8x128xf32, #tpu.memory_space<vmem>>, vector<16xf32>,
        %swap3A_1078 = arith.constant 5 : i32
        %swap3A_1079 = arith.constant 4 : i32
        %swap3A_1080 = arith.index_cast %swap3A_1078 : i32 to index
        %swap3A_1081 = arith.index_cast %select_n3A_514 : i32 to index
        %swap3A_1082 = arith.index_cast %swap3A_1079 : i32 to index
        %swap3A_1083 = arith.index_cast %mul3A_532 : i32 to index
        %swap3A_1084 = tpu.vector_load %arg18[%swap3A_1080, %swap3A_1081, %swap3A_1082, %swap3A_1083] {strides = array<i32>} : memref<8x2x8x128xf32, #tpu.memory_space<vmem>>, vector<16xf32>,
        tpu.vector_store %arg18[%swap3A_1080, %swap3A_1081, %swap3A_1082, %swap3A_1083], %add3A_1043 {strides = array<i32>} : memref<8x2x8x128xf32, #tpu.memory_space<vmem>>, vector<16xf32>,
        %swap3A_1085 = arith.constant 5 : i32
        %swap3A_1086 = arith.constant 5 : i32
        %swap3A_1087 = arith.index_cast %swap3A_1085 : i32 to index
        %swap3A_1088 = arith.index_cast %select_n3A_514 : i32 to index
        %swap3A_1089 = arith.index_cast %swap3A_1086 : i32 to index
        %swap3A_1090 = arith.index_cast %mul3A_532 : i32 to index
        %swap3A_1091 = tpu.vector_load %arg18[%swap3A_1087, %swap3A_1088, %swap3A_1089, %swap3A_1090] {strides = array<i32>} : memref<8x2x8x128xf32, #tpu.memory_space<vmem>>, vector<16xf32>,
        tpu.vector_store %arg18[%swap3A_1087, %swap3A_1088, %swap3A_1089, %swap3A_1090], %add3A_1045 {strides = array<i32>} : memref<8x2x8x128xf32, #tpu.memory_space<vmem>>, vector<16xf32>,
        %swap3A_1092 = arith.constant 5 : i32
        %swap3A_1093 = arith.constant 6 : i32
        %swap3A_1094 = arith.index_cast %swap3A_1092 : i32 to index
        %swap3A_1095 = arith.index_cast %select_n3A_514 : i32 to index
        %swap3A_1096 = arith.index_cast %swap3A_1093 : i32 to index
        %swap3A_1097 = arith.index_cast %mul3A_532 : i32 to index
        %swap3A_1098 = tpu.vector_load %arg18[%swap3A_1094, %swap3A_1095, %swap3A_1096, %swap3A_1097] {strides = array<i32>} : memref<8x2x8x128xf32, #tpu.memory_space<vmem>>, vector<16xf32>,
        tpu.vector_store %arg18[%swap3A_1094, %swap3A_1095, %swap3A_1096, %swap3A_1097], %add3A_1047 {strides = array<i32>} : memref<8x2x8x128xf32, #tpu.memory_space<vmem>>, vector<16xf32>,
        %swap3A_1099 = arith.constant 5 : i32
        %swap3A_1100 = arith.constant 7 : i32
        %swap3A_1101 = arith.index_cast %swap3A_1099 : i32 to index
        %swap3A_1102 = arith.index_cast %select_n3A_514 : i32 to index
        %swap3A_1103 = arith.index_cast %swap3A_1100 : i32 to index
        %swap3A_1104 = arith.index_cast %mul3A_532 : i32 to index
        %swap3A_1105 = tpu.vector_load %arg18[%swap3A_1101, %swap3A_1102, %swap3A_1103, %swap3A_1104] {strides = array<i32>} : memref<8x2x8x128xf32, #tpu.memory_space<vmem>>, vector<16xf32>,
        tpu.vector_store %arg18[%swap3A_1101, %swap3A_1102, %swap3A_1103, %swap3A_1104], %add3A_1049 {strides = array<i32>} : memref<8x2x8x128xf32, #tpu.memory_space<vmem>>, vector<16xf32>,
        %broadcast_in_dim3A_1106 = arith.constant 48 : i32
        %broadcast_in_dim3A_1107 = vector.broadcast %broadcast_in_dim3A_1106 : i32 to vector<16xi32>
        %gather3A_1108 = tpu.vector_load_idx %arg12[%add3A_487, %broadcast_in_dim3A_1107] : memref<256x64xf32, #tpu.memory_space<vmem>>[vector<16xi32>, vector<16xi32>], vector<16xf32>,
        %broadcast_in_dim3A_1109 = arith.constant 49 : i32
        %broadcast_in_dim3A_1110 = vector.broadcast %broadcast_in_dim3A_1109 : i32 to vector<16xi32>
        %gather3A_1111 = tpu.vector_load_idx %arg12[%add3A_487, %broadcast_in_dim3A_1110] : memref<256x64xf32, #tpu.memory_space<vmem>>[vector<16xi32>, vector<16xi32>], vector<16xf32>,
        %broadcast_in_dim3A_1112 = arith.constant 50 : i32
        %broadcast_in_dim3A_1113 = vector.broadcast %broadcast_in_dim3A_1112 : i32 to vector<16xi32>
        %gather3A_1114 = tpu.vector_load_idx %arg12[%add3A_487, %broadcast_in_dim3A_1113] : memref<256x64xf32, #tpu.memory_space<vmem>>[vector<16xi32>, vector<16xi32>], vector<16xf32>,
        %broadcast_in_dim3A_1115 = arith.constant 51 : i32
        %broadcast_in_dim3A_1116 = vector.broadcast %broadcast_in_dim3A_1115 : i32 to vector<16xi32>
        %gather3A_1117 = tpu.vector_load_idx %arg12[%add3A_487, %broadcast_in_dim3A_1116] : memref<256x64xf32, #tpu.memory_space<vmem>>[vector<16xi32>, vector<16xi32>], vector<16xf32>,
        %broadcast_in_dim3A_1118 = arith.constant 52 : i32
        %broadcast_in_dim3A_1119 = vector.broadcast %broadcast_in_dim3A_1118 : i32 to vector<16xi32>
        %gather3A_1120 = tpu.vector_load_idx %arg12[%add3A_487, %broadcast_in_dim3A_1119] : memref<256x64xf32, #tpu.memory_space<vmem>>[vector<16xi32>, vector<16xi32>], vector<16xf32>,
        %broadcast_in_dim3A_1121 = arith.constant 53 : i32
        %broadcast_in_dim3A_1122 = vector.broadcast %broadcast_in_dim3A_1121 : i32 to vector<16xi32>
        %gather3A_1123 = tpu.vector_load_idx %arg12[%add3A_487, %broadcast_in_dim3A_1122] : memref<256x64xf32, #tpu.memory_space<vmem>>[vector<16xi32>, vector<16xi32>], vector<16xf32>,
        %broadcast_in_dim3A_1124 = arith.constant 54 : i32
        %broadcast_in_dim3A_1125 = vector.broadcast %broadcast_in_dim3A_1124 : i32 to vector<16xi32>
        %gather3A_1126 = tpu.vector_load_idx %arg12[%add3A_487, %broadcast_in_dim3A_1125] : memref<256x64xf32, #tpu.memory_space<vmem>>[vector<16xi32>, vector<16xi32>], vector<16xf32>,
        %broadcast_in_dim3A_1127 = arith.constant 55 : i32
        %broadcast_in_dim3A_1128 = vector.broadcast %broadcast_in_dim3A_1127 : i32 to vector<16xi32>
        %gather3A_1129 = tpu.vector_load_idx %arg12[%add3A_487, %broadcast_in_dim3A_1128] : memref<256x64xf32, #tpu.memory_space<vmem>>[vector<16xi32>, vector<16xi32>], vector<16xf32>,
        %mul3A_1130 = arith.mulf %gather3A_1108, %get3A_488 : vector<16xf32>
        %add3A_1131 = arith.addf %mul3A_1130, %get3A_490 : vector<16xf32>
        %mul3A_1132 = arith.mulf %gather3A_1111, %get3A_488 : vector<16xf32>
        %add3A_1133 = arith.addf %mul3A_1132, %get3A_490 : vector<16xf32>
        %mul3A_1134 = arith.mulf %gather3A_1114, %get3A_488 : vector<16xf32>
        %add3A_1135 = arith.addf %mul3A_1134, %get3A_490 : vector<16xf32>
        %mul3A_1136 = arith.mulf %gather3A_1117, %get3A_488 : vector<16xf32>
        %add3A_1137 = arith.addf %mul3A_1136, %get3A_490 : vector<16xf32>
        %mul3A_1138 = arith.mulf %gather3A_1120, %get3A_488 : vector<16xf32>
        %add3A_1139 = arith.addf %mul3A_1138, %get3A_490 : vector<16xf32>
        %mul3A_1140 = arith.mulf %gather3A_1123, %get3A_488 : vector<16xf32>
        %add3A_1141 = arith.addf %mul3A_1140, %get3A_490 : vector<16xf32>
        %mul3A_1142 = arith.mulf %gather3A_1126, %get3A_488 : vector<16xf32>
        %add3A_1143 = arith.addf %mul3A_1142, %get3A_490 : vector<16xf32>
        %mul3A_1144 = arith.mulf %gather3A_1129, %get3A_488 : vector<16xf32>
        %add3A_1145 = arith.addf %mul3A_1144, %get3A_490 : vector<16xf32>
        %swap3A_1146 = arith.constant 6 : i32
        %swap3A_1147 = arith.constant 0 : i32
        %swap3A_1148 = arith.index_cast %swap3A_1146 : i32 to index
        %swap3A_1149 = arith.index_cast %select_n3A_514 : i32 to index
        %swap3A_1150 = arith.index_cast %swap3A_1147 : i32 to index
        %swap3A_1151 = arith.index_cast %mul3A_532 : i32 to index
        %swap3A_1152 = tpu.vector_load %arg18[%swap3A_1148, %swap3A_1149, %swap3A_1150, %swap3A_1151] {strides = array<i32>} : memref<8x2x8x128xf32, #tpu.memory_space<vmem>>, vector<16xf32>,
        tpu.vector_store %arg18[%swap3A_1148, %swap3A_1149, %swap3A_1150, %swap3A_1151], %add3A_1131 {strides = array<i32>} : memref<8x2x8x128xf32, #tpu.memory_space<vmem>>, vector<16xf32>,
        %swap3A_1153 = arith.constant 6 : i32
        %swap3A_1154 = arith.constant 1 : i32
        %swap3A_1155 = arith.index_cast %swap3A_1153 : i32 to index
        %swap3A_1156 = arith.index_cast %select_n3A_514 : i32 to index
        %swap3A_1157 = arith.index_cast %swap3A_1154 : i32 to index
        %swap3A_1158 = arith.index_cast %mul3A_532 : i32 to index
        %swap3A_1159 = tpu.vector_load %arg18[%swap3A_1155, %swap3A_1156, %swap3A_1157, %swap3A_1158] {strides = array<i32>} : memref<8x2x8x128xf32, #tpu.memory_space<vmem>>, vector<16xf32>,
        tpu.vector_store %arg18[%swap3A_1155, %swap3A_1156, %swap3A_1157, %swap3A_1158], %add3A_1133 {strides = array<i32>} : memref<8x2x8x128xf32, #tpu.memory_space<vmem>>, vector<16xf32>,
        %swap3A_1160 = arith.constant 6 : i32
        %swap3A_1161 = arith.constant 2 : i32
        %swap3A_1162 = arith.index_cast %swap3A_1160 : i32 to index
        %swap3A_1163 = arith.index_cast %select_n3A_514 : i32 to index
        %swap3A_1164 = arith.index_cast %swap3A_1161 : i32 to index
        %swap3A_1165 = arith.index_cast %mul3A_532 : i32 to index
        %swap3A_1166 = tpu.vector_load %arg18[%swap3A_1162, %swap3A_1163, %swap3A_1164, %swap3A_1165] {strides = array<i32>} : memref<8x2x8x128xf32, #tpu.memory_space<vmem>>, vector<16xf32>,
        tpu.vector_store %arg18[%swap3A_1162, %swap3A_1163, %swap3A_1164, %swap3A_1165], %add3A_1135 {strides = array<i32>} : memref<8x2x8x128xf32, #tpu.memory_space<vmem>>, vector<16xf32>,
        %swap3A_1167 = arith.constant 6 : i32
        %swap3A_1168 = arith.constant 3 : i32
        %swap3A_1169 = arith.index_cast %swap3A_1167 : i32 to index
        %swap3A_1170 = arith.index_cast %select_n3A_514 : i32 to index
        %swap3A_1171 = arith.index_cast %swap3A_1168 : i32 to index
        %swap3A_1172 = arith.index_cast %mul3A_532 : i32 to index
        %swap3A_1173 = tpu.vector_load %arg18[%swap3A_1169, %swap3A_1170, %swap3A_1171, %swap3A_1172] {strides = array<i32>} : memref<8x2x8x128xf32, #tpu.memory_space<vmem>>, vector<16xf32>,
        tpu.vector_store %arg18[%swap3A_1169, %swap3A_1170, %swap3A_1171, %swap3A_1172], %add3A_1137 {strides = array<i32>} : memref<8x2x8x128xf32, #tpu.memory_space<vmem>>, vector<16xf32>,
        %swap3A_1174 = arith.constant 6 : i32
        %swap3A_1175 = arith.constant 4 : i32
        %swap3A_1176 = arith.index_cast %swap3A_1174 : i32 to index
        %swap3A_1177 = arith.index_cast %select_n3A_514 : i32 to index
        %swap3A_1178 = arith.index_cast %swap3A_1175 : i32 to index
        %swap3A_1179 = arith.index_cast %mul3A_532 : i32 to index
        %swap3A_1180 = tpu.vector_load %arg18[%swap3A_1176, %swap3A_1177, %swap3A_1178, %swap3A_1179] {strides = array<i32>} : memref<8x2x8x128xf32, #tpu.memory_space<vmem>>, vector<16xf32>,
        tpu.vector_store %arg18[%swap3A_1176, %swap3A_1177, %swap3A_1178, %swap3A_1179], %add3A_1139 {strides = array<i32>} : memref<8x2x8x128xf32, #tpu.memory_space<vmem>>, vector<16xf32>,
        %swap3A_1181 = arith.constant 6 : i32
        %swap3A_1182 = arith.constant 5 : i32
        %swap3A_1183 = arith.index_cast %swap3A_1181 : i32 to index
        %swap3A_1184 = arith.index_cast %select_n3A_514 : i32 to index
        %swap3A_1185 = arith.index_cast %swap3A_1182 : i32 to index
        %swap3A_1186 = arith.index_cast %mul3A_532 : i32 to index
        %swap3A_1187 = tpu.vector_load %arg18[%swap3A_1183, %swap3A_1184, %swap3A_1185, %swap3A_1186] {strides = array<i32>} : memref<8x2x8x128xf32, #tpu.memory_space<vmem>>, vector<16xf32>,
        tpu.vector_store %arg18[%swap3A_1183, %swap3A_1184, %swap3A_1185, %swap3A_1186], %add3A_1141 {strides = array<i32>} : memref<8x2x8x128xf32, #tpu.memory_space<vmem>>, vector<16xf32>,
        %swap3A_1188 = arith.constant 6 : i32
        %swap3A_1189 = arith.constant 6 : i32
        %swap3A_1190 = arith.index_cast %swap3A_1188 : i32 to index
        %swap3A_1191 = arith.index_cast %select_n3A_514 : i32 to index
        %swap3A_1192 = arith.index_cast %swap3A_1189 : i32 to index
        %swap3A_1193 = arith.index_cast %mul3A_532 : i32 to index
        %swap3A_1194 = tpu.vector_load %arg18[%swap3A_1190, %swap3A_1191, %swap3A_1192, %swap3A_1193] {strides = array<i32>} : memref<8x2x8x128xf32, #tpu.memory_space<vmem>>, vector<16xf32>,
        tpu.vector_store %arg18[%swap3A_1190, %swap3A_1191, %swap3A_1192, %swap3A_1193], %add3A_1143 {strides = array<i32>} : memref<8x2x8x128xf32, #tpu.memory_space<vmem>>, vector<16xf32>,
        %swap3A_1195 = arith.constant 6 : i32
        %swap3A_1196 = arith.constant 7 : i32
        %swap3A_1197 = arith.index_cast %swap3A_1195 : i32 to index
        %swap3A_1198 = arith.index_cast %select_n3A_514 : i32 to index
        %swap3A_1199 = arith.index_cast %swap3A_1196 : i32 to index
        %swap3A_1200 = arith.index_cast %mul3A_532 : i32 to index
        %swap3A_1201 = tpu.vector_load %arg18[%swap3A_1197, %swap3A_1198, %swap3A_1199, %swap3A_1200] {strides = array<i32>} : memref<8x2x8x128xf32, #tpu.memory_space<vmem>>, vector<16xf32>,
        tpu.vector_store %arg18[%swap3A_1197, %swap3A_1198, %swap3A_1199, %swap3A_1200], %add3A_1145 {strides = array<i32>} : memref<8x2x8x128xf32, #tpu.memory_space<vmem>>, vector<16xf32>,
        %broadcast_in_dim3A_1202 = arith.constant 56 : i32
        %broadcast_in_dim3A_1203 = vector.broadcast %broadcast_in_dim3A_1202 : i32 to vector<16xi32>
        %gather3A_1204 = tpu.vector_load_idx %arg12[%add3A_487, %broadcast_in_dim3A_1203] : memref<256x64xf32, #tpu.memory_space<vmem>>[vector<16xi32>, vector<16xi32>], vector<16xf32>,
        %broadcast_in_dim3A_1205 = arith.constant 57 : i32
        %broadcast_in_dim3A_1206 = vector.broadcast %broadcast_in_dim3A_1205 : i32 to vector<16xi32>
        %gather3A_1207 = tpu.vector_load_idx %arg12[%add3A_487, %broadcast_in_dim3A_1206] : memref<256x64xf32, #tpu.memory_space<vmem>>[vector<16xi32>, vector<16xi32>], vector<16xf32>,
        %broadcast_in_dim3A_1208 = arith.constant 58 : i32
        %broadcast_in_dim3A_1209 = vector.broadcast %broadcast_in_dim3A_1208 : i32 to vector<16xi32>
        %gather3A_1210 = tpu.vector_load_idx %arg12[%add3A_487, %broadcast_in_dim3A_1209] : memref<256x64xf32, #tpu.memory_space<vmem>>[vector<16xi32>, vector<16xi32>], vector<16xf32>,
        %broadcast_in_dim3A_1211 = arith.constant 59 : i32
        %broadcast_in_dim3A_1212 = vector.broadcast %broadcast_in_dim3A_1211 : i32 to vector<16xi32>
        %gather3A_1213 = tpu.vector_load_idx %arg12[%add3A_487, %broadcast_in_dim3A_1212] : memref<256x64xf32, #tpu.memory_space<vmem>>[vector<16xi32>, vector<16xi32>], vector<16xf32>,
        %broadcast_in_dim3A_1214 = arith.constant 60 : i32
        %broadcast_in_dim3A_1215 = vector.broadcast %broadcast_in_dim3A_1214 : i32 to vector<16xi32>
        %gather3A_1216 = tpu.vector_load_idx %arg12[%add3A_487, %broadcast_in_dim3A_1215] : memref<256x64xf32, #tpu.memory_space<vmem>>[vector<16xi32>, vector<16xi32>], vector<16xf32>,
        %broadcast_in_dim3A_1217 = arith.constant 61 : i32
        %broadcast_in_dim3A_1218 = vector.broadcast %broadcast_in_dim3A_1217 : i32 to vector<16xi32>
        %gather3A_1219 = tpu.vector_load_idx %arg12[%add3A_487, %broadcast_in_dim3A_1218] : memref<256x64xf32, #tpu.memory_space<vmem>>[vector<16xi32>, vector<16xi32>], vector<16xf32>,
        %broadcast_in_dim3A_1220 = arith.constant 62 : i32
        %broadcast_in_dim3A_1221 = vector.broadcast %broadcast_in_dim3A_1220 : i32 to vector<16xi32>
        %gather3A_1222 = tpu.vector_load_idx %arg12[%add3A_487, %broadcast_in_dim3A_1221] : memref<256x64xf32, #tpu.memory_space<vmem>>[vector<16xi32>, vector<16xi32>], vector<16xf32>,
        %broadcast_in_dim3A_1223 = arith.constant 63 : i32
        %broadcast_in_dim3A_1224 = vector.broadcast %broadcast_in_dim3A_1223 : i32 to vector<16xi32>
        %gather3A_1225 = tpu.vector_load_idx %arg12[%add3A_487, %broadcast_in_dim3A_1224] : memref<256x64xf32, #tpu.memory_space<vmem>>[vector<16xi32>, vector<16xi32>], vector<16xf32>,
        %mul3A_1226 = arith.mulf %gather3A_1204, %get3A_488 : vector<16xf32>
        %add3A_1227 = arith.addf %mul3A_1226, %get3A_490 : vector<16xf32>
        %mul3A_1228 = arith.mulf %gather3A_1207, %get3A_488 : vector<16xf32>
        %add3A_1229 = arith.addf %mul3A_1228, %get3A_490 : vector<16xf32>
        %mul3A_1230 = arith.mulf %gather3A_1210, %get3A_488 : vector<16xf32>
        %add3A_1231 = arith.addf %mul3A_1230, %get3A_490 : vector<16xf32>
        %mul3A_1232 = arith.mulf %gather3A_1213, %get3A_488 : vector<16xf32>
        %add3A_1233 = arith.addf %mul3A_1232, %get3A_490 : vector<16xf32>
        %mul3A_1234 = arith.mulf %gather3A_1216, %get3A_488 : vector<16xf32>
        %add3A_1235 = arith.addf %mul3A_1234, %get3A_490 : vector<16xf32>
        %mul3A_1236 = arith.mulf %gather3A_1219, %get3A_488 : vector<16xf32>
        %add3A_1237 = arith.addf %mul3A_1236, %get3A_490 : vector<16xf32>
        %mul3A_1238 = arith.mulf %gather3A_1222, %get3A_488 : vector<16xf32>
        %add3A_1239 = arith.addf %mul3A_1238, %get3A_490 : vector<16xf32>
        %mul3A_1240 = arith.mulf %gather3A_1225, %get3A_488 : vector<16xf32>
        %add3A_1241 = arith.addf %mul3A_1240, %get3A_490 : vector<16xf32>
        %swap3A_1242 = arith.constant 7 : i32
        %swap3A_1243 = arith.constant 0 : i32
        %swap3A_1244 = arith.index_cast %swap3A_1242 : i32 to index
        %swap3A_1245 = arith.index_cast %select_n3A_514 : i32 to index
        %swap3A_1246 = arith.index_cast %swap3A_1243 : i32 to index
        %swap3A_1247 = arith.index_cast %mul3A_532 : i32 to index
        %swap3A_1248 = tpu.vector_load %arg18[%swap3A_1244, %swap3A_1245, %swap3A_1246, %swap3A_1247] {strides = array<i32>} : memref<8x2x8x128xf32, #tpu.memory_space<vmem>>, vector<16xf32>,
        tpu.vector_store %arg18[%swap3A_1244, %swap3A_1245, %swap3A_1246, %swap3A_1247], %add3A_1227 {strides = array<i32>} : memref<8x2x8x128xf32, #tpu.memory_space<vmem>>, vector<16xf32>,
        %swap3A_1249 = arith.constant 7 : i32
        %swap3A_1250 = arith.constant 1 : i32
        %swap3A_1251 = arith.index_cast %swap3A_1249 : i32 to index
        %swap3A_1252 = arith.index_cast %select_n3A_514 : i32 to index
        %swap3A_1253 = arith.index_cast %swap3A_1250 : i32 to index
        %swap3A_1254 = arith.index_cast %mul3A_532 : i32 to index
        %swap3A_1255 = tpu.vector_load %arg18[%swap3A_1251, %swap3A_1252, %swap3A_1253, %swap3A_1254] {strides = array<i32>} : memref<8x2x8x128xf32, #tpu.memory_space<vmem>>, vector<16xf32>,
        tpu.vector_store %arg18[%swap3A_1251, %swap3A_1252, %swap3A_1253, %swap3A_1254], %add3A_1229 {strides = array<i32>} : memref<8x2x8x128xf32, #tpu.memory_space<vmem>>, vector<16xf32>,
        %swap3A_1256 = arith.constant 7 : i32
        %swap3A_1257 = arith.constant 2 : i32
        %swap3A_1258 = arith.index_cast %swap3A_1256 : i32 to index
        %swap3A_1259 = arith.index_cast %select_n3A_514 : i32 to index
        %swap3A_1260 = arith.index_cast %swap3A_1257 : i32 to index
        %swap3A_1261 = arith.index_cast %mul3A_532 : i32 to index
        %swap3A_1262 = tpu.vector_load %arg18[%swap3A_1258, %swap3A_1259, %swap3A_1260, %swap3A_1261] {strides = array<i32>} : memref<8x2x8x128xf32, #tpu.memory_space<vmem>>, vector<16xf32>,
        tpu.vector_store %arg18[%swap3A_1258, %swap3A_1259, %swap3A_1260, %swap3A_1261], %add3A_1231 {strides = array<i32>} : memref<8x2x8x128xf32, #tpu.memory_space<vmem>>, vector<16xf32>,
        %swap3A_1263 = arith.constant 7 : i32
        %swap3A_1264 = arith.constant 3 : i32
        %swap3A_1265 = arith.index_cast %swap3A_1263 : i32 to index
        %swap3A_1266 = arith.index_cast %select_n3A_514 : i32 to index
        %swap3A_1267 = arith.index_cast %swap3A_1264 : i32 to index
        %swap3A_1268 = arith.index_cast %mul3A_532 : i32 to index
        %swap3A_1269 = tpu.vector_load %arg18[%swap3A_1265, %swap3A_1266, %swap3A_1267, %swap3A_1268] {strides = array<i32>} : memref<8x2x8x128xf32, #tpu.memory_space<vmem>>, vector<16xf32>,
        tpu.vector_store %arg18[%swap3A_1265, %swap3A_1266, %swap3A_1267, %swap3A_1268], %add3A_1233 {strides = array<i32>} : memref<8x2x8x128xf32, #tpu.memory_space<vmem>>, vector<16xf32>,
        %swap3A_1270 = arith.constant 7 : i32
        %swap3A_1271 = arith.constant 4 : i32
        %swap3A_1272 = arith.index_cast %swap3A_1270 : i32 to index
        %swap3A_1273 = arith.index_cast %select_n3A_514 : i32 to index
        %swap3A_1274 = arith.index_cast %swap3A_1271 : i32 to index
        %swap3A_1275 = arith.index_cast %mul3A_532 : i32 to index
        %swap3A_1276 = tpu.vector_load %arg18[%swap3A_1272, %swap3A_1273, %swap3A_1274, %swap3A_1275] {strides = array<i32>} : memref<8x2x8x128xf32, #tpu.memory_space<vmem>>, vector<16xf32>,
        tpu.vector_store %arg18[%swap3A_1272, %swap3A_1273, %swap3A_1274, %swap3A_1275], %add3A_1235 {strides = array<i32>} : memref<8x2x8x128xf32, #tpu.memory_space<vmem>>, vector<16xf32>,
        %swap3A_1277 = arith.constant 7 : i32
        %swap3A_1278 = arith.constant 5 : i32
        %swap3A_1279 = arith.index_cast %swap3A_1277 : i32 to index
        %swap3A_1280 = arith.index_cast %select_n3A_514 : i32 to index
        %swap3A_1281 = arith.index_cast %swap3A_1278 : i32 to index
        %swap3A_1282 = arith.index_cast %mul3A_532 : i32 to index
        %swap3A_1283 = tpu.vector_load %arg18[%swap3A_1279, %swap3A_1280, %swap3A_1281, %swap3A_1282] {strides = array<i32>} : memref<8x2x8x128xf32, #tpu.memory_space<vmem>>, vector<16xf32>,
        tpu.vector_store %arg18[%swap3A_1279, %swap3A_1280, %swap3A_1281, %swap3A_1282], %add3A_1237 {strides = array<i32>} : memref<8x2x8x128xf32, #tpu.memory_space<vmem>>, vector<16xf32>,
        %swap3A_1284 = arith.constant 7 : i32
        %swap3A_1285 = arith.constant 6 : i32
        %swap3A_1286 = arith.index_cast %swap3A_1284 : i32 to index
        %swap3A_1287 = arith.index_cast %select_n3A_514 : i32 to index
        %swap3A_1288 = arith.index_cast %swap3A_1285 : i32 to index
        %swap3A_1289 = arith.index_cast %mul3A_532 : i32 to index
        %swap3A_1290 = tpu.vector_load %arg18[%swap3A_1286, %swap3A_1287, %swap3A_1288, %swap3A_1289] {strides = array<i32>} : memref<8x2x8x128xf32, #tpu.memory_space<vmem>>, vector<16xf32>,
        tpu.vector_store %arg18[%swap3A_1286, %swap3A_1287, %swap3A_1288, %swap3A_1289], %add3A_1239 {strides = array<i32>} : memref<8x2x8x128xf32, #tpu.memory_space<vmem>>, vector<16xf32>,
        %swap3A_1291 = arith.constant 7 : i32
        %swap3A_1292 = arith.constant 7 : i32
        %swap3A_1293 = arith.index_cast %swap3A_1291 : i32 to index
        %swap3A_1294 = arith.index_cast %select_n3A_514 : i32 to index
        %swap3A_1295 = arith.index_cast %swap3A_1292 : i32 to index
        %swap3A_1296 = arith.index_cast %mul3A_532 : i32 to index
        %swap3A_1297 = tpu.vector_load %arg18[%swap3A_1293, %swap3A_1294, %swap3A_1295, %swap3A_1296] {strides = array<i32>} : memref<8x2x8x128xf32, #tpu.memory_space<vmem>>, vector<16xf32>,
        tpu.vector_store %arg18[%swap3A_1293, %swap3A_1294, %swap3A_1295, %swap3A_1296], %add3A_1241 {strides = array<i32>} : memref<8x2x8x128xf32, #tpu.memory_space<vmem>>, vector<16xf32>,
      }
      %scan3A_261 = arith.constant 16 : i32
      %scan3A_262 = arith.constant 0 : i32
      %scan3A_263 = arith.constant 0 : i32
      %scan3A_264 = arith.constant 64 : i32
      %scan3A_265 = arith.addi %scan3A_263, %scan3A_264 : i32
      %scan3A_266 = arith.constant 1 : i32
      scf.for %scan3A_483 = %scan3A_263 to %scan3A_265 step %scan3A_266  : i32 {
        %jit3A_484 = arith.constant 8 : i32
        %div3A_485 = arith.divsi %scan3A_483, %jit3A_484 : i32
        %sign3A_486 = arith.constant 0 : i32
        %sign3A_487 = arith.cmpi sgt, %scan3A_483, %sign3A_486 : i32
        %sign3A_488 = arith.extui %sign3A_487 : i1 to i32
        %sign3A_489 = arith.constant 0 : i32
        %sign3A_490 = arith.cmpi slt, %scan3A_483, %sign3A_489 : i32
        %sign3A_491 = arith.extui %sign3A_490 : i1 to i32
        %sign3A_492 = arith.subi %sign3A_488, %sign3A_491 : i32
        %sign3A_493 = arith.constant 0 : i32
        %sign3A_494 = arith.cmpi sgt, %jit3A_484, %sign3A_493 : i32
        %sign3A_495 = arith.extui %sign3A_494 : i1 to i32
        %sign3A_496 = arith.constant 0 : i32
        %sign3A_497 = arith.cmpi slt, %jit3A_484, %sign3A_496 : i32
        %sign3A_498 = arith.extui %sign3A_497 : i1 to i32
        %sign3A_499 = arith.subi %sign3A_495, %sign3A_498 : i32
        %ne3A_500 = arith.cmpi ne, %sign3A_492, %sign3A_499 : i32
        %rem3A_501 = arith.remsi %scan3A_483, %jit3A_484 : i32
        %ne3A_502 = arith.constant 0 : i32
        %ne3A_503 = arith.cmpi ne, %rem3A_501, %ne3A_502 : i32
        %and3A_504 = arith.andi %ne3A_500, %ne3A_503 : i1
        %sub3A_505 = arith.constant 1 : i32
        %sub3A_506 = arith.subi %div3A_485, %sub3A_505 : i32
        %select_n3A_507 = arith.select %and3A_504, %sub3A_506, %div3A_485 : i32
        %jit3A_508 = arith.constant 8 : i32
        %eq3A_509 = arith.constant 0 : i32
        %eq3A_510 = arith.cmpi eq, %jit3A_508, %eq3A_509 : i32
        %jit3A_511 = arith.constant 1 : i32
        %select_n3A_512 = arith.select %eq3A_510, %jit3A_511, %jit3A_508 : i32
        %rem3A_513 = arith.remsi %scan3A_483, %select_n3A_512 : i32
        %ne3A_514 = arith.constant 0 : i32
        %ne3A_515 = arith.cmpi ne, %rem3A_513, %ne3A_514 : i32
        %lt3A_516 = arith.constant 0 : i32
        %lt3A_517 = arith.cmpi slt, %rem3A_513, %lt3A_516 : i32
        %lt3A_518 = arith.constant 0 : i32
        %lt3A_519 = arith.cmpi slt, %select_n3A_512, %lt3A_518 : i32
        %ne3A_520 = arith.xori %lt3A_517, %lt3A_519 : i1
        %and3A_521 = arith.andi %ne3A_520, %ne3A_515 : i1
        %add3A_522 = arith.addi %rem3A_513, %select_n3A_512 : i32
        %select_n3A_523 = arith.select %and3A_521, %add3A_522, %rem3A_513 : i32
        %get3A = arith.index_cast %scan3A_483 : i32 to index
        %get3A_524 = arith.constant 0 : index
        %get3A_525 = tpu.vector_load %arg17[%get3A, %get3A_524] {strides = array<i32>} : memref<128x16xf32, #tpu.memory_space<vmem>>, vector<16xf32>,
        %add3A_526 = arith.constant 64 : i32
        %add3A_527 = arith.addi %add3A_526, %scan3A_483 : i32
        %get3A_528 = arith.index_cast %add3A_527 : i32 to index
        %get3A_529 = arith.constant 0 : index
        %get3A_530 = tpu.vector_load %arg17[%get3A_528, %get3A_529] {strides = array<i32>} : memref<128x16xf32, #tpu.memory_space<vmem>>, vector<16xf32>,
        %get3A_531 = arith.constant 0 : i32
        %get3A_532 = arith.index_cast %select_n3A_507 : i32 to index
        %get3A_533 = arith.index_cast %get3A_531 : i32 to index
        %get3A_534 = arith.index_cast %select_n3A_523 : i32 to index
        %get3A_535 = arith.constant 0 : index
        %get3A_536 = tpu.vector_load %arg18[%get3A_532, %get3A_533, %get3A_534, %get3A_535] {strides = array<i32>} : memref<8x2x8x128xf32, #tpu.memory_space<vmem>>, vector<16xf32>,
        %get3A_537 = arith.constant 0 : i32
        %get3A_538 = arith.index_cast %select_n3A_507 : i32 to index
        %get3A_539 = arith.index_cast %get3A_537 : i32 to index
        %get3A_540 = arith.index_cast %select_n3A_523 : i32 to index
        %get3A_541 = arith.constant 16 : index
        %get3A_542 = tpu.vector_load %arg18[%get3A_538, %get3A_539, %get3A_540, %get3A_541] {strides = array<i32>} : memref<8x2x8x128xf32, #tpu.memory_space<vmem>>, vector<16xf32>,
        %get3A_543 = arith.constant 0 : i32
        %get3A_544 = arith.index_cast %select_n3A_507 : i32 to index
        %get3A_545 = arith.index_cast %get3A_543 : i32 to index
        %get3A_546 = arith.index_cast %select_n3A_523 : i32 to index
        %get3A_547 = arith.constant 32 : index
        %get3A_548 = tpu.vector_load %arg18[%get3A_544, %get3A_545, %get3A_546, %get3A_547] {strides = array<i32>} : memref<8x2x8x128xf32, #tpu.memory_space<vmem>>, vector<16xf32>,
        %get3A_549 = arith.constant 0 : i32
        %get3A_550 = arith.index_cast %select_n3A_507 : i32 to index
        %get3A_551 = arith.index_cast %get3A_549 : i32 to index
        %get3A_552 = arith.index_cast %select_n3A_523 : i32 to index
        %get3A_553 = arith.constant 48 : index
        %get3A_554 = tpu.vector_load %arg18[%get3A_550, %get3A_551, %get3A_552, %get3A_553] {strides = array<i32>} : memref<8x2x8x128xf32, #tpu.memory_space<vmem>>, vector<16xf32>,
        %get3A_555 = arith.constant 0 : i32
        %get3A_556 = arith.index_cast %select_n3A_507 : i32 to index
        %get3A_557 = arith.index_cast %get3A_555 : i32 to index
        %get3A_558 = arith.index_cast %select_n3A_523 : i32 to index
        %get3A_559 = arith.constant 64 : index
        %get3A_560 = tpu.vector_load %arg18[%get3A_556, %get3A_557, %get3A_558, %get3A_559] {strides = array<i32>} : memref<8x2x8x128xf32, #tpu.memory_space<vmem>>, vector<16xf32>,
        %get3A_561 = arith.constant 0 : i32
        %get3A_562 = arith.index_cast %select_n3A_507 : i32 to index
        %get3A_563 = arith.index_cast %get3A_561 : i32 to index
        %get3A_564 = arith.index_cast %select_n3A_523 : i32 to index
        %get3A_565 = arith.constant 80 : index
        %get3A_566 = tpu.vector_load %arg18[%get3A_562, %get3A_563, %get3A_564, %get3A_565] {strides = array<i32>} : memref<8x2x8x128xf32, #tpu.memory_space<vmem>>, vector<16xf32>,
        %get3A_567 = arith.constant 0 : i32
        %get3A_568 = arith.index_cast %select_n3A_507 : i32 to index
        %get3A_569 = arith.index_cast %get3A_567 : i32 to index
        %get3A_570 = arith.index_cast %select_n3A_523 : i32 to index
        %get3A_571 = arith.constant 96 : index
        %get3A_572 = tpu.vector_load %arg18[%get3A_568, %get3A_569, %get3A_570, %get3A_571] {strides = array<i32>} : memref<8x2x8x128xf32, #tpu.memory_space<vmem>>, vector<16xf32>,
        %get3A_573 = arith.constant 0 : i32
        %get3A_574 = arith.index_cast %select_n3A_507 : i32 to index
        %get3A_575 = arith.index_cast %get3A_573 : i32 to index
        %get3A_576 = arith.index_cast %select_n3A_523 : i32 to index
        %get3A_577 = arith.constant 112 : index
        %get3A_578 = tpu.vector_load %arg18[%get3A_574, %get3A_575, %get3A_576, %get3A_577] {strides = array<i32>} : memref<8x2x8x128xf32, #tpu.memory_space<vmem>>, vector<16xf32>,
        %mul3A_579 = arith.mulf %get3A_536, %get3A_525 : vector<16xf32>
        %add3A_580 = arith.addf %mul3A_579, %get3A_530 : vector<16xf32>
        %mul3A_581 = arith.mulf %get3A_542, %get3A_525 : vector<16xf32>
        %add3A_582 = arith.addf %mul3A_581, %get3A_530 : vector<16xf32>
        %mul3A_583 = arith.mulf %get3A_548, %get3A_525 : vector<16xf32>
        %add3A_584 = arith.addf %mul3A_583, %get3A_530 : vector<16xf32>
        %mul3A_585 = arith.mulf %get3A_554, %get3A_525 : vector<16xf32>
        %add3A_586 = arith.addf %mul3A_585, %get3A_530 : vector<16xf32>
        %mul3A_587 = arith.mulf %get3A_560, %get3A_525 : vector<16xf32>
        %add3A_588 = arith.addf %mul3A_587, %get3A_530 : vector<16xf32>
        %mul3A_589 = arith.mulf %get3A_566, %get3A_525 : vector<16xf32>
        %add3A_590 = arith.addf %mul3A_589, %get3A_530 : vector<16xf32>
        %mul3A_591 = arith.mulf %get3A_572, %get3A_525 : vector<16xf32>
        %add3A_592 = arith.addf %mul3A_591, %get3A_530 : vector<16xf32>
        %mul3A_593 = arith.mulf %get3A_578, %get3A_525 : vector<16xf32>
        %add3A_594 = arith.addf %mul3A_593, %get3A_530 : vector<16xf32>
        %swap3A = arith.constant 0 : i32
        %swap3A_595 = arith.index_cast %select_n3A_507 : i32 to index
        %swap3A_596 = arith.index_cast %swap3A : i32 to index
        %swap3A_597 = arith.index_cast %select_n3A_523 : i32 to index
        %swap3A_598 = arith.constant 0 : index
        %swap3A_599 = tpu.vector_load %arg18[%swap3A_595, %swap3A_596, %swap3A_597, %swap3A_598] {strides = array<i32>} : memref<8x2x8x128xf32, #tpu.memory_space<vmem>>, vector<16xf32>,
        tpu.vector_store %arg18[%swap3A_595, %swap3A_596, %swap3A_597, %swap3A_598], %add3A_580 {strides = array<i32>} : memref<8x2x8x128xf32, #tpu.memory_space<vmem>>, vector<16xf32>,
        %swap3A_600 = arith.constant 0 : i32
        %swap3A_601 = arith.index_cast %select_n3A_507 : i32 to index
        %swap3A_602 = arith.index_cast %swap3A_600 : i32 to index
        %swap3A_603 = arith.index_cast %select_n3A_523 : i32 to index
        %swap3A_604 = arith.constant 16 : index
        %swap3A_605 = tpu.vector_load %arg18[%swap3A_601, %swap3A_602, %swap3A_603, %swap3A_604] {strides = array<i32>} : memref<8x2x8x128xf32, #tpu.memory_space<vmem>>, vector<16xf32>,
        tpu.vector_store %arg18[%swap3A_601, %swap3A_602, %swap3A_603, %swap3A_604], %add3A_582 {strides = array<i32>} : memref<8x2x8x128xf32, #tpu.memory_space<vmem>>, vector<16xf32>,
        %swap3A_606 = arith.constant 0 : i32
        %swap3A_607 = arith.index_cast %select_n3A_507 : i32 to index
        %swap3A_608 = arith.index_cast %swap3A_606 : i32 to index
        %swap3A_609 = arith.index_cast %select_n3A_523 : i32 to index
        %swap3A_610 = arith.constant 32 : index
        %swap3A_611 = tpu.vector_load %arg18[%swap3A_607, %swap3A_608, %swap3A_609, %swap3A_610] {strides = array<i32>} : memref<8x2x8x128xf32, #tpu.memory_space<vmem>>, vector<16xf32>,
        tpu.vector_store %arg18[%swap3A_607, %swap3A_608, %swap3A_609, %swap3A_610], %add3A_584 {strides = array<i32>} : memref<8x2x8x128xf32, #tpu.memory_space<vmem>>, vector<16xf32>,
        %swap3A_612 = arith.constant 0 : i32
        %swap3A_613 = arith.index_cast %select_n3A_507 : i32 to index
        %swap3A_614 = arith.index_cast %swap3A_612 : i32 to index
        %swap3A_615 = arith.index_cast %select_n3A_523 : i32 to index
        %swap3A_616 = arith.constant 48 : index
        %swap3A_617 = tpu.vector_load %arg18[%swap3A_613, %swap3A_614, %swap3A_615, %swap3A_616] {strides = array<i32>} : memref<8x2x8x128xf32, #tpu.memory_space<vmem>>, vector<16xf32>,
        tpu.vector_store %arg18[%swap3A_613, %swap3A_614, %swap3A_615, %swap3A_616], %add3A_586 {strides = array<i32>} : memref<8x2x8x128xf32, #tpu.memory_space<vmem>>, vector<16xf32>,
        %swap3A_618 = arith.constant 0 : i32
        %swap3A_619 = arith.index_cast %select_n3A_507 : i32 to index
        %swap3A_620 = arith.index_cast %swap3A_618 : i32 to index
        %swap3A_621 = arith.index_cast %select_n3A_523 : i32 to index
        %swap3A_622 = arith.constant 64 : index
        %swap3A_623 = tpu.vector_load %arg18[%swap3A_619, %swap3A_620, %swap3A_621, %swap3A_622] {strides = array<i32>} : memref<8x2x8x128xf32, #tpu.memory_space<vmem>>, vector<16xf32>,
        tpu.vector_store %arg18[%swap3A_619, %swap3A_620, %swap3A_621, %swap3A_622], %add3A_588 {strides = array<i32>} : memref<8x2x8x128xf32, #tpu.memory_space<vmem>>, vector<16xf32>,
        %swap3A_624 = arith.constant 0 : i32
        %swap3A_625 = arith.index_cast %select_n3A_507 : i32 to index
        %swap3A_626 = arith.index_cast %swap3A_624 : i32 to index
        %swap3A_627 = arith.index_cast %select_n3A_523 : i32 to index
        %swap3A_628 = arith.constant 80 : index
        %swap3A_629 = tpu.vector_load %arg18[%swap3A_625, %swap3A_626, %swap3A_627, %swap3A_628] {strides = array<i32>} : memref<8x2x8x128xf32, #tpu.memory_space<vmem>>, vector<16xf32>,
        tpu.vector_store %arg18[%swap3A_625, %swap3A_626, %swap3A_627, %swap3A_628], %add3A_590 {strides = array<i32>} : memref<8x2x8x128xf32, #tpu.memory_space<vmem>>, vector<16xf32>,
        %swap3A_630 = arith.constant 0 : i32
        %swap3A_631 = arith.index_cast %select_n3A_507 : i32 to index
        %swap3A_632 = arith.index_cast %swap3A_630 : i32 to index
        %swap3A_633 = arith.index_cast %select_n3A_523 : i32 to index
        %swap3A_634 = arith.constant 96 : index
        %swap3A_635 = tpu.vector_load %arg18[%swap3A_631, %swap3A_632, %swap3A_633, %swap3A_634] {strides = array<i32>} : memref<8x2x8x128xf32, #tpu.memory_space<vmem>>, vector<16xf32>,
        tpu.vector_store %arg18[%swap3A_631, %swap3A_632, %swap3A_633, %swap3A_634], %add3A_592 {strides = array<i32>} : memref<8x2x8x128xf32, #tpu.memory_space<vmem>>, vector<16xf32>,
        %swap3A_636 = arith.constant 0 : i32
        %swap3A_637 = arith.index_cast %select_n3A_507 : i32 to index
        %swap3A_638 = arith.index_cast %swap3A_636 : i32 to index
        %swap3A_639 = arith.index_cast %select_n3A_523 : i32 to index
        %swap3A_640 = arith.constant 112 : index
        %swap3A_641 = tpu.vector_load %arg18[%swap3A_637, %swap3A_638, %swap3A_639, %swap3A_640] {strides = array<i32>} : memref<8x2x8x128xf32, #tpu.memory_space<vmem>>, vector<16xf32>,
        tpu.vector_store %arg18[%swap3A_637, %swap3A_638, %swap3A_639, %swap3A_640], %add3A_594 {strides = array<i32>} : memref<8x2x8x128xf32, #tpu.memory_space<vmem>>, vector<16xf32>,
        %get3A_642 = arith.constant 1 : i32
        %get3A_643 = arith.index_cast %select_n3A_507 : i32 to index
        %get3A_644 = arith.index_cast %get3A_642 : i32 to index
        %get3A_645 = arith.index_cast %select_n3A_523 : i32 to index
        %get3A_646 = arith.constant 0 : index
        %get3A_647 = tpu.vector_load %arg18[%get3A_643, %get3A_644, %get3A_645, %get3A_646] {strides = array<i32>} : memref<8x2x8x128xf32, #tpu.memory_space<vmem>>, vector<16xf32>,
        %get3A_648 = arith.constant 1 : i32
        %get3A_649 = arith.index_cast %select_n3A_507 : i32 to index
        %get3A_650 = arith.index_cast %get3A_648 : i32 to index
        %get3A_651 = arith.index_cast %select_n3A_523 : i32 to index
        %get3A_652 = arith.constant 16 : index
        %get3A_653 = tpu.vector_load %arg18[%get3A_649, %get3A_650, %get3A_651, %get3A_652] {strides = array<i32>} : memref<8x2x8x128xf32, #tpu.memory_space<vmem>>, vector<16xf32>,
        %get3A_654 = arith.constant 1 : i32
        %get3A_655 = arith.index_cast %select_n3A_507 : i32 to index
        %get3A_656 = arith.index_cast %get3A_654 : i32 to index
        %get3A_657 = arith.index_cast %select_n3A_523 : i32 to index
        %get3A_658 = arith.constant 32 : index
        %get3A_659 = tpu.vector_load %arg18[%get3A_655, %get3A_656, %get3A_657, %get3A_658] {strides = array<i32>} : memref<8x2x8x128xf32, #tpu.memory_space<vmem>>, vector<16xf32>,
        %get3A_660 = arith.constant 1 : i32
        %get3A_661 = arith.index_cast %select_n3A_507 : i32 to index
        %get3A_662 = arith.index_cast %get3A_660 : i32 to index
        %get3A_663 = arith.index_cast %select_n3A_523 : i32 to index
        %get3A_664 = arith.constant 48 : index
        %get3A_665 = tpu.vector_load %arg18[%get3A_661, %get3A_662, %get3A_663, %get3A_664] {strides = array<i32>} : memref<8x2x8x128xf32, #tpu.memory_space<vmem>>, vector<16xf32>,
        %get3A_666 = arith.constant 1 : i32
        %get3A_667 = arith.index_cast %select_n3A_507 : i32 to index
        %get3A_668 = arith.index_cast %get3A_666 : i32 to index
        %get3A_669 = arith.index_cast %select_n3A_523 : i32 to index
        %get3A_670 = arith.constant 64 : index
        %get3A_671 = tpu.vector_load %arg18[%get3A_667, %get3A_668, %get3A_669, %get3A_670] {strides = array<i32>} : memref<8x2x8x128xf32, #tpu.memory_space<vmem>>, vector<16xf32>,
        %get3A_672 = arith.constant 1 : i32
        %get3A_673 = arith.index_cast %select_n3A_507 : i32 to index
        %get3A_674 = arith.index_cast %get3A_672 : i32 to index
        %get3A_675 = arith.index_cast %select_n3A_523 : i32 to index
        %get3A_676 = arith.constant 80 : index
        %get3A_677 = tpu.vector_load %arg18[%get3A_673, %get3A_674, %get3A_675, %get3A_676] {strides = array<i32>} : memref<8x2x8x128xf32, #tpu.memory_space<vmem>>, vector<16xf32>,
        %get3A_678 = arith.constant 1 : i32
        %get3A_679 = arith.index_cast %select_n3A_507 : i32 to index
        %get3A_680 = arith.index_cast %get3A_678 : i32 to index
        %get3A_681 = arith.index_cast %select_n3A_523 : i32 to index
        %get3A_682 = arith.constant 96 : index
        %get3A_683 = tpu.vector_load %arg18[%get3A_679, %get3A_680, %get3A_681, %get3A_682] {strides = array<i32>} : memref<8x2x8x128xf32, #tpu.memory_space<vmem>>, vector<16xf32>,
        %get3A_684 = arith.constant 1 : i32
        %get3A_685 = arith.index_cast %select_n3A_507 : i32 to index
        %get3A_686 = arith.index_cast %get3A_684 : i32 to index
        %get3A_687 = arith.index_cast %select_n3A_523 : i32 to index
        %get3A_688 = arith.constant 112 : index
        %get3A_689 = tpu.vector_load %arg18[%get3A_685, %get3A_686, %get3A_687, %get3A_688] {strides = array<i32>} : memref<8x2x8x128xf32, #tpu.memory_space<vmem>>, vector<16xf32>,
        %mul3A_690 = arith.mulf %get3A_647, %get3A_525 : vector<16xf32>
        %add3A_691 = arith.addf %mul3A_690, %get3A_530 : vector<16xf32>
        %mul3A_692 = arith.mulf %get3A_653, %get3A_525 : vector<16xf32>
        %add3A_693 = arith.addf %mul3A_692, %get3A_530 : vector<16xf32>
        %mul3A_694 = arith.mulf %get3A_659, %get3A_525 : vector<16xf32>
        %add3A_695 = arith.addf %mul3A_694, %get3A_530 : vector<16xf32>
        %mul3A_696 = arith.mulf %get3A_665, %get3A_525 : vector<16xf32>
        %add3A_697 = arith.addf %mul3A_696, %get3A_530 : vector<16xf32>
        %mul3A_698 = arith.mulf %get3A_671, %get3A_525 : vector<16xf32>
        %add3A_699 = arith.addf %mul3A_698, %get3A_530 : vector<16xf32>
        %mul3A_700 = arith.mulf %get3A_677, %get3A_525 : vector<16xf32>
        %add3A_701 = arith.addf %mul3A_700, %get3A_530 : vector<16xf32>
        %mul3A_702 = arith.mulf %get3A_683, %get3A_525 : vector<16xf32>
        %add3A_703 = arith.addf %mul3A_702, %get3A_530 : vector<16xf32>
        %mul3A_704 = arith.mulf %get3A_689, %get3A_525 : vector<16xf32>
        %add3A_705 = arith.addf %mul3A_704, %get3A_530 : vector<16xf32>
        %swap3A_706 = arith.constant 1 : i32
        %swap3A_707 = arith.index_cast %select_n3A_507 : i32 to index
        %swap3A_708 = arith.index_cast %swap3A_706 : i32 to index
        %swap3A_709 = arith.index_cast %select_n3A_523 : i32 to index
        %swap3A_710 = arith.constant 0 : index
        %swap3A_711 = tpu.vector_load %arg18[%swap3A_707, %swap3A_708, %swap3A_709, %swap3A_710] {strides = array<i32>} : memref<8x2x8x128xf32, #tpu.memory_space<vmem>>, vector<16xf32>,
        tpu.vector_store %arg18[%swap3A_707, %swap3A_708, %swap3A_709, %swap3A_710], %add3A_691 {strides = array<i32>} : memref<8x2x8x128xf32, #tpu.memory_space<vmem>>, vector<16xf32>,
        %swap3A_712 = arith.constant 1 : i32
        %swap3A_713 = arith.index_cast %select_n3A_507 : i32 to index
        %swap3A_714 = arith.index_cast %swap3A_712 : i32 to index
        %swap3A_715 = arith.index_cast %select_n3A_523 : i32 to index
        %swap3A_716 = arith.constant 16 : index
        %swap3A_717 = tpu.vector_load %arg18[%swap3A_713, %swap3A_714, %swap3A_715, %swap3A_716] {strides = array<i32>} : memref<8x2x8x128xf32, #tpu.memory_space<vmem>>, vector<16xf32>,
        tpu.vector_store %arg18[%swap3A_713, %swap3A_714, %swap3A_715, %swap3A_716], %add3A_693 {strides = array<i32>} : memref<8x2x8x128xf32, #tpu.memory_space<vmem>>, vector<16xf32>,
        %swap3A_718 = arith.constant 1 : i32
        %swap3A_719 = arith.index_cast %select_n3A_507 : i32 to index
        %swap3A_720 = arith.index_cast %swap3A_718 : i32 to index
        %swap3A_721 = arith.index_cast %select_n3A_523 : i32 to index
        %swap3A_722 = arith.constant 32 : index
        %swap3A_723 = tpu.vector_load %arg18[%swap3A_719, %swap3A_720, %swap3A_721, %swap3A_722] {strides = array<i32>} : memref<8x2x8x128xf32, #tpu.memory_space<vmem>>, vector<16xf32>,
        tpu.vector_store %arg18[%swap3A_719, %swap3A_720, %swap3A_721, %swap3A_722], %add3A_695 {strides = array<i32>} : memref<8x2x8x128xf32, #tpu.memory_space<vmem>>, vector<16xf32>,
        %swap3A_724 = arith.constant 1 : i32
        %swap3A_725 = arith.index_cast %select_n3A_507 : i32 to index
        %swap3A_726 = arith.index_cast %swap3A_724 : i32 to index
        %swap3A_727 = arith.index_cast %select_n3A_523 : i32 to index
        %swap3A_728 = arith.constant 48 : index
        %swap3A_729 = tpu.vector_load %arg18[%swap3A_725, %swap3A_726, %swap3A_727, %swap3A_728] {strides = array<i32>} : memref<8x2x8x128xf32, #tpu.memory_space<vmem>>, vector<16xf32>,
        tpu.vector_store %arg18[%swap3A_725, %swap3A_726, %swap3A_727, %swap3A_728], %add3A_697 {strides = array<i32>} : memref<8x2x8x128xf32, #tpu.memory_space<vmem>>, vector<16xf32>,
        %swap3A_730 = arith.constant 1 : i32
        %swap3A_731 = arith.index_cast %select_n3A_507 : i32 to index
        %swap3A_732 = arith.index_cast %swap3A_730 : i32 to index
        %swap3A_733 = arith.index_cast %select_n3A_523 : i32 to index
        %swap3A_734 = arith.constant 64 : index
        %swap3A_735 = tpu.vector_load %arg18[%swap3A_731, %swap3A_732, %swap3A_733, %swap3A_734] {strides = array<i32>} : memref<8x2x8x128xf32, #tpu.memory_space<vmem>>, vector<16xf32>,
        tpu.vector_store %arg18[%swap3A_731, %swap3A_732, %swap3A_733, %swap3A_734], %add3A_699 {strides = array<i32>} : memref<8x2x8x128xf32, #tpu.memory_space<vmem>>, vector<16xf32>,
        %swap3A_736 = arith.constant 1 : i32
        %swap3A_737 = arith.index_cast %select_n3A_507 : i32 to index
        %swap3A_738 = arith.index_cast %swap3A_736 : i32 to index
        %swap3A_739 = arith.index_cast %select_n3A_523 : i32 to index
        %swap3A_740 = arith.constant 80 : index
        %swap3A_741 = tpu.vector_load %arg18[%swap3A_737, %swap3A_738, %swap3A_739, %swap3A_740] {strides = array<i32>} : memref<8x2x8x128xf32, #tpu.memory_space<vmem>>, vector<16xf32>,
        tpu.vector_store %arg18[%swap3A_737, %swap3A_738, %swap3A_739, %swap3A_740], %add3A_701 {strides = array<i32>} : memref<8x2x8x128xf32, #tpu.memory_space<vmem>>, vector<16xf32>,
        %swap3A_742 = arith.constant 1 : i32
        %swap3A_743 = arith.index_cast %select_n3A_507 : i32 to index
        %swap3A_744 = arith.index_cast %swap3A_742 : i32 to index
        %swap3A_745 = arith.index_cast %select_n3A_523 : i32 to index
        %swap3A_746 = arith.constant 96 : index
        %swap3A_747 = tpu.vector_load %arg18[%swap3A_743, %swap3A_744, %swap3A_745, %swap3A_746] {strides = array<i32>} : memref<8x2x8x128xf32, #tpu.memory_space<vmem>>, vector<16xf32>,
        tpu.vector_store %arg18[%swap3A_743, %swap3A_744, %swap3A_745, %swap3A_746], %add3A_703 {strides = array<i32>} : memref<8x2x8x128xf32, #tpu.memory_space<vmem>>, vector<16xf32>,
        %swap3A_748 = arith.constant 1 : i32
        %swap3A_749 = arith.index_cast %select_n3A_507 : i32 to index
        %swap3A_750 = arith.index_cast %swap3A_748 : i32 to index
        %swap3A_751 = arith.index_cast %select_n3A_523 : i32 to index
        %swap3A_752 = arith.constant 112 : index
        %swap3A_753 = tpu.vector_load %arg18[%swap3A_749, %swap3A_750, %swap3A_751, %swap3A_752] {strides = array<i32>} : memref<8x2x8x128xf32, #tpu.memory_space<vmem>>, vector<16xf32>,
        tpu.vector_store %arg18[%swap3A_749, %swap3A_750, %swap3A_751, %swap3A_752], %add3A_705 {strides = array<i32>} : memref<8x2x8x128xf32, #tpu.memory_space<vmem>>, vector<16xf32>,
      }
      %scan3A_267 = arith.constant 64 : i32
      %dma_start3A_268 = arith.constant 0 : i32
      %dma_start3A_269 = arith.constant 0 : i32
      %dma_start3A_270 = arith.constant 0 : i32
      %dma_start3A_271 = tpu.memref_slice %arg7[%select_n3A_183, %dma_start3A_268, %add3A_247, %dma_start3A_269, %dma_start3A_270] : memref<50x8x128x8x128xf32, #tpu.memory_space<hbm>> -> memref<1x8x2x8x128xf32, #tpu.memory_space<hbm>>
      %dma_start3A_272 = tpu.memref_squeeze %dma_start3A_271 : memref<1x8x2x8x128xf32, #tpu.memory_space<hbm>> -> memref<8x2x8x128xf32, #tpu.memory_space<hbm>>
      %dma_start3A_273 = arith.constant 0 : i32
      %dma_start3A_274 = arith.constant 0 : i32
      %dma_start3A_275 = arith.constant 0 : i32
      %dma_start3A_276 = tpu.memref_slice %arg7[%select_n3A_183, %dma_start3A_273, %add3A_247, %dma_start3A_274, %dma_start3A_275] : memref<50x8x128x8x128xf32, #tpu.memory_space<hbm>> -> memref<1x8x2x8x128xf32, #tpu.memory_space<hbm>>
      %dma_start3A_277 = tpu.memref_squeeze %dma_start3A_276 : memref<1x8x2x8x128xf32, #tpu.memory_space<hbm>> -> memref<8x2x8x128xf32, #tpu.memory_space<hbm>>
      tpu.enqueue_dma source(%arg18 : memref<8x2x8x128xf32, #tpu.memory_space<vmem>>) target(%dma_start3A_277 : memref<8x2x8x128xf32, #tpu.memory_space<hbm>>) target_semaphore(%arg22 : memref<!tpu.dma_semaphore, #tpu.memory_space<semaphore_mem>>)
      %add3A_278 = arith.constant 2 : i32
      %add3A_279 = arith.addi %mul3A_82, %add3A_278 : i32
      %min3A = arith.constant 99 : i32
      %min3A_280 = arith.minsi %add3A_279, %min3A : i32
      %jit3A_281 = arith.constant 2 : i32
      %eq3A_282 = arith.constant 0 : i32
      %eq3A_283 = arith.cmpi eq, %jit3A_281, %eq3A_282 : i32
      %jit3A_284 = arith.constant 1 : i32
      %select_n3A_285 = arith.select %eq3A_283, %jit3A_284, %jit3A_281 : i32
      %rem3A_286 = arith.remsi %min3A_280, %select_n3A_285 : i32
      %ne3A_287 = arith.constant 0 : i32
      %ne3A_288 = arith.cmpi ne, %rem3A_286, %ne3A_287 : i32
      %lt3A_289 = arith.constant 0 : i32
      %lt3A_290 = arith.cmpi slt, %rem3A_286, %lt3A_289 : i32
      %lt3A_291 = arith.constant 0 : i32
      %lt3A_292 = arith.cmpi slt, %select_n3A_285, %lt3A_291 : i32
      %ne3A_293 = arith.xori %lt3A_290, %lt3A_292 : i1
      %and3A_294 = arith.andi %ne3A_293, %ne3A_288 : i1
      %add3A_295 = arith.addi %rem3A_286, %select_n3A_285 : i32
      %select_n3A_296 = arith.select %and3A_294, %add3A_295, %rem3A_286 : i32
      %mul3A_297 = arith.constant 12800 : i32
      %mul3A_298 = arith.muli %select_n3A_296, %mul3A_297 : i32
      %jit3A_299 = arith.constant 2 : i32
      %div3A_300 = arith.divsi %min3A_280, %jit3A_299 : i32
      %sign3A_301 = arith.constant 0 : i32
      %sign3A_302 = arith.cmpi sgt, %min3A_280, %sign3A_301 : i32
      %sign3A_303 = arith.extui %sign3A_302 : i1 to i32
      %sign3A_304 = arith.constant 0 : i32
      %sign3A_305 = arith.cmpi slt, %min3A_280, %sign3A_304 : i32
      %sign3A_306 = arith.extui %sign3A_305 : i1 to i32
      %sign3A_307 = arith.subi %sign3A_303, %sign3A_306 : i32
      %sign3A_308 = arith.constant 0 : i32
      %sign3A_309 = arith.cmpi sgt, %jit3A_299, %sign3A_308 : i32
      %sign3A_310 = arith.extui %sign3A_309 : i1 to i32
      %sign3A_311 = arith.constant 0 : i32
      %sign3A_312 = arith.cmpi slt, %jit3A_299, %sign3A_311 : i32
      %sign3A_313 = arith.extui %sign3A_312 : i1 to i32
      %sign3A_314 = arith.subi %sign3A_310, %sign3A_313 : i32
      %ne3A_315 = arith.cmpi ne, %sign3A_307, %sign3A_314 : i32
      %rem3A_316 = arith.remsi %min3A_280, %jit3A_299 : i32
      %ne3A_317 = arith.constant 0 : i32
      %ne3A_318 = arith.cmpi ne, %rem3A_316, %ne3A_317 : i32
      %and3A_319 = arith.andi %ne3A_315, %ne3A_318 : i1
      %sub3A_320 = arith.constant 1 : i32
      %sub3A_321 = arith.subi %div3A_300, %sub3A_320 : i32
      %select_n3A_322 = arith.select %and3A_319, %sub3A_321, %div3A_300 : i32
      %add3A_323 = arith.addi %mul3A_298, %select_n3A_322 : i32
      %scan3A_324 = arith.constant 0 : i32
      %scan3A_325 = arith.constant 0 : i32
      %scan3A_326 = arith.constant 16 : i32
      %scan3A_327 = arith.addi %scan3A_325, %scan3A_326 : i32
      %scan3A_328 = arith.constant 1 : i32
      scf.for %scan3A_483 = %scan3A_325 to %scan3A_327 step %scan3A_328  : i32 {
        %mul3A_484 = arith.constant 800 : i32
        %mul3A_485 = arith.muli %scan3A_483, %mul3A_484 : i32
        %add3A_486 = arith.addi %add3A_323, %mul3A_485 : i32
        %add3A_487 = vector.broadcast %add3A_486 : i32 to vector<16xi32>
        %add3A_488 = arith.addi %mul3A_6, %add3A_487 : vector<16xi32>
        %gather3A = tpu.vector_load_idx %arg8[%add3A_488] : memref<25600xi32, #tpu.memory_space<vmem>>[vector<16xi32>], vector<16xi32>,
        %mul3A_489 = arith.constant 16 : i32
        %mul3A_490 = arith.muli %scan3A_483, %mul3A_489 : i32
        %swap3A = arith.index_cast %mul3A_490 : i32 to index
        %swap3A_491 = tpu.vector_load %arg10[%swap3A] {strides = array<i32>} : memref<256xi32, #tpu.memory_space<vmem>>, vector<16xi32>,
        tpu.vector_store %arg10[%swap3A], %gather3A {strides = array<i32>} : memref<256xi32, #tpu.memory_space<vmem>>, vector<16xi32>,
      }
      %scan3A_329 = arith.constant 16 : i32
      %dma_start3A_330 = arith.constant 0 : i32
      %dma_start3A_331 = arith.constant 0 : i32
      %dma_start3A_332 = tpu.memref_slice %arg12[%dma_start3A_330, %dma_start3A_331] : memref<256x64xf32, #tpu.memory_space<vmem>> -> memref<128x64xf32, #tpu.memory_space<vmem>>
      %dma_start3A_333 = arith.constant 0 : i32
      %dma_start3A_334 = tpu.memref_slice %arg10[%dma_start3A_333] : memref<256xi32, #tpu.memory_space<vmem>> -> memref<128xi32, #tpu.memory_space<vmem>>
      %dma_start3A_335 = arith.constant 0 : i32
      %dma_start3A_336 = arith.constant 0 : i32
      %dma_start3A_337 = tpu.memref_slice %arg4[%dma_start3A_335, %dma_start3A_336] : memref<1000000x64xf32, #tpu.memory_space<hbm>> -> memref<1000000x64xf32, #tpu.memory_space<hbm>>
      tpu.enqueue_indirect_dma source(%dma_start3A_337 : memref<1000000x64xf32, #tpu.memory_space<hbm>>) target(%dma_start3A_332 : memref<128x64xf32, #tpu.memory_space<vmem>>) offsets(%dma_start3A_334 : memref<128xi32, #tpu.memory_space<vmem>>) semaphore(%arg20 : memref<!tpu.dma_semaphore, #tpu.memory_space<semaphore_mem>>)
      %dma_start3A_338 = arith.constant 128 : i32
      %dma_start3A_339 = arith.constant 0 : i32
      %dma_start3A_340 = tpu.memref_slice %arg12[%dma_start3A_338, %dma_start3A_339] : memref<256x64xf32, #tpu.memory_space<vmem>> -> memref<128x64xf32, #tpu.memory_space<vmem>>
      %dma_start3A_341 = arith.constant 128 : i32
      %dma_start3A_342 = tpu.memref_slice %arg10[%dma_start3A_341] : memref<256xi32, #tpu.memory_space<vmem>> -> memref<128xi32, #tpu.memory_space<vmem>>
      %dma_start3A_343 = arith.constant 0 : i32
      %dma_start3A_344 = arith.constant 0 : i32
      %dma_start3A_345 = tpu.memref_slice %arg4[%dma_start3A_343, %dma_start3A_344] : memref<1000000x64xf32, #tpu.memory_space<hbm>> -> memref<1000000x64xf32, #tpu.memory_space<hbm>>
      tpu.enqueue_indirect_dma source(%dma_start3A_345 : memref<1000000x64xf32, #tpu.memory_space<hbm>>) target(%dma_start3A_340 : memref<128x64xf32, #tpu.memory_space<vmem>>) offsets(%dma_start3A_342 : memref<128xi32, #tpu.memory_space<vmem>>) semaphore(%arg20 : memref<!tpu.dma_semaphore, #tpu.memory_space<semaphore_mem>>)
      %dma_wait3A_346 = arith.constant 0 : i32
      %dma_wait3A_347 = arith.constant 0 : i32
      %dma_wait3A_348 = tpu.memref_slice %arg13[%dma_wait3A_346, %dma_wait3A_347] : memref<256x64xf32, #tpu.memory_space<vmem>> -> memref<128x64xf32, #tpu.memory_space<vmem>>
      %dma_wait3A_349 = arith.constant 0 : i32
      %dma_wait3A_350 = tpu.memref_slice %arg11[%dma_wait3A_349] : memref<256xi32, #tpu.memory_space<vmem>> -> memref<128xi32, #tpu.memory_space<vmem>>
      %dma_wait3A_351 = arith.constant 0 : i32
      %dma_wait3A_352 = arith.constant 0 : i32
      %dma_wait3A_353 = tpu.memref_slice %arg4[%dma_wait3A_351, %dma_wait3A_352] : memref<1000000x64xf32, #tpu.memory_space<hbm>> -> memref<1000000x64xf32, #tpu.memory_space<hbm>>
      tpu.wait_indirect_dma semaphore(%arg21 : memref<!tpu.dma_semaphore, #tpu.memory_space<semaphore_mem>>) src(%dma_wait3A_353 : memref<1000000x64xf32, #tpu.memory_space<hbm>>) dst(%dma_wait3A_348 : memref<128x64xf32, #tpu.memory_space<vmem>>)
      %dma_wait3A_354 = arith.constant 128 : i32
      %dma_wait3A_355 = arith.constant 0 : i32
      %dma_wait3A_356 = tpu.memref_slice %arg13[%dma_wait3A_354, %dma_wait3A_355] : memref<256x64xf32, #tpu.memory_space<vmem>> -> memref<128x64xf32, #tpu.memory_space<vmem>>
      %dma_wait3A_357 = arith.constant 128 : i32
      %dma_wait3A_358 = tpu.memref_slice %arg11[%dma_wait3A_357] : memref<256xi32, #tpu.memory_space<vmem>> -> memref<128xi32, #tpu.memory_space<vmem>>
      %dma_wait3A_359 = arith.constant 0 : i32
      %dma_wait3A_360 = arith.constant 0 : i32
      %dma_wait3A_361 = tpu.memref_slice %arg4[%dma_wait3A_359, %dma_wait3A_360] : memref<1000000x64xf32, #tpu.memory_space<hbm>> -> memref<1000000x64xf32, #tpu.memory_space<hbm>>
      tpu.wait_indirect_dma semaphore(%arg21 : memref<!tpu.dma_semaphore, #tpu.memory_space<semaphore_mem>>) src(%dma_wait3A_361 : memref<1000000x64xf32, #tpu.memory_space<hbm>>) dst(%dma_wait3A_356 : memref<128x64xf32, #tpu.memory_space<vmem>>)
      %jit3A_362 = arith.constant 2 : i32
      %div3A_363 = arith.divsi %add3A_86, %jit3A_362 : i32
      %sign3A_364 = arith.constant 0 : i32
      %sign3A_365 = arith.cmpi sgt, %add3A_86, %sign3A_364 : i32
      %sign3A_366 = arith.extui %sign3A_365 : i1 to i32
      %sign3A_367 = arith.constant 0 : i32
      %sign3A_368 = arith.cmpi slt, %add3A_86, %sign3A_367 : i32
      %sign3A_369 = arith.extui %sign3A_368 : i1 to i32
      %sign3A_370 = arith.subi %sign3A_366, %sign3A_369 : i32
      %sign3A_371 = arith.constant 0 : i32
      %sign3A_372 = arith.cmpi sgt, %jit3A_362, %sign3A_371 : i32
      %sign3A_373 = arith.extui %sign3A_372 : i1 to i32
      %sign3A_374 = arith.constant 0 : i32
      %sign3A_375 = arith.cmpi slt, %jit3A_362, %sign3A_374 : i32
      %sign3A_376 = arith.extui %sign3A_375 : i1 to i32
      %sign3A_377 = arith.subi %sign3A_373, %sign3A_376 : i32
      %ne3A_378 = arith.cmpi ne, %sign3A_370, %sign3A_377 : i32
      %rem3A_379 = arith.remsi %add3A_86, %jit3A_362 : i32
      %ne3A_380 = arith.constant 0 : i32
      %ne3A_381 = arith.cmpi ne, %rem3A_379, %ne3A_380 : i32
      %and3A_382 = arith.andi %ne3A_378, %ne3A_381 : i1
      %sub3A_383 = arith.constant 1 : i32
      %sub3A_384 = arith.subi %div3A_363, %sub3A_383 : i32
      %select_n3A_385 = arith.select %and3A_382, %sub3A_384, %div3A_363 : i32
      %jit3A_386 = arith.constant 2 : i32
      %eq3A_387 = arith.constant 0 : i32
      %eq3A_388 = arith.cmpi eq, %jit3A_386, %eq3A_387 : i32
      %jit3A_389 = arith.constant 1 : i32
      %select_n3A_390 = arith.select %eq3A_388, %jit3A_389, %jit3A_386 : i32
      %rem3A_391 = arith.remsi %add3A_86, %select_n3A_390 : i32
      %ne3A_392 = arith.constant 0 : i32
      %ne3A_393 = arith.cmpi ne, %rem3A_391, %ne3A_392 : i32
      %lt3A_394 = arith.constant 0 : i32
      %lt3A_395 = arith.cmpi slt, %rem3A_391, %lt3A_394 : i32
      %lt3A_396 = arith.constant 0 : i32
      %lt3A_397 = arith.cmpi slt, %select_n3A_390, %lt3A_396 : i32
      %ne3A_398 = arith.xori %lt3A_395, %lt3A_397 : i1
      %and3A_399 = arith.andi %ne3A_398, %ne3A_393 : i1
      %add3A_400 = arith.addi %rem3A_391, %select_n3A_390 : i32
      %select_n3A_401 = arith.select %and3A_399, %add3A_400, %rem3A_391 : i32
      %jit3A_402 = arith.constant 2 : i32
      %eq3A_403 = arith.constant 0 : i32
      %eq3A_404 = arith.cmpi eq, %jit3A_402, %eq3A_403 : i32
      %jit3A_405 = arith.constant 1 : i32
      %select_n3A_406 = arith.select %eq3A_404, %jit3A_405, %jit3A_402 : i32
      %rem3A_407 = arith.remsi %add3A_86, %select_n3A_406 : i32
      %ne3A_408 = arith.constant 0 : i32
      %ne3A_409 = arith.cmpi ne, %rem3A_407, %ne3A_408 : i32
      %lt3A_410 = arith.constant 0 : i32
      %lt3A_411 = arith.cmpi slt, %rem3A_407, %lt3A_410 : i32
      %lt3A_412 = arith.constant 0 : i32
      %lt3A_413 = arith.cmpi slt, %select_n3A_406, %lt3A_412 : i32
      %ne3A_414 = arith.xori %lt3A_411, %lt3A_413 : i1
      %and3A_415 = arith.andi %ne3A_414, %ne3A_409 : i1
      %add3A_416 = arith.addi %rem3A_407, %select_n3A_406 : i32
      %select_n3A_417 = arith.select %and3A_415, %add3A_416, %rem3A_407 : i32
      %mul3A_418 = arith.constant 12800 : i32
      %mul3A_419 = arith.muli %select_n3A_417, %mul3A_418 : i32
      %jit3A_420 = arith.constant 2 : i32
      %div3A_421 = arith.divsi %add3A_86, %jit3A_420 : i32
      %sign3A_422 = arith.constant 0 : i32
      %sign3A_423 = arith.cmpi sgt, %add3A_86, %sign3A_422 : i32
      %sign3A_424 = arith.extui %sign3A_423 : i1 to i32
      %sign3A_425 = arith.constant 0 : i32
      %sign3A_426 = arith.cmpi slt, %add3A_86, %sign3A_425 : i32
      %sign3A_427 = arith.extui %sign3A_426 : i1 to i32
      %sign3A_428 = arith.subi %sign3A_424, %sign3A_427 : i32
      %sign3A_429 = arith.constant 0 : i32
      %sign3A_430 = arith.cmpi sgt, %jit3A_420, %sign3A_429 : i32
      %sign3A_431 = arith.extui %sign3A_430 : i1 to i32
      %sign3A_432 = arith.constant 0 : i32
      %sign3A_433 = arith.cmpi slt, %jit3A_420, %sign3A_432 : i32
      %sign3A_434 = arith.extui %sign3A_433 : i1 to i32
      %sign3A_435 = arith.subi %sign3A_431, %sign3A_434 : i32
      %ne3A_436 = arith.cmpi ne, %sign3A_428, %sign3A_435 : i32
      %rem3A_437 = arith.remsi %add3A_86, %jit3A_420 : i32
      %ne3A_438 = arith.constant 0 : i32
      %ne3A_439 = arith.cmpi ne, %rem3A_437, %ne3A_438 : i32
      %and3A_440 = arith.andi %ne3A_436, %ne3A_439 : i1
      %sub3A_441 = arith.constant 1 : i32
      %sub3A_442 = arith.subi %div3A_421, %sub3A_441 : i32
      %select_n3A_443 = arith.select %and3A_440, %sub3A_442, %div3A_421 : i32
      %add3A_444 = arith.addi %mul3A_419, %select_n3A_443 : i32
      %mul3A_445 = arith.constant 4 : i32
      %mul3A_446 = arith.muli %add3A, %mul3A_445 : i32
      %mul3A_447 = arith.constant 2 : i32
      %mul3A_448 = arith.muli %select_n3A_401, %mul3A_447 : i32
      %add3A_449 = arith.addi %mul3A_446, %mul3A_448 : i32
      %scan3A_450 = arith.constant 0 : i32
      %scan3A_451 = arith.constant 0 : i32
      %scan3A_452 = arith.constant 16 : i32
      %scan3A_453 = arith.addi %scan3A_451, %scan3A_452 : i32
      %scan3A_454 = arith.constant 1 : i32
      scf.for %scan3A_483 = %scan3A_451 to %scan3A_453 step %scan3A_454  : i32 {
        %mul3A_484 = arith.constant 16 : i32
        %mul3A_485 = arith.muli %scan3A_483, %mul3A_484 : i32
        %add3A_486 = vector.broadcast %mul3A_485 : i32 to vector<16xi32>
        %add3A_487 = arith.addi %add3A_486, %iota3A : vector<16xi32>
        %broadcast_in_dim3A = arith.constant 0.000000e+00 : f32
        %broadcast_in_dim3A_488 = vector.broadcast %broadcast_in_dim3A : f32 to vector<16xf32>
        %broadcast_in_dim3A_489 = arith.constant 0.000000e+00 : f32
        %broadcast_in_dim3A_490 = vector.broadcast %broadcast_in_dim3A_489 : f32 to vector<16xf32>
        %broadcast_in_dim3A_491 = arith.constant 0.000000e+00 : f32
        %broadcast_in_dim3A_492 = vector.broadcast %broadcast_in_dim3A_491 : f32 to vector<16xf32>
        %broadcast_in_dim3A_493 = arith.constant 0.000000e+00 : f32
        %broadcast_in_dim3A_494 = vector.broadcast %broadcast_in_dim3A_493 : f32 to vector<16xf32>
        %broadcast_in_dim3A_495 = arith.constant 0.000000e+00 : f32
        %broadcast_in_dim3A_496 = vector.broadcast %broadcast_in_dim3A_495 : f32 to vector<16xf32>
        %broadcast_in_dim3A_497 = arith.constant 0.000000e+00 : f32
        %broadcast_in_dim3A_498 = vector.broadcast %broadcast_in_dim3A_497 : f32 to vector<16xf32>
        %broadcast_in_dim3A_499 = arith.constant 0.000000e+00 : f32
        %broadcast_in_dim3A_500 = vector.broadcast %broadcast_in_dim3A_499 : f32 to vector<16xf32>
        %broadcast_in_dim3A_501 = arith.constant 0.000000e+00 : f32
        %broadcast_in_dim3A_502 = vector.broadcast %broadcast_in_dim3A_501 : f32 to vector<16xf32>
        %broadcast_in_dim3A_503 = arith.constant 0 : i32
        %broadcast_in_dim3A_504 = vector.broadcast %broadcast_in_dim3A_503 : i32 to vector<16xi32>
        %gather3A = tpu.vector_load_idx %arg13[%add3A_487, %broadcast_in_dim3A_504] : memref<256x64xf32, #tpu.memory_space<vmem>>[vector<16xi32>, vector<16xi32>], vector<16xf32>,
        %add3A_505 = arith.addf %broadcast_in_dim3A_488, %gather3A : vector<16xf32>
        %mul3A_506 = arith.mulf %gather3A, %gather3A : vector<16xf32>
        %add3A_507 = arith.addf %broadcast_in_dim3A_496, %mul3A_506 : vector<16xf32>
        %broadcast_in_dim3A_508 = arith.constant 1 : i32
        %broadcast_in_dim3A_509 = vector.broadcast %broadcast_in_dim3A_508 : i32 to vector<16xi32>
        %gather3A_510 = tpu.vector_load_idx %arg13[%add3A_487, %broadcast_in_dim3A_509] : memref<256x64xf32, #tpu.memory_space<vmem>>[vector<16xi32>, vector<16xi32>], vector<16xf32>,
        %add3A_511 = arith.addf %broadcast_in_dim3A_490, %gather3A_510 : vector<16xf32>
        %mul3A_512 = arith.mulf %gather3A_510, %gather3A_510 : vector<16xf32>
        %add3A_513 = arith.addf %broadcast_in_dim3A_498, %mul3A_512 : vector<16xf32>
        %broadcast_in_dim3A_514 = arith.constant 2 : i32
        %broadcast_in_dim3A_515 = vector.broadcast %broadcast_in_dim3A_514 : i32 to vector<16xi32>
        %gather3A_516 = tpu.vector_load_idx %arg13[%add3A_487, %broadcast_in_dim3A_515] : memref<256x64xf32, #tpu.memory_space<vmem>>[vector<16xi32>, vector<16xi32>], vector<16xf32>,
        %add3A_517 = arith.addf %broadcast_in_dim3A_492, %gather3A_516 : vector<16xf32>
        %mul3A_518 = arith.mulf %gather3A_516, %gather3A_516 : vector<16xf32>
        %add3A_519 = arith.addf %broadcast_in_dim3A_500, %mul3A_518 : vector<16xf32>
        %broadcast_in_dim3A_520 = arith.constant 3 : i32
        %broadcast_in_dim3A_521 = vector.broadcast %broadcast_in_dim3A_520 : i32 to vector<16xi32>
        %gather3A_522 = tpu.vector_load_idx %arg13[%add3A_487, %broadcast_in_dim3A_521] : memref<256x64xf32, #tpu.memory_space<vmem>>[vector<16xi32>, vector<16xi32>], vector<16xf32>,
        %add3A_523 = arith.addf %broadcast_in_dim3A_494, %gather3A_522 : vector<16xf32>
        %mul3A_524 = arith.mulf %gather3A_522, %gather3A_522 : vector<16xf32>
        %add3A_525 = arith.addf %broadcast_in_dim3A_502, %mul3A_524 : vector<16xf32>
        %broadcast_in_dim3A_526 = arith.constant 4 : i32
        %broadcast_in_dim3A_527 = vector.broadcast %broadcast_in_dim3A_526 : i32 to vector<16xi32>
        %gather3A_528 = tpu.vector_load_idx %arg13[%add3A_487, %broadcast_in_dim3A_527] : memref<256x64xf32, #tpu.memory_space<vmem>>[vector<16xi32>, vector<16xi32>], vector<16xf32>,
        %add3A_529 = arith.addf %add3A_505, %gather3A_528 : vector<16xf32>
        %mul3A_530 = arith.mulf %gather3A_528, %gather3A_528 : vector<16xf32>
        %add3A_531 = arith.addf %add3A_507, %mul3A_530 : vector<16xf32>
        %broadcast_in_dim3A_532 = arith.constant 5 : i32
        %broadcast_in_dim3A_533 = vector.broadcast %broadcast_in_dim3A_532 : i32 to vector<16xi32>
        %gather3A_534 = tpu.vector_load_idx %arg13[%add3A_487, %broadcast_in_dim3A_533] : memref<256x64xf32, #tpu.memory_space<vmem>>[vector<16xi32>, vector<16xi32>], vector<16xf32>,
        %add3A_535 = arith.addf %add3A_511, %gather3A_534 : vector<16xf32>
        %mul3A_536 = arith.mulf %gather3A_534, %gather3A_534 : vector<16xf32>
        %add3A_537 = arith.addf %add3A_513, %mul3A_536 : vector<16xf32>
        %broadcast_in_dim3A_538 = arith.constant 6 : i32
        %broadcast_in_dim3A_539 = vector.broadcast %broadcast_in_dim3A_538 : i32 to vector<16xi32>
        %gather3A_540 = tpu.vector_load_idx %arg13[%add3A_487, %broadcast_in_dim3A_539] : memref<256x64xf32, #tpu.memory_space<vmem>>[vector<16xi32>, vector<16xi32>], vector<16xf32>,
        %add3A_541 = arith.addf %add3A_517, %gather3A_540 : vector<16xf32>
        %mul3A_542 = arith.mulf %gather3A_540, %gather3A_540 : vector<16xf32>
        %add3A_543 = arith.addf %add3A_519, %mul3A_542 : vector<16xf32>
        %broadcast_in_dim3A_544 = arith.constant 7 : i32
        %broadcast_in_dim3A_545 = vector.broadcast %broadcast_in_dim3A_544 : i32 to vector<16xi32>
        %gather3A_546 = tpu.vector_load_idx %arg13[%add3A_487, %broadcast_in_dim3A_545] : memref<256x64xf32, #tpu.memory_space<vmem>>[vector<16xi32>, vector<16xi32>], vector<16xf32>,
        %add3A_547 = arith.addf %add3A_523, %gather3A_546 : vector<16xf32>
        %mul3A_548 = arith.mulf %gather3A_546, %gather3A_546 : vector<16xf32>
        %add3A_549 = arith.addf %add3A_525, %mul3A_548 : vector<16xf32>
        %broadcast_in_dim3A_550 = arith.constant 8 : i32
        %broadcast_in_dim3A_551 = vector.broadcast %broadcast_in_dim3A_550 : i32 to vector<16xi32>
        %gather3A_552 = tpu.vector_load_idx %arg13[%add3A_487, %broadcast_in_dim3A_551] : memref<256x64xf32, #tpu.memory_space<vmem>>[vector<16xi32>, vector<16xi32>], vector<16xf32>,
        %add3A_553 = arith.addf %add3A_529, %gather3A_552 : vector<16xf32>
        %mul3A_554 = arith.mulf %gather3A_552, %gather3A_552 : vector<16xf32>
        %add3A_555 = arith.addf %add3A_531, %mul3A_554 : vector<16xf32>
        %broadcast_in_dim3A_556 = arith.constant 9 : i32
        %broadcast_in_dim3A_557 = vector.broadcast %broadcast_in_dim3A_556 : i32 to vector<16xi32>
        %gather3A_558 = tpu.vector_load_idx %arg13[%add3A_487, %broadcast_in_dim3A_557] : memref<256x64xf32, #tpu.memory_space<vmem>>[vector<16xi32>, vector<16xi32>], vector<16xf32>,
        %add3A_559 = arith.addf %add3A_535, %gather3A_558 : vector<16xf32>
        %mul3A_560 = arith.mulf %gather3A_558, %gather3A_558 : vector<16xf32>
        %add3A_561 = arith.addf %add3A_537, %mul3A_560 : vector<16xf32>
        %broadcast_in_dim3A_562 = arith.constant 10 : i32
        %broadcast_in_dim3A_563 = vector.broadcast %broadcast_in_dim3A_562 : i32 to vector<16xi32>
        %gather3A_564 = tpu.vector_load_idx %arg13[%add3A_487, %broadcast_in_dim3A_563] : memref<256x64xf32, #tpu.memory_space<vmem>>[vector<16xi32>, vector<16xi32>], vector<16xf32>,
        %add3A_565 = arith.addf %add3A_541, %gather3A_564 : vector<16xf32>
        %mul3A_566 = arith.mulf %gather3A_564, %gather3A_564 : vector<16xf32>
        %add3A_567 = arith.addf %add3A_543, %mul3A_566 : vector<16xf32>
        %broadcast_in_dim3A_568 = arith.constant 11 : i32
        %broadcast_in_dim3A_569 = vector.broadcast %broadcast_in_dim3A_568 : i32 to vector<16xi32>
        %gather3A_570 = tpu.vector_load_idx %arg13[%add3A_487, %broadcast_in_dim3A_569] : memref<256x64xf32, #tpu.memory_space<vmem>>[vector<16xi32>, vector<16xi32>], vector<16xf32>,
        %add3A_571 = arith.addf %add3A_547, %gather3A_570 : vector<16xf32>
        %mul3A_572 = arith.mulf %gather3A_570, %gather3A_570 : vector<16xf32>
        %add3A_573 = arith.addf %add3A_549, %mul3A_572 : vector<16xf32>
        %broadcast_in_dim3A_574 = arith.constant 12 : i32
        %broadcast_in_dim3A_575 = vector.broadcast %broadcast_in_dim3A_574 : i32 to vector<16xi32>
        %gather3A_576 = tpu.vector_load_idx %arg13[%add3A_487, %broadcast_in_dim3A_575] : memref<256x64xf32, #tpu.memory_space<vmem>>[vector<16xi32>, vector<16xi32>], vector<16xf32>,
        %add3A_577 = arith.addf %add3A_553, %gather3A_576 : vector<16xf32>
        %mul3A_578 = arith.mulf %gather3A_576, %gather3A_576 : vector<16xf32>
        %add3A_579 = arith.addf %add3A_555, %mul3A_578 : vector<16xf32>
        %broadcast_in_dim3A_580 = arith.constant 13 : i32
        %broadcast_in_dim3A_581 = vector.broadcast %broadcast_in_dim3A_580 : i32 to vector<16xi32>
        %gather3A_582 = tpu.vector_load_idx %arg13[%add3A_487, %broadcast_in_dim3A_581] : memref<256x64xf32, #tpu.memory_space<vmem>>[vector<16xi32>, vector<16xi32>], vector<16xf32>,
        %add3A_583 = arith.addf %add3A_559, %gather3A_582 : vector<16xf32>
        %mul3A_584 = arith.mulf %gather3A_582, %gather3A_582 : vector<16xf32>
        %add3A_585 = arith.addf %add3A_561, %mul3A_584 : vector<16xf32>
        %broadcast_in_dim3A_586 = arith.constant 14 : i32
        %broadcast_in_dim3A_587 = vector.broadcast %broadcast_in_dim3A_586 : i32 to vector<16xi32>
        %gather3A_588 = tpu.vector_load_idx %arg13[%add3A_487, %broadcast_in_dim3A_587] : memref<256x64xf32, #tpu.memory_space<vmem>>[vector<16xi32>, vector<16xi32>], vector<16xf32>,
        %add3A_589 = arith.addf %add3A_565, %gather3A_588 : vector<16xf32>
        %mul3A_590 = arith.mulf %gather3A_588, %gather3A_588 : vector<16xf32>
        %add3A_591 = arith.addf %add3A_567, %mul3A_590 : vector<16xf32>
        %broadcast_in_dim3A_592 = arith.constant 15 : i32
        %broadcast_in_dim3A_593 = vector.broadcast %broadcast_in_dim3A_592 : i32 to vector<16xi32>
        %gather3A_594 = tpu.vector_load_idx %arg13[%add3A_487, %broadcast_in_dim3A_593] : memref<256x64xf32, #tpu.memory_space<vmem>>[vector<16xi32>, vector<16xi32>], vector<16xf32>,
        %add3A_595 = arith.addf %add3A_571, %gather3A_594 : vector<16xf32>
        %mul3A_596 = arith.mulf %gather3A_594, %gather3A_594 : vector<16xf32>
        %add3A_597 = arith.addf %add3A_573, %mul3A_596 : vector<16xf32>
        %broadcast_in_dim3A_598 = arith.constant 16 : i32
        %broadcast_in_dim3A_599 = vector.broadcast %broadcast_in_dim3A_598 : i32 to vector<16xi32>
        %gather3A_600 = tpu.vector_load_idx %arg13[%add3A_487, %broadcast_in_dim3A_599] : memref<256x64xf32, #tpu.memory_space<vmem>>[vector<16xi32>, vector<16xi32>], vector<16xf32>,
        %add3A_601 = arith.addf %add3A_577, %gather3A_600 : vector<16xf32>
        %mul3A_602 = arith.mulf %gather3A_600, %gather3A_600 : vector<16xf32>
        %add3A_603 = arith.addf %add3A_579, %mul3A_602 : vector<16xf32>
        %broadcast_in_dim3A_604 = arith.constant 17 : i32
        %broadcast_in_dim3A_605 = vector.broadcast %broadcast_in_dim3A_604 : i32 to vector<16xi32>
        %gather3A_606 = tpu.vector_load_idx %arg13[%add3A_487, %broadcast_in_dim3A_605] : memref<256x64xf32, #tpu.memory_space<vmem>>[vector<16xi32>, vector<16xi32>], vector<16xf32>,
        %add3A_607 = arith.addf %add3A_583, %gather3A_606 : vector<16xf32>
        %mul3A_608 = arith.mulf %gather3A_606, %gather3A_606 : vector<16xf32>
        %add3A_609 = arith.addf %add3A_585, %mul3A_608 : vector<16xf32>
        %broadcast_in_dim3A_610 = arith.constant 18 : i32
        %broadcast_in_dim3A_611 = vector.broadcast %broadcast_in_dim3A_610 : i32 to vector<16xi32>
        %gather3A_612 = tpu.vector_load_idx %arg13[%add3A_487, %broadcast_in_dim3A_611] : memref<256x64xf32, #tpu.memory_space<vmem>>[vector<16xi32>, vector<16xi32>], vector<16xf32>,
        %add3A_613 = arith.addf %add3A_589, %gather3A_612 : vector<16xf32>
        %mul3A_614 = arith.mulf %gather3A_612, %gather3A_612 : vector<16xf32>
        %add3A_615 = arith.addf %add3A_591, %mul3A_614 : vector<16xf32>
        %broadcast_in_dim3A_616 = arith.constant 19 : i32
        %broadcast_in_dim3A_617 = vector.broadcast %broadcast_in_dim3A_616 : i32 to vector<16xi32>
        %gather3A_618 = tpu.vector_load_idx %arg13[%add3A_487, %broadcast_in_dim3A_617] : memref<256x64xf32, #tpu.memory_space<vmem>>[vector<16xi32>, vector<16xi32>], vector<16xf32>,
        %add3A_619 = arith.addf %add3A_595, %gather3A_618 : vector<16xf32>
        %mul3A_620 = arith.mulf %gather3A_618, %gather3A_618 : vector<16xf32>
        %add3A_621 = arith.addf %add3A_597, %mul3A_620 : vector<16xf32>
        %broadcast_in_dim3A_622 = arith.constant 20 : i32
        %broadcast_in_dim3A_623 = vector.broadcast %broadcast_in_dim3A_622 : i32 to vector<16xi32>
        %gather3A_624 = tpu.vector_load_idx %arg13[%add3A_487, %broadcast_in_dim3A_623] : memref<256x64xf32, #tpu.memory_space<vmem>>[vector<16xi32>, vector<16xi32>], vector<16xf32>,
        %add3A_625 = arith.addf %add3A_601, %gather3A_624 : vector<16xf32>
        %mul3A_626 = arith.mulf %gather3A_624, %gather3A_624 : vector<16xf32>
        %add3A_627 = arith.addf %add3A_603, %mul3A_626 : vector<16xf32>
        %broadcast_in_dim3A_628 = arith.constant 21 : i32
        %broadcast_in_dim3A_629 = vector.broadcast %broadcast_in_dim3A_628 : i32 to vector<16xi32>
        %gather3A_630 = tpu.vector_load_idx %arg13[%add3A_487, %broadcast_in_dim3A_629] : memref<256x64xf32, #tpu.memory_space<vmem>>[vector<16xi32>, vector<16xi32>], vector<16xf32>,
        %add3A_631 = arith.addf %add3A_607, %gather3A_630 : vector<16xf32>
        %mul3A_632 = arith.mulf %gather3A_630, %gather3A_630 : vector<16xf32>
        %add3A_633 = arith.addf %add3A_609, %mul3A_632 : vector<16xf32>
        %broadcast_in_dim3A_634 = arith.constant 22 : i32
        %broadcast_in_dim3A_635 = vector.broadcast %broadcast_in_dim3A_634 : i32 to vector<16xi32>
        %gather3A_636 = tpu.vector_load_idx %arg13[%add3A_487, %broadcast_in_dim3A_635] : memref<256x64xf32, #tpu.memory_space<vmem>>[vector<16xi32>, vector<16xi32>], vector<16xf32>,
        %add3A_637 = arith.addf %add3A_613, %gather3A_636 : vector<16xf32>
        %mul3A_638 = arith.mulf %gather3A_636, %gather3A_636 : vector<16xf32>
        %add3A_639 = arith.addf %add3A_615, %mul3A_638 : vector<16xf32>
        %broadcast_in_dim3A_640 = arith.constant 23 : i32
        %broadcast_in_dim3A_641 = vector.broadcast %broadcast_in_dim3A_640 : i32 to vector<16xi32>
        %gather3A_642 = tpu.vector_load_idx %arg13[%add3A_487, %broadcast_in_dim3A_641] : memref<256x64xf32, #tpu.memory_space<vmem>>[vector<16xi32>, vector<16xi32>], vector<16xf32>,
        %add3A_643 = arith.addf %add3A_619, %gather3A_642 : vector<16xf32>
        %mul3A_644 = arith.mulf %gather3A_642, %gather3A_642 : vector<16xf32>
        %add3A_645 = arith.addf %add3A_621, %mul3A_644 : vector<16xf32>
        %broadcast_in_dim3A_646 = arith.constant 24 : i32
        %broadcast_in_dim3A_647 = vector.broadcast %broadcast_in_dim3A_646 : i32 to vector<16xi32>
        %gather3A_648 = tpu.vector_load_idx %arg13[%add3A_487, %broadcast_in_dim3A_647] : memref<256x64xf32, #tpu.memory_space<vmem>>[vector<16xi32>, vector<16xi32>], vector<16xf32>,
        %add3A_649 = arith.addf %add3A_625, %gather3A_648 : vector<16xf32>
        %mul3A_650 = arith.mulf %gather3A_648, %gather3A_648 : vector<16xf32>
        %add3A_651 = arith.addf %add3A_627, %mul3A_650 : vector<16xf32>
        %broadcast_in_dim3A_652 = arith.constant 25 : i32
        %broadcast_in_dim3A_653 = vector.broadcast %broadcast_in_dim3A_652 : i32 to vector<16xi32>
        %gather3A_654 = tpu.vector_load_idx %arg13[%add3A_487, %broadcast_in_dim3A_653] : memref<256x64xf32, #tpu.memory_space<vmem>>[vector<16xi32>, vector<16xi32>], vector<16xf32>,
        %add3A_655 = arith.addf %add3A_631, %gather3A_654 : vector<16xf32>
        %mul3A_656 = arith.mulf %gather3A_654, %gather3A_654 : vector<16xf32>
        %add3A_657 = arith.addf %add3A_633, %mul3A_656 : vector<16xf32>
        %broadcast_in_dim3A_658 = arith.constant 26 : i32
        %broadcast_in_dim3A_659 = vector.broadcast %broadcast_in_dim3A_658 : i32 to vector<16xi32>
        %gather3A_660 = tpu.vector_load_idx %arg13[%add3A_487, %broadcast_in_dim3A_659] : memref<256x64xf32, #tpu.memory_space<vmem>>[vector<16xi32>, vector<16xi32>], vector<16xf32>,
        %add3A_661 = arith.addf %add3A_637, %gather3A_660 : vector<16xf32>
        %mul3A_662 = arith.mulf %gather3A_660, %gather3A_660 : vector<16xf32>
        %add3A_663 = arith.addf %add3A_639, %mul3A_662 : vector<16xf32>
        %broadcast_in_dim3A_664 = arith.constant 27 : i32
        %broadcast_in_dim3A_665 = vector.broadcast %broadcast_in_dim3A_664 : i32 to vector<16xi32>
        %gather3A_666 = tpu.vector_load_idx %arg13[%add3A_487, %broadcast_in_dim3A_665] : memref<256x64xf32, #tpu.memory_space<vmem>>[vector<16xi32>, vector<16xi32>], vector<16xf32>,
        %add3A_667 = arith.addf %add3A_643, %gather3A_666 : vector<16xf32>
        %mul3A_668 = arith.mulf %gather3A_666, %gather3A_666 : vector<16xf32>
        %add3A_669 = arith.addf %add3A_645, %mul3A_668 : vector<16xf32>
        %broadcast_in_dim3A_670 = arith.constant 28 : i32
        %broadcast_in_dim3A_671 = vector.broadcast %broadcast_in_dim3A_670 : i32 to vector<16xi32>
        %gather3A_672 = tpu.vector_load_idx %arg13[%add3A_487, %broadcast_in_dim3A_671] : memref<256x64xf32, #tpu.memory_space<vmem>>[vector<16xi32>, vector<16xi32>], vector<16xf32>,
        %add3A_673 = arith.addf %add3A_649, %gather3A_672 : vector<16xf32>
        %mul3A_674 = arith.mulf %gather3A_672, %gather3A_672 : vector<16xf32>
        %add3A_675 = arith.addf %add3A_651, %mul3A_674 : vector<16xf32>
        %broadcast_in_dim3A_676 = arith.constant 29 : i32
        %broadcast_in_dim3A_677 = vector.broadcast %broadcast_in_dim3A_676 : i32 to vector<16xi32>
        %gather3A_678 = tpu.vector_load_idx %arg13[%add3A_487, %broadcast_in_dim3A_677] : memref<256x64xf32, #tpu.memory_space<vmem>>[vector<16xi32>, vector<16xi32>], vector<16xf32>,
        %add3A_679 = arith.addf %add3A_655, %gather3A_678 : vector<16xf32>
        %mul3A_680 = arith.mulf %gather3A_678, %gather3A_678 : vector<16xf32>
        %add3A_681 = arith.addf %add3A_657, %mul3A_680 : vector<16xf32>
        %broadcast_in_dim3A_682 = arith.constant 30 : i32
        %broadcast_in_dim3A_683 = vector.broadcast %broadcast_in_dim3A_682 : i32 to vector<16xi32>
        %gather3A_684 = tpu.vector_load_idx %arg13[%add3A_487, %broadcast_in_dim3A_683] : memref<256x64xf32, #tpu.memory_space<vmem>>[vector<16xi32>, vector<16xi32>], vector<16xf32>,
        %add3A_685 = arith.addf %add3A_661, %gather3A_684 : vector<16xf32>
        %mul3A_686 = arith.mulf %gather3A_684, %gather3A_684 : vector<16xf32>
        %add3A_687 = arith.addf %add3A_663, %mul3A_686 : vector<16xf32>
        %broadcast_in_dim3A_688 = arith.constant 31 : i32
        %broadcast_in_dim3A_689 = vector.broadcast %broadcast_in_dim3A_688 : i32 to vector<16xi32>
        %gather3A_690 = tpu.vector_load_idx %arg13[%add3A_487, %broadcast_in_dim3A_689] : memref<256x64xf32, #tpu.memory_space<vmem>>[vector<16xi32>, vector<16xi32>], vector<16xf32>,
        %add3A_691 = arith.addf %add3A_667, %gather3A_690 : vector<16xf32>
        %mul3A_692 = arith.mulf %gather3A_690, %gather3A_690 : vector<16xf32>
        %add3A_693 = arith.addf %add3A_669, %mul3A_692 : vector<16xf32>
        %broadcast_in_dim3A_694 = arith.constant 32 : i32
        %broadcast_in_dim3A_695 = vector.broadcast %broadcast_in_dim3A_694 : i32 to vector<16xi32>
        %gather3A_696 = tpu.vector_load_idx %arg13[%add3A_487, %broadcast_in_dim3A_695] : memref<256x64xf32, #tpu.memory_space<vmem>>[vector<16xi32>, vector<16xi32>], vector<16xf32>,
        %add3A_697 = arith.addf %add3A_673, %gather3A_696 : vector<16xf32>
        %mul3A_698 = arith.mulf %gather3A_696, %gather3A_696 : vector<16xf32>
        %add3A_699 = arith.addf %add3A_675, %mul3A_698 : vector<16xf32>
        %broadcast_in_dim3A_700 = arith.constant 33 : i32
        %broadcast_in_dim3A_701 = vector.broadcast %broadcast_in_dim3A_700 : i32 to vector<16xi32>
        %gather3A_702 = tpu.vector_load_idx %arg13[%add3A_487, %broadcast_in_dim3A_701] : memref<256x64xf32, #tpu.memory_space<vmem>>[vector<16xi32>, vector<16xi32>], vector<16xf32>,
        %add3A_703 = arith.addf %add3A_679, %gather3A_702 : vector<16xf32>
        %mul3A_704 = arith.mulf %gather3A_702, %gather3A_702 : vector<16xf32>
        %add3A_705 = arith.addf %add3A_681, %mul3A_704 : vector<16xf32>
        %broadcast_in_dim3A_706 = arith.constant 34 : i32
        %broadcast_in_dim3A_707 = vector.broadcast %broadcast_in_dim3A_706 : i32 to vector<16xi32>
        %gather3A_708 = tpu.vector_load_idx %arg13[%add3A_487, %broadcast_in_dim3A_707] : memref<256x64xf32, #tpu.memory_space<vmem>>[vector<16xi32>, vector<16xi32>], vector<16xf32>,
        %add3A_709 = arith.addf %add3A_685, %gather3A_708 : vector<16xf32>
        %mul3A_710 = arith.mulf %gather3A_708, %gather3A_708 : vector<16xf32>
        %add3A_711 = arith.addf %add3A_687, %mul3A_710 : vector<16xf32>
        %broadcast_in_dim3A_712 = arith.constant 35 : i32
        %broadcast_in_dim3A_713 = vector.broadcast %broadcast_in_dim3A_712 : i32 to vector<16xi32>
        %gather3A_714 = tpu.vector_load_idx %arg13[%add3A_487, %broadcast_in_dim3A_713] : memref<256x64xf32, #tpu.memory_space<vmem>>[vector<16xi32>, vector<16xi32>], vector<16xf32>,
        %add3A_715 = arith.addf %add3A_691, %gather3A_714 : vector<16xf32>
        %mul3A_716 = arith.mulf %gather3A_714, %gather3A_714 : vector<16xf32>
        %add3A_717 = arith.addf %add3A_693, %mul3A_716 : vector<16xf32>
        %broadcast_in_dim3A_718 = arith.constant 36 : i32
        %broadcast_in_dim3A_719 = vector.broadcast %broadcast_in_dim3A_718 : i32 to vector<16xi32>
        %gather3A_720 = tpu.vector_load_idx %arg13[%add3A_487, %broadcast_in_dim3A_719] : memref<256x64xf32, #tpu.memory_space<vmem>>[vector<16xi32>, vector<16xi32>], vector<16xf32>,
        %add3A_721 = arith.addf %add3A_697, %gather3A_720 : vector<16xf32>
        %mul3A_722 = arith.mulf %gather3A_720, %gather3A_720 : vector<16xf32>
        %add3A_723 = arith.addf %add3A_699, %mul3A_722 : vector<16xf32>
        %broadcast_in_dim3A_724 = arith.constant 37 : i32
        %broadcast_in_dim3A_725 = vector.broadcast %broadcast_in_dim3A_724 : i32 to vector<16xi32>
        %gather3A_726 = tpu.vector_load_idx %arg13[%add3A_487, %broadcast_in_dim3A_725] : memref<256x64xf32, #tpu.memory_space<vmem>>[vector<16xi32>, vector<16xi32>], vector<16xf32>,
        %add3A_727 = arith.addf %add3A_703, %gather3A_726 : vector<16xf32>
        %mul3A_728 = arith.mulf %gather3A_726, %gather3A_726 : vector<16xf32>
        %add3A_729 = arith.addf %add3A_705, %mul3A_728 : vector<16xf32>
        %broadcast_in_dim3A_730 = arith.constant 38 : i32
        %broadcast_in_dim3A_731 = vector.broadcast %broadcast_in_dim3A_730 : i32 to vector<16xi32>
        %gather3A_732 = tpu.vector_load_idx %arg13[%add3A_487, %broadcast_in_dim3A_731] : memref<256x64xf32, #tpu.memory_space<vmem>>[vector<16xi32>, vector<16xi32>], vector<16xf32>,
        %add3A_733 = arith.addf %add3A_709, %gather3A_732 : vector<16xf32>
        %mul3A_734 = arith.mulf %gather3A_732, %gather3A_732 : vector<16xf32>
        %add3A_735 = arith.addf %add3A_711, %mul3A_734 : vector<16xf32>
        %broadcast_in_dim3A_736 = arith.constant 39 : i32
        %broadcast_in_dim3A_737 = vector.broadcast %broadcast_in_dim3A_736 : i32 to vector<16xi32>
        %gather3A_738 = tpu.vector_load_idx %arg13[%add3A_487, %broadcast_in_dim3A_737] : memref<256x64xf32, #tpu.memory_space<vmem>>[vector<16xi32>, vector<16xi32>], vector<16xf32>,
        %add3A_739 = arith.addf %add3A_715, %gather3A_738 : vector<16xf32>
        %mul3A_740 = arith.mulf %gather3A_738, %gather3A_738 : vector<16xf32>
        %add3A_741 = arith.addf %add3A_717, %mul3A_740 : vector<16xf32>
        %broadcast_in_dim3A_742 = arith.constant 40 : i32
        %broadcast_in_dim3A_743 = vector.broadcast %broadcast_in_dim3A_742 : i32 to vector<16xi32>
        %gather3A_744 = tpu.vector_load_idx %arg13[%add3A_487, %broadcast_in_dim3A_743] : memref<256x64xf32, #tpu.memory_space<vmem>>[vector<16xi32>, vector<16xi32>], vector<16xf32>,
        %add3A_745 = arith.addf %add3A_721, %gather3A_744 : vector<16xf32>
        %mul3A_746 = arith.mulf %gather3A_744, %gather3A_744 : vector<16xf32>
        %add3A_747 = arith.addf %add3A_723, %mul3A_746 : vector<16xf32>
        %broadcast_in_dim3A_748 = arith.constant 41 : i32
        %broadcast_in_dim3A_749 = vector.broadcast %broadcast_in_dim3A_748 : i32 to vector<16xi32>
        %gather3A_750 = tpu.vector_load_idx %arg13[%add3A_487, %broadcast_in_dim3A_749] : memref<256x64xf32, #tpu.memory_space<vmem>>[vector<16xi32>, vector<16xi32>], vector<16xf32>,
        %add3A_751 = arith.addf %add3A_727, %gather3A_750 : vector<16xf32>
        %mul3A_752 = arith.mulf %gather3A_750, %gather3A_750 : vector<16xf32>
        %add3A_753 = arith.addf %add3A_729, %mul3A_752 : vector<16xf32>
        %broadcast_in_dim3A_754 = arith.constant 42 : i32
        %broadcast_in_dim3A_755 = vector.broadcast %broadcast_in_dim3A_754 : i32 to vector<16xi32>
        %gather3A_756 = tpu.vector_load_idx %arg13[%add3A_487, %broadcast_in_dim3A_755] : memref<256x64xf32, #tpu.memory_space<vmem>>[vector<16xi32>, vector<16xi32>], vector<16xf32>,
        %add3A_757 = arith.addf %add3A_733, %gather3A_756 : vector<16xf32>
        %mul3A_758 = arith.mulf %gather3A_756, %gather3A_756 : vector<16xf32>
        %add3A_759 = arith.addf %add3A_735, %mul3A_758 : vector<16xf32>
        %broadcast_in_dim3A_760 = arith.constant 43 : i32
        %broadcast_in_dim3A_761 = vector.broadcast %broadcast_in_dim3A_760 : i32 to vector<16xi32>
        %gather3A_762 = tpu.vector_load_idx %arg13[%add3A_487, %broadcast_in_dim3A_761] : memref<256x64xf32, #tpu.memory_space<vmem>>[vector<16xi32>, vector<16xi32>], vector<16xf32>,
        %add3A_763 = arith.addf %add3A_739, %gather3A_762 : vector<16xf32>
        %mul3A_764 = arith.mulf %gather3A_762, %gather3A_762 : vector<16xf32>
        %add3A_765 = arith.addf %add3A_741, %mul3A_764 : vector<16xf32>
        %broadcast_in_dim3A_766 = arith.constant 44 : i32
        %broadcast_in_dim3A_767 = vector.broadcast %broadcast_in_dim3A_766 : i32 to vector<16xi32>
        %gather3A_768 = tpu.vector_load_idx %arg13[%add3A_487, %broadcast_in_dim3A_767] : memref<256x64xf32, #tpu.memory_space<vmem>>[vector<16xi32>, vector<16xi32>], vector<16xf32>,
        %add3A_769 = arith.addf %add3A_745, %gather3A_768 : vector<16xf32>
        %mul3A_770 = arith.mulf %gather3A_768, %gather3A_768 : vector<16xf32>
        %add3A_771 = arith.addf %add3A_747, %mul3A_770 : vector<16xf32>
        %broadcast_in_dim3A_772 = arith.constant 45 : i32
        %broadcast_in_dim3A_773 = vector.broadcast %broadcast_in_dim3A_772 : i32 to vector<16xi32>
        %gather3A_774 = tpu.vector_load_idx %arg13[%add3A_487, %broadcast_in_dim3A_773] : memref<256x64xf32, #tpu.memory_space<vmem>>[vector<16xi32>, vector<16xi32>], vector<16xf32>,
        %add3A_775 = arith.addf %add3A_751, %gather3A_774 : vector<16xf32>
        %mul3A_776 = arith.mulf %gather3A_774, %gather3A_774 : vector<16xf32>
        %add3A_777 = arith.addf %add3A_753, %mul3A_776 : vector<16xf32>
        %broadcast_in_dim3A_778 = arith.constant 46 : i32
        %broadcast_in_dim3A_779 = vector.broadcast %broadcast_in_dim3A_778 : i32 to vector<16xi32>
        %gather3A_780 = tpu.vector_load_idx %arg13[%add3A_487, %broadcast_in_dim3A_779] : memref<256x64xf32, #tpu.memory_space<vmem>>[vector<16xi32>, vector<16xi32>], vector<16xf32>,
        %add3A_781 = arith.addf %add3A_757, %gather3A_780 : vector<16xf32>
        %mul3A_782 = arith.mulf %gather3A_780, %gather3A_780 : vector<16xf32>
        %add3A_783 = arith.addf %add3A_759, %mul3A_782 : vector<16xf32>
        %broadcast_in_dim3A_784 = arith.constant 47 : i32
        %broadcast_in_dim3A_785 = vector.broadcast %broadcast_in_dim3A_784 : i32 to vector<16xi32>
        %gather3A_786 = tpu.vector_load_idx %arg13[%add3A_487, %broadcast_in_dim3A_785] : memref<256x64xf32, #tpu.memory_space<vmem>>[vector<16xi32>, vector<16xi32>], vector<16xf32>,
        %add3A_787 = arith.addf %add3A_763, %gather3A_786 : vector<16xf32>
        %mul3A_788 = arith.mulf %gather3A_786, %gather3A_786 : vector<16xf32>
        %add3A_789 = arith.addf %add3A_765, %mul3A_788 : vector<16xf32>
        %broadcast_in_dim3A_790 = arith.constant 48 : i32
        %broadcast_in_dim3A_791 = vector.broadcast %broadcast_in_dim3A_790 : i32 to vector<16xi32>
        %gather3A_792 = tpu.vector_load_idx %arg13[%add3A_487, %broadcast_in_dim3A_791] : memref<256x64xf32, #tpu.memory_space<vmem>>[vector<16xi32>, vector<16xi32>], vector<16xf32>,
        %add3A_793 = arith.addf %add3A_769, %gather3A_792 : vector<16xf32>
        %mul3A_794 = arith.mulf %gather3A_792, %gather3A_792 : vector<16xf32>
        %add3A_795 = arith.addf %add3A_771, %mul3A_794 : vector<16xf32>
        %broadcast_in_dim3A_796 = arith.constant 49 : i32
        %broadcast_in_dim3A_797 = vector.broadcast %broadcast_in_dim3A_796 : i32 to vector<16xi32>
        %gather3A_798 = tpu.vector_load_idx %arg13[%add3A_487, %broadcast_in_dim3A_797] : memref<256x64xf32, #tpu.memory_space<vmem>>[vector<16xi32>, vector<16xi32>], vector<16xf32>,
        %add3A_799 = arith.addf %add3A_775, %gather3A_798 : vector<16xf32>
        %mul3A_800 = arith.mulf %gather3A_798, %gather3A_798 : vector<16xf32>
        %add3A_801 = arith.addf %add3A_777, %mul3A_800 : vector<16xf32>
        %broadcast_in_dim3A_802 = arith.constant 50 : i32
        %broadcast_in_dim3A_803 = vector.broadcast %broadcast_in_dim3A_802 : i32 to vector<16xi32>
        %gather3A_804 = tpu.vector_load_idx %arg13[%add3A_487, %broadcast_in_dim3A_803] : memref<256x64xf32, #tpu.memory_space<vmem>>[vector<16xi32>, vector<16xi32>], vector<16xf32>,
        %add3A_805 = arith.addf %add3A_781, %gather3A_804 : vector<16xf32>
        %mul3A_806 = arith.mulf %gather3A_804, %gather3A_804 : vector<16xf32>
        %add3A_807 = arith.addf %add3A_783, %mul3A_806 : vector<16xf32>
        %broadcast_in_dim3A_808 = arith.constant 51 : i32
        %broadcast_in_dim3A_809 = vector.broadcast %broadcast_in_dim3A_808 : i32 to vector<16xi32>
        %gather3A_810 = tpu.vector_load_idx %arg13[%add3A_487, %broadcast_in_dim3A_809] : memref<256x64xf32, #tpu.memory_space<vmem>>[vector<16xi32>, vector<16xi32>], vector<16xf32>,
        %add3A_811 = arith.addf %add3A_787, %gather3A_810 : vector<16xf32>
        %mul3A_812 = arith.mulf %gather3A_810, %gather3A_810 : vector<16xf32>
        %add3A_813 = arith.addf %add3A_789, %mul3A_812 : vector<16xf32>
        %broadcast_in_dim3A_814 = arith.constant 52 : i32
        %broadcast_in_dim3A_815 = vector.broadcast %broadcast_in_dim3A_814 : i32 to vector<16xi32>
        %gather3A_816 = tpu.vector_load_idx %arg13[%add3A_487, %broadcast_in_dim3A_815] : memref<256x64xf32, #tpu.memory_space<vmem>>[vector<16xi32>, vector<16xi32>], vector<16xf32>,
        %add3A_817 = arith.addf %add3A_793, %gather3A_816 : vector<16xf32>
        %mul3A_818 = arith.mulf %gather3A_816, %gather3A_816 : vector<16xf32>
        %add3A_819 = arith.addf %add3A_795, %mul3A_818 : vector<16xf32>
        %broadcast_in_dim3A_820 = arith.constant 53 : i32
        %broadcast_in_dim3A_821 = vector.broadcast %broadcast_in_dim3A_820 : i32 to vector<16xi32>
        %gather3A_822 = tpu.vector_load_idx %arg13[%add3A_487, %broadcast_in_dim3A_821] : memref<256x64xf32, #tpu.memory_space<vmem>>[vector<16xi32>, vector<16xi32>], vector<16xf32>,
        %add3A_823 = arith.addf %add3A_799, %gather3A_822 : vector<16xf32>
        %mul3A_824 = arith.mulf %gather3A_822, %gather3A_822 : vector<16xf32>
        %add3A_825 = arith.addf %add3A_801, %mul3A_824 : vector<16xf32>
        %broadcast_in_dim3A_826 = arith.constant 54 : i32
        %broadcast_in_dim3A_827 = vector.broadcast %broadcast_in_dim3A_826 : i32 to vector<16xi32>
        %gather3A_828 = tpu.vector_load_idx %arg13[%add3A_487, %broadcast_in_dim3A_827] : memref<256x64xf32, #tpu.memory_space<vmem>>[vector<16xi32>, vector<16xi32>], vector<16xf32>,
        %add3A_829 = arith.addf %add3A_805, %gather3A_828 : vector<16xf32>
        %mul3A_830 = arith.mulf %gather3A_828, %gather3A_828 : vector<16xf32>
        %add3A_831 = arith.addf %add3A_807, %mul3A_830 : vector<16xf32>
        %broadcast_in_dim3A_832 = arith.constant 55 : i32
        %broadcast_in_dim3A_833 = vector.broadcast %broadcast_in_dim3A_832 : i32 to vector<16xi32>
        %gather3A_834 = tpu.vector_load_idx %arg13[%add3A_487, %broadcast_in_dim3A_833] : memref<256x64xf32, #tpu.memory_space<vmem>>[vector<16xi32>, vector<16xi32>], vector<16xf32>,
        %add3A_835 = arith.addf %add3A_811, %gather3A_834 : vector<16xf32>
        %mul3A_836 = arith.mulf %gather3A_834, %gather3A_834 : vector<16xf32>
        %add3A_837 = arith.addf %add3A_813, %mul3A_836 : vector<16xf32>
        %broadcast_in_dim3A_838 = arith.constant 56 : i32
        %broadcast_in_dim3A_839 = vector.broadcast %broadcast_in_dim3A_838 : i32 to vector<16xi32>
        %gather3A_840 = tpu.vector_load_idx %arg13[%add3A_487, %broadcast_in_dim3A_839] : memref<256x64xf32, #tpu.memory_space<vmem>>[vector<16xi32>, vector<16xi32>], vector<16xf32>,
        %add3A_841 = arith.addf %add3A_817, %gather3A_840 : vector<16xf32>
        %mul3A_842 = arith.mulf %gather3A_840, %gather3A_840 : vector<16xf32>
        %add3A_843 = arith.addf %add3A_819, %mul3A_842 : vector<16xf32>
        %broadcast_in_dim3A_844 = arith.constant 57 : i32
        %broadcast_in_dim3A_845 = vector.broadcast %broadcast_in_dim3A_844 : i32 to vector<16xi32>
        %gather3A_846 = tpu.vector_load_idx %arg13[%add3A_487, %broadcast_in_dim3A_845] : memref<256x64xf32, #tpu.memory_space<vmem>>[vector<16xi32>, vector<16xi32>], vector<16xf32>,
        %add3A_847 = arith.addf %add3A_823, %gather3A_846 : vector<16xf32>
        %mul3A_848 = arith.mulf %gather3A_846, %gather3A_846 : vector<16xf32>
        %add3A_849 = arith.addf %add3A_825, %mul3A_848 : vector<16xf32>
        %broadcast_in_dim3A_850 = arith.constant 58 : i32
        %broadcast_in_dim3A_851 = vector.broadcast %broadcast_in_dim3A_850 : i32 to vector<16xi32>
        %gather3A_852 = tpu.vector_load_idx %arg13[%add3A_487, %broadcast_in_dim3A_851] : memref<256x64xf32, #tpu.memory_space<vmem>>[vector<16xi32>, vector<16xi32>], vector<16xf32>,
        %add3A_853 = arith.addf %add3A_829, %gather3A_852 : vector<16xf32>
        %mul3A_854 = arith.mulf %gather3A_852, %gather3A_852 : vector<16xf32>
        %add3A_855 = arith.addf %add3A_831, %mul3A_854 : vector<16xf32>
        %broadcast_in_dim3A_856 = arith.constant 59 : i32
        %broadcast_in_dim3A_857 = vector.broadcast %broadcast_in_dim3A_856 : i32 to vector<16xi32>
        %gather3A_858 = tpu.vector_load_idx %arg13[%add3A_487, %broadcast_in_dim3A_857] : memref<256x64xf32, #tpu.memory_space<vmem>>[vector<16xi32>, vector<16xi32>], vector<16xf32>,
        %add3A_859 = arith.addf %add3A_835, %gather3A_858 : vector<16xf32>
        %mul3A_860 = arith.mulf %gather3A_858, %gather3A_858 : vector<16xf32>
        %add3A_861 = arith.addf %add3A_837, %mul3A_860 : vector<16xf32>
        %broadcast_in_dim3A_862 = arith.constant 60 : i32
        %broadcast_in_dim3A_863 = vector.broadcast %broadcast_in_dim3A_862 : i32 to vector<16xi32>
        %gather3A_864 = tpu.vector_load_idx %arg13[%add3A_487, %broadcast_in_dim3A_863] : memref<256x64xf32, #tpu.memory_space<vmem>>[vector<16xi32>, vector<16xi32>], vector<16xf32>,
        %add3A_865 = arith.addf %add3A_841, %gather3A_864 : vector<16xf32>
        %mul3A_866 = arith.mulf %gather3A_864, %gather3A_864 : vector<16xf32>
        %add3A_867 = arith.addf %add3A_843, %mul3A_866 : vector<16xf32>
        %broadcast_in_dim3A_868 = arith.constant 61 : i32
        %broadcast_in_dim3A_869 = vector.broadcast %broadcast_in_dim3A_868 : i32 to vector<16xi32>
        %gather3A_870 = tpu.vector_load_idx %arg13[%add3A_487, %broadcast_in_dim3A_869] : memref<256x64xf32, #tpu.memory_space<vmem>>[vector<16xi32>, vector<16xi32>], vector<16xf32>,
        %add3A_871 = arith.addf %add3A_847, %gather3A_870 : vector<16xf32>
        %mul3A_872 = arith.mulf %gather3A_870, %gather3A_870 : vector<16xf32>
        %add3A_873 = arith.addf %add3A_849, %mul3A_872 : vector<16xf32>
        %broadcast_in_dim3A_874 = arith.constant 62 : i32
        %broadcast_in_dim3A_875 = vector.broadcast %broadcast_in_dim3A_874 : i32 to vector<16xi32>
        %gather3A_876 = tpu.vector_load_idx %arg13[%add3A_487, %broadcast_in_dim3A_875] : memref<256x64xf32, #tpu.memory_space<vmem>>[vector<16xi32>, vector<16xi32>], vector<16xf32>,
        %add3A_877 = arith.addf %add3A_853, %gather3A_876 : vector<16xf32>
        %mul3A_878 = arith.mulf %gather3A_876, %gather3A_876 : vector<16xf32>
        %add3A_879 = arith.addf %add3A_855, %mul3A_878 : vector<16xf32>
        %broadcast_in_dim3A_880 = arith.constant 63 : i32
        %broadcast_in_dim3A_881 = vector.broadcast %broadcast_in_dim3A_880 : i32 to vector<16xi32>
        %gather3A_882 = tpu.vector_load_idx %arg13[%add3A_487, %broadcast_in_dim3A_881] : memref<256x64xf32, #tpu.memory_space<vmem>>[vector<16xi32>, vector<16xi32>], vector<16xf32>,
        %add3A_883 = arith.addf %add3A_859, %gather3A_882 : vector<16xf32>
        %mul3A_884 = arith.mulf %gather3A_882, %gather3A_882 : vector<16xf32>
        %add3A_885 = arith.addf %add3A_861, %mul3A_884 : vector<16xf32>
        %add3A_886 = arith.addf %add3A_865, %add3A_871 : vector<16xf32>
        %add3A_887 = arith.addf %add3A_877, %add3A_883 : vector<16xf32>
        %add3A_888 = arith.addf %add3A_886, %add3A_887 : vector<16xf32>
        %add3A_889 = arith.addf %add3A_867, %add3A_873 : vector<16xf32>
        %add3A_890 = arith.addf %add3A_879, %add3A_885 : vector<16xf32>
        %add3A_891 = arith.addf %add3A_889, %add3A_890 : vector<16xf32>
        %mul3A_892 = arith.constant 1.562500e-02 : f32
        %mul3A_893 = vector.broadcast %mul3A_892 : f32 to vector<16xf32>
        %mul3A_894 = arith.mulf %add3A_888, %mul3A_893 : vector<16xf32>
        %mul3A_895 = arith.constant 1.562500e-02 : f32
        %mul3A_896 = vector.broadcast %mul3A_895 : f32 to vector<16xf32>
        %mul3A_897 = arith.mulf %add3A_891, %mul3A_896 : vector<16xf32>
        %mul3A_898 = arith.mulf %mul3A_894, %mul3A_894 : vector<16xf32>
        %sub3A_899 = arith.subf %mul3A_897, %mul3A_898 : vector<16xf32>
        %mul3A_900 = arith.constant 800 : i32
        %mul3A_901 = arith.muli %scan3A_483, %mul3A_900 : i32
        %add3A_902 = arith.addi %add3A_444, %mul3A_901 : i32
        %add3A_903 = vector.broadcast %add3A_902 : i32 to vector<16xi32>
        %add3A_904 = arith.addi %mul3A_6, %add3A_903 : vector<16xi32>
        %gather3A_905 = tpu.vector_load_idx %arg9[%add3A_904] : memref<25600xf32, #tpu.memory_space<vmem>>[vector<16xi32>], vector<16xf32>,
        %mul3A_906 = arith.mulf %gather3A_905, %gather3A_905 : vector<16xf32>
        %mul3A_907 = arith.mulf %mul3A_906, %sub3A_899 : vector<16xf32>
        %add3A_908 = arith.constant 9.99999974E-6 : f32
        %add3A_909 = vector.broadcast %add3A_908 : f32 to vector<16xf32>
        %add3A_910 = arith.addf %mul3A_907, %add3A_909 : vector<16xf32>
        %max3A = arith.constant 1.000000e-30 : f32
        %max3A_911 = vector.broadcast %max3A : f32 to vector<16xf32>
        %max3A_912 = arith.maximumf %add3A_910, %max3A_911 : vector<16xf32>
        %bitcast3A = vector.bitcast %max3A_912 : vector<16xf32> to vector<16xi32>
        %shift_right_arithmetic3A = arith.constant 1 : i32
        %shift_right_arithmetic3A_913 = vector.broadcast %shift_right_arithmetic3A : i32 to vector<16xi32>
        %shift_right_arithmetic3A_914 = arith.shrsi %bitcast3A, %shift_right_arithmetic3A_913 : vector<16xi32>
        %sub3A_915 = arith.constant 1597463007 : i32
        %sub3A_916 = vector.broadcast %sub3A_915 : i32 to vector<16xi32>
        %sub3A_917 = arith.subi %sub3A_916, %shift_right_arithmetic3A_914 : vector<16xi32>
        %bitcast3A_918 = vector.bitcast %sub3A_917 : vector<16xi32> to vector<16xf32>
        %mul3A_919 = arith.constant 5.000000e-01 : f32
        %mul3A_920 = vector.broadcast %mul3A_919 : f32 to vector<16xf32>
        %mul3A_921 = arith.mulf %mul3A_920, %max3A_912 : vector<16xf32>
        %mul3A_922 = arith.mulf %mul3A_921, %bitcast3A_918 : vector<16xf32>
        %mul3A_923 = arith.mulf %mul3A_922, %bitcast3A_918 : vector<16xf32>
        %sub3A_924 = arith.constant 1.500000e+00 : f32
        %sub3A_925 = vector.broadcast %sub3A_924 : f32 to vector<16xf32>
        %sub3A_926 = arith.subf %sub3A_925, %mul3A_923 : vector<16xf32>
        %mul3A_927 = arith.mulf %bitcast3A_918, %sub3A_926 : vector<16xf32>
        %mul3A_928 = arith.constant 5.000000e-01 : f32
        %mul3A_929 = vector.broadcast %mul3A_928 : f32 to vector<16xf32>
        %mul3A_930 = arith.mulf %mul3A_929, %max3A_912 : vector<16xf32>
        %mul3A_931 = arith.mulf %mul3A_930, %mul3A_927 : vector<16xf32>
        %mul3A_932 = arith.mulf %mul3A_931, %mul3A_927 : vector<16xf32>
        %sub3A_933 = arith.constant 1.500000e+00 : f32
        %sub3A_934 = vector.broadcast %sub3A_933 : f32 to vector<16xf32>
        %sub3A_935 = arith.subf %sub3A_934, %mul3A_932 : vector<16xf32>
        %mul3A_936 = arith.mulf %mul3A_927, %sub3A_935 : vector<16xf32>
        %mul3A_937 = arith.constant 5.000000e-01 : f32
        %mul3A_938 = vector.broadcast %mul3A_937 : f32 to vector<16xf32>
        %mul3A_939 = arith.mulf %mul3A_938, %max3A_912 : vector<16xf32>
        %mul3A_940 = arith.mulf %mul3A_939, %mul3A_936 : vector<16xf32>
        %mul3A_941 = arith.mulf %mul3A_940, %mul3A_936 : vector<16xf32>
        %sub3A_942 = arith.constant 1.500000e+00 : f32
        %sub3A_943 = vector.broadcast %sub3A_942 : f32 to vector<16xf32>
        %sub3A_944 = arith.subf %sub3A_943, %mul3A_941 : vector<16xf32>
        %mul3A_945 = arith.mulf %mul3A_936, %sub3A_944 : vector<16xf32>
        %mul3A_946 = arith.mulf %gather3A_905, %mul3A_945 : vector<16xf32>
        %swap3A = arith.index_cast %mul3A_485 : i32 to index
        %swap3A_947 = tpu.vector_load %arg14[%swap3A] {strides = array<i32>} : memref<256xf32, #tpu.memory_space<vmem>>, vector<16xf32>,
        tpu.vector_store %arg14[%swap3A], %mul3A_946 {strides = array<i32>} : memref<256xf32, #tpu.memory_space<vmem>>, vector<16xf32>,
        %neg3A = arith.constant 0.000000e+00 : f32
        %neg3A_948 = vector.broadcast %neg3A : f32 to vector<16xf32>
        %neg3A_949 = arith.subf %neg3A_948, %mul3A_894 : vector<16xf32>
        %mul3A_950 = arith.mulf %neg3A_949, %mul3A_946 : vector<16xf32>
        %swap3A_951 = arith.index_cast %mul3A_485 : i32 to index
        %swap3A_952 = tpu.vector_load %arg15[%swap3A_951] {strides = array<i32>} : memref<256xf32, #tpu.memory_space<vmem>>, vector<16xf32>,
        tpu.vector_store %arg15[%swap3A_951], %mul3A_950 {strides = array<i32>} : memref<256xf32, #tpu.memory_space<vmem>>, vector<16xf32>,
      }
      %scan3A_455 = arith.constant 16 : i32
      %not3A_456 = arith.constant true
      %not3A_457 = arith.xori %eq3A_87, %not3A_456 : i1
      %convert_element_type3A_458 = arith.extui %not3A_457 : i1 to i32
      %cond3A_459 = arith.constant 0 : i32
      %cond3A_460 = arith.cmpi ne, %convert_element_type3A_458, %cond3A_459 : i32
      scf.if %cond3A_460 {
        %dma_wait3A_483 = arith.constant 0 : i32
        %dma_wait3A_484 = arith.constant 0 : i32
        %dma_wait3A_485 = arith.constant 0 : i32
        %dma_wait3A_486 = tpu.memref_slice %arg7[%select_n3A_385, %dma_wait3A_483, %add3A_449, %dma_wait3A_484, %dma_wait3A_485] : memref<50x8x128x8x128xf32, #tpu.memory_space<hbm>> -> memref<1x8x2x8x128xf32, #tpu.memory_space<hbm>>
        %dma_wait3A_487 = tpu.memref_squeeze %dma_wait3A_486 : memref<1x8x2x8x128xf32, #tpu.memory_space<hbm>> -> memref<8x2x8x128xf32, #tpu.memory_space<hbm>>
        %dma_wait3A_488 = arith.constant 0 : i32
        %dma_wait3A_489 = arith.constant 0 : i32
        %dma_wait3A_490 = arith.constant 0 : i32
        %dma_wait3A_491 = tpu.memref_slice %arg7[%select_n3A_385, %dma_wait3A_488, %add3A_449, %dma_wait3A_489, %dma_wait3A_490] : memref<50x8x128x8x128xf32, #tpu.memory_space<hbm>> -> memref<1x8x2x8x128xf32, #tpu.memory_space<hbm>>
        %dma_wait3A_492 = tpu.memref_squeeze %dma_wait3A_491 : memref<1x8x2x8x128xf32, #tpu.memory_space<hbm>> -> memref<8x2x8x128xf32, #tpu.memory_space<hbm>>
        tpu.wait_dma2 semaphore(%arg23 : memref<!tpu.dma_semaphore, #tpu.memory_space<semaphore_mem>>) src(%arg19 : memref<8x2x8x128xf32, #tpu.memory_space<vmem>>) dst(%dma_wait3A_492 : memref<8x2x8x128xf32, #tpu.memory_space<hbm>>)
      } else {
      }
      %scan3A_461 = arith.constant 0 : i32
      %scan3A_462 = arith.constant 0 : i32
      %scan3A_463 = arith.constant 16 : i32
      %scan3A_464 = arith.addi %scan3A_462, %scan3A_463 : i32
      %scan3A_465 = arith.constant 1 : i32
      scf.for %scan3A_483 = %scan3A_462 to %scan3A_464 step %scan3A_465  : i32 {
        %mul3A_484 = arith.constant 16 : i32
        %mul3A_485 = arith.muli %scan3A_483, %mul3A_484 : i32
        %add3A_486 = vector.broadcast %mul3A_485 : i32 to vector<16xi32>
        %add3A_487 = arith.addi %add3A_486, %iota3A : vector<16xi32>
        %get3A = arith.index_cast %mul3A_485 : i32 to index
        %get3A_488 = tpu.vector_load %arg14[%get3A] {strides = array<i32>} : memref<256xf32, #tpu.memory_space<vmem>>, vector<16xf32>,
        %get3A_489 = arith.index_cast %mul3A_485 : i32 to index
        %get3A_490 = tpu.vector_load %arg15[%get3A_489] {strides = array<i32>} : memref<256xf32, #tpu.memory_space<vmem>>, vector<16xf32>,
        %jit3A_491 = arith.constant 8 : i32
        %div3A_492 = arith.divsi %scan3A_483, %jit3A_491 : i32
        %sign3A_493 = arith.constant 0 : i32
        %sign3A_494 = arith.cmpi sgt, %scan3A_483, %sign3A_493 : i32
        %sign3A_495 = arith.extui %sign3A_494 : i1 to i32
        %sign3A_496 = arith.constant 0 : i32
        %sign3A_497 = arith.cmpi slt, %scan3A_483, %sign3A_496 : i32
        %sign3A_498 = arith.extui %sign3A_497 : i1 to i32
        %sign3A_499 = arith.subi %sign3A_495, %sign3A_498 : i32
        %sign3A_500 = arith.constant 0 : i32
        %sign3A_501 = arith.cmpi sgt, %jit3A_491, %sign3A_500 : i32
        %sign3A_502 = arith.extui %sign3A_501 : i1 to i32
        %sign3A_503 = arith.constant 0 : i32
        %sign3A_504 = arith.cmpi slt, %jit3A_491, %sign3A_503 : i32
        %sign3A_505 = arith.extui %sign3A_504 : i1 to i32
        %sign3A_506 = arith.subi %sign3A_502, %sign3A_505 : i32
        %ne3A_507 = arith.cmpi ne, %sign3A_499, %sign3A_506 : i32
        %rem3A_508 = arith.remsi %scan3A_483, %jit3A_491 : i32
        %ne3A_509 = arith.constant 0 : i32
        %ne3A_510 = arith.cmpi ne, %rem3A_508, %ne3A_509 : i32
        %and3A_511 = arith.andi %ne3A_507, %ne3A_510 : i1
        %sub3A_512 = arith.constant 1 : i32
        %sub3A_513 = arith.subi %div3A_492, %sub3A_512 : i32
        %select_n3A_514 = arith.select %and3A_511, %sub3A_513, %div3A_492 : i32
        %jit3A_515 = arith.constant 8 : i32
        %eq3A_516 = arith.constant 0 : i32
        %eq3A_517 = arith.cmpi eq, %jit3A_515, %eq3A_516 : i32
        %jit3A_518 = arith.constant 1 : i32
        %select_n3A_519 = arith.select %eq3A_517, %jit3A_518, %jit3A_515 : i32
        %rem3A_520 = arith.remsi %scan3A_483, %select_n3A_519 : i32
        %ne3A_521 = arith.constant 0 : i32
        %ne3A_522 = arith.cmpi ne, %rem3A_520, %ne3A_521 : i32
        %lt3A_523 = arith.constant 0 : i32
        %lt3A_524 = arith.cmpi slt, %rem3A_520, %lt3A_523 : i32
        %lt3A_525 = arith.constant 0 : i32
        %lt3A_526 = arith.cmpi slt, %select_n3A_519, %lt3A_525 : i32
        %ne3A_527 = arith.xori %lt3A_524, %lt3A_526 : i1
        %and3A_528 = arith.andi %ne3A_527, %ne3A_522 : i1
        %add3A_529 = arith.addi %rem3A_520, %select_n3A_519 : i32
        %select_n3A_530 = arith.select %and3A_528, %add3A_529, %rem3A_520 : i32
        %mul3A_531 = arith.constant 16 : i32
        %mul3A_532 = arith.muli %select_n3A_530, %mul3A_531 : i32
        %broadcast_in_dim3A = arith.constant 0 : i32
        %broadcast_in_dim3A_533 = vector.broadcast %broadcast_in_dim3A : i32 to vector<16xi32>
        %gather3A = tpu.vector_load_idx %arg13[%add3A_487, %broadcast_in_dim3A_533] : memref<256x64xf32, #tpu.memory_space<vmem>>[vector<16xi32>, vector<16xi32>], vector<16xf32>,
        %broadcast_in_dim3A_534 = arith.constant 1 : i32
        %broadcast_in_dim3A_535 = vector.broadcast %broadcast_in_dim3A_534 : i32 to vector<16xi32>
        %gather3A_536 = tpu.vector_load_idx %arg13[%add3A_487, %broadcast_in_dim3A_535] : memref<256x64xf32, #tpu.memory_space<vmem>>[vector<16xi32>, vector<16xi32>], vector<16xf32>,
        %broadcast_in_dim3A_537 = arith.constant 2 : i32
        %broadcast_in_dim3A_538 = vector.broadcast %broadcast_in_dim3A_537 : i32 to vector<16xi32>
        %gather3A_539 = tpu.vector_load_idx %arg13[%add3A_487, %broadcast_in_dim3A_538] : memref<256x64xf32, #tpu.memory_space<vmem>>[vector<16xi32>, vector<16xi32>], vector<16xf32>,
        %broadcast_in_dim3A_540 = arith.constant 3 : i32
        %broadcast_in_dim3A_541 = vector.broadcast %broadcast_in_dim3A_540 : i32 to vector<16xi32>
        %gather3A_542 = tpu.vector_load_idx %arg13[%add3A_487, %broadcast_in_dim3A_541] : memref<256x64xf32, #tpu.memory_space<vmem>>[vector<16xi32>, vector<16xi32>], vector<16xf32>,
        %broadcast_in_dim3A_543 = arith.constant 4 : i32
        %broadcast_in_dim3A_544 = vector.broadcast %broadcast_in_dim3A_543 : i32 to vector<16xi32>
        %gather3A_545 = tpu.vector_load_idx %arg13[%add3A_487, %broadcast_in_dim3A_544] : memref<256x64xf32, #tpu.memory_space<vmem>>[vector<16xi32>, vector<16xi32>], vector<16xf32>,
        %broadcast_in_dim3A_546 = arith.constant 5 : i32
        %broadcast_in_dim3A_547 = vector.broadcast %broadcast_in_dim3A_546 : i32 to vector<16xi32>
        %gather3A_548 = tpu.vector_load_idx %arg13[%add3A_487, %broadcast_in_dim3A_547] : memref<256x64xf32, #tpu.memory_space<vmem>>[vector<16xi32>, vector<16xi32>], vector<16xf32>,
        %broadcast_in_dim3A_549 = arith.constant 6 : i32
        %broadcast_in_dim3A_550 = vector.broadcast %broadcast_in_dim3A_549 : i32 to vector<16xi32>
        %gather3A_551 = tpu.vector_load_idx %arg13[%add3A_487, %broadcast_in_dim3A_550] : memref<256x64xf32, #tpu.memory_space<vmem>>[vector<16xi32>, vector<16xi32>], vector<16xf32>,
        %broadcast_in_dim3A_552 = arith.constant 7 : i32
        %broadcast_in_dim3A_553 = vector.broadcast %broadcast_in_dim3A_552 : i32 to vector<16xi32>
        %gather3A_554 = tpu.vector_load_idx %arg13[%add3A_487, %broadcast_in_dim3A_553] : memref<256x64xf32, #tpu.memory_space<vmem>>[vector<16xi32>, vector<16xi32>], vector<16xf32>,
        %mul3A_555 = arith.mulf %gather3A, %get3A_488 : vector<16xf32>
        %add3A_556 = arith.addf %mul3A_555, %get3A_490 : vector<16xf32>
        %mul3A_557 = arith.mulf %gather3A_536, %get3A_488 : vector<16xf32>
        %add3A_558 = arith.addf %mul3A_557, %get3A_490 : vector<16xf32>
        %mul3A_559 = arith.mulf %gather3A_539, %get3A_488 : vector<16xf32>
        %add3A_560 = arith.addf %mul3A_559, %get3A_490 : vector<16xf32>
        %mul3A_561 = arith.mulf %gather3A_542, %get3A_488 : vector<16xf32>
        %add3A_562 = arith.addf %mul3A_561, %get3A_490 : vector<16xf32>
        %mul3A_563 = arith.mulf %gather3A_545, %get3A_488 : vector<16xf32>
        %add3A_564 = arith.addf %mul3A_563, %get3A_490 : vector<16xf32>
        %mul3A_565 = arith.mulf %gather3A_548, %get3A_488 : vector<16xf32>
        %add3A_566 = arith.addf %mul3A_565, %get3A_490 : vector<16xf32>
        %mul3A_567 = arith.mulf %gather3A_551, %get3A_488 : vector<16xf32>
        %add3A_568 = arith.addf %mul3A_567, %get3A_490 : vector<16xf32>
        %mul3A_569 = arith.mulf %gather3A_554, %get3A_488 : vector<16xf32>
        %add3A_570 = arith.addf %mul3A_569, %get3A_490 : vector<16xf32>
        %swap3A = arith.constant 0 : i32
        %swap3A_571 = arith.constant 0 : i32
        %swap3A_572 = arith.index_cast %swap3A : i32 to index
        %swap3A_573 = arith.index_cast %select_n3A_514 : i32 to index
        %swap3A_574 = arith.index_cast %swap3A_571 : i32 to index
        %swap3A_575 = arith.index_cast %mul3A_532 : i32 to index
        %swap3A_576 = tpu.vector_load %arg19[%swap3A_572, %swap3A_573, %swap3A_574, %swap3A_575] {strides = array<i32>} : memref<8x2x8x128xf32, #tpu.memory_space<vmem>>, vector<16xf32>,
        tpu.vector_store %arg19[%swap3A_572, %swap3A_573, %swap3A_574, %swap3A_575], %add3A_556 {strides = array<i32>} : memref<8x2x8x128xf32, #tpu.memory_space<vmem>>, vector<16xf32>,
        %swap3A_577 = arith.constant 0 : i32
        %swap3A_578 = arith.constant 1 : i32
        %swap3A_579 = arith.index_cast %swap3A_577 : i32 to index
        %swap3A_580 = arith.index_cast %select_n3A_514 : i32 to index
        %swap3A_581 = arith.index_cast %swap3A_578 : i32 to index
        %swap3A_582 = arith.index_cast %mul3A_532 : i32 to index
        %swap3A_583 = tpu.vector_load %arg19[%swap3A_579, %swap3A_580, %swap3A_581, %swap3A_582] {strides = array<i32>} : memref<8x2x8x128xf32, #tpu.memory_space<vmem>>, vector<16xf32>,
        tpu.vector_store %arg19[%swap3A_579, %swap3A_580, %swap3A_581, %swap3A_582], %add3A_558 {strides = array<i32>} : memref<8x2x8x128xf32, #tpu.memory_space<vmem>>, vector<16xf32>,
        %swap3A_584 = arith.constant 0 : i32
        %swap3A_585 = arith.constant 2 : i32
        %swap3A_586 = arith.index_cast %swap3A_584 : i32 to index
        %swap3A_587 = arith.index_cast %select_n3A_514 : i32 to index
        %swap3A_588 = arith.index_cast %swap3A_585 : i32 to index
        %swap3A_589 = arith.index_cast %mul3A_532 : i32 to index
        %swap3A_590 = tpu.vector_load %arg19[%swap3A_586, %swap3A_587, %swap3A_588, %swap3A_589] {strides = array<i32>} : memref<8x2x8x128xf32, #tpu.memory_space<vmem>>, vector<16xf32>,
        tpu.vector_store %arg19[%swap3A_586, %swap3A_587, %swap3A_588, %swap3A_589], %add3A_560 {strides = array<i32>} : memref<8x2x8x128xf32, #tpu.memory_space<vmem>>, vector<16xf32>,
        %swap3A_591 = arith.constant 0 : i32
        %swap3A_592 = arith.constant 3 : i32
        %swap3A_593 = arith.index_cast %swap3A_591 : i32 to index
        %swap3A_594 = arith.index_cast %select_n3A_514 : i32 to index
        %swap3A_595 = arith.index_cast %swap3A_592 : i32 to index
        %swap3A_596 = arith.index_cast %mul3A_532 : i32 to index
        %swap3A_597 = tpu.vector_load %arg19[%swap3A_593, %swap3A_594, %swap3A_595, %swap3A_596] {strides = array<i32>} : memref<8x2x8x128xf32, #tpu.memory_space<vmem>>, vector<16xf32>,
        tpu.vector_store %arg19[%swap3A_593, %swap3A_594, %swap3A_595, %swap3A_596], %add3A_562 {strides = array<i32>} : memref<8x2x8x128xf32, #tpu.memory_space<vmem>>, vector<16xf32>,
        %swap3A_598 = arith.constant 0 : i32
        %swap3A_599 = arith.constant 4 : i32
        %swap3A_600 = arith.index_cast %swap3A_598 : i32 to index
        %swap3A_601 = arith.index_cast %select_n3A_514 : i32 to index
        %swap3A_602 = arith.index_cast %swap3A_599 : i32 to index
        %swap3A_603 = arith.index_cast %mul3A_532 : i32 to index
        %swap3A_604 = tpu.vector_load %arg19[%swap3A_600, %swap3A_601, %swap3A_602, %swap3A_603] {strides = array<i32>} : memref<8x2x8x128xf32, #tpu.memory_space<vmem>>, vector<16xf32>,
        tpu.vector_store %arg19[%swap3A_600, %swap3A_601, %swap3A_602, %swap3A_603], %add3A_564 {strides = array<i32>} : memref<8x2x8x128xf32, #tpu.memory_space<vmem>>, vector<16xf32>,
        %swap3A_605 = arith.constant 0 : i32
        %swap3A_606 = arith.constant 5 : i32
        %swap3A_607 = arith.index_cast %swap3A_605 : i32 to index
        %swap3A_608 = arith.index_cast %select_n3A_514 : i32 to index
        %swap3A_609 = arith.index_cast %swap3A_606 : i32 to index
        %swap3A_610 = arith.index_cast %mul3A_532 : i32 to index
        %swap3A_611 = tpu.vector_load %arg19[%swap3A_607, %swap3A_608, %swap3A_609, %swap3A_610] {strides = array<i32>} : memref<8x2x8x128xf32, #tpu.memory_space<vmem>>, vector<16xf32>,
        tpu.vector_store %arg19[%swap3A_607, %swap3A_608, %swap3A_609, %swap3A_610], %add3A_566 {strides = array<i32>} : memref<8x2x8x128xf32, #tpu.memory_space<vmem>>, vector<16xf32>,
        %swap3A_612 = arith.constant 0 : i32
        %swap3A_613 = arith.constant 6 : i32
        %swap3A_614 = arith.index_cast %swap3A_612 : i32 to index
        %swap3A_615 = arith.index_cast %select_n3A_514 : i32 to index
        %swap3A_616 = arith.index_cast %swap3A_613 : i32 to index
        %swap3A_617 = arith.index_cast %mul3A_532 : i32 to index
        %swap3A_618 = tpu.vector_load %arg19[%swap3A_614, %swap3A_615, %swap3A_616, %swap3A_617] {strides = array<i32>} : memref<8x2x8x128xf32, #tpu.memory_space<vmem>>, vector<16xf32>,
        tpu.vector_store %arg19[%swap3A_614, %swap3A_615, %swap3A_616, %swap3A_617], %add3A_568 {strides = array<i32>} : memref<8x2x8x128xf32, #tpu.memory_space<vmem>>, vector<16xf32>,
        %swap3A_619 = arith.constant 0 : i32
        %swap3A_620 = arith.constant 7 : i32
        %swap3A_621 = arith.index_cast %swap3A_619 : i32 to index
        %swap3A_622 = arith.index_cast %select_n3A_514 : i32 to index
        %swap3A_623 = arith.index_cast %swap3A_620 : i32 to index
        %swap3A_624 = arith.index_cast %mul3A_532 : i32 to index
        %swap3A_625 = tpu.vector_load %arg19[%swap3A_621, %swap3A_622, %swap3A_623, %swap3A_624] {strides = array<i32>} : memref<8x2x8x128xf32, #tpu.memory_space<vmem>>, vector<16xf32>,
        tpu.vector_store %arg19[%swap3A_621, %swap3A_622, %swap3A_623, %swap3A_624], %add3A_570 {strides = array<i32>} : memref<8x2x8x128xf32, #tpu.memory_space<vmem>>, vector<16xf32>,
        %broadcast_in_dim3A_626 = arith.constant 8 : i32
        %broadcast_in_dim3A_627 = vector.broadcast %broadcast_in_dim3A_626 : i32 to vector<16xi32>
        %gather3A_628 = tpu.vector_load_idx %arg13[%add3A_487, %broadcast_in_dim3A_627] : memref<256x64xf32, #tpu.memory_space<vmem>>[vector<16xi32>, vector<16xi32>], vector<16xf32>,
        %broadcast_in_dim3A_629 = arith.constant 9 : i32
        %broadcast_in_dim3A_630 = vector.broadcast %broadcast_in_dim3A_629 : i32 to vector<16xi32>
        %gather3A_631 = tpu.vector_load_idx %arg13[%add3A_487, %broadcast_in_dim3A_630] : memref<256x64xf32, #tpu.memory_space<vmem>>[vector<16xi32>, vector<16xi32>], vector<16xf32>,
        %broadcast_in_dim3A_632 = arith.constant 10 : i32
        %broadcast_in_dim3A_633 = vector.broadcast %broadcast_in_dim3A_632 : i32 to vector<16xi32>
        %gather3A_634 = tpu.vector_load_idx %arg13[%add3A_487, %broadcast_in_dim3A_633] : memref<256x64xf32, #tpu.memory_space<vmem>>[vector<16xi32>, vector<16xi32>], vector<16xf32>,
        %broadcast_in_dim3A_635 = arith.constant 11 : i32
        %broadcast_in_dim3A_636 = vector.broadcast %broadcast_in_dim3A_635 : i32 to vector<16xi32>
        %gather3A_637 = tpu.vector_load_idx %arg13[%add3A_487, %broadcast_in_dim3A_636] : memref<256x64xf32, #tpu.memory_space<vmem>>[vector<16xi32>, vector<16xi32>], vector<16xf32>,
        %broadcast_in_dim3A_638 = arith.constant 12 : i32
        %broadcast_in_dim3A_639 = vector.broadcast %broadcast_in_dim3A_638 : i32 to vector<16xi32>
        %gather3A_640 = tpu.vector_load_idx %arg13[%add3A_487, %broadcast_in_dim3A_639] : memref<256x64xf32, #tpu.memory_space<vmem>>[vector<16xi32>, vector<16xi32>], vector<16xf32>,
        %broadcast_in_dim3A_641 = arith.constant 13 : i32
        %broadcast_in_dim3A_642 = vector.broadcast %broadcast_in_dim3A_641 : i32 to vector<16xi32>
        %gather3A_643 = tpu.vector_load_idx %arg13[%add3A_487, %broadcast_in_dim3A_642] : memref<256x64xf32, #tpu.memory_space<vmem>>[vector<16xi32>, vector<16xi32>], vector<16xf32>,
        %broadcast_in_dim3A_644 = arith.constant 14 : i32
        %broadcast_in_dim3A_645 = vector.broadcast %broadcast_in_dim3A_644 : i32 to vector<16xi32>
        %gather3A_646 = tpu.vector_load_idx %arg13[%add3A_487, %broadcast_in_dim3A_645] : memref<256x64xf32, #tpu.memory_space<vmem>>[vector<16xi32>, vector<16xi32>], vector<16xf32>,
        %broadcast_in_dim3A_647 = arith.constant 15 : i32
        %broadcast_in_dim3A_648 = vector.broadcast %broadcast_in_dim3A_647 : i32 to vector<16xi32>
        %gather3A_649 = tpu.vector_load_idx %arg13[%add3A_487, %broadcast_in_dim3A_648] : memref<256x64xf32, #tpu.memory_space<vmem>>[vector<16xi32>, vector<16xi32>], vector<16xf32>,
        %mul3A_650 = arith.mulf %gather3A_628, %get3A_488 : vector<16xf32>
        %add3A_651 = arith.addf %mul3A_650, %get3A_490 : vector<16xf32>
        %mul3A_652 = arith.mulf %gather3A_631, %get3A_488 : vector<16xf32>
        %add3A_653 = arith.addf %mul3A_652, %get3A_490 : vector<16xf32>
        %mul3A_654 = arith.mulf %gather3A_634, %get3A_488 : vector<16xf32>
        %add3A_655 = arith.addf %mul3A_654, %get3A_490 : vector<16xf32>
        %mul3A_656 = arith.mulf %gather3A_637, %get3A_488 : vector<16xf32>
        %add3A_657 = arith.addf %mul3A_656, %get3A_490 : vector<16xf32>
        %mul3A_658 = arith.mulf %gather3A_640, %get3A_488 : vector<16xf32>
        %add3A_659 = arith.addf %mul3A_658, %get3A_490 : vector<16xf32>
        %mul3A_660 = arith.mulf %gather3A_643, %get3A_488 : vector<16xf32>
        %add3A_661 = arith.addf %mul3A_660, %get3A_490 : vector<16xf32>
        %mul3A_662 = arith.mulf %gather3A_646, %get3A_488 : vector<16xf32>
        %add3A_663 = arith.addf %mul3A_662, %get3A_490 : vector<16xf32>
        %mul3A_664 = arith.mulf %gather3A_649, %get3A_488 : vector<16xf32>
        %add3A_665 = arith.addf %mul3A_664, %get3A_490 : vector<16xf32>
        %swap3A_666 = arith.constant 1 : i32
        %swap3A_667 = arith.constant 0 : i32
        %swap3A_668 = arith.index_cast %swap3A_666 : i32 to index
        %swap3A_669 = arith.index_cast %select_n3A_514 : i32 to index
        %swap3A_670 = arith.index_cast %swap3A_667 : i32 to index
        %swap3A_671 = arith.index_cast %mul3A_532 : i32 to index
        %swap3A_672 = tpu.vector_load %arg19[%swap3A_668, %swap3A_669, %swap3A_670, %swap3A_671] {strides = array<i32>} : memref<8x2x8x128xf32, #tpu.memory_space<vmem>>, vector<16xf32>,
        tpu.vector_store %arg19[%swap3A_668, %swap3A_669, %swap3A_670, %swap3A_671], %add3A_651 {strides = array<i32>} : memref<8x2x8x128xf32, #tpu.memory_space<vmem>>, vector<16xf32>,
        %swap3A_673 = arith.constant 1 : i32
        %swap3A_674 = arith.constant 1 : i32
        %swap3A_675 = arith.index_cast %swap3A_673 : i32 to index
        %swap3A_676 = arith.index_cast %select_n3A_514 : i32 to index
        %swap3A_677 = arith.index_cast %swap3A_674 : i32 to index
        %swap3A_678 = arith.index_cast %mul3A_532 : i32 to index
        %swap3A_679 = tpu.vector_load %arg19[%swap3A_675, %swap3A_676, %swap3A_677, %swap3A_678] {strides = array<i32>} : memref<8x2x8x128xf32, #tpu.memory_space<vmem>>, vector<16xf32>,
        tpu.vector_store %arg19[%swap3A_675, %swap3A_676, %swap3A_677, %swap3A_678], %add3A_653 {strides = array<i32>} : memref<8x2x8x128xf32, #tpu.memory_space<vmem>>, vector<16xf32>,
        %swap3A_680 = arith.constant 1 : i32
        %swap3A_681 = arith.constant 2 : i32
        %swap3A_682 = arith.index_cast %swap3A_680 : i32 to index
        %swap3A_683 = arith.index_cast %select_n3A_514 : i32 to index
        %swap3A_684 = arith.index_cast %swap3A_681 : i32 to index
        %swap3A_685 = arith.index_cast %mul3A_532 : i32 to index
        %swap3A_686 = tpu.vector_load %arg19[%swap3A_682, %swap3A_683, %swap3A_684, %swap3A_685] {strides = array<i32>} : memref<8x2x8x128xf32, #tpu.memory_space<vmem>>, vector<16xf32>,
        tpu.vector_store %arg19[%swap3A_682, %swap3A_683, %swap3A_684, %swap3A_685], %add3A_655 {strides = array<i32>} : memref<8x2x8x128xf32, #tpu.memory_space<vmem>>, vector<16xf32>,
        %swap3A_687 = arith.constant 1 : i32
        %swap3A_688 = arith.constant 3 : i32
        %swap3A_689 = arith.index_cast %swap3A_687 : i32 to index
        %swap3A_690 = arith.index_cast %select_n3A_514 : i32 to index
        %swap3A_691 = arith.index_cast %swap3A_688 : i32 to index
        %swap3A_692 = arith.index_cast %mul3A_532 : i32 to index
        %swap3A_693 = tpu.vector_load %arg19[%swap3A_689, %swap3A_690, %swap3A_691, %swap3A_692] {strides = array<i32>} : memref<8x2x8x128xf32, #tpu.memory_space<vmem>>, vector<16xf32>,
        tpu.vector_store %arg19[%swap3A_689, %swap3A_690, %swap3A_691, %swap3A_692], %add3A_657 {strides = array<i32>} : memref<8x2x8x128xf32, #tpu.memory_space<vmem>>, vector<16xf32>,
        %swap3A_694 = arith.constant 1 : i32
        %swap3A_695 = arith.constant 4 : i32
        %swap3A_696 = arith.index_cast %swap3A_694 : i32 to index
        %swap3A_697 = arith.index_cast %select_n3A_514 : i32 to index
        %swap3A_698 = arith.index_cast %swap3A_695 : i32 to index
        %swap3A_699 = arith.index_cast %mul3A_532 : i32 to index
        %swap3A_700 = tpu.vector_load %arg19[%swap3A_696, %swap3A_697, %swap3A_698, %swap3A_699] {strides = array<i32>} : memref<8x2x8x128xf32, #tpu.memory_space<vmem>>, vector<16xf32>,
        tpu.vector_store %arg19[%swap3A_696, %swap3A_697, %swap3A_698, %swap3A_699], %add3A_659 {strides = array<i32>} : memref<8x2x8x128xf32, #tpu.memory_space<vmem>>, vector<16xf32>,
        %swap3A_701 = arith.constant 1 : i32
        %swap3A_702 = arith.constant 5 : i32
        %swap3A_703 = arith.index_cast %swap3A_701 : i32 to index
        %swap3A_704 = arith.index_cast %select_n3A_514 : i32 to index
        %swap3A_705 = arith.index_cast %swap3A_702 : i32 to index
        %swap3A_706 = arith.index_cast %mul3A_532 : i32 to index
        %swap3A_707 = tpu.vector_load %arg19[%swap3A_703, %swap3A_704, %swap3A_705, %swap3A_706] {strides = array<i32>} : memref<8x2x8x128xf32, #tpu.memory_space<vmem>>, vector<16xf32>,
        tpu.vector_store %arg19[%swap3A_703, %swap3A_704, %swap3A_705, %swap3A_706], %add3A_661 {strides = array<i32>} : memref<8x2x8x128xf32, #tpu.memory_space<vmem>>, vector<16xf32>,
        %swap3A_708 = arith.constant 1 : i32
        %swap3A_709 = arith.constant 6 : i32
        %swap3A_710 = arith.index_cast %swap3A_708 : i32 to index
        %swap3A_711 = arith.index_cast %select_n3A_514 : i32 to index
        %swap3A_712 = arith.index_cast %swap3A_709 : i32 to index
        %swap3A_713 = arith.index_cast %mul3A_532 : i32 to index
        %swap3A_714 = tpu.vector_load %arg19[%swap3A_710, %swap3A_711, %swap3A_712, %swap3A_713] {strides = array<i32>} : memref<8x2x8x128xf32, #tpu.memory_space<vmem>>, vector<16xf32>,
        tpu.vector_store %arg19[%swap3A_710, %swap3A_711, %swap3A_712, %swap3A_713], %add3A_663 {strides = array<i32>} : memref<8x2x8x128xf32, #tpu.memory_space<vmem>>, vector<16xf32>,
        %swap3A_715 = arith.constant 1 : i32
        %swap3A_716 = arith.constant 7 : i32
        %swap3A_717 = arith.index_cast %swap3A_715 : i32 to index
        %swap3A_718 = arith.index_cast %select_n3A_514 : i32 to index
        %swap3A_719 = arith.index_cast %swap3A_716 : i32 to index
        %swap3A_720 = arith.index_cast %mul3A_532 : i32 to index
        %swap3A_721 = tpu.vector_load %arg19[%swap3A_717, %swap3A_718, %swap3A_719, %swap3A_720] {strides = array<i32>} : memref<8x2x8x128xf32, #tpu.memory_space<vmem>>, vector<16xf32>,
        tpu.vector_store %arg19[%swap3A_717, %swap3A_718, %swap3A_719, %swap3A_720], %add3A_665 {strides = array<i32>} : memref<8x2x8x128xf32, #tpu.memory_space<vmem>>, vector<16xf32>,
        %broadcast_in_dim3A_722 = arith.constant 16 : i32
        %broadcast_in_dim3A_723 = vector.broadcast %broadcast_in_dim3A_722 : i32 to vector<16xi32>
        %gather3A_724 = tpu.vector_load_idx %arg13[%add3A_487, %broadcast_in_dim3A_723] : memref<256x64xf32, #tpu.memory_space<vmem>>[vector<16xi32>, vector<16xi32>], vector<16xf32>,
        %broadcast_in_dim3A_725 = arith.constant 17 : i32
        %broadcast_in_dim3A_726 = vector.broadcast %broadcast_in_dim3A_725 : i32 to vector<16xi32>
        %gather3A_727 = tpu.vector_load_idx %arg13[%add3A_487, %broadcast_in_dim3A_726] : memref<256x64xf32, #tpu.memory_space<vmem>>[vector<16xi32>, vector<16xi32>], vector<16xf32>,
        %broadcast_in_dim3A_728 = arith.constant 18 : i32
        %broadcast_in_dim3A_729 = vector.broadcast %broadcast_in_dim3A_728 : i32 to vector<16xi32>
        %gather3A_730 = tpu.vector_load_idx %arg13[%add3A_487, %broadcast_in_dim3A_729] : memref<256x64xf32, #tpu.memory_space<vmem>>[vector<16xi32>, vector<16xi32>], vector<16xf32>,
        %broadcast_in_dim3A_731 = arith.constant 19 : i32
        %broadcast_in_dim3A_732 = vector.broadcast %broadcast_in_dim3A_731 : i32 to vector<16xi32>
        %gather3A_733 = tpu.vector_load_idx %arg13[%add3A_487, %broadcast_in_dim3A_732] : memref<256x64xf32, #tpu.memory_space<vmem>>[vector<16xi32>, vector<16xi32>], vector<16xf32>,
        %broadcast_in_dim3A_734 = arith.constant 20 : i32
        %broadcast_in_dim3A_735 = vector.broadcast %broadcast_in_dim3A_734 : i32 to vector<16xi32>
        %gather3A_736 = tpu.vector_load_idx %arg13[%add3A_487, %broadcast_in_dim3A_735] : memref<256x64xf32, #tpu.memory_space<vmem>>[vector<16xi32>, vector<16xi32>], vector<16xf32>,
        %broadcast_in_dim3A_737 = arith.constant 21 : i32
        %broadcast_in_dim3A_738 = vector.broadcast %broadcast_in_dim3A_737 : i32 to vector<16xi32>
        %gather3A_739 = tpu.vector_load_idx %arg13[%add3A_487, %broadcast_in_dim3A_738] : memref<256x64xf32, #tpu.memory_space<vmem>>[vector<16xi32>, vector<16xi32>], vector<16xf32>,
        %broadcast_in_dim3A_740 = arith.constant 22 : i32
        %broadcast_in_dim3A_741 = vector.broadcast %broadcast_in_dim3A_740 : i32 to vector<16xi32>
        %gather3A_742 = tpu.vector_load_idx %arg13[%add3A_487, %broadcast_in_dim3A_741] : memref<256x64xf32, #tpu.memory_space<vmem>>[vector<16xi32>, vector<16xi32>], vector<16xf32>,
        %broadcast_in_dim3A_743 = arith.constant 23 : i32
        %broadcast_in_dim3A_744 = vector.broadcast %broadcast_in_dim3A_743 : i32 to vector<16xi32>
        %gather3A_745 = tpu.vector_load_idx %arg13[%add3A_487, %broadcast_in_dim3A_744] : memref<256x64xf32, #tpu.memory_space<vmem>>[vector<16xi32>, vector<16xi32>], vector<16xf32>,
        %mul3A_746 = arith.mulf %gather3A_724, %get3A_488 : vector<16xf32>
        %add3A_747 = arith.addf %mul3A_746, %get3A_490 : vector<16xf32>
        %mul3A_748 = arith.mulf %gather3A_727, %get3A_488 : vector<16xf32>
        %add3A_749 = arith.addf %mul3A_748, %get3A_490 : vector<16xf32>
        %mul3A_750 = arith.mulf %gather3A_730, %get3A_488 : vector<16xf32>
        %add3A_751 = arith.addf %mul3A_750, %get3A_490 : vector<16xf32>
        %mul3A_752 = arith.mulf %gather3A_733, %get3A_488 : vector<16xf32>
        %add3A_753 = arith.addf %mul3A_752, %get3A_490 : vector<16xf32>
        %mul3A_754 = arith.mulf %gather3A_736, %get3A_488 : vector<16xf32>
        %add3A_755 = arith.addf %mul3A_754, %get3A_490 : vector<16xf32>
        %mul3A_756 = arith.mulf %gather3A_739, %get3A_488 : vector<16xf32>
        %add3A_757 = arith.addf %mul3A_756, %get3A_490 : vector<16xf32>
        %mul3A_758 = arith.mulf %gather3A_742, %get3A_488 : vector<16xf32>
        %add3A_759 = arith.addf %mul3A_758, %get3A_490 : vector<16xf32>
        %mul3A_760 = arith.mulf %gather3A_745, %get3A_488 : vector<16xf32>
        %add3A_761 = arith.addf %mul3A_760, %get3A_490 : vector<16xf32>
        %swap3A_762 = arith.constant 2 : i32
        %swap3A_763 = arith.constant 0 : i32
        %swap3A_764 = arith.index_cast %swap3A_762 : i32 to index
        %swap3A_765 = arith.index_cast %select_n3A_514 : i32 to index
        %swap3A_766 = arith.index_cast %swap3A_763 : i32 to index
        %swap3A_767 = arith.index_cast %mul3A_532 : i32 to index
        %swap3A_768 = tpu.vector_load %arg19[%swap3A_764, %swap3A_765, %swap3A_766, %swap3A_767] {strides = array<i32>} : memref<8x2x8x128xf32, #tpu.memory_space<vmem>>, vector<16xf32>,
        tpu.vector_store %arg19[%swap3A_764, %swap3A_765, %swap3A_766, %swap3A_767], %add3A_747 {strides = array<i32>} : memref<8x2x8x128xf32, #tpu.memory_space<vmem>>, vector<16xf32>,
        %swap3A_769 = arith.constant 2 : i32
        %swap3A_770 = arith.constant 1 : i32
        %swap3A_771 = arith.index_cast %swap3A_769 : i32 to index
        %swap3A_772 = arith.index_cast %select_n3A_514 : i32 to index
        %swap3A_773 = arith.index_cast %swap3A_770 : i32 to index
        %swap3A_774 = arith.index_cast %mul3A_532 : i32 to index
        %swap3A_775 = tpu.vector_load %arg19[%swap3A_771, %swap3A_772, %swap3A_773, %swap3A_774] {strides = array<i32>} : memref<8x2x8x128xf32, #tpu.memory_space<vmem>>, vector<16xf32>,
        tpu.vector_store %arg19[%swap3A_771, %swap3A_772, %swap3A_773, %swap3A_774], %add3A_749 {strides = array<i32>} : memref<8x2x8x128xf32, #tpu.memory_space<vmem>>, vector<16xf32>,
        %swap3A_776 = arith.constant 2 : i32
        %swap3A_777 = arith.constant 2 : i32
        %swap3A_778 = arith.index_cast %swap3A_776 : i32 to index
        %swap3A_779 = arith.index_cast %select_n3A_514 : i32 to index
        %swap3A_780 = arith.index_cast %swap3A_777 : i32 to index
        %swap3A_781 = arith.index_cast %mul3A_532 : i32 to index
        %swap3A_782 = tpu.vector_load %arg19[%swap3A_778, %swap3A_779, %swap3A_780, %swap3A_781] {strides = array<i32>} : memref<8x2x8x128xf32, #tpu.memory_space<vmem>>, vector<16xf32>,
        tpu.vector_store %arg19[%swap3A_778, %swap3A_779, %swap3A_780, %swap3A_781], %add3A_751 {strides = array<i32>} : memref<8x2x8x128xf32, #tpu.memory_space<vmem>>, vector<16xf32>,
        %swap3A_783 = arith.constant 2 : i32
        %swap3A_784 = arith.constant 3 : i32
        %swap3A_785 = arith.index_cast %swap3A_783 : i32 to index
        %swap3A_786 = arith.index_cast %select_n3A_514 : i32 to index
        %swap3A_787 = arith.index_cast %swap3A_784 : i32 to index
        %swap3A_788 = arith.index_cast %mul3A_532 : i32 to index
        %swap3A_789 = tpu.vector_load %arg19[%swap3A_785, %swap3A_786, %swap3A_787, %swap3A_788] {strides = array<i32>} : memref<8x2x8x128xf32, #tpu.memory_space<vmem>>, vector<16xf32>,
        tpu.vector_store %arg19[%swap3A_785, %swap3A_786, %swap3A_787, %swap3A_788], %add3A_753 {strides = array<i32>} : memref<8x2x8x128xf32, #tpu.memory_space<vmem>>, vector<16xf32>,
        %swap3A_790 = arith.constant 2 : i32
        %swap3A_791 = arith.constant 4 : i32
        %swap3A_792 = arith.index_cast %swap3A_790 : i32 to index
        %swap3A_793 = arith.index_cast %select_n3A_514 : i32 to index
        %swap3A_794 = arith.index_cast %swap3A_791 : i32 to index
        %swap3A_795 = arith.index_cast %mul3A_532 : i32 to index
        %swap3A_796 = tpu.vector_load %arg19[%swap3A_792, %swap3A_793, %swap3A_794, %swap3A_795] {strides = array<i32>} : memref<8x2x8x128xf32, #tpu.memory_space<vmem>>, vector<16xf32>,
        tpu.vector_store %arg19[%swap3A_792, %swap3A_793, %swap3A_794, %swap3A_795], %add3A_755 {strides = array<i32>} : memref<8x2x8x128xf32, #tpu.memory_space<vmem>>, vector<16xf32>,
        %swap3A_797 = arith.constant 2 : i32
        %swap3A_798 = arith.constant 5 : i32
        %swap3A_799 = arith.index_cast %swap3A_797 : i32 to index
        %swap3A_800 = arith.index_cast %select_n3A_514 : i32 to index
        %swap3A_801 = arith.index_cast %swap3A_798 : i32 to index
        %swap3A_802 = arith.index_cast %mul3A_532 : i32 to index
        %swap3A_803 = tpu.vector_load %arg19[%swap3A_799, %swap3A_800, %swap3A_801, %swap3A_802] {strides = array<i32>} : memref<8x2x8x128xf32, #tpu.memory_space<vmem>>, vector<16xf32>,
        tpu.vector_store %arg19[%swap3A_799, %swap3A_800, %swap3A_801, %swap3A_802], %add3A_757 {strides = array<i32>} : memref<8x2x8x128xf32, #tpu.memory_space<vmem>>, vector<16xf32>,
        %swap3A_804 = arith.constant 2 : i32
        %swap3A_805 = arith.constant 6 : i32
        %swap3A_806 = arith.index_cast %swap3A_804 : i32 to index
        %swap3A_807 = arith.index_cast %select_n3A_514 : i32 to index
        %swap3A_808 = arith.index_cast %swap3A_805 : i32 to index
        %swap3A_809 = arith.index_cast %mul3A_532 : i32 to index
        %swap3A_810 = tpu.vector_load %arg19[%swap3A_806, %swap3A_807, %swap3A_808, %swap3A_809] {strides = array<i32>} : memref<8x2x8x128xf32, #tpu.memory_space<vmem>>, vector<16xf32>,
        tpu.vector_store %arg19[%swap3A_806, %swap3A_807, %swap3A_808, %swap3A_809], %add3A_759 {strides = array<i32>} : memref<8x2x8x128xf32, #tpu.memory_space<vmem>>, vector<16xf32>,
        %swap3A_811 = arith.constant 2 : i32
        %swap3A_812 = arith.constant 7 : i32
        %swap3A_813 = arith.index_cast %swap3A_811 : i32 to index
        %swap3A_814 = arith.index_cast %select_n3A_514 : i32 to index
        %swap3A_815 = arith.index_cast %swap3A_812 : i32 to index
        %swap3A_816 = arith.index_cast %mul3A_532 : i32 to index
        %swap3A_817 = tpu.vector_load %arg19[%swap3A_813, %swap3A_814, %swap3A_815, %swap3A_816] {strides = array<i32>} : memref<8x2x8x128xf32, #tpu.memory_space<vmem>>, vector<16xf32>,
        tpu.vector_store %arg19[%swap3A_813, %swap3A_814, %swap3A_815, %swap3A_816], %add3A_761 {strides = array<i32>} : memref<8x2x8x128xf32, #tpu.memory_space<vmem>>, vector<16xf32>,
        %broadcast_in_dim3A_818 = arith.constant 24 : i32
        %broadcast_in_dim3A_819 = vector.broadcast %broadcast_in_dim3A_818 : i32 to vector<16xi32>
        %gather3A_820 = tpu.vector_load_idx %arg13[%add3A_487, %broadcast_in_dim3A_819] : memref<256x64xf32, #tpu.memory_space<vmem>>[vector<16xi32>, vector<16xi32>], vector<16xf32>,
        %broadcast_in_dim3A_821 = arith.constant 25 : i32
        %broadcast_in_dim3A_822 = vector.broadcast %broadcast_in_dim3A_821 : i32 to vector<16xi32>
        %gather3A_823 = tpu.vector_load_idx %arg13[%add3A_487, %broadcast_in_dim3A_822] : memref<256x64xf32, #tpu.memory_space<vmem>>[vector<16xi32>, vector<16xi32>], vector<16xf32>,
        %broadcast_in_dim3A_824 = arith.constant 26 : i32
        %broadcast_in_dim3A_825 = vector.broadcast %broadcast_in_dim3A_824 : i32 to vector<16xi32>
        %gather3A_826 = tpu.vector_load_idx %arg13[%add3A_487, %broadcast_in_dim3A_825] : memref<256x64xf32, #tpu.memory_space<vmem>>[vector<16xi32>, vector<16xi32>], vector<16xf32>,
        %broadcast_in_dim3A_827 = arith.constant 27 : i32
        %broadcast_in_dim3A_828 = vector.broadcast %broadcast_in_dim3A_827 : i32 to vector<16xi32>
        %gather3A_829 = tpu.vector_load_idx %arg13[%add3A_487, %broadcast_in_dim3A_828] : memref<256x64xf32, #tpu.memory_space<vmem>>[vector<16xi32>, vector<16xi32>], vector<16xf32>,
        %broadcast_in_dim3A_830 = arith.constant 28 : i32
        %broadcast_in_dim3A_831 = vector.broadcast %broadcast_in_dim3A_830 : i32 to vector<16xi32>
        %gather3A_832 = tpu.vector_load_idx %arg13[%add3A_487, %broadcast_in_dim3A_831] : memref<256x64xf32, #tpu.memory_space<vmem>>[vector<16xi32>, vector<16xi32>], vector<16xf32>,
        %broadcast_in_dim3A_833 = arith.constant 29 : i32
        %broadcast_in_dim3A_834 = vector.broadcast %broadcast_in_dim3A_833 : i32 to vector<16xi32>
        %gather3A_835 = tpu.vector_load_idx %arg13[%add3A_487, %broadcast_in_dim3A_834] : memref<256x64xf32, #tpu.memory_space<vmem>>[vector<16xi32>, vector<16xi32>], vector<16xf32>,
        %broadcast_in_dim3A_836 = arith.constant 30 : i32
        %broadcast_in_dim3A_837 = vector.broadcast %broadcast_in_dim3A_836 : i32 to vector<16xi32>
        %gather3A_838 = tpu.vector_load_idx %arg13[%add3A_487, %broadcast_in_dim3A_837] : memref<256x64xf32, #tpu.memory_space<vmem>>[vector<16xi32>, vector<16xi32>], vector<16xf32>,
        %broadcast_in_dim3A_839 = arith.constant 31 : i32
        %broadcast_in_dim3A_840 = vector.broadcast %broadcast_in_dim3A_839 : i32 to vector<16xi32>
        %gather3A_841 = tpu.vector_load_idx %arg13[%add3A_487, %broadcast_in_dim3A_840] : memref<256x64xf32, #tpu.memory_space<vmem>>[vector<16xi32>, vector<16xi32>], vector<16xf32>,
        %mul3A_842 = arith.mulf %gather3A_820, %get3A_488 : vector<16xf32>
        %add3A_843 = arith.addf %mul3A_842, %get3A_490 : vector<16xf32>
        %mul3A_844 = arith.mulf %gather3A_823, %get3A_488 : vector<16xf32>
        %add3A_845 = arith.addf %mul3A_844, %get3A_490 : vector<16xf32>
        %mul3A_846 = arith.mulf %gather3A_826, %get3A_488 : vector<16xf32>
        %add3A_847 = arith.addf %mul3A_846, %get3A_490 : vector<16xf32>
        %mul3A_848 = arith.mulf %gather3A_829, %get3A_488 : vector<16xf32>
        %add3A_849 = arith.addf %mul3A_848, %get3A_490 : vector<16xf32>
        %mul3A_850 = arith.mulf %gather3A_832, %get3A_488 : vector<16xf32>
        %add3A_851 = arith.addf %mul3A_850, %get3A_490 : vector<16xf32>
        %mul3A_852 = arith.mulf %gather3A_835, %get3A_488 : vector<16xf32>
        %add3A_853 = arith.addf %mul3A_852, %get3A_490 : vector<16xf32>
        %mul3A_854 = arith.mulf %gather3A_838, %get3A_488 : vector<16xf32>
        %add3A_855 = arith.addf %mul3A_854, %get3A_490 : vector<16xf32>
        %mul3A_856 = arith.mulf %gather3A_841, %get3A_488 : vector<16xf32>
        %add3A_857 = arith.addf %mul3A_856, %get3A_490 : vector<16xf32>
        %swap3A_858 = arith.constant 3 : i32
        %swap3A_859 = arith.constant 0 : i32
        %swap3A_860 = arith.index_cast %swap3A_858 : i32 to index
        %swap3A_861 = arith.index_cast %select_n3A_514 : i32 to index
        %swap3A_862 = arith.index_cast %swap3A_859 : i32 to index
        %swap3A_863 = arith.index_cast %mul3A_532 : i32 to index
        %swap3A_864 = tpu.vector_load %arg19[%swap3A_860, %swap3A_861, %swap3A_862, %swap3A_863] {strides = array<i32>} : memref<8x2x8x128xf32, #tpu.memory_space<vmem>>, vector<16xf32>,
        tpu.vector_store %arg19[%swap3A_860, %swap3A_861, %swap3A_862, %swap3A_863], %add3A_843 {strides = array<i32>} : memref<8x2x8x128xf32, #tpu.memory_space<vmem>>, vector<16xf32>,
        %swap3A_865 = arith.constant 3 : i32
        %swap3A_866 = arith.constant 1 : i32
        %swap3A_867 = arith.index_cast %swap3A_865 : i32 to index
        %swap3A_868 = arith.index_cast %select_n3A_514 : i32 to index
        %swap3A_869 = arith.index_cast %swap3A_866 : i32 to index
        %swap3A_870 = arith.index_cast %mul3A_532 : i32 to index
        %swap3A_871 = tpu.vector_load %arg19[%swap3A_867, %swap3A_868, %swap3A_869, %swap3A_870] {strides = array<i32>} : memref<8x2x8x128xf32, #tpu.memory_space<vmem>>, vector<16xf32>,
        tpu.vector_store %arg19[%swap3A_867, %swap3A_868, %swap3A_869, %swap3A_870], %add3A_845 {strides = array<i32>} : memref<8x2x8x128xf32, #tpu.memory_space<vmem>>, vector<16xf32>,
        %swap3A_872 = arith.constant 3 : i32
        %swap3A_873 = arith.constant 2 : i32
        %swap3A_874 = arith.index_cast %swap3A_872 : i32 to index
        %swap3A_875 = arith.index_cast %select_n3A_514 : i32 to index
        %swap3A_876 = arith.index_cast %swap3A_873 : i32 to index
        %swap3A_877 = arith.index_cast %mul3A_532 : i32 to index
        %swap3A_878 = tpu.vector_load %arg19[%swap3A_874, %swap3A_875, %swap3A_876, %swap3A_877] {strides = array<i32>} : memref<8x2x8x128xf32, #tpu.memory_space<vmem>>, vector<16xf32>,
        tpu.vector_store %arg19[%swap3A_874, %swap3A_875, %swap3A_876, %swap3A_877], %add3A_847 {strides = array<i32>} : memref<8x2x8x128xf32, #tpu.memory_space<vmem>>, vector<16xf32>,
        %swap3A_879 = arith.constant 3 : i32
        %swap3A_880 = arith.constant 3 : i32
        %swap3A_881 = arith.index_cast %swap3A_879 : i32 to index
        %swap3A_882 = arith.index_cast %select_n3A_514 : i32 to index
        %swap3A_883 = arith.index_cast %swap3A_880 : i32 to index
        %swap3A_884 = arith.index_cast %mul3A_532 : i32 to index
        %swap3A_885 = tpu.vector_load %arg19[%swap3A_881, %swap3A_882, %swap3A_883, %swap3A_884] {strides = array<i32>} : memref<8x2x8x128xf32, #tpu.memory_space<vmem>>, vector<16xf32>,
        tpu.vector_store %arg19[%swap3A_881, %swap3A_882, %swap3A_883, %swap3A_884], %add3A_849 {strides = array<i32>} : memref<8x2x8x128xf32, #tpu.memory_space<vmem>>, vector<16xf32>,
        %swap3A_886 = arith.constant 3 : i32
        %swap3A_887 = arith.constant 4 : i32
        %swap3A_888 = arith.index_cast %swap3A_886 : i32 to index
        %swap3A_889 = arith.index_cast %select_n3A_514 : i32 to index
        %swap3A_890 = arith.index_cast %swap3A_887 : i32 to index
        %swap3A_891 = arith.index_cast %mul3A_532 : i32 to index
        %swap3A_892 = tpu.vector_load %arg19[%swap3A_888, %swap3A_889, %swap3A_890, %swap3A_891] {strides = array<i32>} : memref<8x2x8x128xf32, #tpu.memory_space<vmem>>, vector<16xf32>,
        tpu.vector_store %arg19[%swap3A_888, %swap3A_889, %swap3A_890, %swap3A_891], %add3A_851 {strides = array<i32>} : memref<8x2x8x128xf32, #tpu.memory_space<vmem>>, vector<16xf32>,
        %swap3A_893 = arith.constant 3 : i32
        %swap3A_894 = arith.constant 5 : i32
        %swap3A_895 = arith.index_cast %swap3A_893 : i32 to index
        %swap3A_896 = arith.index_cast %select_n3A_514 : i32 to index
        %swap3A_897 = arith.index_cast %swap3A_894 : i32 to index
        %swap3A_898 = arith.index_cast %mul3A_532 : i32 to index
        %swap3A_899 = tpu.vector_load %arg19[%swap3A_895, %swap3A_896, %swap3A_897, %swap3A_898] {strides = array<i32>} : memref<8x2x8x128xf32, #tpu.memory_space<vmem>>, vector<16xf32>,
        tpu.vector_store %arg19[%swap3A_895, %swap3A_896, %swap3A_897, %swap3A_898], %add3A_853 {strides = array<i32>} : memref<8x2x8x128xf32, #tpu.memory_space<vmem>>, vector<16xf32>,
        %swap3A_900 = arith.constant 3 : i32
        %swap3A_901 = arith.constant 6 : i32
        %swap3A_902 = arith.index_cast %swap3A_900 : i32 to index
        %swap3A_903 = arith.index_cast %select_n3A_514 : i32 to index
        %swap3A_904 = arith.index_cast %swap3A_901 : i32 to index
        %swap3A_905 = arith.index_cast %mul3A_532 : i32 to index
        %swap3A_906 = tpu.vector_load %arg19[%swap3A_902, %swap3A_903, %swap3A_904, %swap3A_905] {strides = array<i32>} : memref<8x2x8x128xf32, #tpu.memory_space<vmem>>, vector<16xf32>,
        tpu.vector_store %arg19[%swap3A_902, %swap3A_903, %swap3A_904, %swap3A_905], %add3A_855 {strides = array<i32>} : memref<8x2x8x128xf32, #tpu.memory_space<vmem>>, vector<16xf32>,
        %swap3A_907 = arith.constant 3 : i32
        %swap3A_908 = arith.constant 7 : i32
        %swap3A_909 = arith.index_cast %swap3A_907 : i32 to index
        %swap3A_910 = arith.index_cast %select_n3A_514 : i32 to index
        %swap3A_911 = arith.index_cast %swap3A_908 : i32 to index
        %swap3A_912 = arith.index_cast %mul3A_532 : i32 to index
        %swap3A_913 = tpu.vector_load %arg19[%swap3A_909, %swap3A_910, %swap3A_911, %swap3A_912] {strides = array<i32>} : memref<8x2x8x128xf32, #tpu.memory_space<vmem>>, vector<16xf32>,
        tpu.vector_store %arg19[%swap3A_909, %swap3A_910, %swap3A_911, %swap3A_912], %add3A_857 {strides = array<i32>} : memref<8x2x8x128xf32, #tpu.memory_space<vmem>>, vector<16xf32>,
        %broadcast_in_dim3A_914 = arith.constant 32 : i32
        %broadcast_in_dim3A_915 = vector.broadcast %broadcast_in_dim3A_914 : i32 to vector<16xi32>
        %gather3A_916 = tpu.vector_load_idx %arg13[%add3A_487, %broadcast_in_dim3A_915] : memref<256x64xf32, #tpu.memory_space<vmem>>[vector<16xi32>, vector<16xi32>], vector<16xf32>,
        %broadcast_in_dim3A_917 = arith.constant 33 : i32
        %broadcast_in_dim3A_918 = vector.broadcast %broadcast_in_dim3A_917 : i32 to vector<16xi32>
        %gather3A_919 = tpu.vector_load_idx %arg13[%add3A_487, %broadcast_in_dim3A_918] : memref<256x64xf32, #tpu.memory_space<vmem>>[vector<16xi32>, vector<16xi32>], vector<16xf32>,
        %broadcast_in_dim3A_920 = arith.constant 34 : i32
        %broadcast_in_dim3A_921 = vector.broadcast %broadcast_in_dim3A_920 : i32 to vector<16xi32>
        %gather3A_922 = tpu.vector_load_idx %arg13[%add3A_487, %broadcast_in_dim3A_921] : memref<256x64xf32, #tpu.memory_space<vmem>>[vector<16xi32>, vector<16xi32>], vector<16xf32>,
        %broadcast_in_dim3A_923 = arith.constant 35 : i32
        %broadcast_in_dim3A_924 = vector.broadcast %broadcast_in_dim3A_923 : i32 to vector<16xi32>
        %gather3A_925 = tpu.vector_load_idx %arg13[%add3A_487, %broadcast_in_dim3A_924] : memref<256x64xf32, #tpu.memory_space<vmem>>[vector<16xi32>, vector<16xi32>], vector<16xf32>,
        %broadcast_in_dim3A_926 = arith.constant 36 : i32
        %broadcast_in_dim3A_927 = vector.broadcast %broadcast_in_dim3A_926 : i32 to vector<16xi32>
        %gather3A_928 = tpu.vector_load_idx %arg13[%add3A_487, %broadcast_in_dim3A_927] : memref<256x64xf32, #tpu.memory_space<vmem>>[vector<16xi32>, vector<16xi32>], vector<16xf32>,
        %broadcast_in_dim3A_929 = arith.constant 37 : i32
        %broadcast_in_dim3A_930 = vector.broadcast %broadcast_in_dim3A_929 : i32 to vector<16xi32>
        %gather3A_931 = tpu.vector_load_idx %arg13[%add3A_487, %broadcast_in_dim3A_930] : memref<256x64xf32, #tpu.memory_space<vmem>>[vector<16xi32>, vector<16xi32>], vector<16xf32>,
        %broadcast_in_dim3A_932 = arith.constant 38 : i32
        %broadcast_in_dim3A_933 = vector.broadcast %broadcast_in_dim3A_932 : i32 to vector<16xi32>
        %gather3A_934 = tpu.vector_load_idx %arg13[%add3A_487, %broadcast_in_dim3A_933] : memref<256x64xf32, #tpu.memory_space<vmem>>[vector<16xi32>, vector<16xi32>], vector<16xf32>,
        %broadcast_in_dim3A_935 = arith.constant 39 : i32
        %broadcast_in_dim3A_936 = vector.broadcast %broadcast_in_dim3A_935 : i32 to vector<16xi32>
        %gather3A_937 = tpu.vector_load_idx %arg13[%add3A_487, %broadcast_in_dim3A_936] : memref<256x64xf32, #tpu.memory_space<vmem>>[vector<16xi32>, vector<16xi32>], vector<16xf32>,
        %mul3A_938 = arith.mulf %gather3A_916, %get3A_488 : vector<16xf32>
        %add3A_939 = arith.addf %mul3A_938, %get3A_490 : vector<16xf32>
        %mul3A_940 = arith.mulf %gather3A_919, %get3A_488 : vector<16xf32>
        %add3A_941 = arith.addf %mul3A_940, %get3A_490 : vector<16xf32>
        %mul3A_942 = arith.mulf %gather3A_922, %get3A_488 : vector<16xf32>
        %add3A_943 = arith.addf %mul3A_942, %get3A_490 : vector<16xf32>
        %mul3A_944 = arith.mulf %gather3A_925, %get3A_488 : vector<16xf32>
        %add3A_945 = arith.addf %mul3A_944, %get3A_490 : vector<16xf32>
        %mul3A_946 = arith.mulf %gather3A_928, %get3A_488 : vector<16xf32>
        %add3A_947 = arith.addf %mul3A_946, %get3A_490 : vector<16xf32>
        %mul3A_948 = arith.mulf %gather3A_931, %get3A_488 : vector<16xf32>
        %add3A_949 = arith.addf %mul3A_948, %get3A_490 : vector<16xf32>
        %mul3A_950 = arith.mulf %gather3A_934, %get3A_488 : vector<16xf32>
        %add3A_951 = arith.addf %mul3A_950, %get3A_490 : vector<16xf32>
        %mul3A_952 = arith.mulf %gather3A_937, %get3A_488 : vector<16xf32>
        %add3A_953 = arith.addf %mul3A_952, %get3A_490 : vector<16xf32>
        %swap3A_954 = arith.constant 4 : i32
        %swap3A_955 = arith.constant 0 : i32
        %swap3A_956 = arith.index_cast %swap3A_954 : i32 to index
        %swap3A_957 = arith.index_cast %select_n3A_514 : i32 to index
        %swap3A_958 = arith.index_cast %swap3A_955 : i32 to index
        %swap3A_959 = arith.index_cast %mul3A_532 : i32 to index
        %swap3A_960 = tpu.vector_load %arg19[%swap3A_956, %swap3A_957, %swap3A_958, %swap3A_959] {strides = array<i32>} : memref<8x2x8x128xf32, #tpu.memory_space<vmem>>, vector<16xf32>,
        tpu.vector_store %arg19[%swap3A_956, %swap3A_957, %swap3A_958, %swap3A_959], %add3A_939 {strides = array<i32>} : memref<8x2x8x128xf32, #tpu.memory_space<vmem>>, vector<16xf32>,
        %swap3A_961 = arith.constant 4 : i32
        %swap3A_962 = arith.constant 1 : i32
        %swap3A_963 = arith.index_cast %swap3A_961 : i32 to index
        %swap3A_964 = arith.index_cast %select_n3A_514 : i32 to index
        %swap3A_965 = arith.index_cast %swap3A_962 : i32 to index
        %swap3A_966 = arith.index_cast %mul3A_532 : i32 to index
        %swap3A_967 = tpu.vector_load %arg19[%swap3A_963, %swap3A_964, %swap3A_965, %swap3A_966] {strides = array<i32>} : memref<8x2x8x128xf32, #tpu.memory_space<vmem>>, vector<16xf32>,
        tpu.vector_store %arg19[%swap3A_963, %swap3A_964, %swap3A_965, %swap3A_966], %add3A_941 {strides = array<i32>} : memref<8x2x8x128xf32, #tpu.memory_space<vmem>>, vector<16xf32>,
        %swap3A_968 = arith.constant 4 : i32
        %swap3A_969 = arith.constant 2 : i32
        %swap3A_970 = arith.index_cast %swap3A_968 : i32 to index
        %swap3A_971 = arith.index_cast %select_n3A_514 : i32 to index
        %swap3A_972 = arith.index_cast %swap3A_969 : i32 to index
        %swap3A_973 = arith.index_cast %mul3A_532 : i32 to index
        %swap3A_974 = tpu.vector_load %arg19[%swap3A_970, %swap3A_971, %swap3A_972, %swap3A_973] {strides = array<i32>} : memref<8x2x8x128xf32, #tpu.memory_space<vmem>>, vector<16xf32>,
        tpu.vector_store %arg19[%swap3A_970, %swap3A_971, %swap3A_972, %swap3A_973], %add3A_943 {strides = array<i32>} : memref<8x2x8x128xf32, #tpu.memory_space<vmem>>, vector<16xf32>,
        %swap3A_975 = arith.constant 4 : i32
        %swap3A_976 = arith.constant 3 : i32
        %swap3A_977 = arith.index_cast %swap3A_975 : i32 to index
        %swap3A_978 = arith.index_cast %select_n3A_514 : i32 to index
        %swap3A_979 = arith.index_cast %swap3A_976 : i32 to index
        %swap3A_980 = arith.index_cast %mul3A_532 : i32 to index
        %swap3A_981 = tpu.vector_load %arg19[%swap3A_977, %swap3A_978, %swap3A_979, %swap3A_980] {strides = array<i32>} : memref<8x2x8x128xf32, #tpu.memory_space<vmem>>, vector<16xf32>,
        tpu.vector_store %arg19[%swap3A_977, %swap3A_978, %swap3A_979, %swap3A_980], %add3A_945 {strides = array<i32>} : memref<8x2x8x128xf32, #tpu.memory_space<vmem>>, vector<16xf32>,
        %swap3A_982 = arith.constant 4 : i32
        %swap3A_983 = arith.constant 4 : i32
        %swap3A_984 = arith.index_cast %swap3A_982 : i32 to index
        %swap3A_985 = arith.index_cast %select_n3A_514 : i32 to index
        %swap3A_986 = arith.index_cast %swap3A_983 : i32 to index
        %swap3A_987 = arith.index_cast %mul3A_532 : i32 to index
        %swap3A_988 = tpu.vector_load %arg19[%swap3A_984, %swap3A_985, %swap3A_986, %swap3A_987] {strides = array<i32>} : memref<8x2x8x128xf32, #tpu.memory_space<vmem>>, vector<16xf32>,
        tpu.vector_store %arg19[%swap3A_984, %swap3A_985, %swap3A_986, %swap3A_987], %add3A_947 {strides = array<i32>} : memref<8x2x8x128xf32, #tpu.memory_space<vmem>>, vector<16xf32>,
        %swap3A_989 = arith.constant 4 : i32
        %swap3A_990 = arith.constant 5 : i32
        %swap3A_991 = arith.index_cast %swap3A_989 : i32 to index
        %swap3A_992 = arith.index_cast %select_n3A_514 : i32 to index
        %swap3A_993 = arith.index_cast %swap3A_990 : i32 to index
        %swap3A_994 = arith.index_cast %mul3A_532 : i32 to index
        %swap3A_995 = tpu.vector_load %arg19[%swap3A_991, %swap3A_992, %swap3A_993, %swap3A_994] {strides = array<i32>} : memref<8x2x8x128xf32, #tpu.memory_space<vmem>>, vector<16xf32>,
        tpu.vector_store %arg19[%swap3A_991, %swap3A_992, %swap3A_993, %swap3A_994], %add3A_949 {strides = array<i32>} : memref<8x2x8x128xf32, #tpu.memory_space<vmem>>, vector<16xf32>,
        %swap3A_996 = arith.constant 4 : i32
        %swap3A_997 = arith.constant 6 : i32
        %swap3A_998 = arith.index_cast %swap3A_996 : i32 to index
        %swap3A_999 = arith.index_cast %select_n3A_514 : i32 to index
        %swap3A_1000 = arith.index_cast %swap3A_997 : i32 to index
        %swap3A_1001 = arith.index_cast %mul3A_532 : i32 to index
        %swap3A_1002 = tpu.vector_load %arg19[%swap3A_998, %swap3A_999, %swap3A_1000, %swap3A_1001] {strides = array<i32>} : memref<8x2x8x128xf32, #tpu.memory_space<vmem>>, vector<16xf32>,
        tpu.vector_store %arg19[%swap3A_998, %swap3A_999, %swap3A_1000, %swap3A_1001], %add3A_951 {strides = array<i32>} : memref<8x2x8x128xf32, #tpu.memory_space<vmem>>, vector<16xf32>,
        %swap3A_1003 = arith.constant 4 : i32
        %swap3A_1004 = arith.constant 7 : i32
        %swap3A_1005 = arith.index_cast %swap3A_1003 : i32 to index
        %swap3A_1006 = arith.index_cast %select_n3A_514 : i32 to index
        %swap3A_1007 = arith.index_cast %swap3A_1004 : i32 to index
        %swap3A_1008 = arith.index_cast %mul3A_532 : i32 to index
        %swap3A_1009 = tpu.vector_load %arg19[%swap3A_1005, %swap3A_1006, %swap3A_1007, %swap3A_1008] {strides = array<i32>} : memref<8x2x8x128xf32, #tpu.memory_space<vmem>>, vector<16xf32>,
        tpu.vector_store %arg19[%swap3A_1005, %swap3A_1006, %swap3A_1007, %swap3A_1008], %add3A_953 {strides = array<i32>} : memref<8x2x8x128xf32, #tpu.memory_space<vmem>>, vector<16xf32>,
        %broadcast_in_dim3A_1010 = arith.constant 40 : i32
        %broadcast_in_dim3A_1011 = vector.broadcast %broadcast_in_dim3A_1010 : i32 to vector<16xi32>
        %gather3A_1012 = tpu.vector_load_idx %arg13[%add3A_487, %broadcast_in_dim3A_1011] : memref<256x64xf32, #tpu.memory_space<vmem>>[vector<16xi32>, vector<16xi32>], vector<16xf32>,
        %broadcast_in_dim3A_1013 = arith.constant 41 : i32
        %broadcast_in_dim3A_1014 = vector.broadcast %broadcast_in_dim3A_1013 : i32 to vector<16xi32>
        %gather3A_1015 = tpu.vector_load_idx %arg13[%add3A_487, %broadcast_in_dim3A_1014] : memref<256x64xf32, #tpu.memory_space<vmem>>[vector<16xi32>, vector<16xi32>], vector<16xf32>,
        %broadcast_in_dim3A_1016 = arith.constant 42 : i32
        %broadcast_in_dim3A_1017 = vector.broadcast %broadcast_in_dim3A_1016 : i32 to vector<16xi32>
        %gather3A_1018 = tpu.vector_load_idx %arg13[%add3A_487, %broadcast_in_dim3A_1017] : memref<256x64xf32, #tpu.memory_space<vmem>>[vector<16xi32>, vector<16xi32>], vector<16xf32>,
        %broadcast_in_dim3A_1019 = arith.constant 43 : i32
        %broadcast_in_dim3A_1020 = vector.broadcast %broadcast_in_dim3A_1019 : i32 to vector<16xi32>
        %gather3A_1021 = tpu.vector_load_idx %arg13[%add3A_487, %broadcast_in_dim3A_1020] : memref<256x64xf32, #tpu.memory_space<vmem>>[vector<16xi32>, vector<16xi32>], vector<16xf32>,
        %broadcast_in_dim3A_1022 = arith.constant 44 : i32
        %broadcast_in_dim3A_1023 = vector.broadcast %broadcast_in_dim3A_1022 : i32 to vector<16xi32>
        %gather3A_1024 = tpu.vector_load_idx %arg13[%add3A_487, %broadcast_in_dim3A_1023] : memref<256x64xf32, #tpu.memory_space<vmem>>[vector<16xi32>, vector<16xi32>], vector<16xf32>,
        %broadcast_in_dim3A_1025 = arith.constant 45 : i32
        %broadcast_in_dim3A_1026 = vector.broadcast %broadcast_in_dim3A_1025 : i32 to vector<16xi32>
        %gather3A_1027 = tpu.vector_load_idx %arg13[%add3A_487, %broadcast_in_dim3A_1026] : memref<256x64xf32, #tpu.memory_space<vmem>>[vector<16xi32>, vector<16xi32>], vector<16xf32>,
        %broadcast_in_dim3A_1028 = arith.constant 46 : i32
        %broadcast_in_dim3A_1029 = vector.broadcast %broadcast_in_dim3A_1028 : i32 to vector<16xi32>
        %gather3A_1030 = tpu.vector_load_idx %arg13[%add3A_487, %broadcast_in_dim3A_1029] : memref<256x64xf32, #tpu.memory_space<vmem>>[vector<16xi32>, vector<16xi32>], vector<16xf32>,
        %broadcast_in_dim3A_1031 = arith.constant 47 : i32
        %broadcast_in_dim3A_1032 = vector.broadcast %broadcast_in_dim3A_1031 : i32 to vector<16xi32>
        %gather3A_1033 = tpu.vector_load_idx %arg13[%add3A_487, %broadcast_in_dim3A_1032] : memref<256x64xf32, #tpu.memory_space<vmem>>[vector<16xi32>, vector<16xi32>], vector<16xf32>,
        %mul3A_1034 = arith.mulf %gather3A_1012, %get3A_488 : vector<16xf32>
        %add3A_1035 = arith.addf %mul3A_1034, %get3A_490 : vector<16xf32>
        %mul3A_1036 = arith.mulf %gather3A_1015, %get3A_488 : vector<16xf32>
        %add3A_1037 = arith.addf %mul3A_1036, %get3A_490 : vector<16xf32>
        %mul3A_1038 = arith.mulf %gather3A_1018, %get3A_488 : vector<16xf32>
        %add3A_1039 = arith.addf %mul3A_1038, %get3A_490 : vector<16xf32>
        %mul3A_1040 = arith.mulf %gather3A_1021, %get3A_488 : vector<16xf32>
        %add3A_1041 = arith.addf %mul3A_1040, %get3A_490 : vector<16xf32>
        %mul3A_1042 = arith.mulf %gather3A_1024, %get3A_488 : vector<16xf32>
        %add3A_1043 = arith.addf %mul3A_1042, %get3A_490 : vector<16xf32>
        %mul3A_1044 = arith.mulf %gather3A_1027, %get3A_488 : vector<16xf32>
        %add3A_1045 = arith.addf %mul3A_1044, %get3A_490 : vector<16xf32>
        %mul3A_1046 = arith.mulf %gather3A_1030, %get3A_488 : vector<16xf32>
        %add3A_1047 = arith.addf %mul3A_1046, %get3A_490 : vector<16xf32>
        %mul3A_1048 = arith.mulf %gather3A_1033, %get3A_488 : vector<16xf32>
        %add3A_1049 = arith.addf %mul3A_1048, %get3A_490 : vector<16xf32>
        %swap3A_1050 = arith.constant 5 : i32
        %swap3A_1051 = arith.constant 0 : i32
        %swap3A_1052 = arith.index_cast %swap3A_1050 : i32 to index
        %swap3A_1053 = arith.index_cast %select_n3A_514 : i32 to index
        %swap3A_1054 = arith.index_cast %swap3A_1051 : i32 to index
        %swap3A_1055 = arith.index_cast %mul3A_532 : i32 to index
        %swap3A_1056 = tpu.vector_load %arg19[%swap3A_1052, %swap3A_1053, %swap3A_1054, %swap3A_1055] {strides = array<i32>} : memref<8x2x8x128xf32, #tpu.memory_space<vmem>>, vector<16xf32>,
        tpu.vector_store %arg19[%swap3A_1052, %swap3A_1053, %swap3A_1054, %swap3A_1055], %add3A_1035 {strides = array<i32>} : memref<8x2x8x128xf32, #tpu.memory_space<vmem>>, vector<16xf32>,
        %swap3A_1057 = arith.constant 5 : i32
        %swap3A_1058 = arith.constant 1 : i32
        %swap3A_1059 = arith.index_cast %swap3A_1057 : i32 to index
        %swap3A_1060 = arith.index_cast %select_n3A_514 : i32 to index
        %swap3A_1061 = arith.index_cast %swap3A_1058 : i32 to index
        %swap3A_1062 = arith.index_cast %mul3A_532 : i32 to index
        %swap3A_1063 = tpu.vector_load %arg19[%swap3A_1059, %swap3A_1060, %swap3A_1061, %swap3A_1062] {strides = array<i32>} : memref<8x2x8x128xf32, #tpu.memory_space<vmem>>, vector<16xf32>,
        tpu.vector_store %arg19[%swap3A_1059, %swap3A_1060, %swap3A_1061, %swap3A_1062], %add3A_1037 {strides = array<i32>} : memref<8x2x8x128xf32, #tpu.memory_space<vmem>>, vector<16xf32>,
        %swap3A_1064 = arith.constant 5 : i32
        %swap3A_1065 = arith.constant 2 : i32
        %swap3A_1066 = arith.index_cast %swap3A_1064 : i32 to index
        %swap3A_1067 = arith.index_cast %select_n3A_514 : i32 to index
        %swap3A_1068 = arith.index_cast %swap3A_1065 : i32 to index
        %swap3A_1069 = arith.index_cast %mul3A_532 : i32 to index
        %swap3A_1070 = tpu.vector_load %arg19[%swap3A_1066, %swap3A_1067, %swap3A_1068, %swap3A_1069] {strides = array<i32>} : memref<8x2x8x128xf32, #tpu.memory_space<vmem>>, vector<16xf32>,
        tpu.vector_store %arg19[%swap3A_1066, %swap3A_1067, %swap3A_1068, %swap3A_1069], %add3A_1039 {strides = array<i32>} : memref<8x2x8x128xf32, #tpu.memory_space<vmem>>, vector<16xf32>,
        %swap3A_1071 = arith.constant 5 : i32
        %swap3A_1072 = arith.constant 3 : i32
        %swap3A_1073 = arith.index_cast %swap3A_1071 : i32 to index
        %swap3A_1074 = arith.index_cast %select_n3A_514 : i32 to index
        %swap3A_1075 = arith.index_cast %swap3A_1072 : i32 to index
        %swap3A_1076 = arith.index_cast %mul3A_532 : i32 to index
        %swap3A_1077 = tpu.vector_load %arg19[%swap3A_1073, %swap3A_1074, %swap3A_1075, %swap3A_1076] {strides = array<i32>} : memref<8x2x8x128xf32, #tpu.memory_space<vmem>>, vector<16xf32>,
        tpu.vector_store %arg19[%swap3A_1073, %swap3A_1074, %swap3A_1075, %swap3A_1076], %add3A_1041 {strides = array<i32>} : memref<8x2x8x128xf32, #tpu.memory_space<vmem>>, vector<16xf32>,
        %swap3A_1078 = arith.constant 5 : i32
        %swap3A_1079 = arith.constant 4 : i32
        %swap3A_1080 = arith.index_cast %swap3A_1078 : i32 to index
        %swap3A_1081 = arith.index_cast %select_n3A_514 : i32 to index
        %swap3A_1082 = arith.index_cast %swap3A_1079 : i32 to index
        %swap3A_1083 = arith.index_cast %mul3A_532 : i32 to index
        %swap3A_1084 = tpu.vector_load %arg19[%swap3A_1080, %swap3A_1081, %swap3A_1082, %swap3A_1083] {strides = array<i32>} : memref<8x2x8x128xf32, #tpu.memory_space<vmem>>, vector<16xf32>,
        tpu.vector_store %arg19[%swap3A_1080, %swap3A_1081, %swap3A_1082, %swap3A_1083], %add3A_1043 {strides = array<i32>} : memref<8x2x8x128xf32, #tpu.memory_space<vmem>>, vector<16xf32>,
        %swap3A_1085 = arith.constant 5 : i32
        %swap3A_1086 = arith.constant 5 : i32
        %swap3A_1087 = arith.index_cast %swap3A_1085 : i32 to index
        %swap3A_1088 = arith.index_cast %select_n3A_514 : i32 to index
        %swap3A_1089 = arith.index_cast %swap3A_1086 : i32 to index
        %swap3A_1090 = arith.index_cast %mul3A_532 : i32 to index
        %swap3A_1091 = tpu.vector_load %arg19[%swap3A_1087, %swap3A_1088, %swap3A_1089, %swap3A_1090] {strides = array<i32>} : memref<8x2x8x128xf32, #tpu.memory_space<vmem>>, vector<16xf32>,
        tpu.vector_store %arg19[%swap3A_1087, %swap3A_1088, %swap3A_1089, %swap3A_1090], %add3A_1045 {strides = array<i32>} : memref<8x2x8x128xf32, #tpu.memory_space<vmem>>, vector<16xf32>,
        %swap3A_1092 = arith.constant 5 : i32
        %swap3A_1093 = arith.constant 6 : i32
        %swap3A_1094 = arith.index_cast %swap3A_1092 : i32 to index
        %swap3A_1095 = arith.index_cast %select_n3A_514 : i32 to index
        %swap3A_1096 = arith.index_cast %swap3A_1093 : i32 to index
        %swap3A_1097 = arith.index_cast %mul3A_532 : i32 to index
        %swap3A_1098 = tpu.vector_load %arg19[%swap3A_1094, %swap3A_1095, %swap3A_1096, %swap3A_1097] {strides = array<i32>} : memref<8x2x8x128xf32, #tpu.memory_space<vmem>>, vector<16xf32>,
        tpu.vector_store %arg19[%swap3A_1094, %swap3A_1095, %swap3A_1096, %swap3A_1097], %add3A_1047 {strides = array<i32>} : memref<8x2x8x128xf32, #tpu.memory_space<vmem>>, vector<16xf32>,
        %swap3A_1099 = arith.constant 5 : i32
        %swap3A_1100 = arith.constant 7 : i32
        %swap3A_1101 = arith.index_cast %swap3A_1099 : i32 to index
        %swap3A_1102 = arith.index_cast %select_n3A_514 : i32 to index
        %swap3A_1103 = arith.index_cast %swap3A_1100 : i32 to index
        %swap3A_1104 = arith.index_cast %mul3A_532 : i32 to index
        %swap3A_1105 = tpu.vector_load %arg19[%swap3A_1101, %swap3A_1102, %swap3A_1103, %swap3A_1104] {strides = array<i32>} : memref<8x2x8x128xf32, #tpu.memory_space<vmem>>, vector<16xf32>,
        tpu.vector_store %arg19[%swap3A_1101, %swap3A_1102, %swap3A_1103, %swap3A_1104], %add3A_1049 {strides = array<i32>} : memref<8x2x8x128xf32, #tpu.memory_space<vmem>>, vector<16xf32>,
        %broadcast_in_dim3A_1106 = arith.constant 48 : i32
        %broadcast_in_dim3A_1107 = vector.broadcast %broadcast_in_dim3A_1106 : i32 to vector<16xi32>
        %gather3A_1108 = tpu.vector_load_idx %arg13[%add3A_487, %broadcast_in_dim3A_1107] : memref<256x64xf32, #tpu.memory_space<vmem>>[vector<16xi32>, vector<16xi32>], vector<16xf32>,
        %broadcast_in_dim3A_1109 = arith.constant 49 : i32
        %broadcast_in_dim3A_1110 = vector.broadcast %broadcast_in_dim3A_1109 : i32 to vector<16xi32>
        %gather3A_1111 = tpu.vector_load_idx %arg13[%add3A_487, %broadcast_in_dim3A_1110] : memref<256x64xf32, #tpu.memory_space<vmem>>[vector<16xi32>, vector<16xi32>], vector<16xf32>,
        %broadcast_in_dim3A_1112 = arith.constant 50 : i32
        %broadcast_in_dim3A_1113 = vector.broadcast %broadcast_in_dim3A_1112 : i32 to vector<16xi32>
        %gather3A_1114 = tpu.vector_load_idx %arg13[%add3A_487, %broadcast_in_dim3A_1113] : memref<256x64xf32, #tpu.memory_space<vmem>>[vector<16xi32>, vector<16xi32>], vector<16xf32>,
        %broadcast_in_dim3A_1115 = arith.constant 51 : i32
        %broadcast_in_dim3A_1116 = vector.broadcast %broadcast_in_dim3A_1115 : i32 to vector<16xi32>
        %gather3A_1117 = tpu.vector_load_idx %arg13[%add3A_487, %broadcast_in_dim3A_1116] : memref<256x64xf32, #tpu.memory_space<vmem>>[vector<16xi32>, vector<16xi32>], vector<16xf32>,
        %broadcast_in_dim3A_1118 = arith.constant 52 : i32
        %broadcast_in_dim3A_1119 = vector.broadcast %broadcast_in_dim3A_1118 : i32 to vector<16xi32>
        %gather3A_1120 = tpu.vector_load_idx %arg13[%add3A_487, %broadcast_in_dim3A_1119] : memref<256x64xf32, #tpu.memory_space<vmem>>[vector<16xi32>, vector<16xi32>], vector<16xf32>,
        %broadcast_in_dim3A_1121 = arith.constant 53 : i32
        %broadcast_in_dim3A_1122 = vector.broadcast %broadcast_in_dim3A_1121 : i32 to vector<16xi32>
        %gather3A_1123 = tpu.vector_load_idx %arg13[%add3A_487, %broadcast_in_dim3A_1122] : memref<256x64xf32, #tpu.memory_space<vmem>>[vector<16xi32>, vector<16xi32>], vector<16xf32>,
        %broadcast_in_dim3A_1124 = arith.constant 54 : i32
        %broadcast_in_dim3A_1125 = vector.broadcast %broadcast_in_dim3A_1124 : i32 to vector<16xi32>
        %gather3A_1126 = tpu.vector_load_idx %arg13[%add3A_487, %broadcast_in_dim3A_1125] : memref<256x64xf32, #tpu.memory_space<vmem>>[vector<16xi32>, vector<16xi32>], vector<16xf32>,
        %broadcast_in_dim3A_1127 = arith.constant 55 : i32
        %broadcast_in_dim3A_1128 = vector.broadcast %broadcast_in_dim3A_1127 : i32 to vector<16xi32>
        %gather3A_1129 = tpu.vector_load_idx %arg13[%add3A_487, %broadcast_in_dim3A_1128] : memref<256x64xf32, #tpu.memory_space<vmem>>[vector<16xi32>, vector<16xi32>], vector<16xf32>,
        %mul3A_1130 = arith.mulf %gather3A_1108, %get3A_488 : vector<16xf32>
        %add3A_1131 = arith.addf %mul3A_1130, %get3A_490 : vector<16xf32>
        %mul3A_1132 = arith.mulf %gather3A_1111, %get3A_488 : vector<16xf32>
        %add3A_1133 = arith.addf %mul3A_1132, %get3A_490 : vector<16xf32>
        %mul3A_1134 = arith.mulf %gather3A_1114, %get3A_488 : vector<16xf32>
        %add3A_1135 = arith.addf %mul3A_1134, %get3A_490 : vector<16xf32>
        %mul3A_1136 = arith.mulf %gather3A_1117, %get3A_488 : vector<16xf32>
        %add3A_1137 = arith.addf %mul3A_1136, %get3A_490 : vector<16xf32>
        %mul3A_1138 = arith.mulf %gather3A_1120, %get3A_488 : vector<16xf32>
        %add3A_1139 = arith.addf %mul3A_1138, %get3A_490 : vector<16xf32>
        %mul3A_1140 = arith.mulf %gather3A_1123, %get3A_488 : vector<16xf32>
        %add3A_1141 = arith.addf %mul3A_1140, %get3A_490 : vector<16xf32>
        %mul3A_1142 = arith.mulf %gather3A_1126, %get3A_488 : vector<16xf32>
        %add3A_1143 = arith.addf %mul3A_1142, %get3A_490 : vector<16xf32>
        %mul3A_1144 = arith.mulf %gather3A_1129, %get3A_488 : vector<16xf32>
        %add3A_1145 = arith.addf %mul3A_1144, %get3A_490 : vector<16xf32>
        %swap3A_1146 = arith.constant 6 : i32
        %swap3A_1147 = arith.constant 0 : i32
        %swap3A_1148 = arith.index_cast %swap3A_1146 : i32 to index
        %swap3A_1149 = arith.index_cast %select_n3A_514 : i32 to index
        %swap3A_1150 = arith.index_cast %swap3A_1147 : i32 to index
        %swap3A_1151 = arith.index_cast %mul3A_532 : i32 to index
        %swap3A_1152 = tpu.vector_load %arg19[%swap3A_1148, %swap3A_1149, %swap3A_1150, %swap3A_1151] {strides = array<i32>} : memref<8x2x8x128xf32, #tpu.memory_space<vmem>>, vector<16xf32>,
        tpu.vector_store %arg19[%swap3A_1148, %swap3A_1149, %swap3A_1150, %swap3A_1151], %add3A_1131 {strides = array<i32>} : memref<8x2x8x128xf32, #tpu.memory_space<vmem>>, vector<16xf32>,
        %swap3A_1153 = arith.constant 6 : i32
        %swap3A_1154 = arith.constant 1 : i32
        %swap3A_1155 = arith.index_cast %swap3A_1153 : i32 to index
        %swap3A_1156 = arith.index_cast %select_n3A_514 : i32 to index
        %swap3A_1157 = arith.index_cast %swap3A_1154 : i32 to index
        %swap3A_1158 = arith.index_cast %mul3A_532 : i32 to index
        %swap3A_1159 = tpu.vector_load %arg19[%swap3A_1155, %swap3A_1156, %swap3A_1157, %swap3A_1158] {strides = array<i32>} : memref<8x2x8x128xf32, #tpu.memory_space<vmem>>, vector<16xf32>,
        tpu.vector_store %arg19[%swap3A_1155, %swap3A_1156, %swap3A_1157, %swap3A_1158], %add3A_1133 {strides = array<i32>} : memref<8x2x8x128xf32, #tpu.memory_space<vmem>>, vector<16xf32>,
        %swap3A_1160 = arith.constant 6 : i32
        %swap3A_1161 = arith.constant 2 : i32
        %swap3A_1162 = arith.index_cast %swap3A_1160 : i32 to index
        %swap3A_1163 = arith.index_cast %select_n3A_514 : i32 to index
        %swap3A_1164 = arith.index_cast %swap3A_1161 : i32 to index
        %swap3A_1165 = arith.index_cast %mul3A_532 : i32 to index
        %swap3A_1166 = tpu.vector_load %arg19[%swap3A_1162, %swap3A_1163, %swap3A_1164, %swap3A_1165] {strides = array<i32>} : memref<8x2x8x128xf32, #tpu.memory_space<vmem>>, vector<16xf32>,
        tpu.vector_store %arg19[%swap3A_1162, %swap3A_1163, %swap3A_1164, %swap3A_1165], %add3A_1135 {strides = array<i32>} : memref<8x2x8x128xf32, #tpu.memory_space<vmem>>, vector<16xf32>,
        %swap3A_1167 = arith.constant 6 : i32
        %swap3A_1168 = arith.constant 3 : i32
        %swap3A_1169 = arith.index_cast %swap3A_1167 : i32 to index
        %swap3A_1170 = arith.index_cast %select_n3A_514 : i32 to index
        %swap3A_1171 = arith.index_cast %swap3A_1168 : i32 to index
        %swap3A_1172 = arith.index_cast %mul3A_532 : i32 to index
        %swap3A_1173 = tpu.vector_load %arg19[%swap3A_1169, %swap3A_1170, %swap3A_1171, %swap3A_1172] {strides = array<i32>} : memref<8x2x8x128xf32, #tpu.memory_space<vmem>>, vector<16xf32>,
        tpu.vector_store %arg19[%swap3A_1169, %swap3A_1170, %swap3A_1171, %swap3A_1172], %add3A_1137 {strides = array<i32>} : memref<8x2x8x128xf32, #tpu.memory_space<vmem>>, vector<16xf32>,
        %swap3A_1174 = arith.constant 6 : i32
        %swap3A_1175 = arith.constant 4 : i32
        %swap3A_1176 = arith.index_cast %swap3A_1174 : i32 to index
        %swap3A_1177 = arith.index_cast %select_n3A_514 : i32 to index
        %swap3A_1178 = arith.index_cast %swap3A_1175 : i32 to index
        %swap3A_1179 = arith.index_cast %mul3A_532 : i32 to index
        %swap3A_1180 = tpu.vector_load %arg19[%swap3A_1176, %swap3A_1177, %swap3A_1178, %swap3A_1179] {strides = array<i32>} : memref<8x2x8x128xf32, #tpu.memory_space<vmem>>, vector<16xf32>,
        tpu.vector_store %arg19[%swap3A_1176, %swap3A_1177, %swap3A_1178, %swap3A_1179], %add3A_1139 {strides = array<i32>} : memref<8x2x8x128xf32, #tpu.memory_space<vmem>>, vector<16xf32>,
        %swap3A_1181 = arith.constant 6 : i32
        %swap3A_1182 = arith.constant 5 : i32
        %swap3A_1183 = arith.index_cast %swap3A_1181 : i32 to index
        %swap3A_1184 = arith.index_cast %select_n3A_514 : i32 to index
        %swap3A_1185 = arith.index_cast %swap3A_1182 : i32 to index
        %swap3A_1186 = arith.index_cast %mul3A_532 : i32 to index
        %swap3A_1187 = tpu.vector_load %arg19[%swap3A_1183, %swap3A_1184, %swap3A_1185, %swap3A_1186] {strides = array<i32>} : memref<8x2x8x128xf32, #tpu.memory_space<vmem>>, vector<16xf32>,
        tpu.vector_store %arg19[%swap3A_1183, %swap3A_1184, %swap3A_1185, %swap3A_1186], %add3A_1141 {strides = array<i32>} : memref<8x2x8x128xf32, #tpu.memory_space<vmem>>, vector<16xf32>,
        %swap3A_1188 = arith.constant 6 : i32
        %swap3A_1189 = arith.constant 6 : i32
        %swap3A_1190 = arith.index_cast %swap3A_1188 : i32 to index
        %swap3A_1191 = arith.index_cast %select_n3A_514 : i32 to index
        %swap3A_1192 = arith.index_cast %swap3A_1189 : i32 to index
        %swap3A_1193 = arith.index_cast %mul3A_532 : i32 to index
        %swap3A_1194 = tpu.vector_load %arg19[%swap3A_1190, %swap3A_1191, %swap3A_1192, %swap3A_1193] {strides = array<i32>} : memref<8x2x8x128xf32, #tpu.memory_space<vmem>>, vector<16xf32>,
        tpu.vector_store %arg19[%swap3A_1190, %swap3A_1191, %swap3A_1192, %swap3A_1193], %add3A_1143 {strides = array<i32>} : memref<8x2x8x128xf32, #tpu.memory_space<vmem>>, vector<16xf32>,
        %swap3A_1195 = arith.constant 6 : i32
        %swap3A_1196 = arith.constant 7 : i32
        %swap3A_1197 = arith.index_cast %swap3A_1195 : i32 to index
        %swap3A_1198 = arith.index_cast %select_n3A_514 : i32 to index
        %swap3A_1199 = arith.index_cast %swap3A_1196 : i32 to index
        %swap3A_1200 = arith.index_cast %mul3A_532 : i32 to index
        %swap3A_1201 = tpu.vector_load %arg19[%swap3A_1197, %swap3A_1198, %swap3A_1199, %swap3A_1200] {strides = array<i32>} : memref<8x2x8x128xf32, #tpu.memory_space<vmem>>, vector<16xf32>,
        tpu.vector_store %arg19[%swap3A_1197, %swap3A_1198, %swap3A_1199, %swap3A_1200], %add3A_1145 {strides = array<i32>} : memref<8x2x8x128xf32, #tpu.memory_space<vmem>>, vector<16xf32>,
        %broadcast_in_dim3A_1202 = arith.constant 56 : i32
        %broadcast_in_dim3A_1203 = vector.broadcast %broadcast_in_dim3A_1202 : i32 to vector<16xi32>
        %gather3A_1204 = tpu.vector_load_idx %arg13[%add3A_487, %broadcast_in_dim3A_1203] : memref<256x64xf32, #tpu.memory_space<vmem>>[vector<16xi32>, vector<16xi32>], vector<16xf32>,
        %broadcast_in_dim3A_1205 = arith.constant 57 : i32
        %broadcast_in_dim3A_1206 = vector.broadcast %broadcast_in_dim3A_1205 : i32 to vector<16xi32>
        %gather3A_1207 = tpu.vector_load_idx %arg13[%add3A_487, %broadcast_in_dim3A_1206] : memref<256x64xf32, #tpu.memory_space<vmem>>[vector<16xi32>, vector<16xi32>], vector<16xf32>,
        %broadcast_in_dim3A_1208 = arith.constant 58 : i32
        %broadcast_in_dim3A_1209 = vector.broadcast %broadcast_in_dim3A_1208 : i32 to vector<16xi32>
        %gather3A_1210 = tpu.vector_load_idx %arg13[%add3A_487, %broadcast_in_dim3A_1209] : memref<256x64xf32, #tpu.memory_space<vmem>>[vector<16xi32>, vector<16xi32>], vector<16xf32>,
        %broadcast_in_dim3A_1211 = arith.constant 59 : i32
        %broadcast_in_dim3A_1212 = vector.broadcast %broadcast_in_dim3A_1211 : i32 to vector<16xi32>
        %gather3A_1213 = tpu.vector_load_idx %arg13[%add3A_487, %broadcast_in_dim3A_1212] : memref<256x64xf32, #tpu.memory_space<vmem>>[vector<16xi32>, vector<16xi32>], vector<16xf32>,
        %broadcast_in_dim3A_1214 = arith.constant 60 : i32
        %broadcast_in_dim3A_1215 = vector.broadcast %broadcast_in_dim3A_1214 : i32 to vector<16xi32>
        %gather3A_1216 = tpu.vector_load_idx %arg13[%add3A_487, %broadcast_in_dim3A_1215] : memref<256x64xf32, #tpu.memory_space<vmem>>[vector<16xi32>, vector<16xi32>], vector<16xf32>,
        %broadcast_in_dim3A_1217 = arith.constant 61 : i32
        %broadcast_in_dim3A_1218 = vector.broadcast %broadcast_in_dim3A_1217 : i32 to vector<16xi32>
        %gather3A_1219 = tpu.vector_load_idx %arg13[%add3A_487, %broadcast_in_dim3A_1218] : memref<256x64xf32, #tpu.memory_space<vmem>>[vector<16xi32>, vector<16xi32>], vector<16xf32>,
        %broadcast_in_dim3A_1220 = arith.constant 62 : i32
        %broadcast_in_dim3A_1221 = vector.broadcast %broadcast_in_dim3A_1220 : i32 to vector<16xi32>
        %gather3A_1222 = tpu.vector_load_idx %arg13[%add3A_487, %broadcast_in_dim3A_1221] : memref<256x64xf32, #tpu.memory_space<vmem>>[vector<16xi32>, vector<16xi32>], vector<16xf32>,
        %broadcast_in_dim3A_1223 = arith.constant 63 : i32
        %broadcast_in_dim3A_1224 = vector.broadcast %broadcast_in_dim3A_1223 : i32 to vector<16xi32>
        %gather3A_1225 = tpu.vector_load_idx %arg13[%add3A_487, %broadcast_in_dim3A_1224] : memref<256x64xf32, #tpu.memory_space<vmem>>[vector<16xi32>, vector<16xi32>], vector<16xf32>,
        %mul3A_1226 = arith.mulf %gather3A_1204, %get3A_488 : vector<16xf32>
        %add3A_1227 = arith.addf %mul3A_1226, %get3A_490 : vector<16xf32>
        %mul3A_1228 = arith.mulf %gather3A_1207, %get3A_488 : vector<16xf32>
        %add3A_1229 = arith.addf %mul3A_1228, %get3A_490 : vector<16xf32>
        %mul3A_1230 = arith.mulf %gather3A_1210, %get3A_488 : vector<16xf32>
        %add3A_1231 = arith.addf %mul3A_1230, %get3A_490 : vector<16xf32>
        %mul3A_1232 = arith.mulf %gather3A_1213, %get3A_488 : vector<16xf32>
        %add3A_1233 = arith.addf %mul3A_1232, %get3A_490 : vector<16xf32>
        %mul3A_1234 = arith.mulf %gather3A_1216, %get3A_488 : vector<16xf32>
        %add3A_1235 = arith.addf %mul3A_1234, %get3A_490 : vector<16xf32>
        %mul3A_1236 = arith.mulf %gather3A_1219, %get3A_488 : vector<16xf32>
        %add3A_1237 = arith.addf %mul3A_1236, %get3A_490 : vector<16xf32>
        %mul3A_1238 = arith.mulf %gather3A_1222, %get3A_488 : vector<16xf32>
        %add3A_1239 = arith.addf %mul3A_1238, %get3A_490 : vector<16xf32>
        %mul3A_1240 = arith.mulf %gather3A_1225, %get3A_488 : vector<16xf32>
        %add3A_1241 = arith.addf %mul3A_1240, %get3A_490 : vector<16xf32>
        %swap3A_1242 = arith.constant 7 : i32
        %swap3A_1243 = arith.constant 0 : i32
        %swap3A_1244 = arith.index_cast %swap3A_1242 : i32 to index
        %swap3A_1245 = arith.index_cast %select_n3A_514 : i32 to index
        %swap3A_1246 = arith.index_cast %swap3A_1243 : i32 to index
        %swap3A_1247 = arith.index_cast %mul3A_532 : i32 to index
        %swap3A_1248 = tpu.vector_load %arg19[%swap3A_1244, %swap3A_1245, %swap3A_1246, %swap3A_1247] {strides = array<i32>} : memref<8x2x8x128xf32, #tpu.memory_space<vmem>>, vector<16xf32>,
        tpu.vector_store %arg19[%swap3A_1244, %swap3A_1245, %swap3A_1246, %swap3A_1247], %add3A_1227 {strides = array<i32>} : memref<8x2x8x128xf32, #tpu.memory_space<vmem>>, vector<16xf32>,
        %swap3A_1249 = arith.constant 7 : i32
        %swap3A_1250 = arith.constant 1 : i32
        %swap3A_1251 = arith.index_cast %swap3A_1249 : i32 to index
        %swap3A_1252 = arith.index_cast %select_n3A_514 : i32 to index
        %swap3A_1253 = arith.index_cast %swap3A_1250 : i32 to index
        %swap3A_1254 = arith.index_cast %mul3A_532 : i32 to index
        %swap3A_1255 = tpu.vector_load %arg19[%swap3A_1251, %swap3A_1252, %swap3A_1253, %swap3A_1254] {strides = array<i32>} : memref<8x2x8x128xf32, #tpu.memory_space<vmem>>, vector<16xf32>,
        tpu.vector_store %arg19[%swap3A_1251, %swap3A_1252, %swap3A_1253, %swap3A_1254], %add3A_1229 {strides = array<i32>} : memref<8x2x8x128xf32, #tpu.memory_space<vmem>>, vector<16xf32>,
        %swap3A_1256 = arith.constant 7 : i32
        %swap3A_1257 = arith.constant 2 : i32
        %swap3A_1258 = arith.index_cast %swap3A_1256 : i32 to index
        %swap3A_1259 = arith.index_cast %select_n3A_514 : i32 to index
        %swap3A_1260 = arith.index_cast %swap3A_1257 : i32 to index
        %swap3A_1261 = arith.index_cast %mul3A_532 : i32 to index
        %swap3A_1262 = tpu.vector_load %arg19[%swap3A_1258, %swap3A_1259, %swap3A_1260, %swap3A_1261] {strides = array<i32>} : memref<8x2x8x128xf32, #tpu.memory_space<vmem>>, vector<16xf32>,
        tpu.vector_store %arg19[%swap3A_1258, %swap3A_1259, %swap3A_1260, %swap3A_1261], %add3A_1231 {strides = array<i32>} : memref<8x2x8x128xf32, #tpu.memory_space<vmem>>, vector<16xf32>,
        %swap3A_1263 = arith.constant 7 : i32
        %swap3A_1264 = arith.constant 3 : i32
        %swap3A_1265 = arith.index_cast %swap3A_1263 : i32 to index
        %swap3A_1266 = arith.index_cast %select_n3A_514 : i32 to index
        %swap3A_1267 = arith.index_cast %swap3A_1264 : i32 to index
        %swap3A_1268 = arith.index_cast %mul3A_532 : i32 to index
        %swap3A_1269 = tpu.vector_load %arg19[%swap3A_1265, %swap3A_1266, %swap3A_1267, %swap3A_1268] {strides = array<i32>} : memref<8x2x8x128xf32, #tpu.memory_space<vmem>>, vector<16xf32>,
        tpu.vector_store %arg19[%swap3A_1265, %swap3A_1266, %swap3A_1267, %swap3A_1268], %add3A_1233 {strides = array<i32>} : memref<8x2x8x128xf32, #tpu.memory_space<vmem>>, vector<16xf32>,
        %swap3A_1270 = arith.constant 7 : i32
        %swap3A_1271 = arith.constant 4 : i32
        %swap3A_1272 = arith.index_cast %swap3A_1270 : i32 to index
        %swap3A_1273 = arith.index_cast %select_n3A_514 : i32 to index
        %swap3A_1274 = arith.index_cast %swap3A_1271 : i32 to index
        %swap3A_1275 = arith.index_cast %mul3A_532 : i32 to index
        %swap3A_1276 = tpu.vector_load %arg19[%swap3A_1272, %swap3A_1273, %swap3A_1274, %swap3A_1275] {strides = array<i32>} : memref<8x2x8x128xf32, #tpu.memory_space<vmem>>, vector<16xf32>,
        tpu.vector_store %arg19[%swap3A_1272, %swap3A_1273, %swap3A_1274, %swap3A_1275], %add3A_1235 {strides = array<i32>} : memref<8x2x8x128xf32, #tpu.memory_space<vmem>>, vector<16xf32>,
        %swap3A_1277 = arith.constant 7 : i32
        %swap3A_1278 = arith.constant 5 : i32
        %swap3A_1279 = arith.index_cast %swap3A_1277 : i32 to index
        %swap3A_1280 = arith.index_cast %select_n3A_514 : i32 to index
        %swap3A_1281 = arith.index_cast %swap3A_1278 : i32 to index
        %swap3A_1282 = arith.index_cast %mul3A_532 : i32 to index
        %swap3A_1283 = tpu.vector_load %arg19[%swap3A_1279, %swap3A_1280, %swap3A_1281, %swap3A_1282] {strides = array<i32>} : memref<8x2x8x128xf32, #tpu.memory_space<vmem>>, vector<16xf32>,
        tpu.vector_store %arg19[%swap3A_1279, %swap3A_1280, %swap3A_1281, %swap3A_1282], %add3A_1237 {strides = array<i32>} : memref<8x2x8x128xf32, #tpu.memory_space<vmem>>, vector<16xf32>,
        %swap3A_1284 = arith.constant 7 : i32
        %swap3A_1285 = arith.constant 6 : i32
        %swap3A_1286 = arith.index_cast %swap3A_1284 : i32 to index
        %swap3A_1287 = arith.index_cast %select_n3A_514 : i32 to index
        %swap3A_1288 = arith.index_cast %swap3A_1285 : i32 to index
        %swap3A_1289 = arith.index_cast %mul3A_532 : i32 to index
        %swap3A_1290 = tpu.vector_load %arg19[%swap3A_1286, %swap3A_1287, %swap3A_1288, %swap3A_1289] {strides = array<i32>} : memref<8x2x8x128xf32, #tpu.memory_space<vmem>>, vector<16xf32>,
        tpu.vector_store %arg19[%swap3A_1286, %swap3A_1287, %swap3A_1288, %swap3A_1289], %add3A_1239 {strides = array<i32>} : memref<8x2x8x128xf32, #tpu.memory_space<vmem>>, vector<16xf32>,
        %swap3A_1291 = arith.constant 7 : i32
        %swap3A_1292 = arith.constant 7 : i32
        %swap3A_1293 = arith.index_cast %swap3A_1291 : i32 to index
        %swap3A_1294 = arith.index_cast %select_n3A_514 : i32 to index
        %swap3A_1295 = arith.index_cast %swap3A_1292 : i32 to index
        %swap3A_1296 = arith.index_cast %mul3A_532 : i32 to index
        %swap3A_1297 = tpu.vector_load %arg19[%swap3A_1293, %swap3A_1294, %swap3A_1295, %swap3A_1296] {strides = array<i32>} : memref<8x2x8x128xf32, #tpu.memory_space<vmem>>, vector<16xf32>,
        tpu.vector_store %arg19[%swap3A_1293, %swap3A_1294, %swap3A_1295, %swap3A_1296], %add3A_1241 {strides = array<i32>} : memref<8x2x8x128xf32, #tpu.memory_space<vmem>>, vector<16xf32>,
      }
      %scan3A_466 = arith.constant 16 : i32
      %scan3A_467 = arith.constant 0 : i32
      %scan3A_468 = arith.constant 0 : i32
      %scan3A_469 = arith.constant 64 : i32
      %scan3A_470 = arith.addi %scan3A_468, %scan3A_469 : i32
      %scan3A_471 = arith.constant 1 : i32
      scf.for %scan3A_483 = %scan3A_468 to %scan3A_470 step %scan3A_471  : i32 {
        %jit3A_484 = arith.constant 8 : i32
        %div3A_485 = arith.divsi %scan3A_483, %jit3A_484 : i32
        %sign3A_486 = arith.constant 0 : i32
        %sign3A_487 = arith.cmpi sgt, %scan3A_483, %sign3A_486 : i32
        %sign3A_488 = arith.extui %sign3A_487 : i1 to i32
        %sign3A_489 = arith.constant 0 : i32
        %sign3A_490 = arith.cmpi slt, %scan3A_483, %sign3A_489 : i32
        %sign3A_491 = arith.extui %sign3A_490 : i1 to i32
        %sign3A_492 = arith.subi %sign3A_488, %sign3A_491 : i32
        %sign3A_493 = arith.constant 0 : i32
        %sign3A_494 = arith.cmpi sgt, %jit3A_484, %sign3A_493 : i32
        %sign3A_495 = arith.extui %sign3A_494 : i1 to i32
        %sign3A_496 = arith.constant 0 : i32
        %sign3A_497 = arith.cmpi slt, %jit3A_484, %sign3A_496 : i32
        %sign3A_498 = arith.extui %sign3A_497 : i1 to i32
        %sign3A_499 = arith.subi %sign3A_495, %sign3A_498 : i32
        %ne3A_500 = arith.cmpi ne, %sign3A_492, %sign3A_499 : i32
        %rem3A_501 = arith.remsi %scan3A_483, %jit3A_484 : i32
        %ne3A_502 = arith.constant 0 : i32
        %ne3A_503 = arith.cmpi ne, %rem3A_501, %ne3A_502 : i32
        %and3A_504 = arith.andi %ne3A_500, %ne3A_503 : i1
        %sub3A_505 = arith.constant 1 : i32
        %sub3A_506 = arith.subi %div3A_485, %sub3A_505 : i32
        %select_n3A_507 = arith.select %and3A_504, %sub3A_506, %div3A_485 : i32
        %jit3A_508 = arith.constant 8 : i32
        %eq3A_509 = arith.constant 0 : i32
        %eq3A_510 = arith.cmpi eq, %jit3A_508, %eq3A_509 : i32
        %jit3A_511 = arith.constant 1 : i32
        %select_n3A_512 = arith.select %eq3A_510, %jit3A_511, %jit3A_508 : i32
        %rem3A_513 = arith.remsi %scan3A_483, %select_n3A_512 : i32
        %ne3A_514 = arith.constant 0 : i32
        %ne3A_515 = arith.cmpi ne, %rem3A_513, %ne3A_514 : i32
        %lt3A_516 = arith.constant 0 : i32
        %lt3A_517 = arith.cmpi slt, %rem3A_513, %lt3A_516 : i32
        %lt3A_518 = arith.constant 0 : i32
        %lt3A_519 = arith.cmpi slt, %select_n3A_512, %lt3A_518 : i32
        %ne3A_520 = arith.xori %lt3A_517, %lt3A_519 : i1
        %and3A_521 = arith.andi %ne3A_520, %ne3A_515 : i1
        %add3A_522 = arith.addi %rem3A_513, %select_n3A_512 : i32
        %select_n3A_523 = arith.select %and3A_521, %add3A_522, %rem3A_513 : i32
        %get3A = arith.index_cast %scan3A_483 : i32 to index
        %get3A_524 = arith.constant 0 : index
        %get3A_525 = tpu.vector_load %arg17[%get3A, %get3A_524] {strides = array<i32>} : memref<128x16xf32, #tpu.memory_space<vmem>>, vector<16xf32>,
        %add3A_526 = arith.constant 64 : i32
        %add3A_527 = arith.addi %add3A_526, %scan3A_483 : i32
        %get3A_528 = arith.index_cast %add3A_527 : i32 to index
        %get3A_529 = arith.constant 0 : index
        %get3A_530 = tpu.vector_load %arg17[%get3A_528, %get3A_529] {strides = array<i32>} : memref<128x16xf32, #tpu.memory_space<vmem>>, vector<16xf32>,
        %get3A_531 = arith.constant 0 : i32
        %get3A_532 = arith.index_cast %select_n3A_507 : i32 to index
        %get3A_533 = arith.index_cast %get3A_531 : i32 to index
        %get3A_534 = arith.index_cast %select_n3A_523 : i32 to index
        %get3A_535 = arith.constant 0 : index
        %get3A_536 = tpu.vector_load %arg19[%get3A_532, %get3A_533, %get3A_534, %get3A_535] {strides = array<i32>} : memref<8x2x8x128xf32, #tpu.memory_space<vmem>>, vector<16xf32>,
        %get3A_537 = arith.constant 0 : i32
        %get3A_538 = arith.index_cast %select_n3A_507 : i32 to index
        %get3A_539 = arith.index_cast %get3A_537 : i32 to index
        %get3A_540 = arith.index_cast %select_n3A_523 : i32 to index
        %get3A_541 = arith.constant 16 : index
        %get3A_542 = tpu.vector_load %arg19[%get3A_538, %get3A_539, %get3A_540, %get3A_541] {strides = array<i32>} : memref<8x2x8x128xf32, #tpu.memory_space<vmem>>, vector<16xf32>,
        %get3A_543 = arith.constant 0 : i32
        %get3A_544 = arith.index_cast %select_n3A_507 : i32 to index
        %get3A_545 = arith.index_cast %get3A_543 : i32 to index
        %get3A_546 = arith.index_cast %select_n3A_523 : i32 to index
        %get3A_547 = arith.constant 32 : index
        %get3A_548 = tpu.vector_load %arg19[%get3A_544, %get3A_545, %get3A_546, %get3A_547] {strides = array<i32>} : memref<8x2x8x128xf32, #tpu.memory_space<vmem>>, vector<16xf32>,
        %get3A_549 = arith.constant 0 : i32
        %get3A_550 = arith.index_cast %select_n3A_507 : i32 to index
        %get3A_551 = arith.index_cast %get3A_549 : i32 to index
        %get3A_552 = arith.index_cast %select_n3A_523 : i32 to index
        %get3A_553 = arith.constant 48 : index
        %get3A_554 = tpu.vector_load %arg19[%get3A_550, %get3A_551, %get3A_552, %get3A_553] {strides = array<i32>} : memref<8x2x8x128xf32, #tpu.memory_space<vmem>>, vector<16xf32>,
        %get3A_555 = arith.constant 0 : i32
        %get3A_556 = arith.index_cast %select_n3A_507 : i32 to index
        %get3A_557 = arith.index_cast %get3A_555 : i32 to index
        %get3A_558 = arith.index_cast %select_n3A_523 : i32 to index
        %get3A_559 = arith.constant 64 : index
        %get3A_560 = tpu.vector_load %arg19[%get3A_556, %get3A_557, %get3A_558, %get3A_559] {strides = array<i32>} : memref<8x2x8x128xf32, #tpu.memory_space<vmem>>, vector<16xf32>,
        %get3A_561 = arith.constant 0 : i32
        %get3A_562 = arith.index_cast %select_n3A_507 : i32 to index
        %get3A_563 = arith.index_cast %get3A_561 : i32 to index
        %get3A_564 = arith.index_cast %select_n3A_523 : i32 to index
        %get3A_565 = arith.constant 80 : index
        %get3A_566 = tpu.vector_load %arg19[%get3A_562, %get3A_563, %get3A_564, %get3A_565] {strides = array<i32>} : memref<8x2x8x128xf32, #tpu.memory_space<vmem>>, vector<16xf32>,
        %get3A_567 = arith.constant 0 : i32
        %get3A_568 = arith.index_cast %select_n3A_507 : i32 to index
        %get3A_569 = arith.index_cast %get3A_567 : i32 to index
        %get3A_570 = arith.index_cast %select_n3A_523 : i32 to index
        %get3A_571 = arith.constant 96 : index
        %get3A_572 = tpu.vector_load %arg19[%get3A_568, %get3A_569, %get3A_570, %get3A_571] {strides = array<i32>} : memref<8x2x8x128xf32, #tpu.memory_space<vmem>>, vector<16xf32>,
        %get3A_573 = arith.constant 0 : i32
        %get3A_574 = arith.index_cast %select_n3A_507 : i32 to index
        %get3A_575 = arith.index_cast %get3A_573 : i32 to index
        %get3A_576 = arith.index_cast %select_n3A_523 : i32 to index
        %get3A_577 = arith.constant 112 : index
        %get3A_578 = tpu.vector_load %arg19[%get3A_574, %get3A_575, %get3A_576, %get3A_577] {strides = array<i32>} : memref<8x2x8x128xf32, #tpu.memory_space<vmem>>, vector<16xf32>,
        %mul3A_579 = arith.mulf %get3A_536, %get3A_525 : vector<16xf32>
        %add3A_580 = arith.addf %mul3A_579, %get3A_530 : vector<16xf32>
        %mul3A_581 = arith.mulf %get3A_542, %get3A_525 : vector<16xf32>
        %add3A_582 = arith.addf %mul3A_581, %get3A_530 : vector<16xf32>
        %mul3A_583 = arith.mulf %get3A_548, %get3A_525 : vector<16xf32>
        %add3A_584 = arith.addf %mul3A_583, %get3A_530 : vector<16xf32>
        %mul3A_585 = arith.mulf %get3A_554, %get3A_525 : vector<16xf32>
        %add3A_586 = arith.addf %mul3A_585, %get3A_530 : vector<16xf32>
        %mul3A_587 = arith.mulf %get3A_560, %get3A_525 : vector<16xf32>
        %add3A_588 = arith.addf %mul3A_587, %get3A_530 : vector<16xf32>
        %mul3A_589 = arith.mulf %get3A_566, %get3A_525 : vector<16xf32>
        %add3A_590 = arith.addf %mul3A_589, %get3A_530 : vector<16xf32>
        %mul3A_591 = arith.mulf %get3A_572, %get3A_525 : vector<16xf32>
        %add3A_592 = arith.addf %mul3A_591, %get3A_530 : vector<16xf32>
        %mul3A_593 = arith.mulf %get3A_578, %get3A_525 : vector<16xf32>
        %add3A_594 = arith.addf %mul3A_593, %get3A_530 : vector<16xf32>
        %swap3A = arith.constant 0 : i32
        %swap3A_595 = arith.index_cast %select_n3A_507 : i32 to index
        %swap3A_596 = arith.index_cast %swap3A : i32 to index
        %swap3A_597 = arith.index_cast %select_n3A_523 : i32 to index
        %swap3A_598 = arith.constant 0 : index
        %swap3A_599 = tpu.vector_load %arg19[%swap3A_595, %swap3A_596, %swap3A_597, %swap3A_598] {strides = array<i32>} : memref<8x2x8x128xf32, #tpu.memory_space<vmem>>, vector<16xf32>,
        tpu.vector_store %arg19[%swap3A_595, %swap3A_596, %swap3A_597, %swap3A_598], %add3A_580 {strides = array<i32>} : memref<8x2x8x128xf32, #tpu.memory_space<vmem>>, vector<16xf32>,
        %swap3A_600 = arith.constant 0 : i32
        %swap3A_601 = arith.index_cast %select_n3A_507 : i32 to index
        %swap3A_602 = arith.index_cast %swap3A_600 : i32 to index
        %swap3A_603 = arith.index_cast %select_n3A_523 : i32 to index
        %swap3A_604 = arith.constant 16 : index
        %swap3A_605 = tpu.vector_load %arg19[%swap3A_601, %swap3A_602, %swap3A_603, %swap3A_604] {strides = array<i32>} : memref<8x2x8x128xf32, #tpu.memory_space<vmem>>, vector<16xf32>,
        tpu.vector_store %arg19[%swap3A_601, %swap3A_602, %swap3A_603, %swap3A_604], %add3A_582 {strides = array<i32>} : memref<8x2x8x128xf32, #tpu.memory_space<vmem>>, vector<16xf32>,
        %swap3A_606 = arith.constant 0 : i32
        %swap3A_607 = arith.index_cast %select_n3A_507 : i32 to index
        %swap3A_608 = arith.index_cast %swap3A_606 : i32 to index
        %swap3A_609 = arith.index_cast %select_n3A_523 : i32 to index
        %swap3A_610 = arith.constant 32 : index
        %swap3A_611 = tpu.vector_load %arg19[%swap3A_607, %swap3A_608, %swap3A_609, %swap3A_610] {strides = array<i32>} : memref<8x2x8x128xf32, #tpu.memory_space<vmem>>, vector<16xf32>,
        tpu.vector_store %arg19[%swap3A_607, %swap3A_608, %swap3A_609, %swap3A_610], %add3A_584 {strides = array<i32>} : memref<8x2x8x128xf32, #tpu.memory_space<vmem>>, vector<16xf32>,
        %swap3A_612 = arith.constant 0 : i32
        %swap3A_613 = arith.index_cast %select_n3A_507 : i32 to index
        %swap3A_614 = arith.index_cast %swap3A_612 : i32 to index
        %swap3A_615 = arith.index_cast %select_n3A_523 : i32 to index
        %swap3A_616 = arith.constant 48 : index
        %swap3A_617 = tpu.vector_load %arg19[%swap3A_613, %swap3A_614, %swap3A_615, %swap3A_616] {strides = array<i32>} : memref<8x2x8x128xf32, #tpu.memory_space<vmem>>, vector<16xf32>,
        tpu.vector_store %arg19[%swap3A_613, %swap3A_614, %swap3A_615, %swap3A_616], %add3A_586 {strides = array<i32>} : memref<8x2x8x128xf32, #tpu.memory_space<vmem>>, vector<16xf32>,
        %swap3A_618 = arith.constant 0 : i32
        %swap3A_619 = arith.index_cast %select_n3A_507 : i32 to index
        %swap3A_620 = arith.index_cast %swap3A_618 : i32 to index
        %swap3A_621 = arith.index_cast %select_n3A_523 : i32 to index
        %swap3A_622 = arith.constant 64 : index
        %swap3A_623 = tpu.vector_load %arg19[%swap3A_619, %swap3A_620, %swap3A_621, %swap3A_622] {strides = array<i32>} : memref<8x2x8x128xf32, #tpu.memory_space<vmem>>, vector<16xf32>,
        tpu.vector_store %arg19[%swap3A_619, %swap3A_620, %swap3A_621, %swap3A_622], %add3A_588 {strides = array<i32>} : memref<8x2x8x128xf32, #tpu.memory_space<vmem>>, vector<16xf32>,
        %swap3A_624 = arith.constant 0 : i32
        %swap3A_625 = arith.index_cast %select_n3A_507 : i32 to index
        %swap3A_626 = arith.index_cast %swap3A_624 : i32 to index
        %swap3A_627 = arith.index_cast %select_n3A_523 : i32 to index
        %swap3A_628 = arith.constant 80 : index
        %swap3A_629 = tpu.vector_load %arg19[%swap3A_625, %swap3A_626, %swap3A_627, %swap3A_628] {strides = array<i32>} : memref<8x2x8x128xf32, #tpu.memory_space<vmem>>, vector<16xf32>,
        tpu.vector_store %arg19[%swap3A_625, %swap3A_626, %swap3A_627, %swap3A_628], %add3A_590 {strides = array<i32>} : memref<8x2x8x128xf32, #tpu.memory_space<vmem>>, vector<16xf32>,
        %swap3A_630 = arith.constant 0 : i32
        %swap3A_631 = arith.index_cast %select_n3A_507 : i32 to index
        %swap3A_632 = arith.index_cast %swap3A_630 : i32 to index
        %swap3A_633 = arith.index_cast %select_n3A_523 : i32 to index
        %swap3A_634 = arith.constant 96 : index
        %swap3A_635 = tpu.vector_load %arg19[%swap3A_631, %swap3A_632, %swap3A_633, %swap3A_634] {strides = array<i32>} : memref<8x2x8x128xf32, #tpu.memory_space<vmem>>, vector<16xf32>,
        tpu.vector_store %arg19[%swap3A_631, %swap3A_632, %swap3A_633, %swap3A_634], %add3A_592 {strides = array<i32>} : memref<8x2x8x128xf32, #tpu.memory_space<vmem>>, vector<16xf32>,
        %swap3A_636 = arith.constant 0 : i32
        %swap3A_637 = arith.index_cast %select_n3A_507 : i32 to index
        %swap3A_638 = arith.index_cast %swap3A_636 : i32 to index
        %swap3A_639 = arith.index_cast %select_n3A_523 : i32 to index
        %swap3A_640 = arith.constant 112 : index
        %swap3A_641 = tpu.vector_load %arg19[%swap3A_637, %swap3A_638, %swap3A_639, %swap3A_640] {strides = array<i32>} : memref<8x2x8x128xf32, #tpu.memory_space<vmem>>, vector<16xf32>,
        tpu.vector_store %arg19[%swap3A_637, %swap3A_638, %swap3A_639, %swap3A_640], %add3A_594 {strides = array<i32>} : memref<8x2x8x128xf32, #tpu.memory_space<vmem>>, vector<16xf32>,
        %get3A_642 = arith.constant 1 : i32
        %get3A_643 = arith.index_cast %select_n3A_507 : i32 to index
        %get3A_644 = arith.index_cast %get3A_642 : i32 to index
        %get3A_645 = arith.index_cast %select_n3A_523 : i32 to index
        %get3A_646 = arith.constant 0 : index
        %get3A_647 = tpu.vector_load %arg19[%get3A_643, %get3A_644, %get3A_645, %get3A_646] {strides = array<i32>} : memref<8x2x8x128xf32, #tpu.memory_space<vmem>>, vector<16xf32>,
        %get3A_648 = arith.constant 1 : i32
        %get3A_649 = arith.index_cast %select_n3A_507 : i32 to index
        %get3A_650 = arith.index_cast %get3A_648 : i32 to index
        %get3A_651 = arith.index_cast %select_n3A_523 : i32 to index
        %get3A_652 = arith.constant 16 : index
        %get3A_653 = tpu.vector_load %arg19[%get3A_649, %get3A_650, %get3A_651, %get3A_652] {strides = array<i32>} : memref<8x2x8x128xf32, #tpu.memory_space<vmem>>, vector<16xf32>,
        %get3A_654 = arith.constant 1 : i32
        %get3A_655 = arith.index_cast %select_n3A_507 : i32 to index
        %get3A_656 = arith.index_cast %get3A_654 : i32 to index
        %get3A_657 = arith.index_cast %select_n3A_523 : i32 to index
        %get3A_658 = arith.constant 32 : index
        %get3A_659 = tpu.vector_load %arg19[%get3A_655, %get3A_656, %get3A_657, %get3A_658] {strides = array<i32>} : memref<8x2x8x128xf32, #tpu.memory_space<vmem>>, vector<16xf32>,
        %get3A_660 = arith.constant 1 : i32
        %get3A_661 = arith.index_cast %select_n3A_507 : i32 to index
        %get3A_662 = arith.index_cast %get3A_660 : i32 to index
        %get3A_663 = arith.index_cast %select_n3A_523 : i32 to index
        %get3A_664 = arith.constant 48 : index
        %get3A_665 = tpu.vector_load %arg19[%get3A_661, %get3A_662, %get3A_663, %get3A_664] {strides = array<i32>} : memref<8x2x8x128xf32, #tpu.memory_space<vmem>>, vector<16xf32>,
        %get3A_666 = arith.constant 1 : i32
        %get3A_667 = arith.index_cast %select_n3A_507 : i32 to index
        %get3A_668 = arith.index_cast %get3A_666 : i32 to index
        %get3A_669 = arith.index_cast %select_n3A_523 : i32 to index
        %get3A_670 = arith.constant 64 : index
        %get3A_671 = tpu.vector_load %arg19[%get3A_667, %get3A_668, %get3A_669, %get3A_670] {strides = array<i32>} : memref<8x2x8x128xf32, #tpu.memory_space<vmem>>, vector<16xf32>,
        %get3A_672 = arith.constant 1 : i32
        %get3A_673 = arith.index_cast %select_n3A_507 : i32 to index
        %get3A_674 = arith.index_cast %get3A_672 : i32 to index
        %get3A_675 = arith.index_cast %select_n3A_523 : i32 to index
        %get3A_676 = arith.constant 80 : index
        %get3A_677 = tpu.vector_load %arg19[%get3A_673, %get3A_674, %get3A_675, %get3A_676] {strides = array<i32>} : memref<8x2x8x128xf32, #tpu.memory_space<vmem>>, vector<16xf32>,
        %get3A_678 = arith.constant 1 : i32
        %get3A_679 = arith.index_cast %select_n3A_507 : i32 to index
        %get3A_680 = arith.index_cast %get3A_678 : i32 to index
        %get3A_681 = arith.index_cast %select_n3A_523 : i32 to index
        %get3A_682 = arith.constant 96 : index
        %get3A_683 = tpu.vector_load %arg19[%get3A_679, %get3A_680, %get3A_681, %get3A_682] {strides = array<i32>} : memref<8x2x8x128xf32, #tpu.memory_space<vmem>>, vector<16xf32>,
        %get3A_684 = arith.constant 1 : i32
        %get3A_685 = arith.index_cast %select_n3A_507 : i32 to index
        %get3A_686 = arith.index_cast %get3A_684 : i32 to index
        %get3A_687 = arith.index_cast %select_n3A_523 : i32 to index
        %get3A_688 = arith.constant 112 : index
        %get3A_689 = tpu.vector_load %arg19[%get3A_685, %get3A_686, %get3A_687, %get3A_688] {strides = array<i32>} : memref<8x2x8x128xf32, #tpu.memory_space<vmem>>, vector<16xf32>,
        %mul3A_690 = arith.mulf %get3A_647, %get3A_525 : vector<16xf32>
        %add3A_691 = arith.addf %mul3A_690, %get3A_530 : vector<16xf32>
        %mul3A_692 = arith.mulf %get3A_653, %get3A_525 : vector<16xf32>
        %add3A_693 = arith.addf %mul3A_692, %get3A_530 : vector<16xf32>
        %mul3A_694 = arith.mulf %get3A_659, %get3A_525 : vector<16xf32>
        %add3A_695 = arith.addf %mul3A_694, %get3A_530 : vector<16xf32>
        %mul3A_696 = arith.mulf %get3A_665, %get3A_525 : vector<16xf32>
        %add3A_697 = arith.addf %mul3A_696, %get3A_530 : vector<16xf32>
        %mul3A_698 = arith.mulf %get3A_671, %get3A_525 : vector<16xf32>
        %add3A_699 = arith.addf %mul3A_698, %get3A_530 : vector<16xf32>
        %mul3A_700 = arith.mulf %get3A_677, %get3A_525 : vector<16xf32>
        %add3A_701 = arith.addf %mul3A_700, %get3A_530 : vector<16xf32>
        %mul3A_702 = arith.mulf %get3A_683, %get3A_525 : vector<16xf32>
        %add3A_703 = arith.addf %mul3A_702, %get3A_530 : vector<16xf32>
        %mul3A_704 = arith.mulf %get3A_689, %get3A_525 : vector<16xf32>
        %add3A_705 = arith.addf %mul3A_704, %get3A_530 : vector<16xf32>
        %swap3A_706 = arith.constant 1 : i32
        %swap3A_707 = arith.index_cast %select_n3A_507 : i32 to index
        %swap3A_708 = arith.index_cast %swap3A_706 : i32 to index
        %swap3A_709 = arith.index_cast %select_n3A_523 : i32 to index
        %swap3A_710 = arith.constant 0 : index
        %swap3A_711 = tpu.vector_load %arg19[%swap3A_707, %swap3A_708, %swap3A_709, %swap3A_710] {strides = array<i32>} : memref<8x2x8x128xf32, #tpu.memory_space<vmem>>, vector<16xf32>,
        tpu.vector_store %arg19[%swap3A_707, %swap3A_708, %swap3A_709, %swap3A_710], %add3A_691 {strides = array<i32>} : memref<8x2x8x128xf32, #tpu.memory_space<vmem>>, vector<16xf32>,
        %swap3A_712 = arith.constant 1 : i32
        %swap3A_713 = arith.index_cast %select_n3A_507 : i32 to index
        %swap3A_714 = arith.index_cast %swap3A_712 : i32 to index
        %swap3A_715 = arith.index_cast %select_n3A_523 : i32 to index
        %swap3A_716 = arith.constant 16 : index
        %swap3A_717 = tpu.vector_load %arg19[%swap3A_713, %swap3A_714, %swap3A_715, %swap3A_716] {strides = array<i32>} : memref<8x2x8x128xf32, #tpu.memory_space<vmem>>, vector<16xf32>,
        tpu.vector_store %arg19[%swap3A_713, %swap3A_714, %swap3A_715, %swap3A_716], %add3A_693 {strides = array<i32>} : memref<8x2x8x128xf32, #tpu.memory_space<vmem>>, vector<16xf32>,
        %swap3A_718 = arith.constant 1 : i32
        %swap3A_719 = arith.index_cast %select_n3A_507 : i32 to index
        %swap3A_720 = arith.index_cast %swap3A_718 : i32 to index
        %swap3A_721 = arith.index_cast %select_n3A_523 : i32 to index
        %swap3A_722 = arith.constant 32 : index
        %swap3A_723 = tpu.vector_load %arg19[%swap3A_719, %swap3A_720, %swap3A_721, %swap3A_722] {strides = array<i32>} : memref<8x2x8x128xf32, #tpu.memory_space<vmem>>, vector<16xf32>,
        tpu.vector_store %arg19[%swap3A_719, %swap3A_720, %swap3A_721, %swap3A_722], %add3A_695 {strides = array<i32>} : memref<8x2x8x128xf32, #tpu.memory_space<vmem>>, vector<16xf32>,
        %swap3A_724 = arith.constant 1 : i32
        %swap3A_725 = arith.index_cast %select_n3A_507 : i32 to index
        %swap3A_726 = arith.index_cast %swap3A_724 : i32 to index
        %swap3A_727 = arith.index_cast %select_n3A_523 : i32 to index
        %swap3A_728 = arith.constant 48 : index
        %swap3A_729 = tpu.vector_load %arg19[%swap3A_725, %swap3A_726, %swap3A_727, %swap3A_728] {strides = array<i32>} : memref<8x2x8x128xf32, #tpu.memory_space<vmem>>, vector<16xf32>,
        tpu.vector_store %arg19[%swap3A_725, %swap3A_726, %swap3A_727, %swap3A_728], %add3A_697 {strides = array<i32>} : memref<8x2x8x128xf32, #tpu.memory_space<vmem>>, vector<16xf32>,
        %swap3A_730 = arith.constant 1 : i32
        %swap3A_731 = arith.index_cast %select_n3A_507 : i32 to index
        %swap3A_732 = arith.index_cast %swap3A_730 : i32 to index
        %swap3A_733 = arith.index_cast %select_n3A_523 : i32 to index
        %swap3A_734 = arith.constant 64 : index
        %swap3A_735 = tpu.vector_load %arg19[%swap3A_731, %swap3A_732, %swap3A_733, %swap3A_734] {strides = array<i32>} : memref<8x2x8x128xf32, #tpu.memory_space<vmem>>, vector<16xf32>,
        tpu.vector_store %arg19[%swap3A_731, %swap3A_732, %swap3A_733, %swap3A_734], %add3A_699 {strides = array<i32>} : memref<8x2x8x128xf32, #tpu.memory_space<vmem>>, vector<16xf32>,
        %swap3A_736 = arith.constant 1 : i32
        %swap3A_737 = arith.index_cast %select_n3A_507 : i32 to index
        %swap3A_738 = arith.index_cast %swap3A_736 : i32 to index
        %swap3A_739 = arith.index_cast %select_n3A_523 : i32 to index
        %swap3A_740 = arith.constant 80 : index
        %swap3A_741 = tpu.vector_load %arg19[%swap3A_737, %swap3A_738, %swap3A_739, %swap3A_740] {strides = array<i32>} : memref<8x2x8x128xf32, #tpu.memory_space<vmem>>, vector<16xf32>,
        tpu.vector_store %arg19[%swap3A_737, %swap3A_738, %swap3A_739, %swap3A_740], %add3A_701 {strides = array<i32>} : memref<8x2x8x128xf32, #tpu.memory_space<vmem>>, vector<16xf32>,
        %swap3A_742 = arith.constant 1 : i32
        %swap3A_743 = arith.index_cast %select_n3A_507 : i32 to index
        %swap3A_744 = arith.index_cast %swap3A_742 : i32 to index
        %swap3A_745 = arith.index_cast %select_n3A_523 : i32 to index
        %swap3A_746 = arith.constant 96 : index
        %swap3A_747 = tpu.vector_load %arg19[%swap3A_743, %swap3A_744, %swap3A_745, %swap3A_746] {strides = array<i32>} : memref<8x2x8x128xf32, #tpu.memory_space<vmem>>, vector<16xf32>,
        tpu.vector_store %arg19[%swap3A_743, %swap3A_744, %swap3A_745, %swap3A_746], %add3A_703 {strides = array<i32>} : memref<8x2x8x128xf32, #tpu.memory_space<vmem>>, vector<16xf32>,
        %swap3A_748 = arith.constant 1 : i32
        %swap3A_749 = arith.index_cast %select_n3A_507 : i32 to index
        %swap3A_750 = arith.index_cast %swap3A_748 : i32 to index
        %swap3A_751 = arith.index_cast %select_n3A_523 : i32 to index
        %swap3A_752 = arith.constant 112 : index
        %swap3A_753 = tpu.vector_load %arg19[%swap3A_749, %swap3A_750, %swap3A_751, %swap3A_752] {strides = array<i32>} : memref<8x2x8x128xf32, #tpu.memory_space<vmem>>, vector<16xf32>,
        tpu.vector_store %arg19[%swap3A_749, %swap3A_750, %swap3A_751, %swap3A_752], %add3A_705 {strides = array<i32>} : memref<8x2x8x128xf32, #tpu.memory_space<vmem>>, vector<16xf32>,
      }
      %scan3A_472 = arith.constant 64 : i32
      %dma_start3A_473 = arith.constant 0 : i32
      %dma_start3A_474 = arith.constant 0 : i32
      %dma_start3A_475 = arith.constant 0 : i32
      %dma_start3A_476 = tpu.memref_slice %arg7[%select_n3A_385, %dma_start3A_473, %add3A_449, %dma_start3A_474, %dma_start3A_475] : memref<50x8x128x8x128xf32, #tpu.memory_space<hbm>> -> memref<1x8x2x8x128xf32, #tpu.memory_space<hbm>>
      %dma_start3A_477 = tpu.memref_squeeze %dma_start3A_476 : memref<1x8x2x8x128xf32, #tpu.memory_space<hbm>> -> memref<8x2x8x128xf32, #tpu.memory_space<hbm>>
      %dma_start3A_478 = arith.constant 0 : i32
      %dma_start3A_479 = arith.constant 0 : i32
      %dma_start3A_480 = arith.constant 0 : i32
      %dma_start3A_481 = tpu.memref_slice %arg7[%select_n3A_385, %dma_start3A_478, %add3A_449, %dma_start3A_479, %dma_start3A_480] : memref<50x8x128x8x128xf32, #tpu.memory_space<hbm>> -> memref<1x8x2x8x128xf32, #tpu.memory_space<hbm>>
      %dma_start3A_482 = tpu.memref_squeeze %dma_start3A_481 : memref<1x8x2x8x128xf32, #tpu.memory_space<hbm>> -> memref<8x2x8x128xf32, #tpu.memory_space<hbm>>
      tpu.enqueue_dma source(%arg19 : memref<8x2x8x128xf32, #tpu.memory_space<vmem>>) target(%dma_start3A_482 : memref<8x2x8x128xf32, #tpu.memory_space<hbm>>) target_semaphore(%arg23 : memref<!tpu.dma_semaphore, #tpu.memory_space<semaphore_mem>>)
    }
    %scan3A_38 = arith.constant 50 : i32
    %dma_wait3A = arith.constant 0 : i32
    %dma_wait3A_39 = arith.constant 0 : i32
    %dma_wait3A_40 = tpu.memref_slice %arg12[%dma_wait3A, %dma_wait3A_39] : memref<256x64xf32, #tpu.memory_space<vmem>> -> memref<128x64xf32, #tpu.memory_space<vmem>>
    %dma_wait3A_41 = arith.constant 0 : i32
    %dma_wait3A_42 = tpu.memref_slice %arg10[%dma_wait3A_41] : memref<256xi32, #tpu.memory_space<vmem>> -> memref<128xi32, #tpu.memory_space<vmem>>
    %dma_wait3A_43 = arith.constant 0 : i32
    %dma_wait3A_44 = arith.constant 0 : i32
    %dma_wait3A_45 = tpu.memref_slice %arg4[%dma_wait3A_43, %dma_wait3A_44] : memref<1000000x64xf32, #tpu.memory_space<hbm>> -> memref<1000000x64xf32, #tpu.memory_space<hbm>>
    tpu.wait_indirect_dma semaphore(%arg20 : memref<!tpu.dma_semaphore, #tpu.memory_space<semaphore_mem>>) src(%dma_wait3A_45 : memref<1000000x64xf32, #tpu.memory_space<hbm>>) dst(%dma_wait3A_40 : memref<128x64xf32, #tpu.memory_space<vmem>>)
    %dma_wait3A_46 = arith.constant 128 : i32
    %dma_wait3A_47 = arith.constant 0 : i32
    %dma_wait3A_48 = tpu.memref_slice %arg12[%dma_wait3A_46, %dma_wait3A_47] : memref<256x64xf32, #tpu.memory_space<vmem>> -> memref<128x64xf32, #tpu.memory_space<vmem>>
    %dma_wait3A_49 = arith.constant 128 : i32
    %dma_wait3A_50 = tpu.memref_slice %arg10[%dma_wait3A_49] : memref<256xi32, #tpu.memory_space<vmem>> -> memref<128xi32, #tpu.memory_space<vmem>>
    %dma_wait3A_51 = arith.constant 0 : i32
    %dma_wait3A_52 = arith.constant 0 : i32
    %dma_wait3A_53 = tpu.memref_slice %arg4[%dma_wait3A_51, %dma_wait3A_52] : memref<1000000x64xf32, #tpu.memory_space<hbm>> -> memref<1000000x64xf32, #tpu.memory_space<hbm>>
    tpu.wait_indirect_dma semaphore(%arg20 : memref<!tpu.dma_semaphore, #tpu.memory_space<semaphore_mem>>) src(%dma_wait3A_53 : memref<1000000x64xf32, #tpu.memory_space<hbm>>) dst(%dma_wait3A_48 : memref<128x64xf32, #tpu.memory_space<vmem>>)
    %dma_wait3A_54 = arith.constant 0 : i32
    %dma_wait3A_55 = arith.constant 0 : i32
    %dma_wait3A_56 = arith.constant 0 : i32
    %dma_wait3A_57 = arith.constant 0 : i32
    %dma_wait3A_58 = arith.constant 0 : i32
    %dma_wait3A_59 = tpu.memref_slice %arg7[%dma_wait3A_54, %dma_wait3A_55, %dma_wait3A_56, %dma_wait3A_57, %dma_wait3A_58] : memref<50x8x128x8x128xf32, #tpu.memory_space<hbm>> -> memref<1x8x2x8x128xf32, #tpu.memory_space<hbm>>
    %dma_wait3A_60 = tpu.memref_squeeze %dma_wait3A_59 : memref<1x8x2x8x128xf32, #tpu.memory_space<hbm>> -> memref<8x2x8x128xf32, #tpu.memory_space<hbm>>
    %dma_wait3A_61 = arith.constant 0 : i32
    %dma_wait3A_62 = arith.constant 0 : i32
    %dma_wait3A_63 = arith.constant 0 : i32
    %dma_wait3A_64 = arith.constant 0 : i32
    %dma_wait3A_65 = tpu.memref_slice %arg7[%dma_wait3A_54, %dma_wait3A_61, %dma_wait3A_62, %dma_wait3A_63, %dma_wait3A_64] : memref<50x8x128x8x128xf32, #tpu.memory_space<hbm>> -> memref<1x8x2x8x128xf32, #tpu.memory_space<hbm>>
    %dma_wait3A_66 = tpu.memref_squeeze %dma_wait3A_65 : memref<1x8x2x8x128xf32, #tpu.memory_space<hbm>> -> memref<8x2x8x128xf32, #tpu.memory_space<hbm>>
    tpu.wait_dma2 semaphore(%arg22 : memref<!tpu.dma_semaphore, #tpu.memory_space<semaphore_mem>>) src(%arg18 : memref<8x2x8x128xf32, #tpu.memory_space<vmem>>) dst(%dma_wait3A_66 : memref<8x2x8x128xf32, #tpu.memory_space<hbm>>)
    %dma_wait3A_67 = arith.constant 0 : i32
    %dma_wait3A_68 = arith.constant 0 : i32
    %dma_wait3A_69 = arith.constant 0 : i32
    %dma_wait3A_70 = arith.constant 0 : i32
    %dma_wait3A_71 = arith.constant 0 : i32
    %dma_wait3A_72 = tpu.memref_slice %arg7[%dma_wait3A_67, %dma_wait3A_68, %dma_wait3A_69, %dma_wait3A_70, %dma_wait3A_71] : memref<50x8x128x8x128xf32, #tpu.memory_space<hbm>> -> memref<1x8x2x8x128xf32, #tpu.memory_space<hbm>>
    %dma_wait3A_73 = tpu.memref_squeeze %dma_wait3A_72 : memref<1x8x2x8x128xf32, #tpu.memory_space<hbm>> -> memref<8x2x8x128xf32, #tpu.memory_space<hbm>>
    %dma_wait3A_74 = arith.constant 0 : i32
    %dma_wait3A_75 = arith.constant 0 : i32
    %dma_wait3A_76 = arith.constant 0 : i32
    %dma_wait3A_77 = arith.constant 0 : i32
    %dma_wait3A_78 = tpu.memref_slice %arg7[%dma_wait3A_67, %dma_wait3A_74, %dma_wait3A_75, %dma_wait3A_76, %dma_wait3A_77] : memref<50x8x128x8x128xf32, #tpu.memory_space<hbm>> -> memref<1x8x2x8x128xf32, #tpu.memory_space<hbm>>
    %dma_wait3A_79 = tpu.memref_squeeze %dma_wait3A_78 : memref<1x8x2x8x128xf32, #tpu.memory_space<hbm>> -> memref<8x2x8x128xf32, #tpu.memory_space<hbm>>
    tpu.wait_dma2 semaphore(%arg23 : memref<!tpu.dma_semaphore, #tpu.memory_space<semaphore_mem>>) src(%arg19 : memref<8x2x8x128xf32, #tpu.memory_space<vmem>>) dst(%dma_wait3A_79 : memref<8x2x8x128xf32, #tpu.memory_space<hbm>>)
    return
  }
}

</mosaic_0001>

<sc_bundles>
// kernel: kernel.3.cloned.1.call-start
scs
__scs_entry_jumppad:
0x0: {  	(pc) =	sbr.rel $0x88, $3  }
0x1: {  	(tag) =	ssettag $0x0;
	lr =	simm.s32 $0x1  }
0x2: {  	[smem:$0x3F9C] =	sst lr;
	_ =	strace $0xD0000000  }
0x3: {  	_ = 	snop  }
0x4: {  	_ = 	snop  }
0x5: {  	_ = 	snop  }
0x6: {  	_ = 	snop  }
0x7: {  	_ = 	snop  }
__scs_overlays_trampoline_lowered:
0x8: {  	[smem:$0x3FAB] =	sst s0  }
0x9: {  	[smem:$0x3FAC] =	sst s1  }
0xa: {  	[smem:$0x3FAD] =	sst s2  }
0xb: {  	[smem:$0x3FAE] =	sst s3  }
0xc: {  	[smem:$0x3FAF] =	sst s4  }
0xd: {  	[smem:$0x3FB0] =	sst s5  }
0xe: {  	[smem:$0x3FB1] =	sst s6  }
0xf: {  	[smem:$0x3FB2] =	sst s7  }
0x10: {  	[smem:$0x3FB3] =	sst s8  }
0x11: {  	[smem:$0x3FB4] =	sst s9;
	s0 =	simm.s32 @!p0 $0x0  }
0x12: {  	s1 =	sld [smem:$0x3F9A];
	s0 =	simm.s32 @p0 $0x1  }
0x13: {  	[smem:$0x3FB5] =	sst s0;
	s0 =	simm.s32 @!p1 $0x0  }
0x14: {  	s2 =	sld [smem:$0x3F99];
	s0 =	simm.s32 @p1 $0x1  }
0x15: {  	[smem:$0x3FB6] =	sst s0;
	s0 =	simm.s32 @!p2 $0x0  }
0x16: {  	s3 =	sld [smem:$0x3FDB];
	s0 =	simm.s32 @p2 $0x1  }
0x17: {  	s4 =	simm.s32 $0x1BF5;
	[smem:$0x3FB8] =	sst s0  }
0x18: {  	s0 =	sld [smem:$0x3F9B];
	_ =	swait.ge [sflag:s4], $0x0  }
0x19: {  	s7 =	sld [smem:$0x3F9C]  }
0x1a: {  	s8 =	sadd.s32 $0xFFFFE003, lr  }
0x1b: {  	s9 =	sadd.s32 $0xFFFFFEF7, lr;
	s5 =	simm.s32 $0xFFFFFFFF;
	p2 =	slt.u32 s8, $0xFFFFF086  }
0x1c: {  	p1 =	slt.u32 s9, $0xF7A;
	s5 =	simm.s32 @!p2 $0x0  }
0x1d: {  	s5 =	simm.s32 @p1 $0x1;
	p0 =	seq.s32 s7, s2  }
0x1e: {  	s7 =	smul.u32 @!p0 $0xF7A, s2;
	p2 =	seq.s32 @!p0 s5, $0x0  }
0x1f: {  	s9 =	smul.u32 $0xF7A, s1;
	s8 =	simm.s32 @!p0 $0x1BF5;
	p2 =	por !p2, p0  }
0x20: {  	[sflag:s8] =	ssyncset.s32 @!p0 $0xFFFFF086;
	s6 =	sadd.s32 @!p0 s3, s7;
	s7 =	simm.s32 @!p0 $0x108  }
0x21: {  	s3 =	sadd.s32 s3, s9;
	s6 =	sadd.s32 @!p0 $0x88, s6;
	s7 =	simm.s32 @p2 $0x1082  }
0x22: {  	[simem:s7], [sflag:s8] =	dma.local @!p0 [hbm:s6], $0xF7A  }
0x23: {  	s9 =	sor.u32 $0xD0000000, s2;
	s6 =	simm.s32 $0x108;
	_ =	swait.ge @!p0 [sflag:s8], $0x0  }
0x24: {  	s3 =	sadd.s32 $0x88, s3;
	s6 =	simm.s32 @!p1 $0x1082;
	[sflag:s4] =	ssyncset.s32 $0xFFFFF086  }
0x25: {  	[simem:s6], [sflag:s4] =	dma.local [hbm:s3], $0xF7A  }
0x26: {  	[smem:$0x3F9C] =	sst s1;
	(tag) =	ssettag s2;
	_ =	strace s9  }
0x27: {  	s1 =	sld [smem:$0x3FAC]  }
0x28: {  	s2 =	sld [smem:$0x3FAD]  }
0x29: {  	s4 =	sld [smem:$0x3FAF]  }
0x2a: {  	p0 =	seq.s32 s5, $0x0;
	s5 =	sld [smem:$0x3FB0]  }
0x2b: {  	s6 =	sld [smem:$0x3FB1]  }
0x2c: {  	s7 =	sld [smem:$0x3FB2]  }
0x2d: {  	s3 =	simm.s32 $0x108;
	s8 =	sld [smem:$0x3FB3]  }
0x2e: {  	s3 =	simm.s32 @!p0 $0x1082;
	s9 =	sld [smem:$0x3FB4]  }
0x2f: {  	lr =	sadd.s32 s0, s3;
	s0 =	sld [smem:$0x3FAB]  }
0x30: {  	s3 =	sld [smem:$0x3FAE]  }
0x31: {  	[smem:$0x3FB7] =	sst s10  }
0x32: {  	s10 =	sld [smem:$0x3FB5];
	_ =	sdelay $0x3  }
0x33: {  	p0 =	seq.s32 s10, $0x1;
	s10 =	sld [smem:$0x3FB7];
	_ =	sdelay $0x3  }
0x34: {  	[smem:$0x3FB7] =	sst s10  }
0x35: {  	s10 =	sld [smem:$0x3FB6];
	_ =	sdelay $0x3  }
0x36: {  	p1 =	seq.s32 s10, $0x1;
	s10 =	sld [smem:$0x3FB7];
	_ =	sdelay $0x3  }
0x37: {  	[smem:$0x3FB7] =	sst s10  }
0x38: {  	s10 =	sld [smem:$0x3FB8]  }
0x39: {  	_ = 	snop;
	(pc) =	sbr.ind lr, $3  }
0x3a: {  	_ = 	snop  }
0x3b: {  	_ = 	snop  }
0x3c: {  	p2 =	seq.s32 s10, $0x1;
	s10 =	sld [smem:$0x3FB7]  }
0x3d: {  	_ =	shalt  }
0x3e: {  	_ =	shalt  }
0x3f: {  	_ =	shalt  }
0x40: {  	_ =	shalt  }
0x41: {  	_ =	shalt  }
0x42: {  	_ =	shalt  }
0x43: {  	_ =	shalt  }
0x44: {  	_ =	shalt  }
0x45: {  	_ =	shalt  }
0x46: {  	_ =	shalt  }
0x47: {  	_ =	shalt  }
0x48: {  	_ =	shalt  }
0x49: {  	_ =	shalt  }
0x4a: {  	_ =	shalt  }
0x4b: {  	_ =	shalt  }
0x4c: {  	_ =	shalt  }
0x4d: {  	_ =	shalt  }
0x4e: {  	_ =	shalt  }
0x4f: {  	_ =	shalt  }
0x50: {  	_ =	shalt  }
0x51: {  	_ =	shalt  }
0x52: {  	_ =	shalt  }
0x53: {  	_ =	shalt  }
0x54: {  	_ =	shalt  }
0x55: {  	_ =	shalt  }
0x56: {  	_ =	shalt  }
0x57: {  	_ =	shalt  }
0x58: {  	_ =	shalt  }
0x59: {  	_ =	shalt  }
0x5a: {  	_ =	shalt  }
0x5b: {  	_ =	shalt  }
0x5c: {  	_ =	shalt  }
0x5d: {  	_ =	shalt  }
0x5e: {  	_ =	shalt  }
0x5f: {  	_ =	shalt  }
0x60: {  	_ =	shalt  }
0x61: {  	_ =	shalt  }
0x62: {  	_ =	shalt  }
0x63: {  	_ =	shalt  }
0x64: {  	_ =	shalt  }
0x65: {  	_ =	shalt  }
0x66: {  	_ =	shalt  }
0x67: {  	_ =	shalt  }
0x68: {  	_ =	shalt  }
0x69: {  	_ =	shalt  }
0x6a: {  	_ =	shalt  }
0x6b: {  	_ =	shalt  }
0x6c: {  	_ =	shalt  }
0x6d: {  	_ =	shalt  }
0x6e: {  	_ =	shalt  }
0x6f: {  	_ =	shalt  }
0x70: {  	_ =	shalt  }
0x71: {  	_ =	shalt  }
0x72: {  	_ =	shalt  }
0x73: {  	_ =	shalt  }
0x74: {  	_ =	shalt  }
0x75: {  	_ =	shalt  }
0x76: {  	_ =	shalt  }
0x77: {  	_ =	shalt  }
0x78: {  	_ =	shalt  }
0x79: {  	_ =	shalt  }
0x7a: {  	_ =	shalt  }
0x7b: {  	_ =	shalt  }
0x7c: {  	_ =	shalt  }
0x7d: {  	_ =	shalt  }
0x7e: {  	_ =	shalt  }
0x7f: {  	_ =	shalt  }
0x80: {  	_ =	shalt  }
0x81: {  	_ =	shalt  }
0x82: {  	_ =	shalt  }
0x83: {  	_ =	shalt  }
0x84: {  	_ =	shalt  }
0x85: {  	_ =	shalt  }
0x86: {  	_ =	shalt  }
0x87: {  	_ =	shalt  }
.Lfunc_end0:
.L_simem_size_0:
called_computation_lowered:
.L_overlay_start_0:
0x88: {  	s2 =	sld [smem:$0x3FD9]  }
0x89: {  	s3 =	sld [smem:$0x3FFE];
	_ =	sdelay $0x1  }
0x8a: {  	s1 =	srdreg.scid  }
0x8b: {  	s0 =	sand.u32 $0x1, s1  }
0x8c: {  	s17 =	sshll.u32 s0, $0xA;
	s2 =	sadd.s32 s3, s2  }
0x8d: {  	s2 =	sadd.s32 s2, s17  }
0x8e: {  	[smem:$0x3FC3] =	sst s2  }
0x8f: {  	_ = 	snop  }
0x90: {  	s2 =	sld [smem:$0x3FC6]  }
0x91: {  	s18 =	sld [smem:$0x3FC5]  }
0x92: {  	s4 =	sld [smem:$0x3FD0];
	(tm) =	ssettm $0x1  }
0x93: {  	s5 =	sld [smem:$0x3FFB];
	_ =	sdelay $0x3  }
0x94: {  	_ =	strace s5  }
0x95: {  	s5 =	sld [smem:$0x3FFC];
	_ =	sdelay $0x3  }
0x96: {  	_ =	strace s5  }
0x97: {  	s5 =	sld [smem:$0x3FFD];
	_ =	sdelay $0x3  }
0x98: {  	_ =	strace s5  }
0x99: {  	_ =	strace $0x8FFFFFFF  }
0x9a: {  	s19 =	sld [smem:$0x3FDB];
	_ =	sdelay $0x1  }
0x9b: {  	s6 =	simm.s32 $_scs_section_size  }
0x9c: {  	s7 =	simm.s32 $_size__tile_overlayer_lowered;
	s8 =	simm.s32 $_tile_overlayer_lowered  }
0x9d: {  	s22 =	simm.s32 $0x1BFF;
	s21 =	sshll.u32 s8, $0x1;
	s5 =	sadd.s32 s6, s19  }
0x9e: {  	s9 =	simm.s32 $0x0;
	s20 =	sshll.u32 s7, $0x1;
	s7 =	sadd.s32 s21, s5  }
0x9f: {  	[timem:s9], [sflag:s22] =	dma.local [hbm:s7], s20  }
0xa0: {  	_ =	swait.ge [sflag:s22], s20  }
0xa1: {  	s6 =	ssub.s32 $0x0, s20;
	[sflag:s22] =	ssyncset.done $0x0  }
0xa2: {  	[sflag:s22] =	ssyncadd.s32 s6;
	_ =	sdelay $0x1  }
0xa3: {  	s23 =	simm.s32 $0x1B8B  }
0xa4: {  	_ =	swait.ge [sflag:s23], $0x1  }
0xa5: {  	[sflag:s23] =	ssyncset.done $0x0  }
0xa6: {  	s25 =	simm.s32 $0x1B8E;
	s24 =	sld [smem:$0x3FFE];
	[sflag:s23] =	ssyncadd.s32 $0xFFFFFFFF  }
0xa7: {  	s26 =	simm.s32 $execute0_lowered;
	[smem:$0x3FD2] =	sst s25  }
0xa8: {  	s7 =	sshll.u32 s26, $0x1;
	_ =	strace $0x80000046;
	[dreg:$0x1] =	wrdreg $0xFFFFFFFF  }
0xa9: {  	s28 =	simm.s32 $_size_execute0_lowered;
	s5 =	sadd.s32 s5, s7;
	[dreg:$0x0] =	wrdreg $0x0  }
0xaa: {  	s7 =	sshll.u32 s28, $0x1;
	[dreg:$0x2] =	wrdreg s5  }
0xab: {  	[dreg:$0x3] =	wrdreg s7  }
0xac: {  	[dreg:$0x4] =	wrdreg $0xC0  }
0xad: {  	_ =	task [dreg:s9], $0x5FFFF  }
0xae: {  	[dreg:$0x1] =	wrdreg $0xFFFFFFFF  }
0xaf: {  	[dreg:$0x0] =	wrdreg $0x60  }
0xb0: {  	[dreg:$0x2] =	wrdreg s24  }
0xb1: {  	[dreg:$0x3] =	wrdreg s2  }
0xb2: {  	[dreg:$0x4] =	wrdreg s18  }
0xb3: {  	[dreg:$0x5] =	wrdreg s4  }
0xb4: {  	[dreg:$0x6] =	wrdreg $0x9  }
0xb5: {  	_ =	task.clear_ibuf [dreg:s9], $0x7FFFF;
	_ =	strace $0x90000046  }
0xb6: {  	s29 =	simm.s32 $0x9;
	_ =	strace $0x80000048  }
0xb7: {  	_ =	swait.ge [sflag:s29], $0x1  }
0xb8: {  	[sflag:s29] =	ssyncadd.s32 $0xFFFFFFFF  }
0xb9: {  	_ =	strace $0x90000048  }
0xba: {  	_ =	sfence  }
0xbb: {  	s30 =	sld [smem:$0x0];
	_ =	sdelay $0x2  }
0xbc: {  	s31 =	sshll.u32 s1, $0xD;
	s1 =	sshrl.u32 s1, $0x2  }
0xbd: {  	s3 =	sand.u32 $0x4000, s31;
	s1 =	sadd.s32 s1, s30  }
0xbe: {  	s0 =	sor.u32 s3, s0;
	s1 =	sshll.u32 s1, $0x11  }
0xbf: {  	s0 =	sor.u32 s1, s0  }
0xc0: {  	s0 =	sadd.s32 $0x8F2B, s0  }
0xc1: {  	[sflag:s0] =	ssyncadd.remote.s32 $0x1  }
0xc2: {  	_ =	sfence.sel $0xFFFF  }
0xc3: {  	[dreg:$0x0] =	wrdreg $0xFFFFFFFF;
	(pc) =	sbr.abs _section_cstart, $3  }
0xc4: {  	[dreg:$0x1] =	wrdreg $0xFFFFFFFF  }
0xc5: {  	_ =	task.clear_ibuf [dreg:s9], $0x2FFFF;
	_ =	strace $0x9FFFFFFF  }
0xc6: {  	(tm) =	ssettm $0x7FFFFFFF  }
0xc7: {  	_ =	shalt  }
tec
execute0_lowered:
.L_overlay_start_1:
0x0: {  	(tag) =	ssettag $0x1  }
0x1: {  	s0 =	rddreg [dreg:$0x0];
	s1 =	srdreg.scid  }
0x2: {  	s2 =	stileid.u32;
	s3 =	rddreg [dreg:$0x3];
	s4 =	simm.s32 $0x0  }
0x3: {  	s12 =	simm.s32 $0x6400;
	s13 =	simm.s32 $0x14C00;
	s15 =	simm.s32 $0x80  }
0x4: {  	s16 =	simm.s32 $0xC800;
	s17 =	simm.s32 $0xCA00;
	s18 =	simm.s32 $0xC880  }
0x5: {  	s19 =	simm.s32 $0xEA00;
	s21 =	simm.s32 $0x10A00;
	s23 =	simm.s32 $0x12A00  }
0x6: {  	s28 =	simm.s32 $0x15480;
	s29 =	simm.s32 $0x2;
	s30 =	simm.s32 $0x19480  }
0x7: {  	s1 =	sand.u32 $0x1, s1;
	s2 =	sshll.u32 s2, $0x1;
	[smem:$0x7FF] =	sst s4  }
0x8: {  	s2 =	sor.u32 s1, s2;
	s1 =	ssub.s32 $0x2, s1;
	_ =	strace $0x80000047  }
0x9: {  	v2 =	vlaneseq.u32;
	s5 =	smul.u32 $0xC80, s2;
	s7 =	sshrl.u32 s1, $0x1;
	s25 =	sshll.u32 s2, $0x9  }
0xa: {  	v60 =	vmul.u32 $0x32, v2;
	s2 =	simm.s32 $0x0;
	s24 =	ssub.s32 s1, s7;
	s8 =	sadd.s32 s3, s25  }
0xb: {  	v1 =	vand.u32 $0x3, v2;
	v61 =	vmul.u32 $0x40, v2;
	s6 =	sadd.s32 s5, s0;
	s5 =	sadd.s32 $0xF42C00, s0;
	s0 =	smax.u32 s24, $0x1  }
0xc: {  	v0 =	vmul.u32 $0x2, v1;
	[tilespmem:$0x1FFD0] =	vst v60;
	s25 =	simm.s32 $0x800;
	s26 =	sadd.s32 $0x19800, s6;
	[dreg:$0x7] =	wrdreg s0  }
0xd: {  	[tilespmem:$0x1FFF0] =	vst v61;
	s9 =	sadd.s32 $0x100, s8;
	s31 =	sadd.s32 $0x800, s6;
	[dreg:$0x5] =	wrdreg s26  }
0xe: {  	[tilespmem:$0x1FFE0] =	vst v0;
	s24 =	simm.s32 $0x1;
	[dreg:$0x6] =	wrdreg s31;
	s26 =	simm.s32 $0x20000  }
.LBB2_1:
0xf: {  	[dreg:$0x8] =	wrdreg s2  }
0x10: {  	s0 =	rddreg [dreg:$0x5];
	s1 =	simm.s32 $0x5  }
0x11: {  	[tilespmem:s4], [sflag:$0x5] =	stream.linear.gather [hbm4b:s0+s4], $0x6400, $0x38;
	[tilespmem:$0x1D480] =	vst v63  }
0x12: {  	_ =	swait.ge [sflag:s1], $0x6400  }
0x13: {  	[sflag:s1] =	ssyncset.done $0x0  }
0x14: {  	s11 =	rddreg [dreg:$0x6];
	[sflag:s1] =	ssyncadd.s32 $0xFFFF9C00  }
0x15: {  	[tilespmem:s12], [sflag:$0x5] =	stream.linear.gather [hbm4b:s11+s4], $0x6400, $0x38;
	[tilespmem:$0x1D480] =	vst v63  }
0x16: {  	_ =	swait.ge [sflag:s1], $0x6400  }
0x17: {  	[sflag:s1] =	ssyncset.done $0x0  }
0x18: {  	[sflag:s1] =	ssyncadd.s32 $0xFFFF9C00  }
0x19: {  	s14 =	rddreg [dreg:$0x1]  }
0x1a: {  	[tilespmem:s13], [sflag:$0x5] =	stream.linear.gather [hbm4b:s14+s4], $0x40, $0x38;
	[tilespmem:$0x1D480] =	vst v63  }
0x1b: {  	_ =	swait.ge [sflag:s1], $0x40  }
0x1c: {  	[sflag:s1] =	ssyncset.done $0x0  }
0x1d: {  	[sflag:s1] =	ssyncadd.s32 $0xFFFFFFC0  }
0x1e: {  	v3 =	vmov s4;
	s22 =	simm.s32 $0x14C40;
	s20 =	rddreg [dreg:$0x2]  }
0x1f: {  	[tilespmem:s22], [sflag:$0x5] =	stream.linear.gather [hbm4b:s20+s4], $0x40, $0x38;
	[tilespmem:$0x1D480] =	vst v63  }
0x20: {  	_ =	swait.ge [sflag:s1], $0x40  }
0x21: {  	[sflag:s1] =	ssyncset.done $0x0  }
0x22: {  	[sflag:s1] =	ssyncadd.s32 $0xFFFFFFC0  }
0x23: {  	v4 =	vld.idx.msk [tilespmem:v3+s13+$0x0], $0xffff  }
0x24: {  	v3 =	vor.u32 $0x40, v3;
	_ =	sdelay $0x2  }
0x25: {  	s0 =	simm.s32 $0x15080  }
0x26: {  	[tilespmem:s0+$0xFFFFFC00] =	vst v4  }
0x27: {  	s31 =	simm.s32 $0x1;
	v4 =	vld.idx.msk [tilespmem:v3+s13+$0x0], $0xffff  }
0x28: {  	s1 =	simm.s32 $0x2;
	v3 =	vmov s31  }
.LBB2_2:
0x29: {  	p0 =	sne.s32 s1, $0x3F;
	_ =	sdelay $0x2  }
0x2a: {  	[tilespmem:s0+$0x0] =	vst v4  }
0x2b: {  	v4 =	vld.idx.msk [tilespmem:v3+s13+$0x0], $0xffff;
	_ =	sdelay $0x1  }
0x2c: {  	v3 =	vor.u32 $0x40, v3;
	_ =	sdelay $0x2  }
.Ltmp0:
0x2d: {  	s0 =	sadd.s32 $0x10, s0;
	(pc) =	sbr.rel @p0 .LBB2_2-.Ltmp0, $3  }
0x2e: {  	[tilespmem:s0+$0xFFFFFC00] =	vst v4  }
0x2f: {  	v4 =	vld.idx.msk [tilespmem:v3+s13+$0x0], $0xffff;
	_ =	sdelay $0x1  }
0x30: {  	v3 =	vmov s1;
	s1 =	sadd.s32 $0x1, s1  }
0x31: {  	_ =	sdelay $0x2  }
0x32: {  	[tilespmem:s0+$0x0] =	vst v4  }
0x33: {  	v4 =	vld.idx.msk [tilespmem:v3+s13+$0x0], $0xffff  }
0x34: {  	v3 =	vor.u32 $0x40, v3;
	_ =	sdelay $0x2  }
0x35: {  	s20 =	sadd.s32 $0x10, s0;
	s1 =	simm.s32 $0x0  }
0x36: {  	[tilespmem:s20+$0xFFFFFC00] =	vst v4;
	v4 =	vadd.s32 s1, v60  }
0x37: {  	v3 =	vld.idx.msk [tilespmem:v3+s13+$0x0], $0xffff;
	v4 =	vand.u32 $0x7FF8, v4  }
0x38: {  	v4 =	vor.u32 v0, v4;
	_ =	sdelay $0x2  }
0x39: {  	s22 =	simm.s32 $0x320  }
0x3a: {  	[tilespmem:s20+$0x0] =	vst v3;
	v3 =	vadd.s32 s22, v60  }
0x3b: {  	v4 =	vld.idx.msk [tilespmem:v4+s4+$0x0], $0xffff;
	v3 =	vand.u32 $0x7FF8, v3  }
0x3c: {  	v3 =	vor.u32 v0, v3;
	_ =	sdelay $0x2  }
0x3d: {  	s0 =	simm.s32 $0xC800  }
0x3e: {  	s31 =	simm.s32 $0x640;
	[tilespmem:s0+$0x0] =	vst v4  }
0x3f: {  	s1 =	simm.s32 $0x960;
	v4 =	vadd.s32 s31, v60;
	v3 =	vld.idx.msk [tilespmem:v3+s4+$0x0], $0xffff  }
.LBB2_4:
0x40: {  	p0 =	sne.s32 s1, $0x2EE0;
	v4 =	vand.u32 $0x7FF8, v4  }
0x41: {  	v5 =	vor.u32 v0, v4  }
.Ltmp1:
0x42: {  	(pc) =	sbr.rel @p0 .LBB2_4-.Ltmp1, $4  }
0x43: {  	_ = 	snop  }
0x44: {  	s0 =	sadd.s32 $0x10, s0  }
0x45: {  	[tilespmem:s0+$0x0] =	vst v3  }
0x46: {  	v4 =	vadd.s32 s1, v60;
	s1 =	sadd.s32 $0x320, s1;
	v3 =	vld.idx.msk [tilespmem:v5+s4+$0x0], $0xffff  }
0x47: {  	v4 =	vand.u32 $0x7FF8, v4  }
0x48: {  	v4 =	vor.u32 v0, v4;
	_ =	sdelay $0x2  }
0x49: {  	s0 =	sadd.s32 $0x10, s0  }
0x4a: {  	[tilespmem:s0+$0x0] =	vst v3  }
0x4b: {  	v3 =	vld.idx.msk [tilespmem:v4+s4+$0x0], $0xffff;
	_ =	sdelay $0x3  }
0x4c: {  	s0 =	sadd.s32 $0x10, s0  }
0x4d: {  	[tilespmem:s0+$0x0] =	vst v3  }
0x4e: {  	[tilespmem:s17], [sflag:$0x1] =	stream.indirect.gather [hbm4b:s5+s15], $0x40, s16, s15, $0xb8;
	[tilespmem:$0x1D480] =	vst v63  }
0x4f: {  	s1 =	simm.s32 $0x3200;
	s3 =	simm.s32 $0x0;
	s14 =	simm.s32 $0x0  }
0x50: {  	[tilespmem:s19], [sflag:$0x1] =	stream.indirect.gather [hbm4b:s5+s15], $0x40, s18, s15, $0xb8;
	[tilespmem:$0x1D480] =	vst v63  }
.LBB2_6:
0x51: {  	v0 =	vadd.s32 s1, v60;
	_ =	sdelay $0x2  }
0x52: {  	p0 =	slt.s32 s3, $0x61;
	s0 =	smov.u32 s3  }
0x53: {  	s0 =	simm.s32 @!p0 $0x61  }
0x54: {  	s2 =	sadd.s32 $0x320, s1;
	s7 =	simm.s32 $0x80;
	s0 =	sadd.s32 $0x2, s0;
	v4 =	vld.idx.msk [tilespmem:v0+s4+$0x0], $0xffff  }
0x55: {  	s10 =	simm.s32 $0x0;
	[tilespmem:$0x1FFC0] =	vst v0;
	v5 =	vadd.s32 s2, v60;
	s6 =	sshrl.u32 s0, $0x1;
	s0 =	simm.s32 $0x40  }
.LBB2_7:
0x56: {  	p0 =	sne.s32 s7, $0x3C0;
	_ =	sdelay $0x1  }
.Ltmp2:
0x57: {  	s11 =	sshra.s32 s10, $0x2;
	s10 =	smov.u32 s0;
	(pc) =	sbr.rel @p0 .LBB2_7-.Ltmp2, $4  }
0x58: {  	s0 =	smov.u32 s7;
	[tilespmem:s11+$0xC900] =	vst v4  }
0x59: {  	v4 =	vld.idx.msk [tilespmem:v5+s4+$0x0], $0xffff  }
0x5a: {  	s2 =	sadd.s32 $0x320, s2  }
0x5b: {  	s7 =	sadd.s32 $0x40, s7;
	v5 =	vadd.s32 s2, v60  }
0x5c: {  	_ =	sdelay $0x1  }
0x5d: {  	s2 =	sshra.s32 s10, $0x2  }
0x5e: {  	[tilespmem:s2+$0xC900] =	vst v4  }
0x5f: {  	v4 =	vld.idx.msk [tilespmem:v5+s4+$0x0], $0xffff;
	_ =	sdelay $0x3  }
0x60: {  	s10 =	simm.s32 $0x0;
	s0 =	sshra.s32 s0, $0x2  }
0x61: {  	s11 =	simm.s32 $0xC900;
	v63 =	vmov s10;
	[tilespmem:s0+$0xC900] =	vst v4  }
0x62: {  	v0 =	vshll.u32 v63, $0x6;
	[tilespmem:s21], [sflag:$0x2] =	stream.indirect.gather [hbm4b:s5+s15], $0x40, s11, s15, $0xb8;
	[tilespmem:$0x1D480] =	vst v63  }
0x63: {  	s20 =	simm.s32 $0xC980;
	v21 =	vor.u32 v61, v0  }
0x64: {  	v5 =	vor.u32 $0x3C, v21;
	[tilespmem:s23], [sflag:$0x2] =	stream.indirect.gather [hbm4b:s5+s15], $0x40, s20, s15, $0xb8;
	[tilespmem:$0x1D480] =	vst v63  }
0x65: {  	v6 =	vor.u32 $0x3D, v21;
	v7 =	vor.u32 $0x38, v21;
	v25 =	vor.u32 $0x3E, v21;
	_ =	swait.ge [sflag:s24], $0x2000  }
0x66: {  	v31 =	vor.u32 $0x3F, v21;
	v8 =	vor.u32 $0x39, v21;
	v17 =	vor.u32 $0x7, v21;
	[sflag:s24] =	ssyncset.done $0x0  }
0x67: {  	v24 =	vor.u32 $0x3A, v21;
	v9 =	vor.u32 $0x34, v21;
	v18 =	vor.u32 $0x3, v21;
	[sflag:s24] =	ssyncadd.s32 $0xFFFFE000  }
0x68: {  	v10 =	vor.u32 $0x35, v21;
	v28 =	vor.u32 $0x3B, v21;
	v20 =	vor.u32 $0xB, v21;
	_ =	swait.ge [sflag:s24], $0x2000  }
0x69: {  	v26 =	vor.u32 $0x36, v21;
	v32 =	vor.u32 $0x37, v21;
	v22 =	vor.u32 $0x6, v21;
	[sflag:s24] =	ssyncset.done $0x0  }
0x6a: {  	v11 =	vor.u32 $0x30, v21;
	v12 =	vor.u32 $0x31, v21;
	v23 =	vor.u32 $0x2, v21;
	[sflag:s24] =	ssyncadd.s32 $0xFFFFE000  }
0x6b: {  	v29 =	vor.u32 $0x32, v21;
	v13 =	vor.u32 $0x2C, v21;
	v30 =	vor.u32 $0xF, v21;
	v27 =	vld.idx.msk [tilespmem:v17+s17+$0x0], $0xffff  }
0x6c: {  	v33 =	vor.u32 $0x33, v21;
	v14 =	vor.u32 $0x2D, v21;
	v39 =	vor.u32 $0x13, v21;
	v38 =	vld.idx.msk [tilespmem:v18+s17+$0x0], $0xffff  }
0x6d: {  	v34 =	vor.u32 $0x2E, v21;
	v35 =	vor.u32 $0x2F, v21;
	v41 =	vor.u32 $0xA, v21;
	v42 =	vld.idx.msk [tilespmem:v20+s17+$0x0], $0xffff  }
0x6e: {  	v15 =	vor.u32 $0x28, v21;
	v16 =	vor.u32 $0x29, v21;
	v54 =	vor.u32 $0x1B, v21;
	v45 =	vld.idx.msk [tilespmem:v22+s17+$0x0], $0xffff  }
0x6f: {  	v36 =	vor.u32 $0x2A, v21;
	v37 =	vor.u32 $0x2B, v21;
	v52 =	vor.u32 $0x1F, v21;
	v48 =	vld.idx.msk [tilespmem:v23+s17+$0x0], $0xffff  }
0x70: {  	v40 =	vor.u32 $0x26, v21;
	v19 =	vor.u32 $0x20, v21;
	v43 =	vor.u32 $0x27, v21;
	v30 =	vld.idx.msk [tilespmem:v30+s17+$0x0], $0xffff  }
0x71: {  	v44 =	vor.u32 $0x22, v21;
	v46 =	vor.u32 $0x23, v21;
	v47 =	vor.u32 $0xE, v21;
	v39 =	vld.idx.msk [tilespmem:v39+s17+$0x0], $0xffff  }
0x72: {  	v49 =	vor.u32 $0x17, v21;
	v53 =	vor.u32 $0x12, v21;
	v55 =	vor.u32 $0x16, v21;
	v41 =	vld.idx.msk [tilespmem:v41+s17+$0x0], $0xffff  }
0x73: {  	v62 =	vor.u32 $0x1A, v21;
	v4 =	vadd.s32 s14, v60;
	v17 =	vor.u32 $0x24, v21;
	v54 =	vld.idx.msk [tilespmem:v54+s17+$0x0], $0xffff  }
0x74: {  	v18 =	vor.u32 $0x25, v21;
	v20 =	vor.u32 $0x21, v21;
	v52 =	vld.idx.msk [tilespmem:v52+s17+$0x0], $0xffff;
	v50 =	vmul.f32 v38, v38  }
0x75: {  	v22 =	vor.u32 $0x1C, v21;
	v51 =	vmul.f32 v27, v27;
	v1 =	vmul.f32 v42, v42  }
0x76: {  	v23 =	vor.u32 $0x1D, v21;
	v2 =	vmul.f32 v48, v48;
	v56 =	vmul.f32 v45, v45  }
0x77: {  	v55 =	vld.idx.msk [tilespmem:v55+s17+$0x0], $0xffff;
	v38 =	vadd.f32 $0.0e+00, v38;
	v3 =	vmul.f32 v30, v30;
	v63 =	vmul.f32 v39, v39  }
0x78: {  	v46 =	vld.idx.msk [tilespmem:v46+s17+$0x0], $0xffff;
	v48 =	vadd.f32 $0.0e+00, v48;
	v0 =	vmul.f32 v41, v41;
	v58 =	vmul.f32 v54, v54  }
0x79: {  	v49 =	vld.idx.msk [tilespmem:v49+s17+$0x0], $0xffff;
	v59 =	vmul.f32 v52, v52;
	v50 =	vadd.f32 v51, v50;
	v27 =	vadd.f32 v27, v38  }
0x7a: {  	v38 =	vld.idx.msk [tilespmem:v47+s17+$0x0], $0xffff;
	v47 =	vadd.f32 v56, v2;
	v45 =	vadd.f32 v45, v48;
	v56 =	vor.u32 $0x14, v21  }
0x7b: {  	v53 =	vld.idx.msk [tilespmem:v53+s17+$0x0], $0xffff;
	v51 =	vor.u32 $0x10, v21;
	v50 =	vadd.f32 v1, v50;
	v27 =	vadd.f32 v42, v27  }
0x7c: {  	v43 =	vld.idx.msk [tilespmem:v43+s17+$0x0], $0xffff;
	v1 =	vor.u32 $0x1E, v21;
	v47 =	vadd.f32 v0, v47;
	v41 =	vadd.f32 v41, v45  }
0x7d: {  	v42 =	vld.idx.msk [tilespmem:v62+s17+$0x0], $0xffff;
	v62 =	vmul.f32 v55, v55;
	v0 =	vmul.f32 v46, v46;
	v50 =	vadd.f32 v3, v50  }
0x7e: {  	v57 =	vadd.f32 v30, v27;
	v27 =	vor.u32 $0x18, v21;
	v30 =	vor.u32 $0x19, v21  }
0x7f: {  	v37 =	vld.idx.msk [tilespmem:v37+s17+$0x0], $0xffff;
	v3 =	vmul.f32 v49, v49;
	v2 =	vmul.f32 v38, v38;
	v38 =	vadd.f32 v38, v41  }
0x80: {  	v44 =	vld.idx.msk [tilespmem:v44+s17+$0x0], $0xffff;
	v50 =	vadd.f32 v63, v50;
	v39 =	vadd.f32 v39, v57;
	v57 =	vmul.f32 v53, v53  }
0x81: {  	v47 =	vadd.f32 v2, v47;
	v38 =	vadd.f32 v53, v38;
	v53 =	vor.u32 $0xC, v21  }
0x82: {  	v63 =	vmul.f32 v42, v42;
	v2 =	vmul.f32 v43, v43;
	v45 =	vadd.f32 v3, v50  }
0x83: {  	v48 =	vld.idx.msk [tilespmem:v1+s17+$0x0], $0xffff;
	v39 =	vadd.f32 v49, v39;
	v49 =	vor.u32 $0x15, v21;
	v50 =	vor.u32 $0x8, v21  }
0x84: {  	v40 =	vld.idx.msk [tilespmem:v40+s17+$0x0], $0xffff;
	v3 =	vmul.f32 v37, v37;
	v47 =	vadd.f32 v57, v47;
	v38 =	vadd.f32 v55, v38  }
0x85: {  	v57 =	vmul.f32 v44, v44;
	v41 =	vadd.f32 v58, v45;
	v39 =	vadd.f32 v54, v39  }
0x86: {  	v35 =	vld.idx.msk [tilespmem:v35+s17+$0x0], $0xffff;
	v54 =	vor.u32 $0xD, v21;
	v58 =	vor.u32 $0x1, v21;
	v45 =	vadd.f32 v62, v47  }
0x87: {  	v33 =	vld.idx.msk [tilespmem:v33+s17+$0x0], $0xffff;
	v47 =	vor.u32 $0x9, v21;
	v38 =	vadd.f32 v42, v38;
	v41 =	vadd.f32 v59, v41  }
0x88: {  	v36 =	vld.idx.msk [tilespmem:v36+s17+$0x0], $0xffff;
	v39 =	vadd.f32 v52, v39;
	v1 =	vmul.f32 v48, v48;
	v45 =	vadd.f32 v63, v45  }
0x89: {  	v32 =	vld.idx.msk [tilespmem:v32+s17+$0x0], $0xffff;
	v62 =	vmul.f32 v40, v40;
	v38 =	vadd.f32 v48, v38;
	v41 =	vadd.f32 v0, v41  }
0x8a: {  	v34 =	vld.idx.msk [tilespmem:v34+s17+$0x0], $0xffff;
	v52 =	vor.u32 $0x4, v21;
	v39 =	vadd.f32 v46, v39;
	v45 =	vadd.f32 v1, v45  }
0x8b: {  	v28 =	vld.idx.msk [tilespmem:v28+s17+$0x0], $0xffff;
	v59 =	vmul.f32 v35, v35;
	v38 =	vadd.f32 v44, v38;
	v41 =	vadd.f32 v2, v41  }
0x8c: {  	v63 =	vmul.f32 v33, v33;
	v48 =	vld.idx.msk [tilespmem:v58+s17+$0x0], $0xffff;
	v39 =	vadd.f32 v43, v39;
	v42 =	vadd.f32 v57, v45  }
0x8d: {  	v29 =	vld.idx.msk [tilespmem:v29+s17+$0x0], $0xffff;
	v46 =	vor.u32 $0x5, v21;
	v38 =	vadd.f32 v40, v38;
	v41 =	vadd.f32 v3, v41  }
0x8e: {  	v26 =	vld.idx.msk [tilespmem:v26+s17+$0x0], $0xffff;
	v0 =	vmul.f32 v36, v36;
	v37 =	vadd.f32 v37, v39;
	v42 =	vadd.f32 v62, v42  }
0x8f: {  	v55 =	vld.idx.msk [tilespmem:v21+s17+$0x0], $0xffff;
	v1 =	vmul.f32 v32, v32;
	v36 =	vadd.f32 v36, v38;
	v41 =	vadd.f32 v59, v41  }
0x90: {  	v31 =	vld.idx.msk [tilespmem:v31+s17+$0x0], $0xffff;
	v58 =	vor.u32 $0x11, v21;
	v35 =	vadd.f32 v35, v37;
	v2 =	vadd.f32 v0, v42  }
0x91: {  	v24 =	vld.idx.msk [tilespmem:v24+s17+$0x0], $0xffff;
	v3 =	vmul.f32 v34, v34;
	v34 =	vadd.f32 v34, v36;
	v0 =	vadd.f32 $0.0e+00, v48  }
0x92: {  	v45 =	vmul.f32 v28, v28;
	v38 =	vld.idx.msk [tilespmem:v52+s17+$0x0], $0xffff;
	v39 =	vadd.f32 v63, v41;
	v33 =	vadd.f32 v33, v35  }
0x93: {  	v41 =	vld.idx.msk [tilespmem:v46+s17+$0x0], $0xffff;
	v46 =	vmul.f32 v29, v29;
	v40 =	vadd.f32 v3, v2;
	v29 =	vadd.f32 v29, v34  }
0x94: {  	v57 =	vmul.f32 v26, v26;
	v3 =	vadd.f32 $0.0e+00, v55;
	v32 =	vadd.f32 v32, v33  }
0x95: {  	v52 =	vmul.f32 v31, v31;
	v37 =	vadd.f32 v1, v39;
	v40 =	vadd.f32 v46, v40  }
0x96: {  	v25 =	vld.idx.msk [tilespmem:v25+s17+$0x0], $0xffff;
	v62 =	vmul.f32 v24, v24;
	v26 =	vadd.f32 v26, v29;
	v28 =	vadd.f32 v28, v32  }
0x97: {  	v36 =	vmul.f32 v55, v55;
	v63 =	vld.idx.msk [tilespmem:v47+s17+$0x0], $0xffff;
	v47 =	vadd.f32 v38, v3;
	v35 =	vadd.f32 v45, v37  }
0x98: {  	v45 =	vmul.f32 v38, v38;
	v59 =	vadd.f32 v57, v40;
	v28 =	vadd.f32 v31, v28;
	v31 =	vld.idx.msk [tilespmem:v50+s17+$0x0], $0xffff  }
0x99: {  	v2 =	vld.idx.msk [tilespmem:v54+s17+$0x0], $0xffff;
	v39 =	vmul.f32 v48, v48;
	v24 =	vadd.f32 v24, v26;
	v21 =	vadd.f32 v52, v35  }
0x9a: {  	v1 =	vmul.f32 v41, v41;
	v26 =	vld.idx.msk [tilespmem:v53+s17+$0x0], $0xffff;
	v35 =	vadd.f32 v41, v0;
	v36 =	vadd.f32 v45, v36  }
0x9b: {  	v29 =	vmul.f32 v25, v25;
	v46 =	vld.idx.msk [tilespmem:v58+s17+$0x0], $0xffff;
	v32 =	vadd.f32 v62, v59;
	v24 =	vadd.f32 v25, v24  }
0x9c: {  	v33 =	vmul.f32 v63, v63;
	v25 =	vld.idx.msk [tilespmem:v51+s17+$0x0], $0xffff;
	v48 =	vadd.f32 v1, v39;
	v35 =	vadd.f32 v63, v35  }
0x9d: {  	v49 =	vld.idx.msk [tilespmem:v49+s17+$0x0], $0xffff;
	v29 =	vadd.f32 v29, v32;
	v37 =	vadd.f32 v31, v47;
	v31 =	vmul.f32 v31, v31  }
0x9e: {  	v50 =	vld.idx.msk [tilespmem:v56+s17+$0x0], $0xffff;
	v34 =	vmul.f32 v2, v2;
	v33 =	vadd.f32 v33, v48;
	v35 =	vadd.f32 v2, v35  }
0x9f: {  	v30 =	vld.idx.msk [tilespmem:v30+s17+$0x0], $0xffff;
	v31 =	vadd.f32 v31, v36;
	v51 =	vadd.f32 v26, v37;
	v26 =	vmul.f32 v26, v26  }
0xa0: {  	v27 =	vld.idx.msk [tilespmem:v27+s17+$0x0], $0xffff;
	v32 =	vmul.f32 v46, v46;
	v33 =	vadd.f32 v34, v33;
	v52 =	vadd.f32 v46, v35  }
0xa1: {  	v23 =	vld.idx.msk [tilespmem:v23+s17+$0x0], $0xffff;
	v26 =	vadd.f32 v26, v31;
	v31 =	vadd.f32 v25, v51;
	v25 =	vmul.f32 v25, v25  }
0xa2: {  	v22 =	vld.idx.msk [tilespmem:v22+s17+$0x0], $0xffff;
	v54 =	vmul.f32 v49, v49;
	v32 =	vadd.f32 v32, v33;
	v53 =	vadd.f32 v49, v52  }
0xa3: {  	v20 =	vld.idx.msk [tilespmem:v20+s17+$0x0], $0xffff;
	v25 =	vadd.f32 v25, v26;
	v26 =	vadd.f32 v50, v31;
	v31 =	vmul.f32 v50, v50  }
0xa4: {  	v19 =	vld.idx.msk [tilespmem:v19+s17+$0x0], $0xffff;
	v32 =	vadd.f32 v54, v32;
	v33 =	vadd.f32 v30, v53;
	v30 =	vmul.f32 v30, v30  }
0xa5: {  	v18 =	vld.idx.msk [tilespmem:v18+s17+$0x0], $0xffff;
	v25 =	vadd.f32 v31, v25;
	v26 =	vadd.f32 v27, v26;
	v27 =	vmul.f32 v27, v27  }
0xa6: {  	v17 =	vld.idx.msk [tilespmem:v17+s17+$0x0], $0xffff;
	v30 =	vadd.f32 v30, v32;
	v31 =	vadd.f32 v23, v33;
	v23 =	vmul.f32 v23, v23  }
0xa7: {  	v16 =	vld.idx.msk [tilespmem:v16+s17+$0x0], $0xffff;
	v25 =	vadd.f32 v27, v25;
	v26 =	vadd.f32 v22, v26;
	v22 =	vmul.f32 v22, v22  }
0xa8: {  	v15 =	vld.idx.msk [tilespmem:v15+s17+$0x0], $0xffff;
	v23 =	vadd.f32 v23, v30;
	v27 =	vadd.f32 v20, v31;
	v20 =	vmul.f32 v20, v20  }
0xa9: {  	v14 =	vld.idx.msk [tilespmem:v14+s17+$0x0], $0xffff;
	v22 =	vadd.f32 v22, v25;
	v25 =	vadd.f32 v19, v26;
	v19 =	vmul.f32 v19, v19  }
0xaa: {  	v13 =	vld.idx.msk [tilespmem:v13+s17+$0x0], $0xffff;
	v20 =	vadd.f32 v20, v23;
	v23 =	vadd.f32 v18, v27;
	v18 =	vmul.f32 v18, v18  }
0xab: {  	v12 =	vld.idx.msk [tilespmem:v12+s17+$0x0], $0xffff;
	v19 =	vadd.f32 v19, v22;
	v22 =	vadd.f32 v17, v25;
	v17 =	vmul.f32 v17, v17  }
0xac: {  	v11 =	vld.idx.msk [tilespmem:v11+s17+$0x0], $0xffff;
	v18 =	vadd.f32 v18, v20;
	v20 =	vadd.f32 v16, v23;
	v16 =	vmul.f32 v16, v16  }
0xad: {  	v10 =	vld.idx.msk [tilespmem:v10+s17+$0x0], $0xffff;
	v17 =	vadd.f32 v17, v19;
	v19 =	vadd.f32 v15, v22;
	v15 =	vmul.f32 v15, v15  }
0xae: {  	v9 =	vld.idx.msk [tilespmem:v9+s17+$0x0], $0xffff;
	v16 =	vadd.f32 v16, v18;
	v18 =	vadd.f32 v14, v20;
	v14 =	vmul.f32 v14, v14  }
0xaf: {  	v8 =	vld.idx.msk [tilespmem:v8+s17+$0x0], $0xffff;
	v15 =	vadd.f32 v15, v17;
	v17 =	vadd.f32 v13, v19;
	v13 =	vmul.f32 v13, v13  }
0xb0: {  	v7 =	vld.idx.msk [tilespmem:v7+s17+$0x0], $0xffff;
	v14 =	vadd.f32 v14, v16;
	v16 =	vadd.f32 v12, v18;
	v12 =	vmul.f32 v12, v12  }
0xb1: {  	v6 =	vld.idx.msk [tilespmem:v6+s17+$0x0], $0xffff;
	v13 =	vadd.f32 v13, v15;
	v15 =	vadd.f32 v11, v17;
	v11 =	vmul.f32 v11, v11  }
0xb2: {  	v5 =	vld.idx.msk [tilespmem:v5+s17+$0x0], $0xffff;
	v12 =	vadd.f32 v12, v14;
	v14 =	vadd.f32 v10, v16;
	v10 =	vmul.f32 v10, v10  }
0xb3: {  	v11 =	vadd.f32 v11, v13;
	v13 =	vadd.f32 v9, v15;
	v9 =	vmul.f32 v9, v9  }
0xb4: {  	v10 =	vadd.f32 v10, v12;
	v12 =	vadd.f32 v8, v14;
	v8 =	vmul.f32 v8, v8  }
0xb5: {  	v9 =	vadd.f32 v9, v11;
	v11 =	vadd.f32 v7, v13;
	v7 =	vmul.f32 v7, v7  }
0xb6: {  	v8 =	vadd.f32 v8, v10;
	v10 =	vadd.f32 v6, v12;
	v6 =	vmul.f32 v6, v6  }
0xb7: {  	v7 =	vadd.f32 v7, v9;
	v9 =	vadd.f32 v5, v11;
	v5 =	vmul.f32 v5, v5  }
0xb8: {  	v6 =	vadd.f32 v6, v8;
	v8 =	vadd.f32 v28, v24  }
0xb9: {  	v5 =	vadd.f32 v5, v7;
	v7 =	vadd.f32 v10, v9  }
0xba: {  	v9 =	vadd.f32 v21, v29  }
0xbb: {  	v7 =	vadd.f32 v8, v7;
	v5 =	vadd.f32 v6, v5  }
0xbc: {  	v11 =	vld.idx.msk [tilespmem:v4+s12+$0x0], $0xffff  }
0xbd: {  	v55 =	vadd.f32 v9, v5;
	v56 =	vmul.f32 $1.562500000e-02, v7;
	_ =	sdelay $0x1  }
0xbe: {  	v4 =	vmul.f32 $1.562500000e-02, v55;
	v6 =	vmul.f32 v56, v56;
	_ =	sdelay $0x1  }
0xbf: {  	v4 =	vsub.f32 v4, v6;
	v6 =	vmul.f32 v11, v11;
	_ =	sdelay $0x1  }
0xc0: {  	v4 =	vmul.f32 v4, v6;
	_ =	sdelay $0x1  }
0xc1: {  	v4 =	vadd.f32 $9.999999740e-06, v4;
	_ =	sdelay $0x1  }
0xc2: {  	v4 =	vmax.f32 v4, $1.000000000e-30  }
0xc3: {  	v6 =	vshra.s32 v4, $0x1;
	v4 =	vmul.f32 $5.000000000e-01, v4  }
0xc4: {  	v6 =	vsub.s32 $0x5F3759DF, v6  }
0xc5: {  	v7 =	vmul.f32 v6, v4;
	_ =	sdelay $0x1  }
0xc6: {  	v7 =	vmul.f32 v6, v7;
	_ =	sdelay $0x1  }
0xc7: {  	v7 =	vsub.f32 $1.500000000e+00, v7;
	_ =	sdelay $0x1  }
0xc8: {  	v6 =	vmul.f32 v6, v7;
	_ =	sdelay $0x1  }
0xc9: {  	v7 =	vmul.f32 v6, v4;
	_ =	sdelay $0x1  }
0xca: {  	v7 =	vmul.f32 v7, v6;
	_ =	sdelay $0x1  }
0xcb: {  	v7 =	vsub.f32 $1.500000000e+00, v7;
	_ =	sdelay $0x1  }
0xcc: {  	v10 =	vmul.f32 v7, v6  }
0xcd: {  	s22 =	simm.s32 $0x10  }
0xce: {  	v6 =	vmov s22;
	v4 =	vmul.f32 v10, v4  }
0xcf: {  	v6 =	vshll.u32 v6, $0x6  }
0xd0: {  	s31 =	sadd.s32 $0x320, s14;
	v21 =	vor.u32 v61, v6;
	v8 =	vmul.f32 v4, v10  }
0xd1: {  	v62 =	vadd.s32 s31, v60;
	v14 =	vsub.f32 $0.0e+00, v56;
	v63 =	vor.u32 $0x3C, v21  }
0xd2: {  	v0 =	vor.u32 $0x3D, v21;
	v57 =	vor.u32 $0x38, v21;
	v12 =	vsub.f32 $1.500000000e+00, v8  }
0xd3: {  	v26 =	vor.u32 $0x3E, v21;
	v29 =	vor.u32 $0x3F, v21;
	v24 =	vor.u32 $0x3A, v21  }
0xd4: {  	v58 =	vor.u32 $0x34, v21;
	v38 =	vor.u32 $0x3B, v21;
	v12 =	vmul.f32 v12, v10  }
0xd5: {  	v27 =	vor.u32 $0x36, v21;
	v40 =	vor.u32 $0x37, v21;
	v17 =	vor.u32 $0x7, v21  }
0xd6: {  	v59 =	vor.u32 $0x30, v21;
	v9 =	vor.u32 $0x31, v21;
	v15 =	vmul.f32 v12, v11  }
0xd7: {  	v18 =	vor.u32 $0x3, v21;
	v30 =	vor.u32 $0x32, v21;
	v41 =	vor.u32 $0x33, v21  }
0xd8: {  	s7 =	simm.s32 $0x14A00;
	v20 =	vor.u32 $0xB, v21;
	v50 =	vor.u32 $0x2E, v21;
	v16 =	vmul.f32 v15, v14  }
0xd9: {  	s10 =	simm.s32 $0x14B00;
	v37 =	vor.u32 $0x2F, v21;
	v22 =	vor.u32 $0x6, v21;
	v23 =	vor.u32 $0x2, v21;
	[tilespmem:s7+$0x0] =	vst v15  }
0xda: {  	v42 =	vor.u32 $0x2A, v21;
	v36 =	vor.u32 $0x2B, v21;
	v28 =	vor.u32 $0xF, v21;
	[tilespmem:s10+$0x0] =	vst v16  }
0xdb: {  	v1 =	vor.u32 $0x13, v21;
	v43 =	vor.u32 $0x26, v21;
	v19 =	vor.u32 $0x20, v21;
	v25 =	vld.idx.msk [tilespmem:v17+s17+$0x0], $0xffff  }
0xdc: {  	v2 =	vor.u32 $0xA, v21;
	v35 =	vor.u32 $0x27, v21;
	v39 =	vor.u32 $0x22, v21;
	v31 =	vld.idx.msk [tilespmem:v18+s17+$0x0], $0xffff  }
0xdd: {  	v45 =	vor.u32 $0x23, v21;
	v3 =	vor.u32 $0xE, v21;
	v5 =	vor.u32 $0x17, v21;
	v34 =	vld.idx.msk [tilespmem:v20+s17+$0x0], $0xffff  }
0xde: {  	v52 =	vor.u32 $0x1F, v21;
	v53 =	vor.u32 $0x12, v21;
	v55 =	vor.u32 $0x16, v21;
	v44 =	vld.idx.msk [tilespmem:v22+s17+$0x0], $0xffff  }
0xdf: {  	v54 =	vor.u32 $0x1B, v21;
	v8 =	vor.u32 $0x39, v21;
	v10 =	vor.u32 $0x35, v21;
	v4 =	vld.idx.msk [tilespmem:v23+s17+$0x0], $0xffff  }
0xe0: {  	v11 =	vor.u32 $0x2C, v21;
	v14 =	vor.u32 $0x2D, v21;
	v15 =	vor.u32 $0x28, v21;
	v32 =	vld.idx.msk [tilespmem:v1+s17+$0x0], $0xffff  }
0xe1: {  	[tilespmem:$0x1FF80] =	vst v0;
	v16 =	vor.u32 $0x29, v21;
	v17 =	vor.u32 $0x24, v21;
	v18 =	vor.u32 $0x25, v21;
	v28 =	vld.idx.msk [tilespmem:v28+s17+$0x0], $0xffff  }
0xe2: {  	[tilespmem:$0x1FFA0] =	vst v58;
	v20 =	vor.u32 $0x21, v21;
	v22 =	vor.u32 $0x1C, v21;
	v58 =	vmul.f32 v31, v31  }
0xe3: {  	[tilespmem:$0x1FFB0] =	vst v59;
	v23 =	vor.u32 $0x1D, v21;
	v55 =	vld.idx.msk [tilespmem:v55+s17+$0x0], $0xffff;
	v59 =	vmul.f32 v25, v25;
	v0 =	vmul.f32 v34, v34  }
0xe4: {  	v33 =	vld.idx.msk [tilespmem:v2+s17+$0x0], $0xffff;
	v31 =	vadd.f32 $0.0e+00, v31;
	v1 =	vmul.f32 v4, v4;
	v2 =	vmul.f32 v44, v44  }
0xe5: {  	v48 =	vld.idx.msk [tilespmem:v5+s17+$0x0], $0xffff;
	v47 =	vadd.f32 $0.0e+00, v4;
	v4 =	vor.u32 $0x1A, v21;
	v5 =	vmul.f32 v32, v32  }
0xe6: {  	v49 =	vadd.f32 v59, v58;
	v25 =	vadd.f32 v25, v31;
	v31 =	vld.idx.msk [tilespmem:v3+s17+$0x0], $0xffff;
	v3 =	vmul.f32 v28, v28  }
0xe7: {  	v54 =	vld.idx.msk [tilespmem:v54+s17+$0x0], $0xffff;
	v46 =	vadd.f32 v2, v1;
	v44 =	vadd.f32 v44, v47;
	v47 =	vor.u32 $0x1E, v21  }
0xe8: {  	v53 =	vld.idx.msk [tilespmem:v53+s17+$0x0], $0xffff;
	v59 =	vmul.f32 v55, v55;
	v49 =	vadd.f32 v0, v49;
	v25 =	vadd.f32 v34, v25  }
0xe9: {  	v0 =	vmul.f32 v33, v33;
	v44 =	vadd.f32 v33, v44;
	v33 =	vld.idx.msk [tilespmem:v29+s17+$0x0], $0xffff;
	v29 =	vor.u32 $0x14, v21  }
0xea: {  	v52 =	vld.idx.msk [tilespmem:v52+s17+$0x0], $0xffff;
	v34 =	vor.u32 $0xC, v21;
	v49 =	vadd.f32 v3, v49;
	v1 =	vadd.f32 v28, v25  }
0xeb: {  	v56 =	vld.idx.msk [tilespmem:v45+s17+$0x0], $0xffff;
	v25 =	vor.u32 $0x18, v21;
	v46 =	vadd.f32 v0, v46;
	v3 =	vmul.f32 v48, v48  }
0xec: {  	v28 =	vor.u32 $0x19, v21;
	v0 =	vmul.f32 v54, v54;
	v2 =	vmul.f32 v31, v31;
	v58 =	vld.idx.msk [tilespmem:v47+s17+$0x0], $0xffff  }
0xed: {  	v44 =	vadd.f32 v31, v44;
	v31 =	vor.u32 $0x15, v21;
	v47 =	vld.idx.msk [tilespmem:v36+s17+$0x0], $0xffff;
	v36 =	vor.u32 $0x8, v21  }
0xee: {  	[tilespmem:$0x1FF90] =	vst v57;
	v51 =	vld.idx.msk [tilespmem:v4+s17+$0x0], $0xffff;
	v49 =	vadd.f32 v5, v49;
	v57 =	vadd.f32 v32, v1;
	v32 =	vor.u32 $0x10, v21  }
0xef: {  	v5 =	vmul.f32 v53, v53;
	v46 =	vadd.f32 v2, v46;
	v44 =	vadd.f32 v53, v44  }
0xf0: {  	v1 =	vmul.f32 v52, v52;
	v4 =	vadd.f32 v3, v49;
	v48 =	vadd.f32 v48, v57  }
0xf1: {  	v57 =	vld.idx.msk [tilespmem:v35+s17+$0x0], $0xffff;
	v35 =	vor.u32 $0xD, v21;
	v46 =	vadd.f32 v5, v46;
	v44 =	vadd.f32 v55, v44  }
0xf2: {  	v40 =	vld.idx.msk [tilespmem:v40+s17+$0x0], $0xffff;
	v5 =	vmul.f32 v56, v56;
	v45 =	vadd.f32 v0, v4;
	v2 =	vadd.f32 v54, v48  }
0xf3: {  	v48 =	vld.idx.msk [tilespmem:v39+s17+$0x0], $0xffff;
	v4 =	vmul.f32 v51, v51;
	v39 =	vor.u32 $0x4, v21;
	v3 =	vadd.f32 v59, v46  }
0xf4: {  	v46 =	vld.idx.msk [tilespmem:v37+s17+$0x0], $0xffff;
	v37 =	vor.u32 $0x9, v21;
	v45 =	vadd.f32 v1, v45;
	v52 =	vadd.f32 v52, v2  }
0xf5: {  	v38 =	vld.idx.msk [tilespmem:v38+s17+$0x0], $0xffff;
	v2 =	vmul.f32 v58, v58;
	v0 =	vadd.f32 v4, v3;
	v3 =	vadd.f32 v51, v44  }
0xf6: {  	v49 =	vld.idx.msk [tilespmem:v43+s17+$0x0], $0xffff;
	v4 =	vmul.f32 v57, v57;
	v44 =	vor.u32 $0x5, v21;
	v51 =	vmul.f32 v47, v47  }
0xf7: {  	v1 =	vadd.f32 v5, v45;
	v45 =	vld.idx.msk [tilespmem:v42+s17+$0x0], $0xffff;
	v5 =	vadd.f32 v56, v52;
	v42 =	vor.u32 $0x1, v21  }
0xf8: {  	v43 =	vld.idx.msk [tilespmem:v41+s17+$0x0], $0xffff;
	v52 =	vadd.f32 v2, v0;
	v54 =	vadd.f32 v58, v3;
	v56 =	vmul.f32 v48, v48  }
0xf9: {  	s2 =	simm.s32 $0x20;
	v41 =	vld.idx.msk [tilespmem:v50+s17+$0x0], $0xffff;
	v53 =	vadd.f32 v4, v1;
	v55 =	vadd.f32 v57, v5;
	v50 =	vmul.f32 v46, v46  }
.LBB2_9:
0xfa: {  	v30 =	vld.idx.msk [tilespmem:v30+s17+$0x0], $0xffff  }
0xfb: {  	v44 =	vld.idx.msk [tilespmem:v44+s17+$0x0], $0xffff;
	v51 =	vadd.f32 v51, v53;
	v47 =	vadd.f32 v47, v55  }
0xfc: {  	v39 =	vld.idx.msk [tilespmem:v39+s17+$0x0], $0xffff;
	v0 =	vor.u32 $0x11, v21;
	v52 =	vadd.f32 v56, v52;
	v48 =	vadd.f32 v48, v54  }
0xfd: {  	v42 =	vld.idx.msk [tilespmem:v42+s17+$0x0], $0xffff;
	v50 =	vadd.f32 v50, v51;
	v46 =	vadd.f32 v46, v47;
	v1 =	vmul.f32 v49, v49  }
0xfe: {  	v54 =	vld.idx.msk [tilespmem:v26+s17+$0x0], $0xffff;
	v2 =	vmul.f32 v43, v43;
	v3 =	vmul.f32 v45, v45;
	v48 =	vadd.f32 v49, v48  }
0xff: {  	v55 =	vld.idx.msk [tilespmem:v21+s17+$0x0], $0xffff;
	v4 =	vmul.f32 v40, v40;
	v53 =	vmul.f32 v38, v38;
	v26 =	vadd.f32 v1, v52  }
0x100: {  	v27 =	vld.idx.msk [tilespmem:v27+s17+$0x0], $0xffff;
	v58 =	vmul.f32 v33, v33;
	v50 =	vadd.f32 v2, v50;
	v5 =	vadd.f32 v45, v48  }
0x101: {  	v49 =	vld.idx.msk [tilespmem:v24+s17+$0x0], $0xffff;
	v52 =	vadd.f32 v43, v46;
	v24 =	vadd.f32 v3, v26;
	v26 =	vmul.f32 v41, v41  }
0x102: {  	v45 =	vmul.f32 v39, v39;
	v47 =	vadd.f32 v4, v50;
	v56 =	vadd.f32 v41, v5  }
0x103: {  	v37 =	vld.idx.msk [tilespmem:v37+s17+$0x0], $0xffff;
	v57 =	vadd.f32 v40, v52;
	v24 =	vadd.f32 v26, v24;
	v26 =	vmul.f32 v30, v30  }
0x104: {  	v36 =	vld.idx.msk [tilespmem:v36+s17+$0x0], $0xffff;
	v3 =	vadd.f32 $0.0e+00, v42;
	v4 =	vmul.f32 v44, v44;
	v5 =	vadd.f32 $0.0e+00, v55  }
0x105: {  	v35 =	vld.idx.msk [tilespmem:v35+s17+$0x0], $0xffff;
	v59 =	vadd.f32 v53, v47;
	v24 =	vadd.f32 v26, v24;
	v26 =	vmul.f32 v27, v27  }
0x106: {  	v34 =	vld.idx.msk [tilespmem:v34+s17+$0x0], $0xffff;
	v42 =	vmul.f32 v42, v42;
	v30 =	vadd.f32 v30, v56;
	v1 =	vadd.f32 v38, v57  }
0x107: {  	v32 =	vld.idx.msk [tilespmem:v32+s17+$0x0], $0xffff;
	v2 =	vmul.f32 v49, v49;
	v39 =	vadd.f32 v39, v5;
	v26 =	vadd.f32 v26, v24  }
0x108: {  	v31 =	vld.idx.msk [tilespmem:v31+s17+$0x0], $0xffff;
	v38 =	vadd.f32 v4, v42;
	v21 =	vadd.f32 v58, v59  }
0x109: {  	v29 =	vld.idx.msk [tilespmem:v29+s17+$0x0], $0xffff;
	v27 =	vadd.f32 v27, v30;
	v30 =	vmul.f32 v54, v54;
	v26 =	vadd.f32 v2, v26  }
0x10a: {  	v28 =	vld.idx.msk [tilespmem:v28+s17+$0x0], $0xffff;
	v24 =	vadd.f32 v33, v1;
	v33 =	vadd.f32 v44, v3  }
0x10b: {  	v47 =	vld.idx.msk [tilespmem:v0+s17+$0x0], $0xffff;
	v39 =	vadd.f32 v36, v39;
	v26 =	vadd.f32 v30, v26;
	v30 =	vmul.f32 v55, v55  }
0x10c: {  	v25 =	vld.idx.msk [tilespmem:v25+s17+$0x0], $0xffff;
	v27 =	vadd.f32 v49, v27;
	v33 =	vadd.f32 v37, v33;
	v37 =	vmul.f32 v37, v37  }
0x10d: {  	v23 =	vld.idx.msk [tilespmem:v23+s17+$0x0], $0xffff;
	v36 =	vmul.f32 v36, v36;
	v49 =	vadd.f32 v34, v39;
	v30 =	vadd.f32 v45, v30  }
0x10e: {  	v22 =	vld.idx.msk [tilespmem:v22+s17+$0x0], $0xffff;
	v37 =	vadd.f32 v37, v38;
	v33 =	vadd.f32 v35, v33;
	v35 =	vmul.f32 v35, v35  }
0x10f: {  	v20 =	vld.idx.msk [tilespmem:v20+s17+$0x0], $0xffff;
	v34 =	vmul.f32 v34, v34;
	v27 =	vadd.f32 v54, v27;
	v30 =	vadd.f32 v36, v30  }
0x110: {  	v19 =	vld.idx.msk [tilespmem:v19+s17+$0x0], $0xffff;
	v50 =	vmul.f32 v47, v47;
	v35 =	vadd.f32 v35, v37;
	v33 =	vadd.f32 v47, v33  }
0x111: {  	v18 =	vld.idx.msk [tilespmem:v18+s17+$0x0], $0xffff;
	v51 =	vadd.f32 v32, v49;
	v32 =	vmul.f32 v32, v32;
	v30 =	vadd.f32 v34, v30  }
0x112: {  	v17 =	vld.idx.msk [tilespmem:v17+s17+$0x0], $0xffff;
	v35 =	vadd.f32 v50, v35;
	v33 =	vadd.f32 v31, v33;
	v31 =	vmul.f32 v31, v31  }
0x113: {  	v16 =	vld.idx.msk [tilespmem:v16+s17+$0x0], $0xffff;
	v52 =	vadd.f32 v29, v51;
	v29 =	vmul.f32 v29, v29;
	v30 =	vadd.f32 v32, v30  }
0x114: {  	v0 =	vld [tilespmem:$0x1FFB0];
	v31 =	vadd.f32 v31, v35;
	v33 =	vadd.f32 v28, v33;
	v28 =	vmul.f32 v28, v28  }
0x115: {  	v15 =	vld.idx.msk [tilespmem:v15+s17+$0x0], $0xffff;
	v29 =	vadd.f32 v29, v30;
	v30 =	vadd.f32 v25, v52;
	v25 =	vmul.f32 v25, v25  }
0x116: {  	v53 =	vld [tilespmem:$0x1FFA0];
	v28 =	vadd.f32 v28, v31;
	v31 =	vadd.f32 v23, v33;
	v23 =	vmul.f32 v23, v23  }
0x117: {  	v14 =	vld.idx.msk [tilespmem:v14+s17+$0x0], $0xffff;
	v25 =	vadd.f32 v25, v29;
	v29 =	vadd.f32 v22, v30;
	v22 =	vmul.f32 v22, v22  }
0x118: {  	v54 =	vld [tilespmem:$0x1FF90];
	v23 =	vadd.f32 v23, v28;
	v28 =	vadd.f32 v20, v31;
	v20 =	vmul.f32 v20, v20  }
0x119: {  	v55 =	vld [tilespmem:$0x1FF80];
	v22 =	vadd.f32 v22, v25;
	v25 =	vadd.f32 v19, v29;
	v19 =	vmul.f32 v19, v19  }
0x11a: {  	v13 =	vld.idx.msk [tilespmem:v11+s17+$0x0], $0xffff;
	v20 =	vadd.f32 v20, v23;
	v23 =	vadd.f32 v18, v28;
	v18 =	vmul.f32 v18, v18  }
0x11b: {  	v12 =	vld.idx.msk [tilespmem:v9+s17+$0x0], $0xffff;
	v19 =	vadd.f32 v19, v22;
	v22 =	vadd.f32 v17, v25;
	v17 =	vmul.f32 v17, v17  }
0x11c: {  	v11 =	vld.idx.msk [tilespmem:v0+s17+$0x0], $0xffff;
	v18 =	vadd.f32 v18, v20;
	v20 =	vadd.f32 v16, v23;
	v16 =	vmul.f32 v16, v16  }
0x11d: {  	v10 =	vld.idx.msk [tilespmem:v10+s17+$0x0], $0xffff;
	v17 =	vadd.f32 v17, v19;
	v19 =	vadd.f32 v15, v22;
	v15 =	vmul.f32 v15, v15  }
0x11e: {  	v9 =	vld.idx.msk [tilespmem:v53+s17+$0x0], $0xffff;
	v16 =	vadd.f32 v16, v18;
	v18 =	vadd.f32 v14, v20;
	v14 =	vmul.f32 v14, v14  }
0x11f: {  	v8 =	vld.idx.msk [tilespmem:v8+s17+$0x0], $0xffff;
	v15 =	vadd.f32 v15, v17;
	v17 =	vadd.f32 v13, v19;
	v13 =	vmul.f32 v13, v13  }
0x120: {  	v7 =	vld.idx.msk [tilespmem:v54+s17+$0x0], $0xffff;
	v14 =	vadd.f32 v14, v16;
	v16 =	vadd.f32 v12, v18;
	v12 =	vmul.f32 v12, v12  }
0x121: {  	v6 =	vld.idx.msk [tilespmem:v55+s17+$0x0], $0xffff;
	v13 =	vadd.f32 v13, v15;
	v15 =	vadd.f32 v11, v17;
	v11 =	vmul.f32 v11, v11  }
0x122: {  	v5 =	vld.idx.msk [tilespmem:v63+s17+$0x0], $0xffff;
	v12 =	vadd.f32 v12, v14;
	v14 =	vadd.f32 v10, v16;
	v10 =	vmul.f32 v10, v10  }
0x123: {  	v11 =	vadd.f32 v11, v13;
	v13 =	vadd.f32 v9, v15;
	v9 =	vmul.f32 v9, v9  }
0x124: {  	v10 =	vadd.f32 v10, v12;
	v12 =	vadd.f32 v8, v14;
	v8 =	vmul.f32 v8, v8  }
0x125: {  	v9 =	vadd.f32 v9, v11;
	v11 =	vadd.f32 v7, v13;
	v7 =	vmul.f32 v7, v7  }
0x126: {  	v8 =	vadd.f32 v8, v10;
	v10 =	vadd.f32 v6, v12;
	v6 =	vmul.f32 v6, v6  }
0x127: {  	v7 =	vadd.f32 v7, v9;
	v9 =	vadd.f32 v5, v11;
	v5 =	vmul.f32 v5, v5  }
0x128: {  	v6 =	vadd.f32 v6, v8;
	v8 =	vadd.f32 v24, v27  }
0x129: {  	v5 =	vadd.f32 v5, v7;
	v7 =	vadd.f32 v10, v9  }
0x12a: {  	v9 =	vadd.f32 v21, v26  }
0x12b: {  	v7 =	vadd.f32 v8, v7;
	v5 =	vadd.f32 v6, v5  }
0x12c: {  	v17 =	vld.idx.msk [tilespmem:v62+s12+$0x0], $0xffff  }
0x12d: {  	v4 =	vadd.f32 v9, v5;
	v56 =	vmul.f32 $1.562500000e-02, v7;
	_ =	sdelay $0x1  }
0x12e: {  	v4 =	vmul.f32 $1.562500000e-02, v4;
	v6 =	vmul.f32 v56, v56;
	_ =	sdelay $0x1  }
0x12f: {  	v57 =	vmul.f32 v17, v17;
	v4 =	vsub.f32 v4, v6;
	_ =	sdelay $0x1  }
0x130: {  	v4 =	vmul.f32 v4, v57;
	_ =	sdelay $0x1  }
0x131: {  	v4 =	vadd.f32 $9.999999740e-06, v4;
	_ =	sdelay $0x1  }
0x132: {  	v4 =	vmax.f32 v4, $1.000000000e-30  }
0x133: {  	v58 =	vshra.s32 v4, $0x1;
	v7 =	vmul.f32 $5.000000000e-01, v4  }
0x134: {  	v59 =	vsub.s32 $0x5F3759DF, v58  }
0x135: {  	v5 =	vmul.f32 v59, v7;
	_ =	sdelay $0x1  }
0x136: {  	v5 =	vmul.f32 v59, v5;
	_ =	sdelay $0x1  }
0x137: {  	v5 =	vsub.f32 $1.500000000e+00, v5;
	_ =	sdelay $0x1  }
0x138: {  	v4 =	vmul.f32 v59, v5;
	_ =	sdelay $0x1  }
0x139: {  	v5 =	vmul.f32 v4, v7;
	_ =	sdelay $0x1  }
0x13a: {  	v5 =	vmul.f32 v5, v4;
	_ =	sdelay $0x1  }
0x13b: {  	v5 =	vsub.f32 $1.500000000e+00, v5;
	_ =	sdelay $0x1  }
0x13c: {  	v14 =	vmul.f32 v5, v4  }
0x13d: {  	v6 =	vmov s2  }
0x13e: {  	s31 =	sadd.s32 $0x320, s31;
	v6 =	vshll.u32 v6, $0x6;
	v9 =	vmul.f32 v14, v7  }
0x13f: {  	v12 =	vadd.s32 s31, v60;
	v21 =	vor.u32 v61, v6  }
0x140: {  	v18 =	vsub.f32 $0.0e+00, v56;
	v13 =	vor.u32 $0x3C, v21;
	v11 =	vmul.f32 v9, v14  }
0x141: {  	v60 =	vor.u32 $0x3D, v21;
	v61 =	vor.u32 $0x38, v21;
	v26 =	vor.u32 $0x3E, v21  }
0x142: {  	v22 =	vor.u32 $0x3F, v21;
	v8 =	vor.u32 $0x39, v21;
	v15 =	vsub.f32 $1.500000000e+00, v11  }
0x143: {  	v24 =	vor.u32 $0x3A, v21;
	v62 =	vor.u32 $0x34, v21;
	v10 =	vor.u32 $0x35, v21  }
0x144: {  	v38 =	vor.u32 $0x3B, v21;
	v27 =	vor.u32 $0x36, v21;
	v19 =	vmul.f32 v15, v14  }
0x145: {  	v40 =	vor.u32 $0x37, v21;
	v63 =	vor.u32 $0x30, v21;
	v30 =	vor.u32 $0x32, v21  }
0x146: {  	v43 =	vor.u32 $0x33, v21;
	v41 =	vor.u32 $0x2E, v21;
	v19 =	vmul.f32 v19, v17  }
0x147: {  	v46 =	vor.u32 $0x2F, v21;
	v16 =	vor.u32 $0x29, v21;
	v23 =	vor.u32 $0x7, v21  }
0x148: {  	s7 =	sadd.s32 $0x10, s7;
	v45 =	vor.u32 $0x2A, v21;
	v25 =	vor.u32 $0x3, v21;
	v20 =	vmul.f32 v19, v18  }
0x149: {  	s10 =	sadd.s32 $0x10, s10;
	v47 =	vor.u32 $0x2B, v21;
	v28 =	vor.u32 $0xF, v21;
	v49 =	vor.u32 $0x26, v21;
	[tilespmem:s7+$0x0] =	vst v19  }
0x14a: {  	v29 =	vor.u32 $0xB, v21;
	v48 =	vor.u32 $0x27, v21;
	v31 =	vor.u32 $0x6, v21;
	[tilespmem:s10+$0x0] =	vst v20  }
0x14b: {  	v50 =	vor.u32 $0x22, v21;
	v52 =	vor.u32 $0x23, v21;
	v53 =	vor.u32 $0x1E, v21;
	v33 =	vld.idx.msk [tilespmem:v22+s17+$0x0], $0xffff  }
0x14c: {  	v39 =	vor.u32 $0xA, v21;
	v55 =	vor.u32 $0x1F, v21;
	v4 =	vor.u32 $0x2, v21;
	v51 =	vld.idx.msk [tilespmem:v23+s17+$0x0], $0xffff  }
0x14d: {  	v42 =	vor.u32 $0x17, v21;
	v57 =	vor.u32 $0x1A, v21;
	v5 =	vor.u32 $0x13, v21;
	v37 =	vld.idx.msk [tilespmem:v25+s17+$0x0], $0xffff  }
0x14e: {  	v32 =	vor.u32 $0x10, v21;
	v34 =	vor.u32 $0xC, v21;
	v35 =	vor.u32 $0xD, v21;
	[tilespmem:$0x1FF80] =	vst v60;
	v54 =	vld.idx.msk [tilespmem:v28+s17+$0x0], $0xffff  }
0x14f: {  	v36 =	vor.u32 $0x8, v21;
	v44 =	vor.u32 $0x5, v21;
	[tilespmem:$0x1FFA0] =	vst v62;
	v60 =	vor.u32 $0x1B, v21;
	v56 =	vld.idx.msk [tilespmem:v29+s17+$0x0], $0xffff  }
0x150: {  	[tilespmem:$0x1FFB0] =	vst v63;
	v62 =	vor.u32 $0x16, v21;
	v63 =	vor.u32 $0x12, v21;
	v59 =	vor.u32 $0xE, v21;
	v58 =	vld.idx.msk [tilespmem:v31+s17+$0x0], $0xffff  }
0x151: {  	[tilespmem:$0x1FF90] =	vst v61;
	v9 =	vor.u32 $0x31, v21;
	v11 =	vor.u32 $0x2C, v21;
	v14 =	vor.u32 $0x2D, v21;
	v61 =	vld.idx.msk [tilespmem:v4+s17+$0x0], $0xffff  }
0x152: {  	v15 =	vor.u32 $0x28, v21;
	v17 =	vor.u32 $0x24, v21;
	v18 =	vor.u32 $0x25, v21;
	v3 =	vld.idx.msk [tilespmem:v5+s17+$0x0], $0xffff  }
0x153: {  	v19 =	vor.u32 $0x20, v21;
	v20 =	vor.u32 $0x21, v21;
	v22 =	vor.u32 $0x1C, v21;
	v0 =	vld.idx.msk [tilespmem:v39+s17+$0x0], $0xffff  }
0x154: {  	v23 =	vor.u32 $0x1D, v21;
	v25 =	vor.u32 $0x18, v21;
	v28 =	vor.u32 $0x19, v21;
	v5 =	vld.idx.msk [tilespmem:v42+s17+$0x0], $0xffff  }
0x155: {  	v29 =	vor.u32 $0x14, v21;
	v31 =	vor.u32 $0x15, v21;
	v39 =	vor.u32 $0x4, v21;
	v59 =	vld.idx.msk [tilespmem:v59+s17+$0x0], $0xffff  }
0x156: {  	v60 =	vld.idx.msk [tilespmem:v60+s17+$0x0], $0xffff;
	v1 =	vmul.f32 v37, v37;
	v2 =	vmul.f32 v51, v51;
	v4 =	vadd.f32 $0.0e+00, v37  }
0x157: {  	v42 =	vor.u32 $0x1, v21;
	v55 =	vld.idx.msk [tilespmem:v55+s17+$0x0], $0xffff;
	v6 =	vmul.f32 v61, v61;
	v7 =	vmul.f32 v58, v58  }
0x158: {  	v52 =	vld.idx.msk [tilespmem:v52+s17+$0x0], $0xffff;
	v1 =	vadd.f32 v2, v1;
	v2 =	vmul.f32 v56, v56;
	v4 =	vadd.f32 v51, v4  }
0x159: {  	v47 =	vld.idx.msk [tilespmem:v47+s17+$0x0], $0xffff;
	v61 =	vadd.f32 $0.0e+00, v61;
	v6 =	vadd.f32 v7, v6;
	v7 =	vmul.f32 v0, v0  }
0x15a: {  	v51 =	vmul.f32 v54, v54;
	v1 =	vadd.f32 v2, v1;
	v2 =	vld.idx.msk [tilespmem:v63+s17+$0x0], $0xffff;
	v4 =	vadd.f32 v56, v4  }
0x15b: {  	v46 =	vld.idx.msk [tilespmem:v46+s17+$0x0], $0xffff;
	v37 =	vor.u32 $0x9, v21;
	v58 =	vadd.f32 v58, v61;
	v6 =	vadd.f32 v7, v6  }
0x15c: {  	v56 =	vmul.f32 v3, v3;
	v1 =	vadd.f32 v51, v1;
	v51 =	vld.idx.msk [tilespmem:v62+s17+$0x0], $0xffff;
	v4 =	vadd.f32 v54, v4  }
0x15d: {  	v49 =	vld.idx.msk [tilespmem:v49+s17+$0x0], $0xffff;
	v7 =	vmul.f32 v59, v59;
	v0 =	vadd.f32 v0, v58;
	v58 =	vmul.f32 v52, v52  }
0x15e: {  	v54 =	vmul.f32 v5, v5;
	v1 =	vadd.f32 v56, v1;
	v56 =	vld.idx.msk [tilespmem:v57+s17+$0x0], $0xffff;
	v3 =	vadd.f32 v3, v4  }
0x15f: {  	v43 =	vld.idx.msk [tilespmem:v43+s17+$0x0], $0xffff;
	v6 =	vadd.f32 v7, v6;
	v0 =	vadd.f32 v59, v0;
	v7 =	vmul.f32 v2, v2  }
0x160: {  	v4 =	vmul.f32 v60, v60;
	v1 =	vadd.f32 v54, v1;
	v54 =	vld.idx.msk [tilespmem:v53+s17+$0x0], $0xffff;
	v3 =	vadd.f32 v5, v3  }
0x161: {  	v57 =	vld.idx.msk [tilespmem:v48+s17+$0x0], $0xffff;
	v0 =	vadd.f32 v2, v0;
	v6 =	vadd.f32 v7, v6;
	v7 =	vmul.f32 v51, v51  }
0x162: {  	v45 =	vld.idx.msk [tilespmem:v45+s17+$0x0], $0xffff;
	v5 =	vmul.f32 v55, v55;
	v1 =	vadd.f32 v4, v1;
	v53 =	vadd.f32 v60, v3  }
0x163: {  	p0 =	sne.s32 s2, $0xF0;
	v48 =	vld.idx.msk [tilespmem:v50+s17+$0x0], $0xffff;
	v0 =	vadd.f32 v51, v0;
	v59 =	vadd.f32 v7, v6;
	v6 =	vmul.f32 v56, v56  }
.Ltmp3:
0x164: {  	v40 =	vld.idx.msk [tilespmem:v40+s17+$0x0], $0xffff;
	v50 =	vmul.f32 v46, v46;
	v1 =	vadd.f32 v5, v1;
	v2 =	vadd.f32 v55, v53;
	(pc) =	sbr.rel @p0 .LBB2_9-.Ltmp3, $4  }
0x165: {  	v41 =	vld.idx.msk [tilespmem:v41+s17+$0x0], $0xffff;
	v0 =	vadd.f32 v56, v0;
	v4 =	vadd.f32 v6, v59;
	v6 =	vmul.f32 v54, v54  }
0x166: {  	v38 =	vld.idx.msk [tilespmem:v38+s17+$0x0], $0xffff;
	v5 =	vmul.f32 v57, v57;
	v1 =	vadd.f32 v58, v1;
	v2 =	vadd.f32 v52, v2  }
0x167: {  	v61 =	vld [tilespmem:$0x1FFF0];
	v63 =	vmovc v13;
	v51 =	vmul.f32 v47, v47;
	v54 =	vadd.f32 v54, v0;
	v52 =	vadd.f32 v6, v4  }
0x168: {  	s2 =	sadd.s32 $0x10, s2;
	v62 =	vmovc v12;
	v60 =	vld [tilespmem:$0x1FFD0];
	v56 =	vmul.f32 v48, v48;
	v53 =	vadd.f32 v5, v1;
	v55 =	vadd.f32 v57, v2  }
0x169: {  	_ =	sdelay $0x3  }
0x16a: {  	v3 =	vld.idx.msk [tilespmem:v30+s17+$0x0], $0xffff  }
0x16b: {  	v7 =	vld.idx.msk [tilespmem:v26+s17+$0x0], $0xffff  }
0x16c: {  	v1 =	vmul.f32 v49, v49;
	v4 =	vadd.f32 v48, v54;
	v57 =	vld.idx.msk [tilespmem:v21+s17+$0x0], $0xffff;
	v0 =	vadd.f32 v56, v52  }
0x16d: {  	v6 =	vmul.f32 v43, v43;
	v2 =	vadd.f32 v51, v53;
	v5 =	vadd.f32 v47, v55;
	v52 =	vld.idx.msk [tilespmem:v44+s17+$0x0], $0xffff  }
0x16e: {  	v47 =	vmul.f32 v45, v45;
	v55 =	vld.idx.msk [tilespmem:v42+s17+$0x0], $0xffff;
	v4 =	vadd.f32 v49, v4;
	v0 =	vadd.f32 v1, v0  }
0x16f: {  	v48 =	vld.idx.msk [tilespmem:v27+s17+$0x0], $0xffff;
	v59 =	vor.u32 $0x11, v21;
	v2 =	vadd.f32 v50, v2;
	v5 =	vadd.f32 v46, v5  }
0x170: {  	v24 =	vld.idx.msk [tilespmem:v24+s17+$0x0], $0xffff;
	v51 =	vmul.f32 v41, v41;
	v4 =	vadd.f32 v45, v4;
	v0 =	vadd.f32 v47, v0  }
0x171: {  	v39 =	vld.idx.msk [tilespmem:v39+s17+$0x0], $0xffff;
	v53 =	vmul.f32 v38, v38;
	v2 =	vadd.f32 v6, v2;
	v5 =	vadd.f32 v43, v5  }
0x172: {  	v31 =	vld.idx.msk [tilespmem:v31+s17+$0x0], $0xffff;
	v50 =	vmul.f32 v40, v40;
	v47 =	vadd.f32 $0.0e+00, v57;
	v4 =	vadd.f32 v41, v4  }
0x173: {  	v29 =	vld.idx.msk [tilespmem:v29+s17+$0x0], $0xffff;
	v44 =	vadd.f32 $0.0e+00, v55;
	v45 =	vmul.f32 v52, v52;
	v0 =	vadd.f32 v51, v0  }
0x174: {  	v43 =	vld.idx.msk [tilespmem:v36+s17+$0x0], $0xffff;
	v27 =	vmul.f32 v55, v55;
	v2 =	vadd.f32 v50, v2;
	v5 =	vadd.f32 v40, v5  }
0x175: {  	v25 =	vld.idx.msk [tilespmem:v25+s17+$0x0], $0xffff;
	v54 =	vmul.f32 v3, v3;
	v3 =	vadd.f32 v3, v4;
	v6 =	vadd.f32 v52, v44  }
0x176: {  	v56 =	vmul.f32 v33, v33;
	v40 =	vld.idx.msk [tilespmem:v37+s17+$0x0], $0xffff;
	v52 =	vadd.f32 v39, v47;
	v27 =	vadd.f32 v45, v27  }
0x177: {  	v49 =	vld.idx.msk [tilespmem:v34+s17+$0x0], $0xffff;
	v58 =	vmul.f32 v48, v48;
	v0 =	vadd.f32 v54, v0;
	v2 =	vadd.f32 v53, v2  }
0x178: {  	v22 =	vld.idx.msk [tilespmem:v22+s17+$0x0], $0xffff;
	v13 =	vmul.f32 v24, v24;
	v12 =	vadd.f32 v38, v5;
	v3 =	vadd.f32 v48, v3  }
0x179: {  	v46 =	vld.idx.msk [tilespmem:v35+s17+$0x0], $0xffff;
	v51 =	vmul.f32 v57, v57;
	v54 =	vadd.f32 v43, v52;
	v0 =	vadd.f32 v58, v0  }
0x17a: {  	v53 =	vld.idx.msk [tilespmem:v32+s17+$0x0], $0xffff;
	v48 =	vmul.f32 v39, v39;
	v21 =	vadd.f32 v56, v2;
	v4 =	vadd.f32 v33, v12  }
0x17b: {  	v42 =	vmul.f32 v7, v7;
	v50 =	vld.idx.msk [tilespmem:v59+s17+$0x0], $0xffff;
	v3 =	vadd.f32 v24, v3;
	v6 =	vadd.f32 v40, v6  }
0x17c: {  	v20 =	vld.idx.msk [tilespmem:v20+s17+$0x0], $0xffff;
	v2 =	vmul.f32 v40, v40;
	v30 =	vadd.f32 v48, v51;
	v56 =	vadd.f32 v49, v54  }
0x17d: {  	v19 =	vld.idx.msk [tilespmem:v19+s17+$0x0], $0xffff;
	v26 =	vmul.f32 v43, v43;
	v0 =	vadd.f32 v13, v0;
	v3 =	vadd.f32 v7, v3  }
0x17e: {  	v18 =	vld.idx.msk [tilespmem:v18+s17+$0x0], $0xffff;
	v1 =	vmul.f32 v46, v46;
	v2 =	vadd.f32 v2, v27;
	v6 =	vadd.f32 v46, v6  }
0x17f: {  	v55 =	vld.idx.msk [tilespmem:v28+s17+$0x0], $0xffff;
	v24 =	vmul.f32 v49, v49;
	v26 =	vadd.f32 v26, v30;
	v12 =	vadd.f32 v53, v56  }
0x180: {  	v17 =	vld.idx.msk [tilespmem:v17+s17+$0x0], $0xffff;
	v5 =	vmul.f32 v50, v50;
	v0 =	vadd.f32 v42, v0;
	v1 =	vadd.f32 v1, v2  }
0x181: {  	v58 =	vld.idx.msk [tilespmem:v23+s17+$0x0], $0xffff;
	v7 =	vmul.f32 v53, v53;
	v57 =	vadd.f32 v50, v6;
	v59 =	vadd.f32 v24, v26  }
0x182: {  	v15 =	vld.idx.msk [tilespmem:v15+s17+$0x0], $0xffff;
	v13 =	vmul.f32 v31, v31;
	v28 =	vadd.f32 v29, v12;
	v1 =	vadd.f32 v5, v1  }
0x183: {  	v38 =	vld [tilespmem:$0x1FFB0];
	v30 =	vmul.f32 v29, v29;
	v2 =	vadd.f32 v31, v57;
	v7 =	vadd.f32 v7, v59  }
0x184: {  	v14 =	vld.idx.msk [tilespmem:v14+s17+$0x0], $0xffff;
	v31 =	vmul.f32 v55, v55;
	v23 =	vadd.f32 v25, v28;
	v1 =	vadd.f32 v13, v1  }
0x185: {  	v32 =	vmul.f32 v25, v25;
	v43 =	vld [tilespmem:$0x1FFA0];
	v2 =	vadd.f32 v55, v2;
	v7 =	vadd.f32 v30, v7  }
0x186: {  	v34 =	vld.idx.msk [tilespmem:v16+s17+$0x0], $0xffff;
	v33 =	vmul.f32 v58, v58;
	v35 =	vadd.f32 v22, v23;
	v1 =	vadd.f32 v31, v1  }
0x187: {  	v45 =	vld [tilespmem:$0x1FF90];
	v22 =	vmul.f32 v22, v22;
	v2 =	vadd.f32 v58, v2;
	v7 =	vadd.f32 v32, v7  }
0x188: {  	v36 =	vmul.f32 v20, v20;
	v47 =	vld [tilespmem:$0x1FF80];
	v16 =	vadd.f32 v19, v35;
	v1 =	vadd.f32 v33, v1  }
0x189: {  	v13 =	vld.idx.msk [tilespmem:v11+s17+$0x0], $0xffff;
	v19 =	vmul.f32 v19, v19;
	v2 =	vadd.f32 v20, v2;
	v7 =	vadd.f32 v22, v7  }
0x18a: {  	v37 =	vmul.f32 v18, v18;
	v12 =	vld.idx.msk [tilespmem:v9+s17+$0x0], $0xffff;
	v16 =	vadd.f32 v17, v16;
	v1 =	vadd.f32 v36, v1  }
0x18b: {  	v39 =	vld.idx.msk [tilespmem:v38+s17+$0x0], $0xffff;
	v17 =	vmul.f32 v17, v17;
	v2 =	vadd.f32 v18, v2;
	v7 =	vadd.f32 v19, v7  }
0x18c: {  	v41 =	vld.idx.msk [tilespmem:v10+s17+$0x0], $0xffff;
	v40 =	vmul.f32 v34, v34;
	v42 =	vadd.f32 v15, v16;
	v1 =	vadd.f32 v37, v1  }
0x18d: {  	v9 =	vld.idx.msk [tilespmem:v43+s17+$0x0], $0xffff;
	v15 =	vmul.f32 v15, v15;
	v2 =	vadd.f32 v34, v2;
	v7 =	vadd.f32 v17, v7  }
0x18e: {  	v8 =	vld.idx.msk [tilespmem:v8+s17+$0x0], $0xffff;
	v44 =	vmul.f32 v14, v14;
	v10 =	vadd.f32 v13, v42;
	v1 =	vadd.f32 v40, v1  }
0x18f: {  	v13 =	vmul.f32 v13, v13;
	v2 =	vadd.f32 v14, v2;
	v7 =	vadd.f32 v15, v7;
	v14 =	vld.idx.msk [tilespmem:v45+s17+$0x0], $0xffff  }
0x190: {  	v48 =	vld.idx.msk [tilespmem:v63+s17+$0x0], $0xffff;
	v46 =	vmul.f32 v12, v12;
	v10 =	vadd.f32 v39, v10;
	v1 =	vadd.f32 v44, v1  }
0x191: {  	v11 =	vmul.f32 v39, v39;
	v2 =	vadd.f32 v12, v2;
	v12 =	vld.idx.msk [tilespmem:v47+s17+$0x0], $0xffff;
	v7 =	vadd.f32 v13, v7  }
0x192: {  	v49 =	vmul.f32 v41, v41;
	v51 =	vadd.f32 v9, v10;
	v1 =	vadd.f32 v46, v1  }
0x193: {  	v9 =	vmul.f32 v9, v9;
	v2 =	vadd.f32 v41, v2;
	v50 =	vadd.f32 v11, v7  }
0x194: {  	v52 =	vmul.f32 v8, v8;
	v7 =	vadd.f32 v14, v51;
	v1 =	vadd.f32 v49, v1  }
0x195: {  	v53 =	vmul.f32 v14, v14;
	v2 =	vadd.f32 v8, v2;
	v6 =	vadd.f32 v9, v50  }
0x196: {  	v54 =	vmul.f32 v12, v12;
	v7 =	vadd.f32 v48, v7;
	v1 =	vadd.f32 v52, v1  }
0x197: {  	v55 =	vmul.f32 v48, v48;
	v2 =	vadd.f32 v12, v2;
	v6 =	vadd.f32 v53, v6  }
0x198: {  	v3 =	vadd.f32 v4, v3;
	v1 =	vadd.f32 v54, v1  }
0x199: {  	v56 =	vadd.f32 v55, v6;
	v2 =	vadd.f32 v2, v7  }
0x19a: {  	v0 =	vadd.f32 v21, v0  }
0x19b: {  	v2 =	vadd.f32 v3, v2;
	v1 =	vadd.f32 v1, v56  }
0x19c: {  	v57 =	vld.idx.msk [tilespmem:v62+s12+$0x0], $0xffff  }
0x19d: {  	v0 =	vadd.f32 v0, v1;
	v58 =	vmul.f32 $1.562500000e-02, v2;
	_ =	sdelay $0x1  }
0x19e: {  	v0 =	vmul.f32 $1.562500000e-02, v0;
	v2 =	vmul.f32 v58, v58;
	_ =	sdelay $0x1  }
0x19f: {  	v59 =	vmul.f32 v57, v57;
	v0 =	vsub.f32 v0, v2;
	_ =	sdelay $0x1  }
0x1a0: {  	v0 =	vmul.f32 v0, v59;
	_ =	sdelay $0x1  }
0x1a1: {  	v0 =	vadd.f32 $9.999999740e-06, v0;
	_ =	sdelay $0x1  }
0x1a2: {  	v0 =	vmax.f32 v0, $1.000000000e-30  }
0x1a3: {  	v62 =	vshra.s32 v0, $0x1;
	v0 =	vmul.f32 $5.000000000e-01, v0  }
0x1a4: {  	v2 =	vsub.s32 $0x5F3759DF, v62  }
0x1a5: {  	v63 =	vmul.f32 v2, v0;
	_ =	sdelay $0x1  }
0x1a6: {  	v4 =	vmul.f32 v2, v63;
	_ =	sdelay $0x1  }
0x1a7: {  	v4 =	vsub.f32 $1.500000000e+00, v4;
	_ =	sdelay $0x1  }
0x1a8: {  	v2 =	vmul.f32 v2, v4;
	_ =	sdelay $0x1  }
0x1a9: {  	v4 =	vmul.f32 v2, v0;
	_ =	sdelay $0x1  }
0x1aa: {  	v4 =	vmul.f32 v4, v2;
	_ =	sdelay $0x1  }
0x1ab: {  	v4 =	vsub.f32 $1.500000000e+00, v4;
	_ =	sdelay $0x1  }
0x1ac: {  	v2 =	vmul.f32 v4, v2;
	_ =	sdelay $0x1  }
0x1ad: {  	v0 =	vmul.f32 v2, v0;
	_ =	sdelay $0x1  }
0x1ae: {  	v0 =	vmul.f32 v0, v2;
	_ =	sdelay $0x1  }
0x1af: {  	v0 =	vsub.f32 $1.500000000e+00, v0;
	_ =	sdelay $0x1  }
0x1b0: {  	v0 =	vmul.f32 v0, v2;
	_ =	sdelay $0x1  }
0x1b1: {  	v1 =	vsub.f32 $0.0e+00, v58;
	v0 =	vmul.f32 v0, v57;
	_ =	sdelay $0x1  }
0x1b2: {  	s0 =	sadd.s32 $0x10, s7;
	v1 =	vmul.f32 v0, v1  }
0x1b3: {  	s22 =	sadd.s32 $0x10, s10;
	p0 =	seq.s32 s14, $0x0;
	[tilespmem:s0+$0x0] =	vst v0  }
0x1b4: {  	s0 =	simm.s32 @!p0 $0x3;
	[tilespmem:s22+$0x0] =	vst v1  }
0x1b5: {  	s7 =	sshll.u32 s14, $0x1;
	s2 =	simm.s32 $0x0;
	_ =	swait.ge @!p0 [sflag:s0], $0x4000  }
0x1b6: {  	s10 =	simm.s32 $0x14A00;
	s31 =	simm.s32 $0x14B00;
	[sflag:s0] =	ssyncset.done @!p0 $0x0  }
0x1b7: {  	s11 =	simm.s32 $0x0;
	[sflag:s0] =	ssyncadd.s32 @!p0 $0xFFFFC000;
	s0 =	simm.s32 $0x0  }
.LBB2_11:
0x1b8: {  	v0 =	vmov s11  }
0x1b9: {  	v0 =	vshll.u32 v0, $0x6  }
0x1ba: {  	v6 =	vor.u32 v61, v0  }
0x1bb: {  	v0 =	vor.u32 $0x1, v6  }
0x1bc: {  	v1 =	vor.u32 $0x2, v6  }
0x1bd: {  	v5 =	vld [tilespmem:s10+$0x0];
	v2 =	vor.u32 $0x3, v6  }
0x1be: {  	v4 =	vld [tilespmem:s31+$0x0];
	v3 =	vor.u32 $0x4, v6  }
0x1bf: {  	v8 =	vor.u32 $0x5, v6;
	v7 =	vld.idx.msk [tilespmem:v6+s17+$0x0], $0xffff  }
0x1c0: {  	v9 =	vor.u32 $0x6, v6;
	v0 =	vld.idx.msk [tilespmem:v0+s17+$0x0], $0xffff  }
0x1c1: {  	v10 =	vor.u32 $0x7, v6;
	v1 =	vld.idx.msk [tilespmem:v1+s17+$0x0], $0xffff  }
0x1c2: {  	v2 =	vld.idx.msk [tilespmem:v2+s17+$0x0], $0xffff  }
0x1c3: {  	v3 =	vld.idx.msk [tilespmem:v3+s17+$0x0], $0xffff  }
0x1c4: {  	v8 =	vld.idx.msk [tilespmem:v8+s17+$0x0], $0xffff;
	v7 =	vmul.f32 v7, v5  }
0x1c5: {  	v9 =	vld.idx.msk [tilespmem:v9+s17+$0x0], $0xffff;
	v0 =	vmul.f32 v0, v5  }
0x1c6: {  	s20 =	sand.u32 $0x70, s11;
	s22 =	sand.u32 $0x400, s0;
	v10 =	vld.idx.msk [tilespmem:v10+s17+$0x0], $0xffff;
	v1 =	vmul.f32 v1, v5;
	v7 =	vadd.f32 v7, v4  }
0x1c7: {  	s20 =	sor.u32 s20, s22;
	v2 =	vmul.f32 v2, v5;
	v0 =	vadd.f32 v0, v4  }
0x1c8: {  	s22 =	sadd.s32 $0x15480, s20;
	v3 =	vmul.f32 v3, v5;
	v1 =	vadd.f32 v1, v4;
	[tilespmem:s20+$0x15480] =	vst v7  }
0x1c9: {  	v62 =	vmul.f32 v8, v5;
	v2 =	vadd.f32 v2, v4;
	[tilespmem:s22+$0x80] =	vst v0  }
0x1ca: {  	v9 =	vmul.f32 v9, v5;
	v63 =	vadd.f32 v3, v4;
	[tilespmem:s22+$0x100] =	vst v1  }
0x1cb: {  	v13 =	vor.u32 $0x8, v6;
	v12 =	vmul.f32 v10, v5;
	v11 =	vadd.f32 v62, v4;
	[tilespmem:s22+$0x180] =	vst v2  }
0x1cc: {  	v14 =	vor.u32 $0x9, v6;
	v3 =	vadd.f32 v9, v4;
	[tilespmem:s22+$0x200] =	vst v63  }
0x1cd: {  	v15 =	vor.u32 $0xA, v6;
	v7 =	vadd.f32 v12, v4;
	[tilespmem:s22+$0x280] =	vst v11  }
0x1ce: {  	v16 =	vor.u32 $0xB, v6;
	[tilespmem:s22+$0x300] =	vst v3  }
0x1cf: {  	v17 =	vor.u32 $0xC, v6;
	[tilespmem:s22+$0x380] =	vst v7  }
0x1d0: {  	v18 =	vor.u32 $0xD, v6;
	v2 =	vld.idx.msk [tilespmem:v13+s17+$0x0], $0xffff  }
0x1d1: {  	v19 =	vor.u32 $0xE, v6;
	v0 =	vld.idx.msk [tilespmem:v14+s17+$0x0], $0xffff  }
0x1d2: {  	v20 =	vor.u32 $0xF, v6;
	v1 =	vld.idx.msk [tilespmem:v15+s17+$0x0], $0xffff  }
0x1d3: {  	v3 =	vld.idx.msk [tilespmem:v16+s17+$0x0], $0xffff  }
0x1d4: {  	v7 =	vld.idx.msk [tilespmem:v17+s17+$0x0], $0xffff  }
0x1d5: {  	v8 =	vld.idx.msk [tilespmem:v18+s17+$0x0], $0xffff;
	v2 =	vmul.f32 v2, v5  }
0x1d6: {  	v9 =	vld.idx.msk [tilespmem:v19+s17+$0x0], $0xffff;
	v0 =	vmul.f32 v0, v5  }
0x1d7: {  	v10 =	vld.idx.msk [tilespmem:v20+s17+$0x0], $0xffff;
	v1 =	vmul.f32 v1, v5;
	v2 =	vadd.f32 v2, v4  }
0x1d8: {  	v3 =	vmul.f32 v3, v5;
	v0 =	vadd.f32 v0, v4  }
0x1d9: {  	v7 =	vmul.f32 v7, v5;
	v1 =	vadd.f32 v1, v4;
	[tilespmem:s20+$0x15C80] =	vst v2  }
0x1da: {  	v22 =	vmul.f32 v8, v5;
	v21 =	vadd.f32 v3, v4;
	[tilespmem:s20+$0x15D00] =	vst v0  }
0x1db: {  	v24 =	vmul.f32 v9, v5;
	v23 =	vadd.f32 v7, v4;
	[tilespmem:s20+$0x15D80] =	vst v1  }
0x1dc: {  	v27 =	vor.u32 $0x10, v6;
	v26 =	vmul.f32 v10, v5;
	v25 =	vadd.f32 v22, v4;
	[tilespmem:s20+$0x15E00] =	vst v21  }
0x1dd: {  	v28 =	vor.u32 $0x11, v6;
	v7 =	vadd.f32 v24, v4;
	[tilespmem:s20+$0x15E80] =	vst v23  }
0x1de: {  	v29 =	vor.u32 $0x12, v6;
	v3 =	vadd.f32 v26, v4;
	[tilespmem:s20+$0x15F00] =	vst v25  }
0x1df: {  	v30 =	vor.u32 $0x13, v6;
	[tilespmem:s20+$0x15F80] =	vst v7  }
0x1e0: {  	v31 =	vor.u32 $0x14, v6;
	[tilespmem:s20+$0x16000] =	vst v3  }
0x1e1: {  	v32 =	vor.u32 $0x15, v6;
	v2 =	vld.idx.msk [tilespmem:v27+s17+$0x0], $0xffff  }
0x1e2: {  	v33 =	vor.u32 $0x16, v6;
	v0 =	vld.idx.msk [tilespmem:v28+s17+$0x0], $0xffff  }
0x1e3: {  	v34 =	vor.u32 $0x17, v6;
	v1 =	vld.idx.msk [tilespmem:v29+s17+$0x0], $0xffff  }
0x1e4: {  	v7 =	vld.idx.msk [tilespmem:v30+s17+$0x0], $0xffff  }
0x1e5: {  	v3 =	vld.idx.msk [tilespmem:v31+s17+$0x0], $0xffff  }
0x1e6: {  	v8 =	vld.idx.msk [tilespmem:v32+s17+$0x0], $0xffff;
	v2 =	vmul.f32 v2, v5  }
0x1e7: {  	v9 =	vld.idx.msk [tilespmem:v33+s17+$0x0], $0xffff;
	v0 =	vmul.f32 v0, v5  }
0x1e8: {  	v10 =	vld.idx.msk [tilespmem:v34+s17+$0x0], $0xffff;
	v1 =	vmul.f32 v1, v5;
	v2 =	vadd.f32 v2, v4  }
0x1e9: {  	v7 =	vmul.f32 v7, v5;
	v0 =	vadd.f32 v0, v4  }
0x1ea: {  	v3 =	vmul.f32 v3, v5;
	v1 =	vadd.f32 v1, v4;
	[tilespmem:s20+$0x16480] =	vst v2  }
0x1eb: {  	v36 =	vmul.f32 v8, v5;
	v35 =	vadd.f32 v7, v4;
	[tilespmem:s20+$0x16500] =	vst v0  }
0x1ec: {  	v38 =	vmul.f32 v9, v5;
	v37 =	vadd.f32 v3, v4;
	[tilespmem:s20+$0x16580] =	vst v1  }
0x1ed: {  	v41 =	vor.u32 $0x18, v6;
	v40 =	vmul.f32 v10, v5;
	v39 =	vadd.f32 v36, v4;
	[tilespmem:s20+$0x16600] =	vst v35  }
0x1ee: {  	v42 =	vor.u32 $0x19, v6;
	v3 =	vadd.f32 v38, v4;
	[tilespmem:s20+$0x16680] =	vst v37  }
0x1ef: {  	v43 =	vor.u32 $0x1A, v6;
	v7 =	vadd.f32 v40, v4;
	[tilespmem:s20+$0x16700] =	vst v39  }
0x1f0: {  	v44 =	vor.u32 $0x1B, v6;
	[tilespmem:s20+$0x16780] =	vst v3  }
0x1f1: {  	v45 =	vor.u32 $0x1C, v6;
	[tilespmem:s20+$0x16800] =	vst v7  }
0x1f2: {  	v46 =	vor.u32 $0x1D, v6;
	v2 =	vld.idx.msk [tilespmem:v41+s17+$0x0], $0xffff  }
0x1f3: {  	v47 =	vor.u32 $0x1E, v6;
	v0 =	vld.idx.msk [tilespmem:v42+s17+$0x0], $0xffff  }
0x1f4: {  	v48 =	vor.u32 $0x1F, v6;
	v1 =	vld.idx.msk [tilespmem:v43+s17+$0x0], $0xffff  }
0x1f5: {  	v3 =	vld.idx.msk [tilespmem:v44+s17+$0x0], $0xffff  }
0x1f6: {  	v7 =	vld.idx.msk [tilespmem:v45+s17+$0x0], $0xffff  }
0x1f7: {  	v8 =	vld.idx.msk [tilespmem:v46+s17+$0x0], $0xffff;
	v2 =	vmul.f32 v2, v5  }
0x1f8: {  	v9 =	vld.idx.msk [tilespmem:v47+s17+$0x0], $0xffff;
	v0 =	vmul.f32 v0, v5  }
0x1f9: {  	v10 =	vld.idx.msk [tilespmem:v48+s17+$0x0], $0xffff;
	v1 =	vmul.f32 v1, v5;
	v2 =	vadd.f32 v2, v4  }
0x1fa: {  	v3 =	vmul.f32 v3, v5;
	v0 =	vadd.f32 v0, v4  }
0x1fb: {  	v7 =	vmul.f32 v7, v5;
	v1 =	vadd.f32 v1, v4;
	[tilespmem:s20+$0x16C80] =	vst v2  }
0x1fc: {  	v50 =	vmul.f32 v8, v5;
	v49 =	vadd.f32 v3, v4;
	[tilespmem:s20+$0x16D00] =	vst v0  }
0x1fd: {  	v52 =	vmul.f32 v9, v5;
	v51 =	vadd.f32 v7, v4;
	[tilespmem:s20+$0x16D80] =	vst v1  }
0x1fe: {  	v55 =	vor.u32 $0x20, v6;
	v54 =	vmul.f32 v10, v5;
	v53 =	vadd.f32 v50, v4;
	[tilespmem:s20+$0x16E00] =	vst v49  }
0x1ff: {  	v56 =	vor.u32 $0x21, v6;
	v7 =	vadd.f32 v52, v4;
	[tilespmem:s20+$0x16E80] =	vst v51  }
0x200: {  	v57 =	vor.u32 $0x22, v6;
	v3 =	vadd.f32 v54, v4;
	[tilespmem:s20+$0x16F00] =	vst v53  }
0x201: {  	v58 =	vor.u32 $0x23, v6;
	[tilespmem:s20+$0x16F80] =	vst v7  }
0x202: {  	v59 =	vor.u32 $0x24, v6;
	[tilespmem:s20+$0x17000] =	vst v3  }
0x203: {  	v62 =	vor.u32 $0x25, v6;
	v2 =	vld.idx.msk [tilespmem:v55+s17+$0x0], $0xffff  }
0x204: {  	v63 =	vor.u32 $0x26, v6;
	v0 =	vld.idx.msk [tilespmem:v56+s17+$0x0], $0xffff  }
0x205: {  	v12 =	vor.u32 $0x27, v6;
	v1 =	vld.idx.msk [tilespmem:v57+s17+$0x0], $0xffff  }
0x206: {  	v7 =	vld.idx.msk [tilespmem:v58+s17+$0x0], $0xffff  }
0x207: {  	v3 =	vld.idx.msk [tilespmem:v59+s17+$0x0], $0xffff  }
0x208: {  	v8 =	vld.idx.msk [tilespmem:v62+s17+$0x0], $0xffff;
	v2 =	vmul.f32 v2, v5  }
0x209: {  	v9 =	vld.idx.msk [tilespmem:v63+s17+$0x0], $0xffff;
	v0 =	vmul.f32 v0, v5  }
0x20a: {  	v10 =	vld.idx.msk [tilespmem:v12+s17+$0x0], $0xffff;
	v1 =	vmul.f32 v1, v5;
	v2 =	vadd.f32 v2, v4  }
0x20b: {  	v7 =	vmul.f32 v7, v5;
	v0 =	vadd.f32 v0, v4  }
0x20c: {  	v3 =	vmul.f32 v3, v5;
	v1 =	vadd.f32 v1, v4;
	[tilespmem:s20+$0x17480] =	vst v2  }
0x20d: {  	v14 =	vmul.f32 v8, v5;
	v13 =	vadd.f32 v7, v4;
	[tilespmem:s20+$0x17500] =	vst v0  }
0x20e: {  	v16 =	vmul.f32 v9, v5;
	v15 =	vadd.f32 v3, v4;
	[tilespmem:s20+$0x17580] =	vst v1  }
0x20f: {  	v19 =	vor.u32 $0x28, v6;
	v18 =	vmul.f32 v10, v5;
	v17 =	vadd.f32 v14, v4;
	[tilespmem:s20+$0x17600] =	vst v13  }
0x210: {  	v20 =	vor.u32 $0x29, v6;
	v3 =	vadd.f32 v16, v4;
	[tilespmem:s20+$0x17680] =	vst v15  }
0x211: {  	v21 =	vor.u32 $0x2A, v6;
	v7 =	vadd.f32 v18, v4;
	[tilespmem:s20+$0x17700] =	vst v17  }
0x212: {  	v22 =	vor.u32 $0x2B, v6;
	[tilespmem:s20+$0x17780] =	vst v3  }
0x213: {  	v23 =	vor.u32 $0x2C, v6;
	[tilespmem:s20+$0x17800] =	vst v7  }
0x214: {  	v24 =	vor.u32 $0x2D, v6;
	v2 =	vld.idx.msk [tilespmem:v19+s17+$0x0], $0xffff  }
0x215: {  	v25 =	vor.u32 $0x2E, v6;
	v0 =	vld.idx.msk [tilespmem:v20+s17+$0x0], $0xffff  }
0x216: {  	v26 =	vor.u32 $0x2F, v6;
	v1 =	vld.idx.msk [tilespmem:v21+s17+$0x0], $0xffff  }
0x217: {  	v3 =	vld.idx.msk [tilespmem:v22+s17+$0x0], $0xffff  }
0x218: {  	v7 =	vld.idx.msk [tilespmem:v23+s17+$0x0], $0xffff  }
0x219: {  	v8 =	vld.idx.msk [tilespmem:v24+s17+$0x0], $0xffff;
	v2 =	vmul.f32 v2, v5  }
0x21a: {  	v9 =	vld.idx.msk [tilespmem:v25+s17+$0x0], $0xffff;
	v0 =	vmul.f32 v0, v5  }
0x21b: {  	v10 =	vld.idx.msk [tilespmem:v26+s17+$0x0], $0xffff;
	v1 =	vmul.f32 v1, v5;
	v2 =	vadd.f32 v2, v4  }
0x21c: {  	v3 =	vmul.f32 v3, v5;
	v0 =	vadd.f32 v0, v4  }
0x21d: {  	v7 =	vmul.f32 v7, v5;
	v1 =	vadd.f32 v1, v4;
	[tilespmem:s20+$0x17C80] =	vst v2  }
0x21e: {  	v28 =	vmul.f32 v8, v5;
	v27 =	vadd.f32 v3, v4;
	[tilespmem:s20+$0x17D00] =	vst v0  }
0x21f: {  	v30 =	vmul.f32 v9, v5;
	v29 =	vadd.f32 v7, v4;
	[tilespmem:s20+$0x17D80] =	vst v1  }
0x220: {  	v33 =	vor.u32 $0x30, v6;
	v32 =	vmul.f32 v10, v5;
	v31 =	vadd.f32 v28, v4;
	[tilespmem:s20+$0x17E00] =	vst v27  }
0x221: {  	v34 =	vor.u32 $0x31, v6;
	v7 =	vadd.f32 v30, v4;
	[tilespmem:s20+$0x17E80] =	vst v29  }
0x222: {  	v35 =	vor.u32 $0x32, v6;
	v3 =	vadd.f32 v32, v4;
	[tilespmem:s20+$0x17F00] =	vst v31  }
0x223: {  	v36 =	vor.u32 $0x33, v6;
	[tilespmem:s20+$0x17F80] =	vst v7  }
0x224: {  	v37 =	vor.u32 $0x34, v6;
	[tilespmem:s20+$0x18000] =	vst v3  }
0x225: {  	v38 =	vor.u32 $0x35, v6;
	v2 =	vld.idx.msk [tilespmem:v33+s17+$0x0], $0xffff  }
0x226: {  	v39 =	vor.u32 $0x36, v6;
	v0 =	vld.idx.msk [tilespmem:v34+s17+$0x0], $0xffff  }
0x227: {  	v40 =	vor.u32 $0x37, v6;
	v1 =	vld.idx.msk [tilespmem:v35+s17+$0x0], $0xffff  }
0x228: {  	v7 =	vld.idx.msk [tilespmem:v36+s17+$0x0], $0xffff  }
0x229: {  	v3 =	vld.idx.msk [tilespmem:v37+s17+$0x0], $0xffff  }
0x22a: {  	v8 =	vld.idx.msk [tilespmem:v38+s17+$0x0], $0xffff;
	v2 =	vmul.f32 v2, v5  }
0x22b: {  	v9 =	vld.idx.msk [tilespmem:v39+s17+$0x0], $0xffff;
	v0 =	vmul.f32 v0, v5  }
0x22c: {  	v10 =	vld.idx.msk [tilespmem:v40+s17+$0x0], $0xffff;
	v1 =	vmul.f32 v1, v5;
	v2 =	vadd.f32 v2, v4  }
0x22d: {  	v7 =	vmul.f32 v7, v5;
	v0 =	vadd.f32 v0, v4  }
0x22e: {  	v3 =	vmul.f32 v3, v5;
	v1 =	vadd.f32 v1, v4;
	[tilespmem:s20+$0x18480] =	vst v2  }
0x22f: {  	v42 =	vmul.f32 v8, v5;
	v41 =	vadd.f32 v7, v4;
	[tilespmem:s20+$0x18500] =	vst v0  }
0x230: {  	v44 =	vmul.f32 v9, v5;
	v43 =	vadd.f32 v3, v4;
	[tilespmem:s20+$0x18580] =	vst v1  }
0x231: {  	v47 =	vor.u32 $0x38, v6;
	v46 =	vmul.f32 v10, v5;
	v45 =	vadd.f32 v42, v4;
	[tilespmem:s20+$0x18600] =	vst v41  }
0x232: {  	v48 =	vor.u32 $0x39, v6;
	v3 =	vadd.f32 v44, v4;
	[tilespmem:s20+$0x18680] =	vst v43  }
0x233: {  	v49 =	vor.u32 $0x3A, v6;
	v7 =	vadd.f32 v46, v4;
	[tilespmem:s20+$0x18700] =	vst v45  }
0x234: {  	v50 =	vor.u32 $0x3B, v6;
	[tilespmem:s20+$0x18780] =	vst v3  }
0x235: {  	v51 =	vor.u32 $0x3C, v6;
	[tilespmem:s20+$0x18800] =	vst v7  }
0x236: {  	v52 =	vor.u32 $0x3D, v6;
	v2 =	vld.idx.msk [tilespmem:v47+s17+$0x0], $0xffff  }
0x237: {  	v53 =	vor.u32 $0x3E, v6;
	v0 =	vld.idx.msk [tilespmem:v48+s17+$0x0], $0xffff  }
0x238: {  	v6 =	vor.u32 $0x3F, v6;
	v1 =	vld.idx.msk [tilespmem:v49+s17+$0x0], $0xffff  }
0x239: {  	v3 =	vld.idx.msk [tilespmem:v50+s17+$0x0], $0xffff  }
0x23a: {  	v7 =	vld.idx.msk [tilespmem:v51+s17+$0x0], $0xffff  }
0x23b: {  	v8 =	vld.idx.msk [tilespmem:v52+s17+$0x0], $0xffff;
	v2 =	vmul.f32 v2, v5  }
0x23c: {  	v9 =	vld.idx.msk [tilespmem:v53+s17+$0x0], $0xffff;
	v0 =	vmul.f32 v0, v5  }
0x23d: {  	v6 =	vld.idx.msk [tilespmem:v6+s17+$0x0], $0xffff;
	v1 =	vmul.f32 v1, v5;
	v2 =	vadd.f32 v2, v4  }
0x23e: {  	v3 =	vmul.f32 v3, v5;
	v0 =	vadd.f32 v0, v4  }
0x23f: {  	v7 =	vmul.f32 v7, v5;
	v1 =	vadd.f32 v1, v4;
	[tilespmem:s20+$0x18C80] =	vst v2  }
0x240: {  	v55 =	vmul.f32 v8, v5;
	v54 =	vadd.f32 v3, v4;
	[tilespmem:s20+$0x18D00] =	vst v0  }
0x241: {  	p1 =	sne.s32 s0, $0x780;
	v57 =	vmul.f32 v9, v5;
	v56 =	vadd.f32 v7, v4;
	[tilespmem:s20+$0x18D80] =	vst v1  }
.Ltmp4:
0x242: {  	v59 =	vmul.f32 v6, v5;
	v58 =	vadd.f32 v55, v4;
	[tilespmem:s20+$0x18E00] =	vst v54;
	(pc) =	sbr.rel @p1 .LBB2_11-.Ltmp4, $4  }
0x243: {  	v62 =	vadd.f32 v57, v4;
	[tilespmem:s20+$0x18E80] =	vst v56  }
0x244: {  	v63 =	vadd.f32 v59, v4;
	[tilespmem:s20+$0x18F00] =	vst v58  }
0x245: {  	s11 =	sadd.s32 $0x10, s11;
	[tilespmem:s20+$0x18F80] =	vst v62  }
0x246: {  	s10 =	sadd.s32 $0x10, s10;
	s31 =	sadd.s32 $0x10, s31;
	s0 =	sadd.s32 $0x80, s0;
	[tilespmem:s20+$0x19000] =	vst v63  }
0x247: {  	s11 =	simm.s32 $0x15080  }
0x248: {  	s0 =	sand.u32 $0x3800, s2;
	s10 =	sand.u32 $0x380, s2;
	v5 =	vld [tilespmem:s11+$0xFFFFFC00]  }
0x249: {  	s10 =	sor.u32 s10, s0;
	v4 =	vld [tilespmem:s11+$0x0]  }
0x24a: {  	s0 =	sadd.s32 $0x15480, s10;
	v12 =	vld [tilespmem:s10+$0x15480]  }
0x24b: {  	v9 =	vld [tilespmem:s0+$0x450]  }
0x24c: {  	v11 =	vld [tilespmem:s0+$0x70]  }
0x24d: {  	v8 =	vld [tilespmem:s0+$0x470]  }
0x24e: {  	v6 =	vld [tilespmem:s0+$0x410]  }
0x24f: {  	v10 =	vld [tilespmem:s0+$0x20]  }
0x250: {  	s20 =	simm.s32 $0x80;
	v7 =	vld [tilespmem:s0+$0x460]  }
.LBB2_13:
0x251: {  	p1 =	sne.s32 s20, $0x1F80;
	v0 =	vld [tilespmem:s0+$0x420];
	s11 =	sadd.s32 $0x10, s11;
	s2 =	sadd.s32 $0x100, s2  }
0x252: {  	s22 =	smov.u32 s20;
	s20 =	sadd.s32 $0x80, s20;
	v1 =	vld [tilespmem:s0+$0x440]  }
0x253: {  	v2 =	vld [tilespmem:s0+$0x40];
	v3 =	vmul.f32 v11, v5;
	v9 =	vmul.f32 v9, v5  }
0x254: {  	v8 =	vmul.f32 v8, v5;
	v11 =	vld [tilespmem:s0+$0x60];
	v12 =	vmul.f32 v12, v5  }
0x255: {  	v10 =	vmul.f32 v10, v5;
	v13 =	vld [tilespmem:s0+$0x10];
	v3 =	vadd.f32 v3, v4;
	v9 =	vadd.f32 v9, v4  }
0x256: {  	v8 =	vadd.f32 v8, v4;
	v14 =	vld [tilespmem:s0+$0x50];
	v12 =	vadd.f32 v12, v4  }
0x257: {  	v6 =	vmul.f32 v6, v5;
	v7 =	vmul.f32 v7, v5;
	v10 =	vadd.f32 v10, v4;
	v15 =	vld [tilespmem:s0+$0x30];
	[tilespmem:s0+$0x450] =	vst v9  }
0x258: {  	v0 =	vmul.f32 v0, v5;
	v1 =	vmul.f32 v1, v5;
	[tilespmem:s0+$0x70] =	vst v3;
	v3 =	vld [tilespmem:s0+$0x430]  }
0x259: {  	v6 =	vadd.f32 v6, v4;
	[tilespmem:s10+$0x15480] =	vst v12;
	v9 =	vld [tilespmem:s0+$0x400]  }
0x25a: {  	v7 =	vadd.f32 v7, v4;
	v0 =	vadd.f32 v0, v4;
	v12 =	vmul.f32 v13, v5;
	[tilespmem:s0+$0x470] =	vst v8  }
0x25b: {  	v2 =	vmul.f32 v2, v5;
	[tilespmem:s0+$0x20] =	vst v10  }
0x25c: {  	v11 =	vmul.f32 v11, v5;
	v10 =	vmul.f32 v14, v5;
	v8 =	vadd.f32 v12, v4;
	[tilespmem:s0+$0x420] =	vst v0  }
0x25d: {  	v2 =	vadd.f32 v2, v4;
	v0 =	vmul.f32 v15, v5;
	v3 =	vmul.f32 v3, v5;
	[tilespmem:s0+$0x460] =	vst v7  }
0x25e: {  	s22 =	sand.u32 $0x380, s22;
	s10 =	sand.u32 $0x3800, s2;
	v1 =	vadd.f32 v1, v4;
	v7 =	vadd.f32 v11, v4;
	[tilespmem:s0+$0x10] =	vst v8;
	v5 =	vmul.f32 v9, v5  }
0x25f: {  	s10 =	sor.u32 s22, s10;
	v8 =	vadd.f32 v10, v4;
	v3 =	vadd.f32 v3, v4;
	[tilespmem:s0+$0x410] =	vst v6  }
0x260: {  	s22 =	sadd.s32 $0x15480, s10;
	v0 =	vadd.f32 v0, v4;
	v4 =	vadd.f32 v5, v4;
	[tilespmem:s0+$0x440] =	vst v1  }
0x261: {  	v9 =	vld [tilespmem:s22+$0x450];
	[tilespmem:s0+$0x50] =	vst v8  }
0x262: {  	v11 =	vld [tilespmem:s22+$0x70];
	[tilespmem:s0+$0x400] =	vst v4  }
0x263: {  	v8 =	vld [tilespmem:s22+$0x470];
	[tilespmem:s0+$0x40] =	vst v2  }
0x264: {  	v6 =	vld [tilespmem:s22+$0x410];
	[tilespmem:s0+$0x60] =	vst v7  }
.Ltmp5:
0x265: {  	v10 =	vld [tilespmem:s22+$0x20];
	[tilespmem:s0+$0x430] =	vst v3;
	(pc) =	sbr.rel @p1 .LBB2_13-.Ltmp5, $4  }
0x266: {  	v7 =	vld [tilespmem:s22+$0x460];
	[tilespmem:s0+$0x30] =	vst v0;
	s0 =	smov.u32 s22  }
0x267: {  	v5 =	vld [tilespmem:s11+$0xFFFFFC00]  }
0x268: {  	v12 =	vld [tilespmem:s10+$0x15480]  }
0x269: {  	v4 =	vld [tilespmem:s11+$0x0]  }
0x26a: {  	_ =	sdelay $0x1  }
0x26b: {  	v2 =	vmul.f32 v9, v5  }
0x26c: {  	v45 =	vmul.f32 v11, v5  }
0x26d: {  	v0 =	vld [tilespmem:s0+$0x420];
	v8 =	vmul.f32 v8, v5;
	v2 =	vadd.f32 v2, v4  }
0x26e: {  	v47 =	vld [tilespmem:s0+$0x10];
	v7 =	vmul.f32 v7, v5;
	v9 =	vadd.f32 v45, v4  }
0x26f: {  	v1 =	vld [tilespmem:s0+$0x440];
	v53 =	vmul.f32 v6, v5;
	v48 =	vadd.f32 v8, v4;
	[tilespmem:s0+$0x450] =	vst v2  }
0x270: {  	v14 =	vld [tilespmem:s0+$0x50];
	v46 =	vmul.f32 v12, v5;
	v7 =	vadd.f32 v7, v4;
	[tilespmem:s0+$0x70] =	vst v9  }
0x271: {  	v3 =	vld [tilespmem:s0+$0x40];
	v10 =	vmul.f32 v10, v5;
	v55 =	vadd.f32 v53, v4;
	[tilespmem:s0+$0x470] =	vst v48  }
0x272: {  	v49 =	vld [tilespmem:s0+$0x30];
	v11 =	vadd.f32 v46, v4;
	v0 =	vmul.f32 v0, v5;
	[tilespmem:s0+$0x460] =	vst v7  }
0x273: {  	v51 =	vld [tilespmem:s0+$0x400];
	v50 =	vadd.f32 v10, v4;
	v52 =	vmul.f32 v47, v5;
	[tilespmem:s0+$0x410] =	vst v55  }
0x274: {  	v13 =	vld [tilespmem:s0+$0x60];
	v1 =	vmul.f32 v1, v5;
	[tilespmem:s10+$0x15480] =	vst v11;
	v0 =	vadd.f32 v0, v4  }
0x275: {  	v6 =	vld [tilespmem:s0+$0x430];
	v56 =	vmul.f32 v14, v5;
	v54 =	vadd.f32 v52, v4;
	[tilespmem:s0+$0x20] =	vst v50  }
0x276: {  	s2 =	smin.u32 s7, $0x61;
	v3 =	vmul.f32 v3, v5;
	v1 =	vadd.f32 v1, v4;
	[tilespmem:s0+$0x420] =	vst v0  }
0x277: {  	s2 =	sand.u32 $0x1, s2;
	v59 =	vmul.f32 v49, v5;
	v2 =	vadd.f32 v56, v4;
	[tilespmem:s0+$0x10] =	vst v54  }
0x278: {  	p1 =	seq.s32 s2, $0x1;
	s2 =	simm.s32 $0x3200;
	v7 =	vmul.f32 v51, v5;
	v58 =	vadd.f32 v3, v4;
	[tilespmem:s0+$0x440] =	vst v1  }
0x279: {  	s2 =	simm.s32 @!p1 $0x0;
	v57 =	vmul.f32 v13, v5;
	v62 =	vadd.f32 v59, v4;
	[tilespmem:s0+$0x50] =	vst v2  }
0x27a: {  	s2 =	sadd.s32 s6, s2;
	v3 =	vmul.f32 v6, v5;
	v7 =	vadd.f32 v7, v4;
	[tilespmem:s0+$0x40] =	vst v58  }
0x27b: {  	v63 =	vadd.s32 s2, v60;
	v0 =	vadd.f32 v57, v4;
	[tilespmem:s0+$0x30] =	vst v62  }
0x27c: {  	v3 =	vadd.f32 v3, v4;
	[tilespmem:s0+$0x400] =	vst v7  }
0x27d: {  	s6 =	sshll.u32 s14, $0x11;
	[tilespmem:s0+$0x60] =	vst v0  }
0x27e: {  	s31 =	sadd.s32 s6, s8;
	[tilespmem:s0+$0x430] =	vst v3  }
0x27f: {  	[hbm4b:s31+s25] =	stream.strided.scatter [tilespmem:s28], [sflag:$0x3], $0x4000, s26, s25, $0x38;
	[tilespmem:$0x1D480] =	vst v63  }
0x280: {  	s2 =	sadd.s32 $0x320, s2;
	v4 =	vld.idx.msk [tilespmem:v63+s4+$0x0], $0xffff  }
0x281: {  	s7 =	simm.s32 $0x0;
	v5 =	vadd.s32 s2, v60;
	s10 =	simm.s32 $0x80;
	s0 =	simm.s32 $0x40  }
.LBB2_15:
0x282: {  	p1 =	sne.s32 s10, $0x3C0;
	_ =	sdelay $0x1  }
.Ltmp6:
0x283: {  	s11 =	sshra.s32 s7, $0x2;
	s7 =	smov.u32 s0;
	(pc) =	sbr.rel @p1 .LBB2_15-.Ltmp6, $4  }
0x284: {  	s0 =	smov.u32 s10;
	[tilespmem:s11+$0xC800] =	vst v4  }
0x285: {  	v4 =	vld.idx.msk [tilespmem:v5+s4+$0x0], $0xffff  }
0x286: {  	s2 =	sadd.s32 $0x320, s2  }
0x287: {  	s10 =	sadd.s32 $0x40, s10;
	v5 =	vadd.s32 s2, v60  }
0x288: {  	_ =	sdelay $0x1  }
0x289: {  	s2 =	sshra.s32 s7, $0x2  }
0x28a: {  	[tilespmem:s2+$0xC800] =	vst v4  }
0x28b: {  	v0 =	vld.idx.msk [tilespmem:v5+s4+$0x0], $0xffff;
	_ =	sdelay $0x2  }
0x28c: {  	s20 =	simm.s32 $0x0  }
0x28d: {  	s0 =	sshra.s32 s0, $0x2;
	v1 =	vmov s20  }
0x28e: {  	v52 =	vshll.u32 v1, $0x6;
	[tilespmem:s0+$0xC800] =	vst v0  }
0x28f: {  	v20 =	vor.u32 v61, v52;
	[tilespmem:s17], [sflag:$0x1] =	stream.indirect.gather [hbm4b:s5+s15], $0x40, s16, s15, $0xb8;
	[tilespmem:$0x1D480] =	vst v63  }
0x290: {  	v4 =	vor.u32 $0x3C, v20;
	v5 =	vor.u32 $0x3D, v20;
	v6 =	vor.u32 $0x38, v20  }
0x291: {  	v24 =	vor.u32 $0x3E, v20;
	v7 =	vor.u32 $0x39, v20;
	v23 =	vor.u32 $0x3A, v20;
	[tilespmem:s19], [sflag:$0x1] =	stream.indirect.gather [hbm4b:s5+s15], $0x40, s18, s15, $0xb8;
	[tilespmem:$0x1D480] =	vst v63  }
0x292: {  	v8 =	vor.u32 $0x34, v20;
	v9 =	vor.u32 $0x35, v20;
	v27 =	vor.u32 $0x3B, v20;
	_ =	swait.ge [sflag:s29], $0x2000  }
0x293: {  	v25 =	vor.u32 $0x36, v20;
	v53 =	vor.u32 $0x7, v20;
	v2 =	vor.u32 $0x37, v20;
	[sflag:s29] =	ssyncset.done $0x0  }
0x294: {  	v10 =	vor.u32 $0x30, v20;
	v3 =	vor.u32 $0x3, v20;
	v11 =	vor.u32 $0x31, v20;
	[sflag:s29] =	ssyncadd.s32 $0xFFFFE000  }
0x295: {  	v28 =	vor.u32 $0x32, v20;
	v12 =	vor.u32 $0x2C, v20;
	v19 =	vor.u32 $0xB, v20;
	_ =	swait.ge [sflag:s29], $0x2000  }
0x296: {  	v30 =	vor.u32 $0x33, v20;
	v13 =	vor.u32 $0x2D, v20;
	v21 =	vor.u32 $0x6, v20;
	[sflag:s29] =	ssyncset.done $0x0  }
0x297: {  	v31 =	vor.u32 $0x2E, v20;
	v32 =	vor.u32 $0x2F, v20;
	v22 =	vor.u32 $0x2, v20;
	[sflag:s29] =	ssyncadd.s32 $0xFFFFE000  }
0x298: {  	v14 =	vor.u32 $0x28, v20;
	v15 =	vor.u32 $0x29, v20;
	v26 =	vor.u32 $0xF, v20;
	v1 =	vld.idx.msk [tilespmem:v53+s21+$0x0], $0xffff  }
0x299: {  	v33 =	vor.u32 $0x2A, v20;
	v34 =	vor.u32 $0x2B, v20;
	v29 =	vor.u32 $0x13, v20;
	v3 =	vld.idx.msk [tilespmem:v3+s21+$0x0], $0xffff  }
0x29a: {  	v16 =	vor.u32 $0x24, v20;
	v17 =	vor.u32 $0x25, v20;
	v36 =	vor.u32 $0xA, v20;
	v37 =	vld.idx.msk [tilespmem:v19+s21+$0x0], $0xffff  }
0x29b: {  	v35 =	vor.u32 $0x26, v20;
	v18 =	vor.u32 $0x20, v20;
	v44 =	vor.u32 $0x17, v20;
	v40 =	vld.idx.msk [tilespmem:v21+s21+$0x0], $0xffff  }
0x29c: {  	v38 =	vor.u32 $0x27, v20;
	v39 =	vor.u32 $0x22, v20;
	v49 =	vor.u32 $0x1B, v20;
	v43 =	vld.idx.msk [tilespmem:v22+s21+$0x0], $0xffff  }
0x29d: {  	v41 =	vor.u32 $0x23, v20;
	v42 =	vor.u32 $0xE, v20;
	v47 =	vor.u32 $0x1F, v20;
	v26 =	vld.idx.msk [tilespmem:v26+s21+$0x0], $0xffff  }
0x29e: {  	v50 =	vor.u32 $0x16, v20;
	v57 =	vor.u32 $0x1A, v20;
	v62 =	vor.u32 $0x1E, v20;
	v48 =	vld.idx.msk [tilespmem:v29+s21+$0x0], $0xffff  }
0x29f: {  	v0 =	vor.u32 $0x3F, v20;
	v19 =	vor.u32 $0x21, v20;
	v29 =	vor.u32 $0x12, v20;
	v36 =	vld.idx.msk [tilespmem:v36+s21+$0x0], $0xffff  }
0x2a0: {  	v21 =	vor.u32 $0x1C, v20;
	v22 =	vor.u32 $0x1D, v20;
	v44 =	vld.idx.msk [tilespmem:v44+s21+$0x0], $0xffff;
	v45 =	vmul.f32 v3, v3  }
0x2a1: {  	v63 =	vld.idx.msk [tilespmem:v49+s21+$0x0], $0xffff;
	v49 =	vor.u32 $0x8, v20;
	v46 =	vmul.f32 v1, v1;
	v54 =	vmul.f32 v37, v37  }
0x2a2: {  	v3 =	vadd.f32 $0.0e+00, v3;
	v55 =	vmul.f32 v43, v43;
	v51 =	vmul.f32 v40, v40  }
0x2a3: {  	v50 =	vld.idx.msk [tilespmem:v50+s21+$0x0], $0xffff;
	v56 =	vmul.f32 v26, v26;
	v43 =	vadd.f32 $0.0e+00, v43;
	v58 =	vmul.f32 v48, v48  }
0x2a4: {  	v52 =	vld.idx.msk [tilespmem:v29+s21+$0x0], $0xffff;
	v59 =	vmul.f32 v36, v36;
	v45 =	vadd.f32 v46, v45;
	v1 =	vadd.f32 v1, v3  }
0x2a5: {  	v3 =	vld.idx.msk [tilespmem:v42+s21+$0x0], $0xffff;
	v42 =	vadd.f32 v51, v55;
	v40 =	vadd.f32 v40, v43;
	v55 =	vmul.f32 v44, v44  }
0x2a6: {  	v47 =	vld.idx.msk [tilespmem:v47+s21+$0x0], $0xffff;
	v51 =	vor.u32 $0xC, v20;
	v45 =	vadd.f32 v54, v45;
	v1 =	vadd.f32 v37, v1  }
0x2a7: {  	v43 =	vld.idx.msk [tilespmem:v62+s21+$0x0], $0xffff;
	v46 =	vor.u32 $0xD, v20;
	v42 =	vadd.f32 v59, v42;
	v36 =	vadd.f32 v36, v40  }
0x2a8: {  	v37 =	vld.idx.msk [tilespmem:v57+s21+$0x0], $0xffff;
	v57 =	vmul.f32 v63, v63;
	v59 =	vmul.f32 v50, v50;
	v29 =	vadd.f32 v56, v45  }
0x2a9: {  	v38 =	vld.idx.msk [tilespmem:v38+s21+$0x0], $0xffff;
	v1 =	vadd.f32 v26, v1;
	v26 =	vor.u32 $0x18, v20;
	v45 =	vor.u32 $0x10, v20  }
0x2aa: {  	v56 =	vmul.f32 v52, v52;
	v53 =	vmul.f32 v3, v3;
	v3 =	vadd.f32 v3, v36  }
0x2ab: {  	v34 =	vld.idx.msk [tilespmem:v34+s21+$0x0], $0xffff;
	v54 =	vadd.f32 v58, v29;
	v29 =	vor.u32 $0x19, v20;
	v1 =	vadd.f32 v48, v1  }
0x2ac: {  	v39 =	vld.idx.msk [tilespmem:v39+s21+$0x0], $0xffff;
	v48 =	vor.u32 $0x14, v20;
	v58 =	vmul.f32 v47, v47;
	v42 =	vadd.f32 v53, v42  }
0x2ad: {  	v41 =	vld.idx.msk [tilespmem:v41+s21+$0x0], $0xffff;
	v3 =	vadd.f32 v52, v3;
	v62 =	vmul.f32 v37, v37;
	v52 =	vmul.f32 v43, v43  }
0x2ae: {  	v2 =	vld.idx.msk [tilespmem:v2+s21+$0x0], $0xffff;
	v53 =	vmul.f32 v38, v38;
	v40 =	vadd.f32 v55, v54;
	v1 =	vadd.f32 v44, v1  }
0x2af: {  	v44 =	vor.u32 $0x15, v20;
	v54 =	vor.u32 $0x5, v20;
	v42 =	vadd.f32 v56, v42  }
0x2b0: {  	v55 =	vmul.f32 v34, v34;
	v3 =	vadd.f32 v50, v3;
	v36 =	vadd.f32 v57, v40  }
0x2b1: {  	v56 =	vmul.f32 v39, v39;
	v1 =	vadd.f32 v63, v1;
	v40 =	vadd.f32 v59, v42  }
0x2b2: {  	v35 =	vld.idx.msk [tilespmem:v35+s21+$0x0], $0xffff;
	v63 =	vmul.f32 v41, v41;
	v3 =	vadd.f32 v37, v3;
	v36 =	vadd.f32 v58, v36  }
0x2b3: {  	v32 =	vld.idx.msk [tilespmem:v32+s21+$0x0], $0xffff;
	v50 =	vmul.f32 v2, v2;
	v1 =	vadd.f32 v47, v1;
	v40 =	vadd.f32 v62, v40  }
0x2b4: {  	v33 =	vld.idx.msk [tilespmem:v33+s21+$0x0], $0xffff;
	v57 =	vor.u32 $0x1, v20;
	v3 =	vadd.f32 v43, v3;
	v36 =	vadd.f32 v63, v36  }
0x2b5: {  	v30 =	vld.idx.msk [tilespmem:v30+s21+$0x0], $0xffff;
	v42 =	vor.u32 $0x9, v20;
	v1 =	vadd.f32 v41, v1;
	v40 =	vadd.f32 v52, v40  }
0x2b6: {  	v31 =	vld.idx.msk [tilespmem:v31+s21+$0x0], $0xffff;
	v47 =	vor.u32 $0x4, v20;
	v3 =	vadd.f32 v39, v3;
	v36 =	vadd.f32 v53, v36  }
0x2b7: {  	v28 =	vld.idx.msk [tilespmem:v28+s21+$0x0], $0xffff;
	v59 =	vmul.f32 v35, v35;
	v1 =	vadd.f32 v38, v1;
	v37 =	vadd.f32 v56, v40  }
0x2b8: {  	v25 =	vld.idx.msk [tilespmem:v25+s21+$0x0], $0xffff;
	v58 =	vmul.f32 v32, v32;
	v3 =	vadd.f32 v35, v3;
	v36 =	vadd.f32 v55, v36  }
0x2b9: {  	v27 =	vld.idx.msk [tilespmem:v27+s21+$0x0], $0xffff;
	v63 =	vmul.f32 v33, v33;
	v1 =	vadd.f32 v34, v1;
	v37 =	vadd.f32 v59, v37  }
0x2ba: {  	v0 =	vld.idx.msk [tilespmem:v0+s21+$0x0], $0xffff;
	v62 =	vmul.f32 v30, v30;
	v3 =	vadd.f32 v33, v3;
	v36 =	vadd.f32 v58, v36  }
0x2bb: {  	v53 =	vmul.f32 v31, v31;
	v55 =	vld.idx.msk [tilespmem:v47+s21+$0x0], $0xffff;
	v1 =	vadd.f32 v32, v1;
	v52 =	vadd.f32 v63, v37  }
0x2bc: {  	v56 =	vmul.f32 v28, v28;
	v3 =	vadd.f32 v31, v3;
	v31 =	vld.idx.msk [tilespmem:v20+s21+$0x0], $0xffff;
	v34 =	vadd.f32 v62, v36  }
0x2bd: {  	v23 =	vld.idx.msk [tilespmem:v23+s21+$0x0], $0xffff;
	v59 =	vmul.f32 v25, v25;
	v1 =	vadd.f32 v30, v1;
	v35 =	vadd.f32 v53, v52  }
0x2be: {  	v54 =	vld.idx.msk [tilespmem:v54+s21+$0x0], $0xffff;
	v30 =	vmul.f32 v27, v27;
	v3 =	vadd.f32 v28, v3;
	v32 =	vadd.f32 v50, v34  }
0x2bf: {  	v57 =	vld.idx.msk [tilespmem:v57+s21+$0x0], $0xffff;
	v58 =	vmul.f32 v0, v0;
	v1 =	vadd.f32 v2, v1;
	v35 =	vadd.f32 v56, v35  }
0x2c0: {  	v24 =	vld.idx.msk [tilespmem:v24+s21+$0x0], $0xffff;
	v62 =	vor.u32 $0x11, v20;
	v3 =	vadd.f32 v25, v3;
	v30 =	vadd.f32 v30, v32  }
0x2c1: {  	v63 =	vld.idx.msk [tilespmem:v42+s21+$0x0], $0xffff;
	v43 =	vmul.f32 v55, v55;
	v1 =	vadd.f32 v27, v1;
	v42 =	vadd.f32 $0.0e+00, v31  }
0x2c2: {  	v40 =	vld.idx.msk [tilespmem:v49+s21+$0x0], $0xffff;
	v31 =	vmul.f32 v31, v31;
	v27 =	vadd.f32 v59, v35;
	v3 =	vadd.f32 v23, v3  }
0x2c3: {  	v28 =	vmul.f32 v23, v23;
	v20 =	vadd.f32 v58, v30;
	v0 =	vadd.f32 v0, v1  }
0x2c4: {  	v41 =	vmul.f32 v54, v54;
	v23 =	vld.idx.msk [tilespmem:v51+s21+$0x0], $0xffff;
	v30 =	vadd.f32 $0.0e+00, v57;
	v31 =	vadd.f32 v43, v31  }
0x2c5: {  	v25 =	vmul.f32 v24, v24;
	v27 =	vadd.f32 v28, v27;
	v28 =	vld.idx.msk [tilespmem:v46+s21+$0x0], $0xffff;
	v46 =	vadd.f32 v55, v42  }
0x2c6: {  	v34 =	vmul.f32 v57, v57;
	v3 =	vadd.f32 v24, v3;
	v24 =	vld.idx.msk [tilespmem:v45+s21+$0x0], $0xffff;
	v30 =	vadd.f32 v54, v30  }
0x2c7: {  	v1 =	vmul.f32 v40, v40;
	v25 =	vadd.f32 v25, v27;
	v27 =	vld.idx.msk [tilespmem:v62+s21+$0x0], $0xffff;
	v32 =	vadd.f32 v40, v46  }
0x2c8: {  	v50 =	vld.idx.msk [tilespmem:v48+s21+$0x0], $0xffff;
	v47 =	vadd.f32 v41, v34;
	v2 =	vmul.f32 v63, v63;
	v30 =	vadd.f32 v63, v30  }
0x2c9: {  	v49 =	vld.idx.msk [tilespmem:v44+s21+$0x0], $0xffff;
	v1 =	vadd.f32 v1, v31;
	v31 =	vadd.f32 v23, v32;
	v23 =	vmul.f32 v23, v23  }
0x2ca: {  	v26 =	vld.idx.msk [tilespmem:v26+s21+$0x0], $0xffff;
	v2 =	vadd.f32 v2, v47;
	v30 =	vadd.f32 v28, v30;
	v28 =	vmul.f32 v28, v28  }
0x2cb: {  	v29 =	vld.idx.msk [tilespmem:v29+s21+$0x0], $0xffff;
	v1 =	vadd.f32 v23, v1;
	v23 =	vadd.f32 v24, v31;
	v24 =	vmul.f32 v24, v24  }
0x2cc: {  	v21 =	vld.idx.msk [tilespmem:v21+s21+$0x0], $0xffff;
	v2 =	vadd.f32 v28, v2;
	v28 =	vadd.f32 v27, v30;
	v27 =	vmul.f32 v27, v27  }
0x2cd: {  	v22 =	vld.idx.msk [tilespmem:v22+s21+$0x0], $0xffff;
	v1 =	vadd.f32 v24, v1;
	v23 =	vadd.f32 v50, v23;
	v24 =	vmul.f32 v50, v50  }
0x2ce: {  	v18 =	vld.idx.msk [tilespmem:v18+s21+$0x0], $0xffff;
	v2 =	vadd.f32 v27, v2;
	v27 =	vadd.f32 v49, v28;
	v28 =	vmul.f32 v49, v49  }
0x2cf: {  	v19 =	vld.idx.msk [tilespmem:v19+s21+$0x0], $0xffff;
	v1 =	vadd.f32 v24, v1;
	v23 =	vadd.f32 v26, v23;
	v24 =	vmul.f32 v26, v26  }
0x2d0: {  	v16 =	vld.idx.msk [tilespmem:v16+s21+$0x0], $0xffff;
	v2 =	vadd.f32 v28, v2;
	v27 =	vadd.f32 v29, v27;
	v28 =	vmul.f32 v29, v29  }
0x2d1: {  	v17 =	vld.idx.msk [tilespmem:v17+s21+$0x0], $0xffff;
	v1 =	vadd.f32 v24, v1;
	v23 =	vadd.f32 v21, v23;
	v21 =	vmul.f32 v21, v21  }
0x2d2: {  	v14 =	vld.idx.msk [tilespmem:v14+s21+$0x0], $0xffff;
	v2 =	vadd.f32 v28, v2;
	v26 =	vadd.f32 v22, v27;
	v22 =	vmul.f32 v22, v22  }
0x2d3: {  	v15 =	vld.idx.msk [tilespmem:v15+s21+$0x0], $0xffff;
	v1 =	vadd.f32 v21, v1;
	v21 =	vadd.f32 v18, v23;
	v18 =	vmul.f32 v18, v18  }
0x2d4: {  	v12 =	vld.idx.msk [tilespmem:v12+s21+$0x0], $0xffff;
	v2 =	vadd.f32 v22, v2;
	v22 =	vadd.f32 v19, v26;
	v19 =	vmul.f32 v19, v19  }
0x2d5: {  	v13 =	vld.idx.msk [tilespmem:v13+s21+$0x0], $0xffff;
	v1 =	vadd.f32 v18, v1;
	v18 =	vadd.f32 v16, v21;
	v16 =	vmul.f32 v16, v16  }
0x2d6: {  	v10 =	vld.idx.msk [tilespmem:v10+s21+$0x0], $0xffff;
	v2 =	vadd.f32 v19, v2;
	v19 =	vadd.f32 v17, v22;
	v17 =	vmul.f32 v17, v17  }
0x2d7: {  	v11 =	vld.idx.msk [tilespmem:v11+s21+$0x0], $0xffff;
	v1 =	vadd.f32 v16, v1;
	v16 =	vadd.f32 v14, v18;
	v14 =	vmul.f32 v14, v14  }
0x2d8: {  	v8 =	vld.idx.msk [tilespmem:v8+s21+$0x0], $0xffff;
	v2 =	vadd.f32 v17, v2;
	v17 =	vadd.f32 v15, v19;
	v15 =	vmul.f32 v15, v15  }
0x2d9: {  	v9 =	vld.idx.msk [tilespmem:v9+s21+$0x0], $0xffff;
	v1 =	vadd.f32 v14, v1;
	v14 =	vadd.f32 v12, v16;
	v12 =	vmul.f32 v12, v12  }
0x2da: {  	v6 =	vld.idx.msk [tilespmem:v6+s21+$0x0], $0xffff;
	v2 =	vadd.f32 v15, v2;
	v15 =	vadd.f32 v13, v17;
	v13 =	vmul.f32 v13, v13  }
0x2db: {  	v7 =	vld.idx.msk [tilespmem:v7+s21+$0x0], $0xffff;
	v1 =	vadd.f32 v12, v1;
	v12 =	vadd.f32 v10, v14;
	v10 =	vmul.f32 v10, v10  }
0x2dc: {  	v4 =	vld.idx.msk [tilespmem:v4+s21+$0x0], $0xffff;
	v2 =	vadd.f32 v13, v2;
	v13 =	vadd.f32 v11, v15;
	v11 =	vmul.f32 v11, v11  }
0x2dd: {  	v5 =	vld.idx.msk [tilespmem:v5+s21+$0x0], $0xffff;
	v1 =	vadd.f32 v10, v1;
	v10 =	vadd.f32 v8, v12;
	v8 =	vmul.f32 v8, v8  }
0x2de: {  	v2 =	vadd.f32 v11, v2;
	v11 =	vadd.f32 v9, v13;
	v9 =	vmul.f32 v9, v9  }
0x2df: {  	v51 =	vld [tilespmem:$0x1FFC0];
	v1 =	vadd.f32 v8, v1;
	v8 =	vadd.f32 v6, v10;
	v6 =	vmul.f32 v6, v6  }
0x2e0: {  	v2 =	vadd.f32 v9, v2;
	v9 =	vadd.f32 v7, v11;
	v7 =	vmul.f32 v7, v7  }
0x2e1: {  	v1 =	vadd.f32 v6, v1;
	v6 =	vadd.f32 v4, v8;
	v4 =	vmul.f32 v4, v4  }
0x2e2: {  	v2 =	vadd.f32 v7, v2;
	v7 =	vadd.f32 v5, v9;
	v5 =	vmul.f32 v5, v5  }
0x2e3: {  	v0 =	vadd.f32 v0, v3;
	v1 =	vadd.f32 v4, v1  }
0x2e4: {  	v2 =	vadd.f32 v5, v2;
	v3 =	vadd.f32 v7, v6  }
0x2e5: {  	v4 =	vadd.f32 v20, v25  }
0x2e6: {  	v0 =	vadd.f32 v0, v3;
	v1 =	vadd.f32 v2, v1  }
0x2e7: {  	v2 =	vld.idx.msk [tilespmem:v51+s12+$0x0], $0xffff  }
0x2e8: {  	v1 =	vadd.f32 v4, v1;
	v0 =	vmul.f32 $1.562500000e-02, v0;
	_ =	sdelay $0x1  }
0x2e9: {  	v1 =	vmul.f32 $1.562500000e-02, v1;
	v3 =	vmul.f32 v0, v0;
	_ =	sdelay $0x1  }
0x2ea: {  	v1 =	vsub.f32 v1, v3;
	v3 =	vmul.f32 v2, v2;
	_ =	sdelay $0x1  }
0x2eb: {  	v1 =	vmul.f32 v1, v3;
	_ =	sdelay $0x1  }
0x2ec: {  	v1 =	vadd.f32 $9.999999740e-06, v1;
	_ =	sdelay $0x1  }
0x2ed: {  	v1 =	vmax.f32 v1, $1.000000000e-30  }
0x2ee: {  	v3 =	vshra.s32 v1, $0x1;
	v1 =	vmul.f32 $5.000000000e-01, v1  }
0x2ef: {  	v3 =	vsub.s32 $0x5F3759DF, v3  }
0x2f0: {  	v4 =	vmul.f32 v3, v1;
	_ =	sdelay $0x1  }
0x2f1: {  	v4 =	vmul.f32 v3, v4;
	_ =	sdelay $0x1  }
0x2f2: {  	v4 =	vsub.f32 $1.500000000e+00, v4;
	_ =	sdelay $0x1  }
0x2f3: {  	v3 =	vmul.f32 v3, v4;
	_ =	sdelay $0x1  }
0x2f4: {  	v4 =	vmul.f32 v3, v1;
	_ =	sdelay $0x1  }
0x2f5: {  	v4 =	vmul.f32 v4, v3;
	_ =	sdelay $0x1  }
0x2f6: {  	v4 =	vsub.f32 $1.500000000e+00, v4;
	_ =	sdelay $0x1  }
0x2f7: {  	v9 =	vmul.f32 v4, v3  }
0x2f8: {  	s22 =	simm.s32 $0x10  }
0x2f9: {  	v3 =	vmov s22;
	v1 =	vmul.f32 v9, v1  }
0x2fa: {  	v3 =	vshll.u32 v3, $0x6  }
0x2fb: {  	s31 =	sadd.s32 $0x320, s1;
	v20 =	vor.u32 v61, v3;
	v1 =	vmul.f32 v1, v9  }
0x2fc: {  	v57 =	vadd.s32 s31, v60;
	v0 =	vsub.f32 $0.0e+00, v0;
	v58 =	vor.u32 $0x3C, v20  }
0x2fd: {  	v59 =	vor.u32 $0x3D, v20;
	v62 =	vor.u32 $0x38, v20;
	v1 =	vsub.f32 $1.500000000e+00, v1  }
0x2fe: {  	v11 =	vor.u32 $0x3E, v20;
	v28 =	vor.u32 $0x3F, v20;
	v56 =	vor.u32 $0x39, v20  }
0x2ff: {  	v19 =	vor.u32 $0x3A, v20;
	v8 =	vor.u32 $0x34, v20;
	v1 =	vmul.f32 v1, v9  }
0x300: {  	v37 =	vor.u32 $0x3B, v20;
	v26 =	vor.u32 $0x36, v20;
	v39 =	vor.u32 $0x37, v20  }
0x301: {  	v52 =	vor.u32 $0x7, v20;
	v10 =	vor.u32 $0x30, v20;
	v1 =	vmul.f32 v1, v2  }
0x302: {  	v4 =	vor.u32 $0x31, v20;
	v16 =	vor.u32 $0x3, v20;
	v29 =	vor.u32 $0x32, v20  }
0x303: {  	s7 =	simm.s32 $0x14A00;
	v12 =	vor.u32 $0x2C, v20;
	v53 =	vor.u32 $0xB, v20;
	v0 =	vmul.f32 v1, v0  }
0x304: {  	s10 =	simm.s32 $0x14B00;
	v40 =	vor.u32 $0x33, v20;
	v13 =	vor.u32 $0x2D, v20;
	v54 =	vor.u32 $0x6, v20;
	[tilespmem:s7+$0x0] =	vst v1  }
0x305: {  	v49 =	vor.u32 $0x2E, v20;
	v36 =	vor.u32 $0x2F, v20;
	v22 =	vor.u32 $0x2, v20;
	[tilespmem:s10+$0x0] =	vst v0  }
0x306: {  	v14 =	vor.u32 $0x28, v20;
	v15 =	vor.u32 $0x29, v20;
	v30 =	vor.u32 $0x13, v20;
	v2 =	vld.idx.msk [tilespmem:v52+s21+$0x0], $0xffff  }
0x307: {  	v41 =	vor.u32 $0x2A, v20;
	v35 =	vor.u32 $0x2B, v20;
	v3 =	vor.u32 $0xF, v20;
	v27 =	vld.idx.msk [tilespmem:v16+s21+$0x0], $0xffff  }
0x308: {  	v63 =	vor.u32 $0x24, v20;
	v42 =	vor.u32 $0x26, v20;
	v17 =	vor.u32 $0x20, v20;
	v1 =	vld.idx.msk [tilespmem:v53+s21+$0x0], $0xffff  }
0x309: {  	v31 =	vor.u32 $0xA, v20;
	v33 =	vor.u32 $0x27, v20;
	v7 =	vor.u32 $0x21, v20;
	v0 =	vld.idx.msk [tilespmem:v54+s21+$0x0], $0xffff  }
0x30a: {  	v38 =	vor.u32 $0x22, v20;
	v18 =	vor.u32 $0x1C, v20;
	v44 =	vor.u32 $0x17, v20;
	v43 =	vld.idx.msk [tilespmem:v22+s21+$0x0], $0xffff  }
0x30b: {  	v34 =	vor.u32 $0x23, v20;
	v55 =	vor.u32 $0xE, v20;
	v47 =	vor.u32 $0x1F, v20;
	v30 =	vld.idx.msk [tilespmem:v30+s21+$0x0], $0xffff  }
0x30c: {  	v48 =	vor.u32 $0x12, v20;
	v50 =	vor.u32 $0x1B, v20;
	v51 =	vor.u32 $0x16, v20;
	v3 =	vld.idx.msk [tilespmem:v3+s21+$0x0], $0xffff  }
0x30d: {  	v21 =	vor.u32 $0x18, v20;
	v9 =	vor.u32 $0x35, v20;
	v16 =	vor.u32 $0x25, v20  }
0x30e: {  	v31 =	vld.idx.msk [tilespmem:v31+s21+$0x0], $0xffff;
	v52 =	vmul.f32 v27, v27;
	v53 =	vmul.f32 v2, v2;
	v27 =	vadd.f32 $0.0e+00, v27  }
0x30f: {  	v22 =	vor.u32 $0x1D, v20;
	v44 =	vld.idx.msk [tilespmem:v44+s21+$0x0], $0xffff;
	v46 =	vmul.f32 v1, v1;
	v54 =	vmul.f32 v0, v0  }
0x310: {  	v32 =	vmul.f32 v30, v30;
	v45 =	vadd.f32 v53, v52;
	v2 =	vadd.f32 v2, v27  }
0x311: {  	v52 =	vld.idx.msk [tilespmem:v55+s21+$0x0], $0xffff;
	v27 =	vmul.f32 v43, v43;
	v55 =	vmul.f32 v3, v3;
	v43 =	vadd.f32 $0.0e+00, v43  }
0x312: {  	v48 =	vld.idx.msk [tilespmem:v48+s21+$0x0], $0xffff;
	v45 =	vadd.f32 v46, v45;
	v1 =	vadd.f32 v1, v2;
	v2 =	vor.u32 $0x1A, v20  }
0x313: {  	v50 =	vld.idx.msk [tilespmem:v50+s21+$0x0], $0xffff;
	v27 =	vadd.f32 v54, v27;
	v46 =	vmul.f32 v31, v31;
	v0 =	vadd.f32 v0, v43  }
0x314: {  	v53 =	vld.idx.msk [tilespmem:v47+s21+$0x0], $0xffff;
	v43 =	vor.u32 $0x1E, v20;
	v54 =	vmul.f32 v44, v44;
	v45 =	vadd.f32 v55, v45  }
0x315: {  	v51 =	vld.idx.msk [tilespmem:v51+s21+$0x0], $0xffff;
	v1 =	vadd.f32 v3, v1;
	v46 =	vadd.f32 v46, v27;
	v27 =	vor.u32 $0x19, v20  }
0x316: {  	v0 =	vadd.f32 v31, v0;
	v31 =	vor.u32 $0x10, v20;
	v3 =	vld.idx.msk [tilespmem:v33+s21+$0x0], $0xffff;
	v33 =	vor.u32 $0xC, v20  }
0x317: {  	v47 =	vmul.f32 v52, v52;
	v45 =	vadd.f32 v32, v45;
	v32 =	vld.idx.msk [tilespmem:v28+s21+$0x0], $0xffff;
	v1 =	vadd.f32 v30, v1  }
0x318: {  	v28 =	vor.u32 $0x14, v20;
	v0 =	vadd.f32 v52, v0;
	v30 =	vor.u32 $0x15, v20;
	v2 =	vld.idx.msk [tilespmem:v2+s21+$0x0], $0xffff  }
0x319: {  	v52 =	vmul.f32 v53, v53;
	v46 =	vadd.f32 v47, v46;
	v47 =	vmul.f32 v48, v48;
	v55 =	vld.idx.msk [tilespmem:v43+s21+$0x0], $0xffff  }
0x31a: {  	v45 =	vadd.f32 v54, v45;
	v54 =	vld.idx.msk [tilespmem:v34+s21+$0x0], $0xffff;
	v34 =	vmul.f32 v50, v50;
	v1 =	vadd.f32 v44, v1  }
0x31b: {  	v0 =	vadd.f32 v48, v0;
	v44 =	vadd.f32 v47, v46;
	v46 =	vld.idx.msk [tilespmem:v35+s21+$0x0], $0xffff;
	v35 =	vor.u32 $0x8, v20  }
0x31c: {  	v47 =	vld.idx.msk [tilespmem:v38+s21+$0x0], $0xffff;
	v38 =	vor.u32 $0x4, v20;
	v43 =	vadd.f32 v34, v45;
	v45 =	vmul.f32 v51, v51  }
0x31d: {  	v1 =	vadd.f32 v50, v1;
	v34 =	vor.u32 $0xD, v20;
	v0 =	vadd.f32 v51, v0  }
0x31e: {  	v39 =	vld.idx.msk [tilespmem:v39+s21+$0x0], $0xffff;
	v44 =	vadd.f32 v45, v44;
	v50 =	vmul.f32 v2, v2;
	v43 =	vadd.f32 v52, v43  }
0x31f: {  	v45 =	vld.idx.msk [tilespmem:v36+s21+$0x0], $0xffff;
	v1 =	vadd.f32 v53, v1;
	v36 =	vor.u32 $0x9, v20;
	v51 =	vmul.f32 v54, v54  }
0x320: {  	v48 =	vld.idx.msk [tilespmem:v42+s21+$0x0], $0xffff;
	v0 =	vadd.f32 v2, v0;
	v2 =	vmul.f32 v3, v3;
	v50 =	vadd.f32 v50, v44  }
0x321: {  	v42 =	vld.idx.msk [tilespmem:v40+s21+$0x0], $0xffff;
	v1 =	vadd.f32 v54, v1;
	v40 =	vadd.f32 v51, v43;
	v51 =	vmul.f32 v55, v55  }
0x322: {  	v44 =	vld.idx.msk [tilespmem:v41+s21+$0x0], $0xffff;
	v41 =	vor.u32 $0x1, v20;
	v53 =	vadd.f32 v55, v0;
	v43 =	vor.u32 $0x5, v20  }
0x323: {  	v37 =	vld.idx.msk [tilespmem:v37+s21+$0x0], $0xffff;
	v55 =	vmul.f32 v47, v47;
	v54 =	vadd.f32 v3, v1;
	v51 =	vadd.f32 v51, v50  }
0x324: {  	s2 =	simm.s32 $0x20;
	v52 =	vadd.f32 v2, v40;
	v50 =	vmul.f32 v46, v46;
	v40 =	vld.idx.msk [tilespmem:v49+s21+$0x0], $0xffff;
	v49 =	vmul.f32 v45, v45  }
.LBB2_17:
0x325: {  	_ = 	snop  }
0x326: {  	v2 =	vadd.f32 v50, v52  }
0x327: {  	v47 =	vadd.f32 v47, v53;
	v46 =	vadd.f32 v46, v54  }
0x328: {  	v29 =	vld.idx.msk [tilespmem:v29+s21+$0x0], $0xffff;
	v0 =	vadd.f32 v55, v51;
	v2 =	vadd.f32 v49, v2;
	v1 =	vmul.f32 v48, v48  }
0x329: {  	v25 =	vld.idx.msk [tilespmem:v26+s21+$0x0], $0xffff;
	v45 =	vadd.f32 v45, v46;
	v54 =	vmul.f32 v42, v42;
	v26 =	vadd.f32 v48, v47  }
0x32a: {  	v51 =	vld.idx.msk [tilespmem:v11+s21+$0x0], $0xffff;
	v55 =	vmul.f32 v44, v44;
	v48 =	vmul.f32 v39, v39;
	v0 =	vadd.f32 v1, v0  }
0x32b: {  	v49 =	vmul.f32 v40, v40;
	v2 =	vadd.f32 v54, v2;
	v23 =	vadd.f32 v44, v26;
	v44 =	vld.idx.msk [tilespmem:v20+s21+$0x0], $0xffff  }
0x32c: {  	v43 =	vld.idx.msk [tilespmem:v43+s21+$0x0], $0xffff;
	v50 =	vmul.f32 v37, v37;
	v26 =	vadd.f32 v42, v45;
	v0 =	vadd.f32 v55, v0  }
0x32d: {  	v38 =	vld.idx.msk [tilespmem:v38+s21+$0x0], $0xffff;
	v53 =	vmul.f32 v32, v32;
	v2 =	vadd.f32 v48, v2;
	v23 =	vadd.f32 v40, v23  }
0x32e: {  	v41 =	vld.idx.msk [tilespmem:v41+s21+$0x0], $0xffff;
	v52 =	vmul.f32 v29, v29;
	v26 =	vadd.f32 v39, v26;
	v0 =	vadd.f32 v49, v0  }
0x32f: {  	v47 =	vld.idx.msk [tilespmem:v19+s21+$0x0], $0xffff;
	v54 =	vmul.f32 v25, v25;
	v2 =	vadd.f32 v50, v2;
	v23 =	vadd.f32 v29, v23  }
0x330: {  	v46 =	vmul.f32 v51, v51;
	v26 =	vadd.f32 v37, v26;
	v49 =	vadd.f32 $0.0e+00, v44  }
0x331: {  	v45 =	vld.idx.msk [tilespmem:v35+s21+$0x0], $0xffff;
	v55 =	vor.u32 $0x11, v20;
	v0 =	vadd.f32 v52, v0;
	v20 =	vadd.f32 v53, v2  }
0x332: {  	v48 =	vmul.f32 v43, v43;
	v29 =	vld.idx.msk [tilespmem:v36+s21+$0x0], $0xffff;
	v25 =	vadd.f32 v25, v23;
	v23 =	vadd.f32 v32, v26  }
0x333: {  	v26 =	vadd.f32 $0.0e+00, v41;
	v53 =	vmul.f32 v41, v41;
	v1 =	vadd.f32 v38, v49  }
0x334: {  	v34 =	vld.idx.msk [tilespmem:v34+s21+$0x0], $0xffff;
	v42 =	vmul.f32 v47, v47;
	v0 =	vadd.f32 v54, v0;
	v52 =	vadd.f32 v47, v25  }
0x335: {  	v33 =	vld.idx.msk [tilespmem:v33+s21+$0x0], $0xffff;
	v50 =	vmul.f32 v38, v38;
	v54 =	vadd.f32 v43, v26;
	v32 =	vadd.f32 v48, v53  }
0x336: {  	v40 =	vld.idx.msk [tilespmem:v55+s21+$0x0], $0xffff;
	v55 =	vmul.f32 v44, v44;
	v1 =	vadd.f32 v45, v1;
	v0 =	vadd.f32 v42, v0  }
0x337: {  	v31 =	vld.idx.msk [tilespmem:v31+s21+$0x0], $0xffff;
	v26 =	vadd.f32 v51, v52;
	v39 =	vadd.f32 v29, v54;
	v29 =	vmul.f32 v29, v29  }
0x338: {  	v30 =	vld.idx.msk [tilespmem:v30+s21+$0x0], $0xffff;
	v2 =	vmul.f32 v45, v45;
	v25 =	vadd.f32 v46, v0;
	v0 =	vadd.f32 v50, v55  }
0x339: {  	v28 =	vld.idx.msk [tilespmem:v28+s21+$0x0], $0xffff;
	v29 =	vadd.f32 v29, v32;
	v41 =	vadd.f32 v34, v39;
	v34 =	vmul.f32 v34, v34  }
0x33a: {  	v27 =	vld.idx.msk [tilespmem:v27+s21+$0x0], $0xffff;
	v42 =	vmul.f32 v33, v33;
	v1 =	vadd.f32 v33, v1;
	v0 =	vadd.f32 v2, v0  }
0x33b: {  	v24 =	vld.idx.msk [tilespmem:v21+s21+$0x0], $0xffff;
	v43 =	vmul.f32 v40, v40;
	v29 =	vadd.f32 v34, v29;
	v32 =	vadd.f32 v40, v41  }
0x33c: {  	v22 =	vld.idx.msk [tilespmem:v22+s21+$0x0], $0xffff;
	v44 =	vmul.f32 v31, v31;
	v1 =	vadd.f32 v31, v1;
	v0 =	vadd.f32 v42, v0  }
0x33d: {  	v21 =	vld.idx.msk [tilespmem:v18+s21+$0x0], $0xffff;
	v29 =	vadd.f32 v43, v29;
	v31 =	vadd.f32 v30, v32;
	v30 =	vmul.f32 v30, v30  }
0x33e: {  	v19 =	vld.idx.msk [tilespmem:v7+s21+$0x0], $0xffff;
	v45 =	vmul.f32 v28, v28;
	v1 =	vadd.f32 v28, v1;
	v0 =	vadd.f32 v44, v0  }
0x33f: {  	v18 =	vld.idx.msk [tilespmem:v17+s21+$0x0], $0xffff;
	v28 =	vadd.f32 v30, v29;
	v29 =	vadd.f32 v27, v31;
	v27 =	vmul.f32 v27, v27  }
0x340: {  	v17 =	vld.idx.msk [tilespmem:v16+s21+$0x0], $0xffff;
	v46 =	vmul.f32 v24, v24;
	v1 =	vadd.f32 v24, v1;
	v0 =	vadd.f32 v45, v0  }
0x341: {  	v16 =	vld.idx.msk [tilespmem:v63+s21+$0x0], $0xffff;
	v24 =	vadd.f32 v27, v28;
	v27 =	vadd.f32 v22, v29;
	v22 =	vmul.f32 v22, v22  }
0x342: {  	v15 =	vld.idx.msk [tilespmem:v15+s21+$0x0], $0xffff;
	v47 =	vmul.f32 v21, v21;
	v1 =	vadd.f32 v21, v1;
	v0 =	vadd.f32 v46, v0  }
0x343: {  	v14 =	vld.idx.msk [tilespmem:v14+s21+$0x0], $0xffff;
	v21 =	vadd.f32 v22, v24;
	v22 =	vadd.f32 v19, v27;
	v19 =	vmul.f32 v19, v19  }
0x344: {  	v13 =	vld.idx.msk [tilespmem:v13+s21+$0x0], $0xffff;
	v48 =	vmul.f32 v18, v18;
	v1 =	vadd.f32 v18, v1;
	v0 =	vadd.f32 v47, v0  }
0x345: {  	v12 =	vld.idx.msk [tilespmem:v12+s21+$0x0], $0xffff;
	v18 =	vadd.f32 v19, v21;
	v19 =	vadd.f32 v17, v22;
	v17 =	vmul.f32 v17, v17  }
0x346: {  	v11 =	vld.idx.msk [tilespmem:v4+s21+$0x0], $0xffff;
	v49 =	vmul.f32 v16, v16;
	v1 =	vadd.f32 v16, v1;
	v0 =	vadd.f32 v48, v0  }
0x347: {  	v10 =	vld.idx.msk [tilespmem:v10+s21+$0x0], $0xffff;
	v16 =	vadd.f32 v17, v18;
	v17 =	vadd.f32 v15, v19;
	v15 =	vmul.f32 v15, v15  }
0x348: {  	v9 =	vld.idx.msk [tilespmem:v9+s21+$0x0], $0xffff;
	v50 =	vmul.f32 v14, v14;
	v1 =	vadd.f32 v14, v1;
	v0 =	vadd.f32 v49, v0  }
0x349: {  	v8 =	vld.idx.msk [tilespmem:v8+s21+$0x0], $0xffff;
	v14 =	vadd.f32 v15, v16;
	v15 =	vadd.f32 v13, v17;
	v13 =	vmul.f32 v13, v13  }
0x34a: {  	v7 =	vld.idx.msk [tilespmem:v56+s21+$0x0], $0xffff;
	v51 =	vmul.f32 v12, v12;
	v1 =	vadd.f32 v12, v1;
	v0 =	vadd.f32 v50, v0  }
0x34b: {  	v6 =	vld.idx.msk [tilespmem:v62+s21+$0x0], $0xffff;
	v12 =	vadd.f32 v13, v14;
	v13 =	vadd.f32 v11, v15;
	v11 =	vmul.f32 v11, v11  }
0x34c: {  	v5 =	vld.idx.msk [tilespmem:v59+s21+$0x0], $0xffff;
	v52 =	vmul.f32 v10, v10;
	v1 =	vadd.f32 v10, v1;
	v0 =	vadd.f32 v51, v0  }
0x34d: {  	v4 =	vld.idx.msk [tilespmem:v58+s21+$0x0], $0xffff;
	v10 =	vadd.f32 v11, v12;
	v11 =	vadd.f32 v9, v13;
	v9 =	vmul.f32 v9, v9  }
0x34e: {  	v53 =	vmul.f32 v8, v8;
	v1 =	vadd.f32 v8, v1;
	v0 =	vadd.f32 v52, v0  }
0x34f: {  	v8 =	vadd.f32 v9, v10;
	v9 =	vadd.f32 v7, v11;
	v7 =	vmul.f32 v7, v7  }
0x350: {  	v54 =	vmul.f32 v6, v6;
	v1 =	vadd.f32 v6, v1;
	v0 =	vadd.f32 v53, v0  }
0x351: {  	v6 =	vadd.f32 v7, v8;
	v7 =	vadd.f32 v5, v9;
	v5 =	vmul.f32 v5, v5  }
0x352: {  	v55 =	vmul.f32 v4, v4;
	v1 =	vadd.f32 v4, v1;
	v0 =	vadd.f32 v54, v0  }
0x353: {  	v4 =	vadd.f32 v5, v6;
	v5 =	vadd.f32 v23, v26  }
0x354: {  	v1 =	vadd.f32 v7, v1;
	v0 =	vadd.f32 v55, v0  }
0x355: {  	v56 =	vadd.f32 v20, v25  }
0x356: {  	v1 =	vadd.f32 v5, v1;
	v0 =	vadd.f32 v4, v0  }
0x357: {  	v16 =	vld.idx.msk [tilespmem:v57+s12+$0x0], $0xffff  }
0x358: {  	v1 =	vmul.f32 $1.562500000e-02, v1;
	v0 =	vadd.f32 v56, v0;
	_ =	sdelay $0x1  }
0x359: {  	v57 =	vmul.f32 v1, v1;
	v0 =	vmul.f32 $1.562500000e-02, v0;
	_ =	sdelay $0x1  }
0x35a: {  	v58 =	vmul.f32 v16, v16;
	v0 =	vsub.f32 v0, v57;
	_ =	sdelay $0x1  }
0x35b: {  	v0 =	vmul.f32 v0, v58;
	_ =	sdelay $0x1  }
0x35c: {  	v0 =	vadd.f32 $9.999999740e-06, v0;
	_ =	sdelay $0x1  }
0x35d: {  	v0 =	vmax.f32 v0, $1.000000000e-30  }
0x35e: {  	v59 =	vshra.s32 v0, $0x1;
	v0 =	vmul.f32 $5.000000000e-01, v0  }
0x35f: {  	v2 =	vsub.s32 $0x5F3759DF, v59  }
0x360: {  	v3 =	vmul.f32 v2, v0;
	_ =	sdelay $0x1  }
0x361: {  	v3 =	vmul.f32 v2, v3;
	_ =	sdelay $0x1  }
0x362: {  	v3 =	vsub.f32 $1.500000000e+00, v3;
	_ =	sdelay $0x1  }
0x363: {  	v2 =	vmul.f32 v2, v3;
	_ =	sdelay $0x1  }
0x364: {  	v3 =	vmul.f32 v2, v0;
	_ =	sdelay $0x1  }
0x365: {  	v3 =	vmul.f32 v3, v2;
	_ =	sdelay $0x1  }
0x366: {  	v3 =	vsub.f32 $1.500000000e+00, v3;
	_ =	sdelay $0x1  }
0x367: {  	v2 =	vmul.f32 v3, v2;
	_ =	sdelay $0x1  }
0x368: {  	v0 =	vmul.f32 v2, v0;
	_ =	sdelay $0x1  }
0x369: {  	v0 =	vmul.f32 v0, v2  }
0x36a: {  	v4 =	vmov s2  }
0x36b: {  	v4 =	vshll.u32 v4, $0x6;
	v0 =	vsub.f32 $1.500000000e+00, v0  }
0x36c: {  	v20 =	vor.u32 v61, v4  }
0x36d: {  	v1 =	vsub.f32 $0.0e+00, v1;
	v37 =	vor.u32 $0x3C, v20;
	v0 =	vmul.f32 v0, v2  }
0x36e: {  	v25 =	vor.u32 $0x3D, v20;
	v24 =	vor.u32 $0x38, v20;
	v11 =	vor.u32 $0x3E, v20  }
0x36f: {  	s31 =	sadd.s32 $0x320, s31;
	v21 =	vor.u32 $0x3F, v20;
	v19 =	vor.u32 $0x3A, v20;
	v0 =	vmul.f32 v0, v16  }
0x370: {  	s7 =	sadd.s32 $0x10, s7;
	v8 =	vor.u32 $0x34, v20;
	v3 =	vadd.s32 s31, v60;
	v60 =	vor.u32 $0x7, v20  }
0x371: {  	v9 =	vor.u32 $0x35, v20;
	v22 =	vor.u32 $0x3, v20;
	[tilespmem:s7+$0x0] =	vst v0;
	v0 =	vmul.f32 v0, v1  }
0x372: {  	s10 =	sadd.s32 $0x10, s10;
	v26 =	vor.u32 $0x36, v20;
	v39 =	vor.u32 $0x37, v20;
	v61 =	vor.u32 $0xF, v20  }
0x373: {  	v10 =	vor.u32 $0x30, v20;
	v29 =	vor.u32 $0x32, v20;
	v27 =	vor.u32 $0xB, v20;
	[tilespmem:s10+$0x0] =	vst v0  }
0x374: {  	v12 =	vor.u32 $0x2C, v20;
	v42 =	vor.u32 $0x33, v20;
	v62 =	vor.u32 $0x6, v20;
	v32 =	vld.idx.msk [tilespmem:v21+s21+$0x0], $0xffff  }
0x375: {  	v13 =	vor.u32 $0x2D, v20;
	v40 =	vor.u32 $0x2E, v20;
	v30 =	vor.u32 $0x2, v20;
	v2 =	vld.idx.msk [tilespmem:v60+s21+$0x0], $0xffff  }
0x376: {  	v45 =	vor.u32 $0x2F, v20;
	v14 =	vor.u32 $0x28, v20;
	v63 =	vor.u32 $0x13, v20;
	v36 =	vld.idx.msk [tilespmem:v22+s21+$0x0], $0xffff  }
0x377: {  	v15 =	vor.u32 $0x29, v20;
	v44 =	vor.u32 $0x2A, v20;
	v38 =	vor.u32 $0xA, v20;
	v1 =	vld.idx.msk [tilespmem:v61+s21+$0x0], $0xffff  }
0x378: {  	v46 =	vor.u32 $0x2B, v20;
	v23 =	vor.u32 $0x24, v20;
	v41 =	vor.u32 $0x17, v20;
	v53 =	vld.idx.msk [tilespmem:v27+s21+$0x0], $0xffff  }
0x379: {  	v48 =	vor.u32 $0x26, v20;
	v17 =	vor.u32 $0x20, v20;
	v55 =	vor.u32 $0xE, v20;
	v0 =	vld.idx.msk [tilespmem:v62+s21+$0x0], $0xffff  }
0x37a: {  	v47 =	vor.u32 $0x27, v20;
	v7 =	vor.u32 $0x21, v20;
	v56 =	vor.u32 $0x1B, v20;
	v57 =	vld.idx.msk [tilespmem:v30+s21+$0x0], $0xffff  }
0x37b: {  	v49 =	vor.u32 $0x22, v20;
	v18 =	vor.u32 $0x1C, v20;
	v59 =	vor.u32 $0x12, v20;
	v60 =	vld.idx.msk [tilespmem:v63+s21+$0x0], $0xffff  }
0x37c: {  	v50 =	vor.u32 $0x23, v20;
	v51 =	vor.u32 $0x1E, v20;
	v52 =	vor.u32 $0x1F, v20;
	v63 =	vld.idx.msk [tilespmem:v38+s21+$0x0], $0xffff  }
0x37d: {  	v54 =	vor.u32 $0x1A, v20;
	v28 =	vor.u32 $0x14, v20;
	v58 =	vor.u32 $0x16, v20;
	v4 =	vld.idx.msk [tilespmem:v41+s21+$0x0], $0xffff  }
0x37e: {  	v31 =	vor.u32 $0x10, v20;
	v33 =	vor.u32 $0xC, v20;
	[tilespmem:$0x1FF40] =	vst v3;
	v3 =	vor.u32 $0x39, v20;
	v55 =	vld.idx.msk [tilespmem:v55+s21+$0x0], $0xffff  }
0x37f: {  	v34 =	vor.u32 $0xD, v20;
	v35 =	vor.u32 $0x8, v20;
	[tilespmem:$0x1FF60] =	vst v3;
	v3 =	vor.u32 $0x3B, v20;
	v56 =	vld.idx.msk [tilespmem:v56+s21+$0x0], $0xffff  }
0x380: {  	v43 =	vor.u32 $0x5, v20;
	[tilespmem:$0x1FF70] =	vst v3;
	v3 =	vor.u32 $0x31, v20;
	v16 =	vor.u32 $0x25, v20;
	v59 =	vld.idx.msk [tilespmem:v59+s21+$0x0], $0xffff  }
0x381: {  	[tilespmem:$0x1FF50] =	vst v3;
	v22 =	vor.u32 $0x1D, v20;
	v21 =	vor.u32 $0x18, v20;
	v52 =	vld.idx.msk [tilespmem:v52+s21+$0x0], $0xffff;
	v3 =	vadd.f32 $0.0e+00, v36  }
0x382: {  	v27 =	vor.u32 $0x19, v20;
	v58 =	vld.idx.msk [tilespmem:v58+s21+$0x0], $0xffff;
	v61 =	vmul.f32 v36, v36;
	v62 =	vmul.f32 v2, v2  }
0x383: {  	v50 =	vld.idx.msk [tilespmem:v50+s21+$0x0], $0xffff;
	v5 =	vmul.f32 v57, v57;
	v57 =	vadd.f32 $0.0e+00, v57;
	v2 =	vadd.f32 v2, v3  }
0x384: {  	v46 =	vld.idx.msk [tilespmem:v46+s21+$0x0], $0xffff;
	v6 =	vmul.f32 v0, v0;
	v61 =	vadd.f32 v62, v61;
	v62 =	vmul.f32 v53, v53  }
0x385: {  	v45 =	vld.idx.msk [tilespmem:v45+s21+$0x0], $0xffff;
	v3 =	vmul.f32 v1, v1;
	v0 =	vadd.f32 v0, v57;
	v2 =	vadd.f32 v53, v2  }
0x386: {  	v48 =	vld.idx.msk [tilespmem:v48+s21+$0x0], $0xffff;
	v5 =	vadd.f32 v6, v5;
	v6 =	vmul.f32 v63, v63;
	v61 =	vadd.f32 v62, v61  }
0x387: {  	v42 =	vld.idx.msk [tilespmem:v42+s21+$0x0], $0xffff;
	v53 =	vmul.f32 v60, v60;
	v0 =	vadd.f32 v63, v0;
	v1 =	vadd.f32 v1, v2  }
0x388: {  	v44 =	vld.idx.msk [tilespmem:v44+s21+$0x0], $0xffff;
	v5 =	vadd.f32 v6, v5;
	v6 =	vmul.f32 v55, v55;
	v3 =	vadd.f32 v3, v61  }
0x389: {  	v39 =	vld.idx.msk [tilespmem:v39+s21+$0x0], $0xffff;
	v2 =	vmul.f32 v4, v4;
	v0 =	vadd.f32 v55, v0;
	v1 =	vadd.f32 v60, v1  }
0x38a: {  	v40 =	vld.idx.msk [tilespmem:v40+s21+$0x0], $0xffff;
	v5 =	vadd.f32 v6, v5;
	v6 =	vmul.f32 v59, v59;
	v3 =	vadd.f32 v53, v3  }
0x38b: {  	v30 =	vor.u32 $0x15, v20;
	v57 =	vld.idx.msk [tilespmem:v47+s21+$0x0], $0xffff;
	v0 =	vadd.f32 v59, v0;
	v1 =	vadd.f32 v4, v1  }
0x38c: {  	v53 =	vld.idx.msk [tilespmem:v54+s21+$0x0], $0xffff;
	v54 =	vmul.f32 v56, v56;
	v5 =	vadd.f32 v6, v5;
	v2 =	vadd.f32 v2, v3  }
0x38d: {  	v6 =	vmul.f32 v58, v58;
	v0 =	vadd.f32 v58, v0;
	v58 =	vmovc v37;
	v37 =	vld [tilespmem:$0x1FF70];
	v1 =	vadd.f32 v56, v1  }
0x38e: {  	v38 =	vor.u32 $0x4, v20;
	v3 =	vld.idx.msk [tilespmem:v51+s21+$0x0], $0xffff;
	v4 =	vmul.f32 v52, v52;
	v2 =	vadd.f32 v54, v2  }
0x38f: {  	v41 =	vor.u32 $0x1, v20;
	v36 =	vor.u32 $0x9, v20;
	v47 =	vld.idx.msk [tilespmem:v49+s21+$0x0], $0xffff;
	v1 =	vadd.f32 v52, v1  }
0x390: {  	p1 =	sne.s32 s2, $0xF0;
	v49 =	vmul.f32 v45, v45;
	v61 =	vld [tilespmem:$0x1FFF0];
	v55 =	vmul.f32 v50, v50;
	v2 =	vadd.f32 v4, v2  }
.Ltmp7:
0x391: {  	v60 =	vld [tilespmem:$0x1FFD0];
	v5 =	vadd.f32 v6, v5;
	v6 =	vmul.f32 v53, v53;
	v1 =	vadd.f32 v50, v1;
	(pc) =	sbr.rel @p1 .LBB2_17-.Ltmp7, $4  }
0x392: {  	v56 =	vld [tilespmem:$0x1FF60];
	v0 =	vadd.f32 v53, v0;
	v4 =	vmul.f32 v57, v57;
	v2 =	vadd.f32 v55, v2  }
0x393: {  	v5 =	vadd.f32 v6, v5;
	v6 =	vmul.f32 v3, v3;
	v54 =	vadd.f32 v57, v1;
	v57 =	vld [tilespmem:$0x1FF40]  }
0x394: {  	v63 =	vmovc v23;
	v62 =	vmovc v24;
	v59 =	vmov v25;
	v53 =	vadd.f32 v3, v0;
	v52 =	vadd.f32 v4, v2;
	v4 =	vld [tilespmem:$0x1FF50]  }
0x395: {  	s2 =	sadd.s32 $0x10, s2;
	v50 =	vmul.f32 v46, v46;
	v55 =	vmul.f32 v47, v47;
	v51 =	vadd.f32 v6, v5;
	v37 =	vld.idx.msk [tilespmem:v37+s21+$0x0], $0xffff  }
0x396: {  	_ =	sdelay $0x3  }
0x397: {  	v1 =	vmul.f32 v48, v48;
	v3 =	vld.idx.msk [tilespmem:v29+s21+$0x0], $0xffff;
	v23 =	vadd.f32 v47, v53;
	v5 =	vadd.f32 v46, v54  }
0x398: {  	v6 =	vmul.f32 v42, v42;
	v29 =	vld.idx.msk [tilespmem:v41+s21+$0x0], $0xffff;
	v0 =	vadd.f32 v55, v51;
	v2 =	vadd.f32 v50, v52  }
0x399: {  	v25 =	vld.idx.msk [tilespmem:v11+s21+$0x0], $0xffff;
	v53 =	vmul.f32 v39, v39;
	v52 =	vadd.f32 v48, v23;
	v5 =	vadd.f32 v45, v5  }
0x39a: {  	v26 =	vld.idx.msk [tilespmem:v26+s21+$0x0], $0xffff;
	v51 =	vmul.f32 v44, v44;
	v0 =	vadd.f32 v1, v0;
	v2 =	vadd.f32 v49, v2  }
0x39b: {  	v54 =	vmul.f32 v40, v40;
	v38 =	vld.idx.msk [tilespmem:v38+s21+$0x0], $0xffff;
	v11 =	vadd.f32 v44, v52;
	v5 =	vadd.f32 v42, v5  }
0x39c: {  	v24 =	vmul.f32 v32, v32;
	v44 =	vld.idx.msk [tilespmem:v20+s21+$0x0], $0xffff;
	v0 =	vadd.f32 v51, v0;
	v2 =	vadd.f32 v6, v2  }
0x39d: {  	v46 =	vor.u32 $0x11, v20;
	v23 =	vld.idx.msk [tilespmem:v19+s21+$0x0], $0xffff;
	v52 =	vadd.f32 $0.0e+00, v29;
	v11 =	vadd.f32 v40, v11  }
0x39e: {  	v6 =	vld.idx.msk [tilespmem:v43+s21+$0x0], $0xffff;
	v19 =	vmul.f32 v3, v3;
	v5 =	vadd.f32 v39, v5;
	v0 =	vadd.f32 v54, v0  }
0x39f: {  	v55 =	vmul.f32 v37, v37;
	v2 =	vadd.f32 v53, v2;
	v3 =	vadd.f32 v3, v11  }
0x3a0: {  	v49 =	vld.idx.msk [tilespmem:v36+s21+$0x0], $0xffff;
	v45 =	vmul.f32 v26, v26;
	v47 =	vadd.f32 v37, v5;
	v0 =	vadd.f32 v19, v0  }
0x3a1: {  	v51 =	vld.idx.msk [tilespmem:v35+s21+$0x0], $0xffff;
	v11 =	vmul.f32 v38, v38;
	v2 =	vadd.f32 v55, v2;
	v55 =	vadd.f32 $0.0e+00, v44  }
0x3a2: {  	v40 =	vmul.f32 v44, v44;
	v3 =	vadd.f32 v26, v3;
	v37 =	vadd.f32 v32, v47  }
0x3a3: {  	v53 =	vmul.f32 v6, v6;
	v6 =	vadd.f32 v6, v52;
	v0 =	vadd.f32 v45, v0  }
0x3a4: {  	v29 =	vmul.f32 v29, v29;
	v54 =	vld.idx.msk [tilespmem:v34+s21+$0x0], $0xffff;
	v20 =	vadd.f32 v24, v2;
	v41 =	vadd.f32 v38, v55  }
0x3a5: {  	v48 =	vmul.f32 v23, v23;
	v19 =	vld.idx.msk [tilespmem:v33+s21+$0x0], $0xffff;
	v43 =	vadd.f32 v11, v40;
	v3 =	vadd.f32 v23, v3  }
0x3a6: {  	v39 =	vld.idx.msk [tilespmem:v46+s21+$0x0], $0xffff;
	v26 =	vmul.f32 v51, v51;
	v29 =	vadd.f32 v53, v29;
	v6 =	vadd.f32 v49, v6  }
0x3a7: {  	v42 =	vld.idx.msk [tilespmem:v31+s21+$0x0], $0xffff;
	v2 =	vmul.f32 v49, v49;
	v0 =	vadd.f32 v48, v0;
	v44 =	vadd.f32 v51, v41  }
0x3a8: {  	v30 =	vld.idx.msk [tilespmem:v30+s21+$0x0], $0xffff;
	v50 =	vmul.f32 v25, v25;
	v26 =	vadd.f32 v26, v43;
	v3 =	vadd.f32 v25, v3  }
0x3a9: {  	v28 =	vld.idx.msk [tilespmem:v28+s21+$0x0], $0xffff;
	v1 =	vmul.f32 v54, v54;
	v2 =	vadd.f32 v2, v29;
	v6 =	vadd.f32 v54, v6  }
0x3aa: {  	v27 =	vld.idx.msk [tilespmem:v27+s21+$0x0], $0xffff;
	v23 =	vmul.f32 v19, v19;
	v0 =	vadd.f32 v50, v0;
	v45 =	vadd.f32 v19, v44  }
0x3ab: {  	v24 =	vld.idx.msk [tilespmem:v21+s21+$0x0], $0xffff;
	v5 =	vmul.f32 v39, v39;
	v1 =	vadd.f32 v1, v2;
	v46 =	vadd.f32 v39, v6  }
0x3ac: {  	v47 =	vld.idx.msk [tilespmem:v22+s21+$0x0], $0xffff;
	v25 =	vmul.f32 v42, v42;
	v48 =	vadd.f32 v23, v26;
	v49 =	vadd.f32 v42, v45  }
0x3ad: {  	v51 =	vmul.f32 v30, v30;
	v50 =	vld.idx.msk [tilespmem:v18+s21+$0x0], $0xffff;
	v1 =	vadd.f32 v5, v1;
	v2 =	vadd.f32 v30, v46  }
0x3ae: {  	v52 =	vld.idx.msk [tilespmem:v7+s21+$0x0], $0xffff;
	v53 =	vmul.f32 v28, v28;
	v22 =	vadd.f32 v25, v48;
	v23 =	vadd.f32 v28, v49  }
0x3af: {  	v55 =	vmul.f32 v27, v27;
	v54 =	vld.idx.msk [tilespmem:v17+s21+$0x0], $0xffff;
	v1 =	vadd.f32 v51, v1;
	v2 =	vadd.f32 v27, v2  }
0x3b0: {  	v11 =	vld.idx.msk [tilespmem:v16+s21+$0x0], $0xffff;
	v22 =	vadd.f32 v53, v22;
	v23 =	vadd.f32 v24, v23;
	v24 =	vmul.f32 v24, v24  }
0x3b1: {  	v26 =	vmul.f32 v47, v47;
	v25 =	vld.idx.msk [tilespmem:v63+s21+$0x0], $0xffff;
	v1 =	vadd.f32 v55, v1;
	v2 =	vadd.f32 v47, v2  }
0x3b2: {  	v27 =	vld.idx.msk [tilespmem:v15+s21+$0x0], $0xffff;
	v21 =	vmul.f32 v50, v50;
	v28 =	vadd.f32 v24, v22;
	v29 =	vadd.f32 v50, v23  }
0x3b3: {  	v14 =	vld.idx.msk [tilespmem:v14+s21+$0x0], $0xffff;
	v30 =	vmul.f32 v52, v52;
	v1 =	vadd.f32 v26, v1;
	v2 =	vadd.f32 v52, v2  }
0x3b4: {  	v13 =	vld.idx.msk [tilespmem:v13+s21+$0x0], $0xffff;
	v18 =	vmul.f32 v54, v54;
	v15 =	vadd.f32 v21, v28;
	v31 =	vadd.f32 v54, v29  }
0x3b5: {  	v12 =	vld.idx.msk [tilespmem:v12+s21+$0x0], $0xffff;
	v32 =	vmul.f32 v11, v11;
	v1 =	vadd.f32 v30, v1;
	v2 =	vadd.f32 v11, v2  }
0x3b6: {  	v33 =	vld.idx.msk [tilespmem:v4+s21+$0x0], $0xffff;
	v16 =	vmul.f32 v25, v25;
	v15 =	vadd.f32 v18, v15;
	v34 =	vadd.f32 v25, v31  }
0x3b7: {  	v10 =	vld.idx.msk [tilespmem:v10+s21+$0x0], $0xffff;
	v35 =	vmul.f32 v27, v27;
	v1 =	vadd.f32 v32, v1;
	v2 =	vadd.f32 v27, v2  }
0x3b8: {  	v36 =	vld.idx.msk [tilespmem:v9+s21+$0x0], $0xffff;
	v38 =	vadd.f32 v16, v15;
	v39 =	vadd.f32 v14, v34;
	v14 =	vmul.f32 v14, v14  }
0x3b9: {  	v8 =	vld.idx.msk [tilespmem:v8+s21+$0x0], $0xffff;
	v40 =	vmul.f32 v13, v13;
	v1 =	vadd.f32 v35, v1;
	v2 =	vadd.f32 v13, v2  }
0x3ba: {  	v41 =	vld.idx.msk [tilespmem:v56+s21+$0x0], $0xffff;
	v9 =	vadd.f32 v14, v38;
	v42 =	vadd.f32 v12, v39;
	v12 =	vmul.f32 v12, v12  }
0x3bb: {  	v43 =	vld.idx.msk [tilespmem:v62+s21+$0x0], $0xffff;
	v44 =	vmul.f32 v33, v33;
	v1 =	vadd.f32 v40, v1;
	v2 =	vadd.f32 v33, v2  }
0x3bc: {  	v45 =	vld.idx.msk [tilespmem:v59+s21+$0x0], $0xffff;
	v9 =	vadd.f32 v12, v9;
	v46 =	vadd.f32 v10, v42;
	v10 =	vmul.f32 v10, v10  }
0x3bd: {  	v48 =	vmul.f32 v36, v36;
	v47 =	vld.idx.msk [tilespmem:v58+s21+$0x0], $0xffff;
	v1 =	vadd.f32 v44, v1;
	v2 =	vadd.f32 v36, v2  }
0x3be: {  	v49 =	vadd.f32 v10, v9;
	v50 =	vadd.f32 v8, v46;
	v8 =	vmul.f32 v8, v8  }
0x3bf: {  	v51 =	vmul.f32 v41, v41;
	v1 =	vadd.f32 v48, v1;
	v2 =	vadd.f32 v41, v2  }
0x3c0: {  	v53 =	vmul.f32 v43, v43;
	v6 =	vadd.f32 v8, v49;
	v52 =	vadd.f32 v43, v50  }
0x3c1: {  	v54 =	vmul.f32 v45, v45;
	v1 =	vadd.f32 v51, v1;
	v2 =	vadd.f32 v45, v2  }
0x3c2: {  	v55 =	vmul.f32 v47, v47;
	v6 =	vadd.f32 v53, v6;
	v7 =	vadd.f32 v47, v52  }
0x3c3: {  	v3 =	vadd.f32 v37, v3;
	v1 =	vadd.f32 v54, v1  }
0x3c4: {  	v56 =	vadd.f32 v55, v6;
	v2 =	vadd.f32 v2, v7  }
0x3c5: {  	v0 =	vadd.f32 v20, v0  }
0x3c6: {  	v2 =	vadd.f32 v3, v2;
	v1 =	vadd.f32 v1, v56  }
0x3c7: {  	v57 =	vld.idx.msk [tilespmem:v57+s12+$0x0], $0xffff  }
0x3c8: {  	v0 =	vadd.f32 v0, v1;
	v58 =	vmul.f32 $1.562500000e-02, v2;
	_ =	sdelay $0x1  }
0x3c9: {  	v0 =	vmul.f32 $1.562500000e-02, v0;
	v2 =	vmul.f32 v58, v58;
	_ =	sdelay $0x1  }
0x3ca: {  	v59 =	vmul.f32 v57, v57;
	v0 =	vsub.f32 v0, v2;
	_ =	sdelay $0x1  }
0x3cb: {  	v0 =	vmul.f32 v0, v59;
	_ =	sdelay $0x1  }
0x3cc: {  	v0 =	vadd.f32 $9.999999740e-06, v0;
	_ =	sdelay $0x1  }
0x3cd: {  	v0 =	vmax.f32 v0, $1.000000000e-30  }
0x3ce: {  	v62 =	vshra.s32 v0, $0x1;
	v0 =	vmul.f32 $5.000000000e-01, v0  }
0x3cf: {  	v2 =	vsub.s32 $0x5F3759DF, v62  }
0x3d0: {  	v63 =	vmul.f32 v2, v0;
	_ =	sdelay $0x1  }
0x3d1: {  	v4 =	vmul.f32 v2, v63;
	_ =	sdelay $0x1  }
0x3d2: {  	v4 =	vsub.f32 $1.500000000e+00, v4;
	_ =	sdelay $0x1  }
0x3d3: {  	v2 =	vmul.f32 v2, v4;
	_ =	sdelay $0x1  }
0x3d4: {  	v4 =	vmul.f32 v2, v0;
	_ =	sdelay $0x1  }
0x3d5: {  	v4 =	vmul.f32 v4, v2;
	_ =	sdelay $0x1  }
0x3d6: {  	v4 =	vsub.f32 $1.500000000e+00, v4;
	_ =	sdelay $0x1  }
0x3d7: {  	v2 =	vmul.f32 v4, v2;
	_ =	sdelay $0x1  }
0x3d8: {  	v0 =	vmul.f32 v2, v0;
	_ =	sdelay $0x1  }
0x3d9: {  	v0 =	vmul.f32 v0, v2;
	_ =	sdelay $0x1  }
0x3da: {  	v0 =	vsub.f32 $1.500000000e+00, v0;
	_ =	sdelay $0x1  }
0x3db: {  	v0 =	vmul.f32 v0, v2;
	_ =	sdelay $0x1  }
0x3dc: {  	v1 =	vsub.f32 $0.0e+00, v58;
	v0 =	vmul.f32 v0, v57;
	_ =	sdelay $0x1  }
0x3dd: {  	s0 =	sadd.s32 $0x10, s7;
	v1 =	vmul.f32 v0, v1  }
0x3de: {  	s31 =	sadd.s32 $0x10, s10;
	[tilespmem:s0+$0x0] =	vst v0  }
0x3df: {  	s0 =	simm.s32 @!p0 $0x4;
	[tilespmem:s31+$0x0] =	vst v1  }
0x3e0: {  	s2 =	simm.s32 $0x0;
	_ =	swait.ge @!p0 [sflag:s0], $0x4000  }
0x3e1: {  	s7 =	simm.s32 $0x14A00;
	s10 =	simm.s32 $0x14B00;
	[sflag:s0] =	ssyncset.done @!p0 $0x0  }
0x3e2: {  	s11 =	simm.s32 $0x0;
	[sflag:s0] =	ssyncadd.s32 @!p0 $0xFFFFC000;
	s0 =	simm.s32 $0x0  }
.LBB2_19:
0x3e3: {  	v0 =	vmov s11  }
0x3e4: {  	v0 =	vshll.u32 v0, $0x6  }
0x3e5: {  	v5 =	vor.u32 v61, v0  }
0x3e6: {  	v0 =	vor.u32 $0x1, v5  }
0x3e7: {  	v1 =	vor.u32 $0x2, v5  }
0x3e8: {  	v4 =	vld [tilespmem:s7+$0x0];
	v2 =	vor.u32 $0x3, v5  }
0x3e9: {  	v3 =	vld [tilespmem:s10+$0x0];
	v6 =	vor.u32 $0x4, v5  }
0x3ea: {  	v8 =	vor.u32 $0x5, v5;
	v7 =	vld.idx.msk [tilespmem:v5+s21+$0x0], $0xffff  }
0x3eb: {  	v9 =	vor.u32 $0x6, v5;
	v0 =	vld.idx.msk [tilespmem:v0+s21+$0x0], $0xffff  }
0x3ec: {  	v10 =	vor.u32 $0x7, v5;
	v1 =	vld.idx.msk [tilespmem:v1+s21+$0x0], $0xffff  }
0x3ed: {  	v2 =	vld.idx.msk [tilespmem:v2+s21+$0x0], $0xffff  }
0x3ee: {  	v6 =	vld.idx.msk [tilespmem:v6+s21+$0x0], $0xffff  }
0x3ef: {  	v8 =	vld.idx.msk [tilespmem:v8+s21+$0x0], $0xffff;
	v7 =	vmul.f32 v7, v4  }
0x3f0: {  	v9 =	vld.idx.msk [tilespmem:v9+s21+$0x0], $0xffff;
	v0 =	vmul.f32 v0, v4  }
0x3f1: {  	s20 =	sand.u32 $0x70, s11;
	s22 =	sand.u32 $0x400, s0;
	v10 =	vld.idx.msk [tilespmem:v10+s21+$0x0], $0xffff;
	v1 =	vmul.f32 v1, v4;
	v7 =	vadd.f32 v7, v3  }
0x3f2: {  	s20 =	sor.u32 s20, s22;
	v2 =	vmul.f32 v2, v4;
	v0 =	vadd.f32 v0, v3  }
0x3f3: {  	s22 =	sadd.s32 $0x19480, s20;
	v6 =	vmul.f32 v6, v4;
	v1 =	vadd.f32 v1, v3;
	[tilespmem:s20+$0x19480] =	vst v7  }
0x3f4: {  	v62 =	vmul.f32 v8, v4;
	v2 =	vadd.f32 v2, v3;
	[tilespmem:s22+$0x80] =	vst v0  }
0x3f5: {  	v11 =	vmul.f32 v9, v4;
	v63 =	vadd.f32 v6, v3;
	[tilespmem:s22+$0x100] =	vst v1  }
0x3f6: {  	v14 =	vor.u32 $0x8, v5;
	v13 =	vmul.f32 v10, v4;
	v12 =	vadd.f32 v62, v3;
	[tilespmem:s22+$0x180] =	vst v2  }
0x3f7: {  	v15 =	vor.u32 $0x9, v5;
	v6 =	vadd.f32 v11, v3;
	[tilespmem:s22+$0x200] =	vst v63  }
0x3f8: {  	v16 =	vor.u32 $0xA, v5;
	v7 =	vadd.f32 v13, v3;
	[tilespmem:s22+$0x280] =	vst v12  }
0x3f9: {  	v17 =	vor.u32 $0xB, v5;
	[tilespmem:s22+$0x300] =	vst v6  }
0x3fa: {  	v18 =	vor.u32 $0xC, v5;
	[tilespmem:s22+$0x380] =	vst v7  }
0x3fb: {  	v19 =	vor.u32 $0xD, v5;
	v2 =	vld.idx.msk [tilespmem:v14+s21+$0x0], $0xffff  }
0x3fc: {  	v20 =	vor.u32 $0xE, v5;
	v0 =	vld.idx.msk [tilespmem:v15+s21+$0x0], $0xffff  }
0x3fd: {  	v21 =	vor.u32 $0xF, v5;
	v1 =	vld.idx.msk [tilespmem:v16+s21+$0x0], $0xffff  }
0x3fe: {  	v6 =	vld.idx.msk [tilespmem:v17+s21+$0x0], $0xffff  }
0x3ff: {  	v7 =	vld.idx.msk [tilespmem:v18+s21+$0x0], $0xffff  }
0x400: {  	v8 =	vld.idx.msk [tilespmem:v19+s21+$0x0], $0xffff;
	v2 =	vmul.f32 v2, v4  }
0x401: {  	v9 =	vld.idx.msk [tilespmem:v20+s21+$0x0], $0xffff;
	v0 =	vmul.f32 v0, v4  }
0x402: {  	v10 =	vld.idx.msk [tilespmem:v21+s21+$0x0], $0xffff;
	v1 =	vmul.f32 v1, v4;
	v2 =	vadd.f32 v2, v3  }
0x403: {  	v6 =	vmul.f32 v6, v4;
	v0 =	vadd.f32 v0, v3  }
0x404: {  	v7 =	vmul.f32 v7, v4;
	v1 =	vadd.f32 v1, v3;
	[tilespmem:s20+$0x19C80] =	vst v2  }
0x405: {  	v23 =	vmul.f32 v8, v4;
	v22 =	vadd.f32 v6, v3;
	[tilespmem:s20+$0x19D00] =	vst v0  }
0x406: {  	v25 =	vmul.f32 v9, v4;
	v24 =	vadd.f32 v7, v3;
	[tilespmem:s20+$0x19D80] =	vst v1  }
0x407: {  	v28 =	vor.u32 $0x10, v5;
	v27 =	vmul.f32 v10, v4;
	v26 =	vadd.f32 v23, v3;
	[tilespmem:s20+$0x19E00] =	vst v22  }
0x408: {  	v29 =	vor.u32 $0x11, v5;
	v7 =	vadd.f32 v25, v3;
	[tilespmem:s20+$0x19E80] =	vst v24  }
0x409: {  	v30 =	vor.u32 $0x12, v5;
	v6 =	vadd.f32 v27, v3;
	[tilespmem:s20+$0x19F00] =	vst v26  }
0x40a: {  	v31 =	vor.u32 $0x13, v5;
	[tilespmem:s20+$0x19F80] =	vst v7  }
0x40b: {  	v32 =	vor.u32 $0x14, v5;
	[tilespmem:s20+$0x1A000] =	vst v6  }
0x40c: {  	v33 =	vor.u32 $0x15, v5;
	v2 =	vld.idx.msk [tilespmem:v28+s21+$0x0], $0xffff  }
0x40d: {  	v34 =	vor.u32 $0x16, v5;
	v0 =	vld.idx.msk [tilespmem:v29+s21+$0x0], $0xffff  }
0x40e: {  	v35 =	vor.u32 $0x17, v5;
	v1 =	vld.idx.msk [tilespmem:v30+s21+$0x0], $0xffff  }
0x40f: {  	v7 =	vld.idx.msk [tilespmem:v31+s21+$0x0], $0xffff  }
0x410: {  	v6 =	vld.idx.msk [tilespmem:v32+s21+$0x0], $0xffff  }
0x411: {  	v8 =	vld.idx.msk [tilespmem:v33+s21+$0x0], $0xffff;
	v2 =	vmul.f32 v2, v4  }
0x412: {  	v9 =	vld.idx.msk [tilespmem:v34+s21+$0x0], $0xffff;
	v0 =	vmul.f32 v0, v4  }
0x413: {  	v10 =	vld.idx.msk [tilespmem:v35+s21+$0x0], $0xffff;
	v1 =	vmul.f32 v1, v4;
	v2 =	vadd.f32 v2, v3  }
0x414: {  	v7 =	vmul.f32 v7, v4;
	v0 =	vadd.f32 v0, v3  }
0x415: {  	v6 =	vmul.f32 v6, v4;
	v1 =	vadd.f32 v1, v3;
	[tilespmem:s20+$0x1A480] =	vst v2  }
0x416: {  	v37 =	vmul.f32 v8, v4;
	v36 =	vadd.f32 v7, v3;
	[tilespmem:s20+$0x1A500] =	vst v0  }
0x417: {  	v39 =	vmul.f32 v9, v4;
	v38 =	vadd.f32 v6, v3;
	[tilespmem:s20+$0x1A580] =	vst v1  }
0x418: {  	v42 =	vor.u32 $0x18, v5;
	v41 =	vmul.f32 v10, v4;
	v40 =	vadd.f32 v37, v3;
	[tilespmem:s20+$0x1A600] =	vst v36  }
0x419: {  	v43 =	vor.u32 $0x19, v5;
	v6 =	vadd.f32 v39, v3;
	[tilespmem:s20+$0x1A680] =	vst v38  }
0x41a: {  	v44 =	vor.u32 $0x1A, v5;
	v7 =	vadd.f32 v41, v3;
	[tilespmem:s20+$0x1A700] =	vst v40  }
0x41b: {  	v45 =	vor.u32 $0x1B, v5;
	[tilespmem:s20+$0x1A780] =	vst v6  }
0x41c: {  	v46 =	vor.u32 $0x1C, v5;
	[tilespmem:s20+$0x1A800] =	vst v7  }
0x41d: {  	v47 =	vor.u32 $0x1D, v5;
	v2 =	vld.idx.msk [tilespmem:v42+s21+$0x0], $0xffff  }
0x41e: {  	v48 =	vor.u32 $0x1E, v5;
	v0 =	vld.idx.msk [tilespmem:v43+s21+$0x0], $0xffff  }
0x41f: {  	v49 =	vor.u32 $0x1F, v5;
	v1 =	vld.idx.msk [tilespmem:v44+s21+$0x0], $0xffff  }
0x420: {  	v6 =	vld.idx.msk [tilespmem:v45+s21+$0x0], $0xffff  }
0x421: {  	v7 =	vld.idx.msk [tilespmem:v46+s21+$0x0], $0xffff  }
0x422: {  	v8 =	vld.idx.msk [tilespmem:v47+s21+$0x0], $0xffff;
	v2 =	vmul.f32 v2, v4  }
0x423: {  	v9 =	vld.idx.msk [tilespmem:v48+s21+$0x0], $0xffff;
	v0 =	vmul.f32 v0, v4  }
0x424: {  	v10 =	vld.idx.msk [tilespmem:v49+s21+$0x0], $0xffff;
	v1 =	vmul.f32 v1, v4;
	v2 =	vadd.f32 v2, v3  }
0x425: {  	v6 =	vmul.f32 v6, v4;
	v0 =	vadd.f32 v0, v3  }
0x426: {  	v7 =	vmul.f32 v7, v4;
	v1 =	vadd.f32 v1, v3;
	[tilespmem:s20+$0x1AC80] =	vst v2  }
0x427: {  	v51 =	vmul.f32 v8, v4;
	v50 =	vadd.f32 v6, v3;
	[tilespmem:s20+$0x1AD00] =	vst v0  }
0x428: {  	v53 =	vmul.f32 v9, v4;
	v52 =	vadd.f32 v7, v3;
	[tilespmem:s20+$0x1AD80] =	vst v1  }
0x429: {  	v56 =	vor.u32 $0x20, v5;
	v55 =	vmul.f32 v10, v4;
	v54 =	vadd.f32 v51, v3;
	[tilespmem:s20+$0x1AE00] =	vst v50  }
0x42a: {  	v57 =	vor.u32 $0x21, v5;
	v7 =	vadd.f32 v53, v3;
	[tilespmem:s20+$0x1AE80] =	vst v52  }
0x42b: {  	v58 =	vor.u32 $0x22, v5;
	v6 =	vadd.f32 v55, v3;
	[tilespmem:s20+$0x1AF00] =	vst v54  }
0x42c: {  	v59 =	vor.u32 $0x23, v5;
	[tilespmem:s20+$0x1AF80] =	vst v7  }
0x42d: {  	v62 =	vor.u32 $0x24, v5;
	[tilespmem:s20+$0x1B000] =	vst v6  }
0x42e: {  	v63 =	vor.u32 $0x25, v5;
	v2 =	vld.idx.msk [tilespmem:v56+s21+$0x0], $0xffff  }
0x42f: {  	v12 =	vor.u32 $0x26, v5;
	v0 =	vld.idx.msk [tilespmem:v57+s21+$0x0], $0xffff  }
0x430: {  	v13 =	vor.u32 $0x27, v5;
	v1 =	vld.idx.msk [tilespmem:v58+s21+$0x0], $0xffff  }
0x431: {  	v7 =	vld.idx.msk [tilespmem:v59+s21+$0x0], $0xffff  }
0x432: {  	v6 =	vld.idx.msk [tilespmem:v62+s21+$0x0], $0xffff  }
0x433: {  	v8 =	vld.idx.msk [tilespmem:v63+s21+$0x0], $0xffff;
	v2 =	vmul.f32 v2, v4  }
0x434: {  	v9 =	vld.idx.msk [tilespmem:v12+s21+$0x0], $0xffff;
	v0 =	vmul.f32 v0, v4  }
0x435: {  	v10 =	vld.idx.msk [tilespmem:v13+s21+$0x0], $0xffff;
	v1 =	vmul.f32 v1, v4;
	v2 =	vadd.f32 v2, v3  }
0x436: {  	v7 =	vmul.f32 v7, v4;
	v0 =	vadd.f32 v0, v3  }
0x437: {  	v6 =	vmul.f32 v6, v4;
	v1 =	vadd.f32 v1, v3;
	[tilespmem:s20+$0x1B480] =	vst v2  }
0x438: {  	v15 =	vmul.f32 v8, v4;
	v14 =	vadd.f32 v7, v3;
	[tilespmem:s20+$0x1B500] =	vst v0  }
0x439: {  	v17 =	vmul.f32 v9, v4;
	v16 =	vadd.f32 v6, v3;
	[tilespmem:s20+$0x1B580] =	vst v1  }
0x43a: {  	v20 =	vor.u32 $0x28, v5;
	v19 =	vmul.f32 v10, v4;
	v18 =	vadd.f32 v15, v3;
	[tilespmem:s20+$0x1B600] =	vst v14  }
0x43b: {  	v21 =	vor.u32 $0x29, v5;
	v6 =	vadd.f32 v17, v3;
	[tilespmem:s20+$0x1B680] =	vst v16  }
0x43c: {  	v22 =	vor.u32 $0x2A, v5;
	v7 =	vadd.f32 v19, v3;
	[tilespmem:s20+$0x1B700] =	vst v18  }
0x43d: {  	v23 =	vor.u32 $0x2B, v5;
	[tilespmem:s20+$0x1B780] =	vst v6  }
0x43e: {  	v24 =	vor.u32 $0x2C, v5;
	[tilespmem:s20+$0x1B800] =	vst v7  }
0x43f: {  	v25 =	vor.u32 $0x2D, v5;
	v2 =	vld.idx.msk [tilespmem:v20+s21+$0x0], $0xffff  }
0x440: {  	v26 =	vor.u32 $0x2E, v5;
	v0 =	vld.idx.msk [tilespmem:v21+s21+$0x0], $0xffff  }
0x441: {  	v27 =	vor.u32 $0x2F, v5;
	v1 =	vld.idx.msk [tilespmem:v22+s21+$0x0], $0xffff  }
0x442: {  	v6 =	vld.idx.msk [tilespmem:v23+s21+$0x0], $0xffff  }
0x443: {  	v7 =	vld.idx.msk [tilespmem:v24+s21+$0x0], $0xffff  }
0x444: {  	v8 =	vld.idx.msk [tilespmem:v25+s21+$0x0], $0xffff;
	v2 =	vmul.f32 v2, v4  }
0x445: {  	v9 =	vld.idx.msk [tilespmem:v26+s21+$0x0], $0xffff;
	v0 =	vmul.f32 v0, v4  }
0x446: {  	v10 =	vld.idx.msk [tilespmem:v27+s21+$0x0], $0xffff;
	v1 =	vmul.f32 v1, v4;
	v2 =	vadd.f32 v2, v3  }
0x447: {  	v6 =	vmul.f32 v6, v4;
	v0 =	vadd.f32 v0, v3  }
0x448: {  	v7 =	vmul.f32 v7, v4;
	v1 =	vadd.f32 v1, v3;
	[tilespmem:s20+$0x1BC80] =	vst v2  }
0x449: {  	v29 =	vmul.f32 v8, v4;
	v28 =	vadd.f32 v6, v3;
	[tilespmem:s20+$0x1BD00] =	vst v0  }
0x44a: {  	v31 =	vmul.f32 v9, v4;
	v30 =	vadd.f32 v7, v3;
	[tilespmem:s20+$0x1BD80] =	vst v1  }
0x44b: {  	v34 =	vor.u32 $0x30, v5;
	v33 =	vmul.f32 v10, v4;
	v32 =	vadd.f32 v29, v3;
	[tilespmem:s20+$0x1BE00] =	vst v28  }
0x44c: {  	v35 =	vor.u32 $0x31, v5;
	v7 =	vadd.f32 v31, v3;
	[tilespmem:s20+$0x1BE80] =	vst v30  }
0x44d: {  	v36 =	vor.u32 $0x32, v5;
	v6 =	vadd.f32 v33, v3;
	[tilespmem:s20+$0x1BF00] =	vst v32  }
0x44e: {  	v37 =	vor.u32 $0x33, v5;
	[tilespmem:s20+$0x1BF80] =	vst v7  }
0x44f: {  	v38 =	vor.u32 $0x34, v5;
	[tilespmem:s20+$0x1C000] =	vst v6  }
0x450: {  	v39 =	vor.u32 $0x35, v5;
	v2 =	vld.idx.msk [tilespmem:v34+s21+$0x0], $0xffff  }
0x451: {  	v40 =	vor.u32 $0x36, v5;
	v0 =	vld.idx.msk [tilespmem:v35+s21+$0x0], $0xffff  }
0x452: {  	v41 =	vor.u32 $0x37, v5;
	v1 =	vld.idx.msk [tilespmem:v36+s21+$0x0], $0xffff  }
0x453: {  	v7 =	vld.idx.msk [tilespmem:v37+s21+$0x0], $0xffff  }
0x454: {  	v6 =	vld.idx.msk [tilespmem:v38+s21+$0x0], $0xffff  }
0x455: {  	v8 =	vld.idx.msk [tilespmem:v39+s21+$0x0], $0xffff;
	v2 =	vmul.f32 v2, v4  }
0x456: {  	v9 =	vld.idx.msk [tilespmem:v40+s21+$0x0], $0xffff;
	v0 =	vmul.f32 v0, v4  }
0x457: {  	v10 =	vld.idx.msk [tilespmem:v41+s21+$0x0], $0xffff;
	v1 =	vmul.f32 v1, v4;
	v2 =	vadd.f32 v2, v3  }
0x458: {  	v7 =	vmul.f32 v7, v4;
	v0 =	vadd.f32 v0, v3  }
0x459: {  	v6 =	vmul.f32 v6, v4;
	v1 =	vadd.f32 v1, v3;
	[tilespmem:s20+$0x1C480] =	vst v2  }
0x45a: {  	v43 =	vmul.f32 v8, v4;
	v42 =	vadd.f32 v7, v3;
	[tilespmem:s20+$0x1C500] =	vst v0  }
0x45b: {  	v45 =	vmul.f32 v9, v4;
	v44 =	vadd.f32 v6, v3;
	[tilespmem:s20+$0x1C580] =	vst v1  }
0x45c: {  	v48 =	vor.u32 $0x38, v5;
	v47 =	vmul.f32 v10, v4;
	v46 =	vadd.f32 v43, v3;
	[tilespmem:s20+$0x1C600] =	vst v42  }
0x45d: {  	v49 =	vor.u32 $0x39, v5;
	v6 =	vadd.f32 v45, v3;
	[tilespmem:s20+$0x1C680] =	vst v44  }
0x45e: {  	v50 =	vor.u32 $0x3A, v5;
	v7 =	vadd.f32 v47, v3;
	[tilespmem:s20+$0x1C700] =	vst v46  }
0x45f: {  	v51 =	vor.u32 $0x3B, v5;
	[tilespmem:s20+$0x1C780] =	vst v6  }
0x460: {  	v52 =	vor.u32 $0x3C, v5;
	[tilespmem:s20+$0x1C800] =	vst v7  }
0x461: {  	v53 =	vor.u32 $0x3D, v5;
	v2 =	vld.idx.msk [tilespmem:v48+s21+$0x0], $0xffff  }
0x462: {  	v54 =	vor.u32 $0x3E, v5;
	v0 =	vld.idx.msk [tilespmem:v49+s21+$0x0], $0xffff  }
0x463: {  	v5 =	vor.u32 $0x3F, v5;
	v1 =	vld.idx.msk [tilespmem:v50+s21+$0x0], $0xffff  }
0x464: {  	v6 =	vld.idx.msk [tilespmem:v51+s21+$0x0], $0xffff  }
0x465: {  	v7 =	vld.idx.msk [tilespmem:v52+s21+$0x0], $0xffff  }
0x466: {  	v8 =	vld.idx.msk [tilespmem:v53+s21+$0x0], $0xffff;
	v2 =	vmul.f32 v2, v4  }
0x467: {  	v9 =	vld.idx.msk [tilespmem:v54+s21+$0x0], $0xffff;
	v0 =	vmul.f32 v0, v4  }
0x468: {  	v5 =	vld.idx.msk [tilespmem:v5+s21+$0x0], $0xffff;
	v1 =	vmul.f32 v1, v4;
	v2 =	vadd.f32 v2, v3  }
0x469: {  	v6 =	vmul.f32 v6, v4;
	v0 =	vadd.f32 v0, v3  }
0x46a: {  	v7 =	vmul.f32 v7, v4;
	v1 =	vadd.f32 v1, v3;
	[tilespmem:s20+$0x1CC80] =	vst v2  }
0x46b: {  	v56 =	vmul.f32 v8, v4;
	v55 =	vadd.f32 v6, v3;
	[tilespmem:s20+$0x1CD00] =	vst v0  }
0x46c: {  	p0 =	sne.s32 s0, $0x780;
	v58 =	vmul.f32 v9, v4;
	v57 =	vadd.f32 v7, v3;
	[tilespmem:s20+$0x1CD80] =	vst v1  }
.Ltmp8:
0x46d: {  	v4 =	vmul.f32 v5, v4;
	v59 =	vadd.f32 v56, v3;
	[tilespmem:s20+$0x1CE00] =	vst v55;
	(pc) =	sbr.rel @p0 .LBB2_19-.Ltmp8, $4  }
0x46e: {  	v62 =	vadd.f32 v58, v3;
	[tilespmem:s20+$0x1CE80] =	vst v57  }
0x46f: {  	v63 =	vadd.f32 v4, v3;
	[tilespmem:s20+$0x1CF00] =	vst v59  }
0x470: {  	s11 =	sadd.s32 $0x10, s11;
	[tilespmem:s20+$0x1CF80] =	vst v62  }
0x471: {  	s7 =	sadd.s32 $0x10, s7;
	s10 =	sadd.s32 $0x10, s10;
	s0 =	sadd.s32 $0x80, s0;
	[tilespmem:s20+$0x1D000] =	vst v63  }
0x472: {  	s10 =	simm.s32 $0x15080  }
0x473: {  	s0 =	sand.u32 $0x3800, s2;
	s7 =	sand.u32 $0x380, s2;
	v4 =	vld [tilespmem:s10+$0xFFFFFC00]  }
0x474: {  	s7 =	sor.u32 s7, s0;
	v3 =	vld [tilespmem:s10+$0x0]  }
0x475: {  	s0 =	sadd.s32 $0x19480, s7;
	v11 =	vld [tilespmem:s7+$0x19480]  }
0x476: {  	v8 =	vld [tilespmem:s0+$0x450]  }
0x477: {  	v10 =	vld [tilespmem:s0+$0x70]  }
0x478: {  	v7 =	vld [tilespmem:s0+$0x470]  }
0x479: {  	v5 =	vld [tilespmem:s0+$0x410]  }
0x47a: {  	v9 =	vld [tilespmem:s0+$0x20]  }
0x47b: {  	s11 =	simm.s32 $0x80;
	v6 =	vld [tilespmem:s0+$0x460]  }
.LBB2_21:
0x47c: {  	p0 =	sne.s32 s11, $0x1F80;
	v0 =	vld [tilespmem:s0+$0x420];
	s10 =	sadd.s32 $0x10, s10;
	s2 =	sadd.s32 $0x100, s2  }
0x47d: {  	s20 =	smov.u32 s11;
	s11 =	sadd.s32 $0x80, s11;
	v1 =	vld [tilespmem:s0+$0x440]  }
0x47e: {  	v2 =	vld [tilespmem:s0+$0x40];
	v10 =	vmul.f32 v10, v4;
	v8 =	vmul.f32 v8, v4  }
0x47f: {  	v7 =	vmul.f32 v7, v4;
	v12 =	vld [tilespmem:s0+$0x60];
	v11 =	vmul.f32 v11, v4  }
0x480: {  	v9 =	vmul.f32 v9, v4;
	v13 =	vld [tilespmem:s0+$0x10];
	v10 =	vadd.f32 v10, v3;
	v8 =	vadd.f32 v8, v3  }
0x481: {  	v7 =	vadd.f32 v7, v3;
	v14 =	vld [tilespmem:s0+$0x50];
	v11 =	vadd.f32 v11, v3  }
0x482: {  	v5 =	vmul.f32 v5, v4;
	v6 =	vmul.f32 v6, v4;
	v9 =	vadd.f32 v9, v3;
	v15 =	vld [tilespmem:s0+$0x30];
	[tilespmem:s0+$0x450] =	vst v8  }
0x483: {  	v0 =	vmul.f32 v0, v4;
	v1 =	vmul.f32 v1, v4;
	[tilespmem:s0+$0x70] =	vst v10;
	v8 =	vld [tilespmem:s0+$0x430]  }
0x484: {  	v5 =	vadd.f32 v5, v3;
	[tilespmem:s7+$0x19480] =	vst v11;
	v10 =	vld [tilespmem:s0+$0x400]  }
0x485: {  	v6 =	vadd.f32 v6, v3;
	v0 =	vadd.f32 v0, v3;
	v11 =	vmul.f32 v13, v4;
	[tilespmem:s0+$0x470] =	vst v7  }
0x486: {  	v2 =	vmul.f32 v2, v4;
	[tilespmem:s0+$0x20] =	vst v9  }
0x487: {  	v9 =	vmul.f32 v14, v4;
	v7 =	vadd.f32 v11, v3;
	v11 =	vmul.f32 v12, v4;
	[tilespmem:s0+$0x420] =	vst v0  }
0x488: {  	v2 =	vadd.f32 v2, v3;
	v0 =	vmul.f32 v15, v4;
	v8 =	vmul.f32 v8, v4;
	[tilespmem:s0+$0x460] =	vst v6  }
0x489: {  	s20 =	sand.u32 $0x380, s20;
	s7 =	sand.u32 $0x3800, s2;
	v1 =	vadd.f32 v1, v3;
	v6 =	vadd.f32 v11, v3;
	[tilespmem:s0+$0x10] =	vst v7;
	v4 =	vmul.f32 v10, v4  }
0x48a: {  	s7 =	sor.u32 s20, s7;
	v7 =	vadd.f32 v9, v3;
	v11 =	vadd.f32 v8, v3;
	[tilespmem:s0+$0x410] =	vst v5  }
0x48b: {  	s20 =	sadd.s32 $0x19480, s7;
	v0 =	vadd.f32 v0, v3;
	v3 =	vadd.f32 v4, v3;
	[tilespmem:s0+$0x440] =	vst v1  }
0x48c: {  	v8 =	vld [tilespmem:s20+$0x450];
	[tilespmem:s0+$0x50] =	vst v7  }
0x48d: {  	v10 =	vld [tilespmem:s20+$0x70];
	[tilespmem:s0+$0x400] =	vst v3  }
0x48e: {  	v7 =	vld [tilespmem:s20+$0x470];
	[tilespmem:s0+$0x40] =	vst v2  }
0x48f: {  	v5 =	vld [tilespmem:s20+$0x410];
	[tilespmem:s0+$0x60] =	vst v6  }
.Ltmp9:
0x490: {  	v9 =	vld [tilespmem:s20+$0x20];
	[tilespmem:s0+$0x430] =	vst v11;
	(pc) =	sbr.rel @p0 .LBB2_21-.Ltmp9, $4  }
0x491: {  	v6 =	vld [tilespmem:s20+$0x460];
	[tilespmem:s0+$0x30] =	vst v0;
	s0 =	smov.u32 s20  }
0x492: {  	v4 =	vld [tilespmem:s10+$0xFFFFFC00]  }
0x493: {  	v11 =	vld [tilespmem:s7+$0x19480]  }
0x494: {  	v3 =	vld [tilespmem:s10+$0x0]  }
0x495: {  	_ =	sdelay $0x1  }
0x496: {  	v2 =	vmul.f32 v8, v4  }
0x497: {  	v10 =	vmul.f32 v10, v4  }
0x498: {  	v0 =	vld [tilespmem:s0+$0x420];
	v7 =	vmul.f32 v7, v4;
	v2 =	vadd.f32 v2, v3  }
0x499: {  	v12 =	vld [tilespmem:s0+$0x10];
	v6 =	vmul.f32 v6, v4;
	v10 =	vadd.f32 v10, v3  }
0x49a: {  	v1 =	vld [tilespmem:s0+$0x440];
	v51 =	vmul.f32 v5, v4;
	v47 =	vadd.f32 v7, v3;
	[tilespmem:s0+$0x450] =	vst v2  }
0x49b: {  	v14 =	vld [tilespmem:s0+$0x50];
	v11 =	vmul.f32 v11, v4;
	v6 =	vadd.f32 v6, v3;
	[tilespmem:s0+$0x70] =	vst v10  }
0x49c: {  	v49 =	vld [tilespmem:s0+$0x400];
	v9 =	vmul.f32 v9, v4;
	v54 =	vadd.f32 v51, v3;
	[tilespmem:s0+$0x470] =	vst v47  }
0x49d: {  	v46 =	vld [tilespmem:s0+$0x40];
	v11 =	vadd.f32 v11, v3;
	v0 =	vmul.f32 v0, v4;
	[tilespmem:s0+$0x460] =	vst v6  }
0x49e: {  	v52 =	vld [tilespmem:s0+$0x430];
	v9 =	vadd.f32 v9, v3;
	v50 =	vmul.f32 v12, v4;
	[tilespmem:s0+$0x410] =	vst v54  }
0x49f: {  	v48 =	vld [tilespmem:s0+$0x30];
	v1 =	vmul.f32 v1, v4;
	[tilespmem:s7+$0x19480] =	vst v11;
	v0 =	vadd.f32 v0, v3  }
0x4a0: {  	v13 =	vld [tilespmem:s0+$0x60];
	v55 =	vmul.f32 v14, v4;
	v53 =	vadd.f32 v50, v3;
	[tilespmem:s0+$0x20] =	vst v9  }
0x4a1: {  	v56 =	vmul.f32 v49, v4;
	v1 =	vadd.f32 v1, v3;
	[tilespmem:s0+$0x420] =	vst v0  }
0x4a2: {  	v8 =	vmul.f32 v46, v4;
	v2 =	vadd.f32 v55, v3;
	[tilespmem:s0+$0x10] =	vst v53  }
0x4a3: {  	v5 =	vmul.f32 v52, v4;
	v6 =	vadd.f32 v56, v3;
	[tilespmem:s0+$0x440] =	vst v1  }
0x4a4: {  	s14 =	sadd.s32 $0x1, s14;
	v59 =	vmul.f32 v48, v4;
	v58 =	vadd.f32 v8, v3;
	[tilespmem:s0+$0x50] =	vst v2  }
0x4a5: {  	p0 =	sne.s32 s14, $0x32;
	v57 =	vmul.f32 v13, v4;
	v62 =	vadd.f32 v5, v3;
	[tilespmem:s0+$0x400] =	vst v6  }
.Ltmp10:
0x4a6: {  	v63 =	vadd.f32 v59, v3;
	[tilespmem:s0+$0x40] =	vst v58;
	(pc) =	sbr.rel @p0 .LBB2_6-.Ltmp10, $4  }
0x4a7: {  	v0 =	vadd.f32 v57, v3;
	[tilespmem:s0+$0x430] =	vst v62  }
0x4a8: {  	[tilespmem:s0+$0x30] =	vst v63  }
0x4a9: {  	s31 =	sadd.s32 s6, s9;
	s1 =	sadd.s32 $0x1, s1;
	s3 =	sadd.s32 $0x2, s3;
	[tilespmem:s0+$0x60] =	vst v0  }
0x4aa: {  	[hbm4b:s31+s25] =	stream.strided.scatter [tilespmem:s30], [sflag:$0x4], $0x4000, s26, s25, $0x38;
	[tilespmem:$0x1D480] =	vst v63  }
0x4ab: {  	_ =	swait.ge [sflag:s24], $0x2000  }
0x4ac: {  	[sflag:s24] =	ssyncset.done $0x0  }
0x4ad: {  	[sflag:s24] =	ssyncadd.s32 $0xFFFFE000  }
0x4ae: {  	_ =	swait.ge [sflag:s24], $0x2000  }
0x4af: {  	[sflag:s24] =	ssyncset.done $0x0  }
0x4b0: {  	s0 =	simm.s32 $0x3;
	[sflag:s24] =	ssyncadd.s32 $0xFFFFE000  }
0x4b1: {  	_ =	swait.ge [sflag:s0], $0x4000  }
0x4b2: {  	[sflag:s0] =	ssyncset.done $0x0  }
0x4b3: {  	s1 =	simm.s32 $0x4;
	[sflag:s0] =	ssyncadd.s32 $0xFFFFC000  }
0x4b4: {  	_ =	swait.ge [sflag:s1], $0x4000  }
0x4b5: {  	s2 =	rddreg [dreg:$0x8]  }
0x4b6: {  	s31 =	rddreg [dreg:$0x7];
	s2 =	sadd.s32 $0x1, s2  }
0x4b7: {  	p0 =	sne.s32 s2, s31  }
.Ltmp11:
0x4b8: {  	_ = 	snop;
	(pc) =	sbr.rel @p0 .LBB2_1-.Ltmp11, $3  }
0x4b9: {  	v0 =	vld [tilespmem:$0x1FFE0];
	_ =	sdelay $0x1  }
0x4ba: {  	[sflag:s1] =	ssyncset.done $0x0  }
0x4bb: {  	[sflag:s1] =	ssyncadd.s32 $0xFFFFC000  }
0x4bc: {  	_ =	sfence.sel $0x180000  }
0x4bd: {  	[bflag:$0x0] =	sbarrier.arrive $0xFFFF  }
0x4be: {  	_ =	strace $0x90000047  }
0x4bf: {  	s0 =	stileid.u32;
	[bflag:$0x2] =	sbarrier.arrive $0xFFFF  }
0x4c0: {  	p0 =	sne.s32 s0, $0x0;
	s0 =	rddreg [dreg:$0x4]  }
0x4c1: {  	s0 =	sadd.s32 @!p0 $0x100000, s0  }
0x4c2: {  	[sflag:s0] =	ssyncadd.tile.s32 @!p0 $0x1;
	_ =	shalt  }
.Lfunc_end2:
_tile_overlayer_lowered:
.L_overlay_start_2:
0x4c3: {  	(tag) =	ssettag $0x2  }
0x4c4: {  	s0 =	rddreg [dreg:$0x0];
	s2 =	stileid.u32  }
0x4c5: {  	s1 =	rddreg [dreg:$0x1];
	p0 =	sne.s32 s2, $0x0  }
0x4c6: {  	s3 =	rddreg [dreg:$0x2];
	[bflag:$0x3] =	sbarrier.arrive $0xFFFF;
	s2 =	simm.s32 @!p0 $0x1C05  }
0x4c7: {  	[timem:s3], [sflag:s2] =	dma.local @!p0 [hbm:s0], s1  }
0x4c8: {  	s0 =	simm.s32 @!p0 $0x5  }
0x4c9: {  	_ =	swait.ge @!p0 [sflag:s0], s1  }
0x4ca: {  	s1 =	ssub.s32 @!p0 $0x0, s1;
	[sflag:s0] =	ssyncset.done @!p0 $0x0  }
0x4cb: {  	[sflag:s0] =	ssyncadd.s32 @!p0 s1  }
0x4cc: {  	[bflag:$0x3] =	sbarrier.arrive $0xFFFF  }
0x4cd: {  	_ =	shalt  }

</sc_bundles>
